<compile_context>
chip_gen: v7x
topology: tpu7x:2x2x1
jax: 0.10.2.dev20260603
libtpu: 0.0.44.dev20260713+nightly
codegen_flags: <defaults>
</compile_context>

<pallas_src>
import functools

import jax
import jax.numpy as jnp
from jax import lax
from jax.experimental import pallas as pl
from jax.experimental.pallas import tpu as pltpu
from jax.experimental.pallas import tpu_sc as plsc

N_NODES = 10000
DIM = 128
NC = 2
NS = 16
NW = NC * NS
CH = 128

N_PAD = 10240
ROWS_PER_TILE = N_PAD // NS
BLK = 2048
LBLK = 2048

_mesh = plsc.VectorSubcoreMesh(core_axis_name="c", subcore_axis_name="s")
F32 = jnp.float32


def _pad_chunk(idx, pad_vals, mult=2):
    e = idx.shape[0]
    k = mult * (-(-e // (NW * CH * mult)))
    pad = k * NW * CH - e
    full = jnp.concatenate([idx, pad_vals[:pad]]) if pad else idx
    return full.reshape(NW, k, CH)


def _r16(v):
    return v.astype(jnp.bfloat16).astype(F32)


def _dot_bf16(a, b):
    return jnp.dot(a.astype(jnp.bfloat16), b.astype(jnp.bfloat16),
                   preferred_element_type=F32)



def _sc_degree(dst_idx):
    k = dst_idx.shape[1]

    @functools.partial(
        pl.kernel,
        out_type=jax.ShapeDtypeStruct((NC, N_PAD), F32),
        mesh=_mesh,
        scratch_types=[
            pltpu.VMEM((k, CH), jnp.int32),
            pltpu.VMEM((CH,), F32),
            pltpu.VMEM((ROWS_PER_TILE,), F32),
            pltpu.VMEM_SHARED((N_PAD,), F32),
        ],
    )
    def deg_kernel(dst_hbm, out_hbm, idx_v, ones_v, zrow_v, acc):
        c = lax.axis_index("c")
        s = lax.axis_index("s")
        w = s * NC + c

        @pl.loop(0, ROWS_PER_TILE // 16)
        def _(i):
            zrow_v[pl.ds(i * 16, 16)] = jnp.zeros((16,), F32)

        @pl.loop(0, CH // 16)
        def _(i):
            ones_v[pl.ds(i * 16, 16)] = jnp.ones((16,), F32)

        pltpu.sync_copy(zrow_v, acc.at[pl.ds(s * ROWS_PER_TILE, ROWS_PER_TILE)])
        plsc.subcore_barrier()
        pltpu.sync_copy(dst_hbm.at[w], idx_v)

        @pl.loop(0, k)
        def _(j):
            pltpu.sync_copy(ones_v, acc.at[idx_v.at[j]], add=True)

        plsc.subcore_barrier()
        pltpu.sync_copy(
            acc.at[pl.ds(s * ROWS_PER_TILE, ROWS_PER_TILE)],
            out_hbm.at[c, pl.ds(s * ROWS_PER_TILE, ROWS_PER_TILE)],
        )

    return deg_kernel(dst_idx)


def _sc_scatter(u, src_idx, dst_idx):
    k = src_idx.shape[1]
    assert k % 4 == 0

    @functools.partial(
        pl.kernel,
        out_type=jax.ShapeDtypeStruct((NC, N_PAD, DIM), F32),
        mesh=_mesh,
        scratch_types=[
            pltpu.VMEM((4, CH), jnp.int32),
            pltpu.VMEM((4, CH), jnp.int32),
            pltpu.VMEM((CH, DIM), F32),
            pltpu.VMEM((CH, DIM), F32),
            pltpu.VMEM_SHARED((N_PAD, DIM), F32),
            [pltpu.SemaphoreType.DMA] * 4,
            [pltpu.SemaphoreType.DMA] * 4,
            pltpu.SemaphoreType.DMA,
            pltpu.SemaphoreType.DMA,
        ],
    )
    def scat_kernel(u_hbm, src_hbm, dst_hbm, out_hbm, sring, dring, rows0, rows1,
                    acc, ssems, dsems, gsem0, gsem1):
        c = lax.axis_index("c")
        s = lax.axis_index("s")
        w = s * NC + c
        rows = (rows0, rows1)
        gsems = (gsem0, gsem1)

        for t in range(4):
            pltpu.async_copy(src_hbm.at[w, t], sring.at[t], ssems[t])
            pltpu.async_copy(dst_hbm.at[w, t], dring.at[t], dsems[t])

        @pl.loop(0, CH)
        def _(r):
            for cc in range(DIM // 16):
                rows0[r, pl.ds(cc * 16, 16)] = jnp.zeros((16,), F32)

        @pl.loop(0, ROWS_PER_TILE // CH)
        def _(t):
            pltpu.sync_copy(rows0, acc.at[pl.ds(s * ROWS_PER_TILE + t * CH, CH)])

        plsc.subcore_barrier()

        pltpu.make_async_copy(src_hbm.at[w, 0], sring.at[0], ssems[0]).wait()
        pltpu.async_copy(u_hbm.at[sring.at[0]], rows0, gsem0)
        pltpu.make_async_copy(src_hbm.at[w, 1], sring.at[1], ssems[1]).wait()
        pltpu.async_copy(u_hbm.at[sring.at[1]], rows1, gsem1)

        @pl.loop(0, k // 4)
        def _(j4):
            j = j4 * 4
            for t in range(4):
                jj = j + t
                rb = rows[t % 2]
                gs = gsems[t % 2]
                t2 = (t + 2) % 4
                pltpu.make_async_copy(dst_hbm.at[w, jj], dring.at[t], dsems[t]).wait()
                pltpu.make_async_copy(u_hbm.at[sring.at[t]], rb, gs).wait()
                pltpu.sync_copy(rb, acc.at[dring.at[t]], add=True)

                @pl.when(jj + 2 < k)
                def _():
                    pltpu.make_async_copy(
                        src_hbm.at[w, jj + 2], sring.at[t2], ssems[t2]
                    ).wait()
                    pltpu.async_copy(u_hbm.at[sring.at[t2]], rb, gs)

                @pl.when(jj + 4 < k)
                def _():
                    pltpu.async_copy(src_hbm.at[w, jj + 4], sring.at[t], ssems[t])
                    pltpu.async_copy(dst_hbm.at[w, jj + 4], dring.at[t], dsems[t])

        plsc.subcore_barrier()
        pltpu.sync_copy(
            acc.at[pl.ds(s * ROWS_PER_TILE, ROWS_PER_TILE)],
            out_hbm.at[c, pl.ds(s * ROWS_PER_TILE, ROWS_PER_TILE)],
        )

    return scat_kernel(u, src_idx, dst_idx)


def _sc_gather_pair(z, lsrc_idx, ldst_idx):
    kl = lsrc_idx.shape[1]
    l_pad = NW * kl * CH

    @functools.partial(
        pl.kernel,
        out_type=[
            jax.ShapeDtypeStruct((l_pad, DIM), F32),
            jax.ShapeDtypeStruct((l_pad, DIM), F32),
        ],
        mesh=_mesh,
        scratch_types=[
            pltpu.VMEM((kl, CH), jnp.int32),
            pltpu.VMEM((kl, CH), jnp.int32),
            pltpu.VMEM((CH, DIM), F32),
            pltpu.VMEM((CH, DIM), F32),
            pltpu.VMEM((CH, DIM), F32),
            pltpu.VMEM((CH, DIM), F32),
            pltpu.SemaphoreType.DMA,
            [pltpu.SemaphoreType.DMA] * 4,
            [pltpu.SemaphoreType.DMA] * 4,
        ],
    )
    def gat_kernel(z_hbm, ls_hbm, ld_hbm, es_hbm, ed_hbm, sidx, didx,
                   rs0, rd0, rs1, rd1, isem, gsems, wsems):
        c = lax.axis_index("c")
        s = lax.axis_index("s")
        w = s * NC + c
        base = w * kl * CH

        di = pltpu.async_copy(ls_hbm.at[w], sidx, isem)
        dj = pltpu.async_copy(ld_hbm.at[w], didx, isem)
        di.wait()
        dj.wait()

        pltpu.async_copy(z_hbm.at[sidx.at[0]], rs0, gsems[0])
        pltpu.async_copy(z_hbm.at[didx.at[0]], rd0, gsems[1])
        pltpu.async_copy(z_hbm.at[sidx.at[1]], rs1, gsems[2])
        pltpu.async_copy(z_hbm.at[didx.at[1]], rd1, gsems[3])

        @pl.loop(0, kl // 2)
        def _(j2):
            j = j2 * 2

            pltpu.make_async_copy(z_hbm.at[sidx.at[j]], rs0, gsems[0]).wait()
            pltpu.async_copy(rs0, es_hbm.at[pl.ds(base + j * CH, CH)], wsems[0])
            pltpu.make_async_copy(z_hbm.at[didx.at[j]], rd0, gsems[1]).wait()
            pltpu.async_copy(rd0, ed_hbm.at[pl.ds(base + j * CH, CH)], wsems[1])

            pltpu.make_async_copy(z_hbm.at[sidx.at[j + 1]], rs1, gsems[2]).wait()
            pltpu.async_copy(rs1, es_hbm.at[pl.ds(base + (j + 1) * CH, CH)], wsems[2])
            pltpu.make_async_copy(z_hbm.at[didx.at[j + 1]], rd1, gsems[3]).wait()
            pltpu.async_copy(rd1, ed_hbm.at[pl.ds(base + (j + 1) * CH, CH)], wsems[3])

            pltpu.make_async_copy(rs0, es_hbm.at[pl.ds(base + j * CH, CH)], wsems[0]).wait()
            pltpu.make_async_copy(rd0, ed_hbm.at[pl.ds(base + j * CH, CH)], wsems[1]).wait()

            @pl.when(j + 2 < kl)
            def _():
                pltpu.async_copy(z_hbm.at[sidx.at[j + 2]], rs0, gsems[0])
                pltpu.async_copy(z_hbm.at[didx.at[j + 2]], rd0, gsems[1])

            pltpu.make_async_copy(rs1, es_hbm.at[pl.ds(base + (j + 1) * CH, CH)], wsems[2]).wait()
            pltpu.make_async_copy(rd1, ed_hbm.at[pl.ds(base + (j + 1) * CH, CH)], wsems[3]).wait()

            @pl.when(j + 3 < kl)
            def _():
                pltpu.async_copy(z_hbm.at[sidx.at[j + 3]], rs1, gsems[2])
                pltpu.async_copy(z_hbm.at[didx.at[j + 3]], rd1, gsems[3])

    return gat_kernel(z, lsrc_idx, ldst_idx)



def _tc_mm1(x_pad, w1, d0, d1):
    grid = (N_PAD // BLK,)

    def body(x_ref, w_ref, d0_ref, d1_ref, u_ref, dinv_ref):
        deg = d0_ref[...] + d1_ref[...] + 1.0
        dinv = lax.rsqrt(deg)
        dinv_ref[...] = dinv
        h = _dot_bf16(x_ref[...], w_ref[...])
        u_ref[...] = h * dinv[:, None]

    return pl.pallas_call(
        body,
        grid=grid,
        in_specs=[
            pl.BlockSpec((BLK, DIM), lambda i: (i, 0)),
            pl.BlockSpec((DIM, DIM), lambda i: (0, 0)),
            pl.BlockSpec((BLK,), lambda i: (i,)),
            pl.BlockSpec((BLK,), lambda i: (i,)),
        ],
        out_specs=[
            pl.BlockSpec((BLK, DIM), lambda i: (i, 0)),
            pl.BlockSpec((BLK,), lambda i: (i,)),
        ],
        out_shape=[
            jax.ShapeDtypeStruct((N_PAD, DIM), F32),
            jax.ShapeDtypeStruct((N_PAD,), F32),
        ],
    )(x_pad, w1, d0, d1)


def _tc_mm2(sp, u1, dinv, b1, w2):
    grid = (N_PAD // BLK,)

    def body(s0_ref, s1_ref, u_ref, dinv_ref, b_ref, w_ref, o_ref):
        dinv = dinv_ref[...]
        h = dinv[:, None] * (s0_ref[0] + s1_ref[0] + u_ref[...])
        h = jnp.maximum(h + b_ref[...][None, :], 0.0)
        o_ref[...] = _dot_bf16(h, w_ref[...]) * dinv[:, None]

    return pl.pallas_call(
        body,
        grid=grid,
        in_specs=[
            pl.BlockSpec((1, BLK, DIM), lambda i: (0, i, 0)),
            pl.BlockSpec((1, BLK, DIM), lambda i: (1, i, 0)),
            pl.BlockSpec((BLK, DIM), lambda i: (i, 0)),
            pl.BlockSpec((BLK,), lambda i: (i,)),
            pl.BlockSpec((DIM,), lambda i: (0,)),
            pl.BlockSpec((DIM, DIM), lambda i: (0, 0)),
        ],
        out_specs=pl.BlockSpec((BLK, DIM), lambda i: (i, 0)),
        out_shape=jax.ShapeDtypeStruct((N_PAD, DIM), F32),
    )(sp, sp, u1, dinv, b1, w2)


def _tc_z(sp, u2, dinv, b2):
    grid = (N_PAD // BLK,)

    def body(s0_ref, s1_ref, u_ref, dinv_ref, b_ref, o_ref):
        dinv = dinv_ref[...]
        o_ref[...] = (
            dinv[:, None] * (s0_ref[0] + s1_ref[0] + u_ref[...])
            + b_ref[...][None, :]
        )

    return pl.pallas_call(
        body,
        grid=grid,
        in_specs=[
            pl.BlockSpec((1, BLK, DIM), lambda i: (0, i, 0)),
            pl.BlockSpec((1, BLK, DIM), lambda i: (1, i, 0)),
            pl.BlockSpec((BLK, DIM), lambda i: (i, 0)),
            pl.BlockSpec((BLK,), lambda i: (i,)),
            pl.BlockSpec((DIM,), lambda i: (0,)),
        ],
        out_specs=pl.BlockSpec((BLK, DIM), lambda i: (i, 0)),
        out_shape=jax.ShapeDtypeStruct((N_PAD, DIM), F32),
    )(sp, sp, u2, dinv, b2)


def _tc_mlp(es, ed, wp1, bp1, wp2, bp2, wp3pad, bp3):
    l_pad = es.shape[0]
    grid = (l_pad // LBLK,)

    def body(es_ref, ed_ref, w1_ref, b1_ref, w2_ref, b2_ref, w3_ref, b3_ref, o_ref):
        e = es_ref[...] * ed_ref[...]
        a = jnp.maximum(_dot_bf16(e, w1_ref[...]) + b1_ref[...][None, :], 0.0)
        a = jnp.maximum(_dot_bf16(a, w2_ref[...]) + b2_ref[...][None, :], 0.0)
        o_ref[...] = jnp.sum(_dot_bf16(a, w3_ref[...]), axis=1) + jnp.sum(b3_ref[...])

    return pl.pallas_call(
        body,
        grid=grid,
        in_specs=[
            pl.BlockSpec((LBLK, DIM), lambda i: (i, 0)),
            pl.BlockSpec((LBLK, DIM), lambda i: (i, 0)),
            pl.BlockSpec((DIM, DIM), lambda i: (0, 0)),
            pl.BlockSpec((DIM,), lambda i: (0,)),
            pl.BlockSpec((DIM, DIM), lambda i: (0, 0)),
            pl.BlockSpec((DIM,), lambda i: (0,)),
            pl.BlockSpec((DIM, 8), lambda i: (0, 0)),
            pl.BlockSpec((1,), lambda i: (0,)),
        ],
        out_specs=pl.BlockSpec((LBLK,), lambda i: (i,)),
        out_shape=jax.ShapeDtypeStruct((l_pad,), F32),
    )(es, ed, wp1, bp1, wp2, bp2, wp3pad, bp3)



def kernel(x, edge_index, edge_label_index, W1, b1, W2, b2, Wp1, bp1, Wp2, bp2, Wp3, bp3):
    n_trash = N_PAD - N_NODES
    x_pad = jnp.pad(x, ((0, n_trash), (0, 0)))

    e = edge_index.shape[1]
    pad_e = NW * CH * 4 * (-(-e // (NW * CH * 4))) - e
    ar_e = jnp.arange(max(pad_e, 1), dtype=jnp.int32)
    src_c = _pad_chunk(edge_index[0], ar_e % N_NODES, mult=4)
    dst_c = _pad_chunk(edge_index[1], N_NODES + ar_e % n_trash, mult=4)

    l = edge_label_index.shape[1]
    pad_l = NW * CH * 4 * (-(-l // (NW * CH * 4))) - l
    ar_l = jnp.arange(max(pad_l, 1), dtype=jnp.int32)
    lsrc_c = _pad_chunk(edge_label_index[0], ar_l % N_NODES, mult=4)
    ldst_c = _pad_chunk(edge_label_index[1], (ar_l + 7) % N_NODES, mult=4)

    degp = _sc_degree(dst_c)
    u1, dinv = _tc_mm1(x_pad, W1, degp[0], degp[1])
    sp1 = _sc_scatter(u1, src_c, dst_c)
    u2 = _tc_mm2(sp1, u1, dinv, b1, W2)
    sp2 = _sc_scatter(u2, src_c, dst_c)
    z = _tc_z(sp2, u2, dinv, b2)
    wp3pad = jnp.pad(Wp3, ((0, 0), (0, 7)))

    kl = lsrc_c.shape[1]
    half = kl // 2
    parts = []
    for h in range(2):
        sl = slice(h * half, (h + 1) * half)
        es, ed = _sc_gather_pair(z, lsrc_c[:, sl], ldst_c[:, sl])
        parts.append(_tc_mlp(es, ed, Wp1, bp1, Wp2, bp2, wp3pad, bp3))
    a = parts[0].reshape(NW, half * CH)
    b = parts[1].reshape(NW, half * CH)
    scores = jnp.concatenate([a, b], axis=1).reshape(NW * kl * CH)
    return scores[:l]

# --- scband reference (transcript-rebuilt; emitter-appended) ---
"""Pipeline reference for scband-link-gnn-mlp-84825604096062 (READ-ONLY COPY).

The authoritative reference and input builder live on the scoring server;
editing this copy changes nothing except your own understanding.
"""

import jax, jax.numpy as jnp
import numpy as np

N = 10000
E = 320000
L = 100000
D = 128
H = 128
O = 128


def _gcn_conv(x, edge_index, W, b, num_nodes):
    # PyG GCNConv (eval mode): add self-loops, symmetric normalization,
    # linear transform then scatter-add aggregation, plus bias.
    src = edge_index[0]
    dst = edge_index[1]
    loop = jnp.arange(num_nodes, dtype=src.dtype)
    src = jnp.concatenate([src, loop])
    dst = jnp.concatenate([dst, loop])
    h = x @ W
    deg = jnp.zeros((num_nodes,), dtype=h.dtype).at[dst].add(1.0)
    dinv = jnp.where(deg > 0, jax.lax.rsqrt(deg), 0.0)
    norm = dinv[src] * dinv[dst]
    msg = h[src] * norm[:, None]
    out = jnp.zeros_like(h).at[dst].add(msg)
    return out + b


def setup_inputs(seed: int = 0) -> dict:
    key = jax.random.key(seed)
    ks = jax.random.split(key, 16)
    inp = {}
    inp["x"] = jax.random.normal(ks[0], (N, D), dtype=jnp.float32)
    inp["edge_index"] = jax.random.randint(ks[1], (2, E), 0, N, dtype=jnp.int32)
    inp["edge_label_index"] = jax.random.randint(ks[2], (2, L), 0, N, dtype=jnp.int32)
    s = 1.0 / np.sqrt(D)
    inp["W1"] = jax.random.uniform(ks[3], (D, H), jnp.float32, -s, s)
    inp["b1"] = jnp.zeros((H,), jnp.float32)
    inp["W2"] = jax.random.uniform(ks[4], (H, O), jnp.float32, -s, s)
    inp["b2"] = jnp.zeros((O,), jnp.float32)
    inp["Wp1"] = jax.random.uniform(ks[5], (O, H), jnp.float32, -s, s)
    inp["bp1"] = jnp.zeros((H,), jnp.float32)
    inp["Wp2"] = jax.random.uniform(ks[6], (H, H), jnp.float32, -s, s)
    inp["bp2"] = jnp.zeros((H,), jnp.float32)
    inp["Wp3"] = jax.random.uniform(ks[7], (H, 1), jnp.float32, -s, s)
    inp["bp3"] = jnp.zeros((1,), jnp.float32)
    return inp


def reference(x, edge_index, edge_label_index, W1, b1, W2, b2, Wp1, bp1, Wp2, bp2, Wp3, bp3):
    # encode: GCNConv -> relu -> (dropout is identity in eval) -> GCNConv
    h = _gcn_conv(x, edge_index, W1, b1, N)
    h = jax.nn.relu(h)
    z = _gcn_conv(h, edge_index, W2, b2, N)
    # decode: gather src/dst embeddings, elementwise product, 3-layer MLP
    src_e = z[edge_label_index[0]]
    dst_e = z[edge_label_index[1]]
    e = src_e * dst_e
    e = jax.nn.relu(e @ Wp1 + bp1)
    e = jax.nn.relu(e @ Wp2 + bp2)
    scores = (e @ Wp3 + bp3).squeeze(-1)
    return scores

if __name__ == "__main__":
    import jax
    _d = setup_inputs()
    print(jax.jit(kernel)(*tuple(_d.values())))

</pallas_src>

<mosaic_0001>
#map = affine_map<(d0, d1) -> (0, 0, 0)>
#map1 = affine_map<(d0, d1) -> (0, 0)>
module attributes {stable_mosaic.version = 14 : i64} {
  func.func @deg_kernel(%arg0: i32, %arg1: i32, %arg2: memref<32x80x128xi32, #tpu.memory_space<hbm>>, %arg3: memref<2x10240xf32, #tpu.memory_space<hbm>>, %arg4: memref<80x128xi32, #tpu.memory_space<vmem>>, %arg5: memref<128xf32, #tpu.memory_space<vmem>>, %arg6: memref<640xf32, #tpu.memory_space<vmem>>, %arg7: memref<10240xf32, #tpu.memory_space<vmem_shared>>) attributes {dimension_semantics = [#tpu.dimension_semantics<core_parallel>, #tpu.dimension_semantics<subcore_parallel>], iteration_bounds = array<i64: 2, 16>, scalar_prefetch = 0 : i64, scratch_operands = 4 : i64, tpu.core_type = #tpu.core_type<sc_vector_subcore>, window_params = [{transform_indices = #map}, {transform_indices = #map1}]} {
    %mul3A = arith.constant 2 : i32
    %mul3A_0 = arith.muli %arg1, %mul3A : i32
    %add3A = arith.addi %mul3A_0, %arg0 : i32
    %scan3A = arith.constant 0 : i32
    %scan3A_1 = arith.constant 40 : i32
    %scan3A_2 = arith.addi %scan3A, %scan3A_1 : i32
    %scan3A_3 = arith.constant 1 : i32
    scf.for %scan3A_22 = %scan3A to %scan3A_2 step %scan3A_3  : i32 {
      %mul3A_23 = arith.constant 1 : i32
      %mul3A_24 = arith.muli %scan3A_22, %mul3A_23 : i32
      %add3A_25 = arith.constant 0 : i32
      %add3A_26 = arith.addi %add3A_25, %mul3A_24 : i32
      %broadcast_in_dim3A = arith.constant 0.000000e+00 : f32
      %broadcast_in_dim3A_27 = vector.broadcast %broadcast_in_dim3A : f32 to vector<16xf32>
      %mul3A_28 = arith.constant 16 : i32
      %mul3A_29 = arith.muli %add3A_26, %mul3A_28 : i32
      %swap3A = arith.index_cast %mul3A_29 : i32 to index
      %swap3A_30 = tpu.vector_load %arg6[%swap3A] {strides = array<i32>} : memref<640xf32, #tpu.memory_space<vmem>>, vector<16xf32>,
      %swap3A_31 = vector.shape_cast %swap3A_30 : vector<16xf32> to vector<16xf32>
      %swap3A_32 = vector.shape_cast %broadcast_in_dim3A_27 : vector<16xf32> to vector<16xf32>
      tpu.vector_store %arg6[%swap3A], %swap3A_32 {strides = array<i32>} : memref<640xf32, #tpu.memory_space<vmem>>, vector<16xf32>,
    }
    %scan3A_4 = arith.constant 40 : i32
    %scan3A_5 = arith.constant 0 : i32
    %scan3A_6 = arith.constant 8 : i32
    %scan3A_7 = arith.addi %scan3A_5, %scan3A_6 : i32
    %scan3A_8 = arith.constant 1 : i32
    scf.for %scan3A_22 = %scan3A_5 to %scan3A_7 step %scan3A_8  : i32 {
      %mul3A_23 = arith.constant 1 : i32
      %mul3A_24 = arith.muli %scan3A_22, %mul3A_23 : i32
      %add3A_25 = arith.constant 0 : i32
      %add3A_26 = arith.addi %add3A_25, %mul3A_24 : i32
      %broadcast_in_dim3A = arith.constant 1.000000e+00 : f32
      %broadcast_in_dim3A_27 = vector.broadcast %broadcast_in_dim3A : f32 to vector<16xf32>
      %mul3A_28 = arith.constant 16 : i32
      %mul3A_29 = arith.muli %add3A_26, %mul3A_28 : i32
      %swap3A = arith.index_cast %mul3A_29 : i32 to index
      %swap3A_30 = tpu.vector_load %arg5[%swap3A] {strides = array<i32>} : memref<128xf32, #tpu.memory_space<vmem>>, vector<16xf32>,
      %swap3A_31 = vector.shape_cast %swap3A_30 : vector<16xf32> to vector<16xf32>
      %swap3A_32 = vector.shape_cast %broadcast_in_dim3A_27 : vector<16xf32> to vector<16xf32>
      tpu.vector_store %arg5[%swap3A], %swap3A_32 {strides = array<i32>} : memref<128xf32, #tpu.memory_space<vmem>>, vector<16xf32>,
    }
    %scan3A_9 = arith.constant 8 : i32
    %mul3A_10 = arith.constant 640 : i32
    %mul3A_11 = arith.muli %arg1, %mul3A_10 : i32
    "tpu.region"() ({
      %run_scoped3A = tpu.sem_alloc : memref<!tpu.dma_semaphore, #tpu.memory_space<semaphore_mem>>
      %dma_start3A = tpu.memref_slice %arg7[%mul3A_11] : memref<10240xf32, #tpu.memory_space<vmem_shared>> -> memref<640xf32, #tpu.memory_space<vmem_shared>>
      %dma_start3A_22 = tpu.memref_slice %arg7[%mul3A_11] : memref<10240xf32, #tpu.memory_space<vmem_shared>> -> memref<640xf32, #tpu.memory_space<vmem_shared>>
      tpu.enqueue_dma source(%arg6 : memref<640xf32, #tpu.memory_space<vmem>>) target(%dma_start3A_22 : memref<640xf32, #tpu.memory_space<vmem_shared>>) target_semaphore(%run_scoped3A : memref<!tpu.dma_semaphore, #tpu.memory_space<semaphore_mem>>)
      %dma_wait3A = tpu.memref_slice %arg7[%mul3A_11] : memref<10240xf32, #tpu.memory_space<vmem_shared>> -> memref<640xf32, #tpu.memory_space<vmem_shared>>
      %dma_wait3A_23 = tpu.memref_slice %arg7[%mul3A_11] : memref<10240xf32, #tpu.memory_space<vmem_shared>> -> memref<640xf32, #tpu.memory_space<vmem_shared>>
      tpu.wait_dma2 semaphore(%run_scoped3A : memref<!tpu.dma_semaphore, #tpu.memory_space<semaphore_mem>>) src(%arg6 : memref<640xf32, #tpu.memory_space<vmem>>) dst(%dma_wait3A_23 : memref<640xf32, #tpu.memory_space<vmem_shared>>)
      tpu.yield
    }) : () -> ()
    %barrier3A = arith.constant 0 : index
    tpu.barrier barrier_id(%barrier3A)
    "tpu.region"() ({
      %run_scoped3A = tpu.sem_alloc : memref<!tpu.dma_semaphore, #tpu.memory_space<semaphore_mem>>
      %dma_start3A = arith.constant 0 : i32
      %dma_start3A_22 = arith.constant 0 : i32
      %dma_start3A_23 = tpu.memref_slice %arg2[%add3A, %dma_start3A, %dma_start3A_22] : memref<32x80x128xi32, #tpu.memory_space<hbm>> -> memref<1x80x128xi32, #tpu.memory_space<hbm>>
      %dma_start3A_24 = tpu.memref_squeeze %dma_start3A_23 : memref<1x80x128xi32, #tpu.memory_space<hbm>> -> memref<80x128xi32, #tpu.memory_space<hbm>>
      %dma_start3A_25 = arith.constant 0 : i32
      %dma_start3A_26 = arith.constant 0 : i32
      %dma_start3A_27 = tpu.memref_slice %arg2[%add3A, %dma_start3A_25, %dma_start3A_26] : memref<32x80x128xi32, #tpu.memory_space<hbm>> -> memref<1x80x128xi32, #tpu.memory_space<hbm>>
      %dma_start3A_28 = tpu.memref_squeeze %dma_start3A_27 : memref<1x80x128xi32, #tpu.memory_space<hbm>> -> memref<80x128xi32, #tpu.memory_space<hbm>>
      tpu.enqueue_dma source(%dma_start3A_28 : memref<80x128xi32, #tpu.memory_space<hbm>>) target(%arg4 : memref<80x128xi32, #tpu.memory_space<vmem>>) target_semaphore(%run_scoped3A : memref<!tpu.dma_semaphore, #tpu.memory_space<semaphore_mem>>)
      %dma_wait3A = arith.constant 0 : i32
      %dma_wait3A_29 = arith.constant 0 : i32
      %dma_wait3A_30 = tpu.memref_slice %arg2[%add3A, %dma_wait3A, %dma_wait3A_29] : memref<32x80x128xi32, #tpu.memory_space<hbm>> -> memref<1x80x128xi32, #tpu.memory_space<hbm>>
      %dma_wait3A_31 = tpu.memref_squeeze %dma_wait3A_30 : memref<1x80x128xi32, #tpu.memory_space<hbm>> -> memref<80x128xi32, #tpu.memory_space<hbm>>
      %dma_wait3A_32 = arith.constant 0 : i32
      %dma_wait3A_33 = arith.constant 0 : i32
      %dma_wait3A_34 = tpu.memref_slice %arg2[%add3A, %dma_wait3A_32, %dma_wait3A_33] : memref<32x80x128xi32, #tpu.memory_space<hbm>> -> memref<1x80x128xi32, #tpu.memory_space<hbm>>
      %dma_wait3A_35 = tpu.memref_squeeze %dma_wait3A_34 : memref<1x80x128xi32, #tpu.memory_space<hbm>> -> memref<80x128xi32, #tpu.memory_space<hbm>>
      tpu.wait_dma2 semaphore(%run_scoped3A : memref<!tpu.dma_semaphore, #tpu.memory_space<semaphore_mem>>) src(%dma_wait3A_35 : memref<80x128xi32, #tpu.memory_space<hbm>>) dst(%arg4 : memref<80x128xi32, #tpu.memory_space<vmem>>)
      tpu.yield
    }) : () -> ()
    %scan3A_12 = arith.constant 0 : i32
    %scan3A_13 = arith.constant 80 : i32
    %scan3A_14 = arith.addi %scan3A_12, %scan3A_13 : i32
    %scan3A_15 = arith.constant 1 : i32
    scf.for %scan3A_22 = %scan3A_12 to %scan3A_14 step %scan3A_15  : i32 {
      %mul3A_23 = arith.constant 1 : i32
      %mul3A_24 = arith.muli %scan3A_22, %mul3A_23 : i32
      %add3A_25 = arith.constant 0 : i32
      %add3A_26 = arith.addi %add3A_25, %mul3A_24 : i32
      "tpu.region"() ({
        %run_scoped3A = tpu.sem_alloc : memref<!tpu.dma_semaphore, #tpu.memory_space<semaphore_mem>>
        %dma_start3A = arith.constant 0 : i32
        %dma_start3A_27 = tpu.memref_slice %arg4[%add3A_26, %dma_start3A] : memref<80x128xi32, #tpu.memory_space<vmem>> -> memref<1x128xi32, #tpu.memory_space<vmem>>
        %dma_start3A_28 = tpu.memref_squeeze %dma_start3A_27 : memref<1x128xi32, #tpu.memory_space<vmem>> -> memref<128xi32, #tpu.memory_space<vmem>>
        %dma_start3A_29 = arith.constant 0 : i32
        %dma_start3A_30 = tpu.memref_slice %arg7[%dma_start3A_29] : memref<10240xf32, #tpu.memory_space<vmem_shared>> -> memref<10240xf32, #tpu.memory_space<vmem_shared>>
        tpu.enqueue_indirect_dma source(%arg5 : memref<128xf32, #tpu.memory_space<vmem>>) target(%dma_start3A_30 : memref<10240xf32, #tpu.memory_space<vmem_shared>>) offsets(%dma_start3A_28 : memref<128xi32, #tpu.memory_space<vmem>>) semaphore(%run_scoped3A : memref<!tpu.dma_semaphore, #tpu.memory_space<semaphore_mem>>) {add = true}
        %dma_wait3A = arith.constant 0 : i32
        %dma_wait3A_31 = tpu.memref_slice %arg4[%add3A_26, %dma_wait3A] : memref<80x128xi32, #tpu.memory_space<vmem>> -> memref<1x128xi32, #tpu.memory_space<vmem>>
        %dma_wait3A_32 = tpu.memref_squeeze %dma_wait3A_31 : memref<1x128xi32, #tpu.memory_space<vmem>> -> memref<128xi32, #tpu.memory_space<vmem>>
        %dma_wait3A_33 = arith.constant 0 : i32
        %dma_wait3A_34 = tpu.memref_slice %arg7[%dma_wait3A_33] : memref<10240xf32, #tpu.memory_space<vmem_shared>> -> memref<10240xf32, #tpu.memory_space<vmem_shared>>
        tpu.wait_indirect_dma semaphore(%run_scoped3A : memref<!tpu.dma_semaphore, #tpu.memory_space<semaphore_mem>>) src(%arg5 : memref<128xf32, #tpu.memory_space<vmem>>) dst(%dma_wait3A_34 : memref<10240xf32, #tpu.memory_space<vmem_shared>>)
        tpu.yield
      }) : () -> ()
    }
    %scan3A_16 = arith.constant 80 : i32
    %barrier3A_17 = arith.constant 0 : index
    tpu.barrier barrier_id(%barrier3A_17)
    %mul3A_18 = arith.constant 640 : i32
    %mul3A_19 = arith.muli %arg1, %mul3A_18 : i32
    %mul3A_20 = arith.constant 640 : i32
    %mul3A_21 = arith.muli %arg1, %mul3A_20 : i32
    "tpu.region"() ({
      %run_scoped3A = tpu.sem_alloc : memref<!tpu.dma_semaphore, #tpu.memory_space<semaphore_mem>>
      %dma_start3A = tpu.memref_slice %arg3[%arg0, %mul3A_21] : memref<2x10240xf32, #tpu.memory_space<hbm>> -> memref<1x640xf32, #tpu.memory_space<hbm>>
      %dma_start3A_22 = tpu.memref_squeeze %dma_start3A : memref<1x640xf32, #tpu.memory_space<hbm>> -> memref<640xf32, #tpu.memory_space<hbm>>
      %dma_start3A_23 = tpu.memref_slice %arg7[%mul3A_19] : memref<10240xf32, #tpu.memory_space<vmem_shared>> -> memref<640xf32, #tpu.memory_space<vmem_shared>>
      tpu.enqueue_dma source(%dma_start3A_23 : memref<640xf32, #tpu.memory_space<vmem_shared>>) target(%dma_start3A_22 : memref<640xf32, #tpu.memory_space<hbm>>) target_semaphore(%run_scoped3A : memref<!tpu.dma_semaphore, #tpu.memory_space<semaphore_mem>>)
      %dma_wait3A = tpu.memref_slice %arg3[%arg0, %mul3A_21] : memref<2x10240xf32, #tpu.memory_space<hbm>> -> memref<1x640xf32, #tpu.memory_space<hbm>>
      %dma_wait3A_24 = tpu.memref_squeeze %dma_wait3A : memref<1x640xf32, #tpu.memory_space<hbm>> -> memref<640xf32, #tpu.memory_space<hbm>>
      %dma_wait3A_25 = tpu.memref_slice %arg7[%mul3A_19] : memref<10240xf32, #tpu.memory_space<vmem_shared>> -> memref<640xf32, #tpu.memory_space<vmem_shared>>
      tpu.wait_dma2 semaphore(%run_scoped3A : memref<!tpu.dma_semaphore, #tpu.memory_space<semaphore_mem>>) src(%dma_wait3A_25 : memref<640xf32, #tpu.memory_space<vmem_shared>>) dst(%dma_wait3A_24 : memref<640xf32, #tpu.memory_space<hbm>>)
      tpu.yield
    }) : () -> ()
    return
  }
}

#map = affine_map<(d0, d1) -> (0, 0)>
#map1 = affine_map<(d0, d1) -> (0, 0, 0)>
module attributes {stable_mosaic.version = 14 : i64} {
  func.func @gat_kernel(%arg0: i32, %arg1: i32, %arg2: memref<10240x128xf32, #tpu.memory_space<hbm>>, %arg3: memref<32x14x128xi32, #tpu.memory_space<hbm>>, %arg4: memref<32x14x128xi32, #tpu.memory_space<hbm>>, %arg5: memref<57344x128xf32, #tpu.memory_space<hbm>>, %arg6: memref<57344x128xf32, #tpu.memory_space<hbm>>, %arg7: memref<14x128xi32, #tpu.memory_space<vmem>>, %arg8: memref<14x128xi32, #tpu.memory_space<vmem>>, %arg9: memref<128x128xf32, #tpu.memory_space<vmem>>, %arg10: memref<128x128xf32, #tpu.memory_space<vmem>>, %arg11: memref<128x128xf32, #tpu.memory_space<vmem>>, %arg12: memref<128x128xf32, #tpu.memory_space<vmem>>, %arg13: memref<!tpu.dma_semaphore, #tpu.memory_space<semaphore_mem>>, %arg14: memref<!tpu.dma_semaphore, #tpu.memory_space<semaphore_mem>>, %arg15: memref<!tpu.dma_semaphore, #tpu.memory_space<semaphore_mem>>, %arg16: memref<!tpu.dma_semaphore, #tpu.memory_space<semaphore_mem>>, %arg17: memref<!tpu.dma_semaphore, #tpu.memory_space<semaphore_mem>>, %arg18: memref<!tpu.dma_semaphore, #tpu.memory_space<semaphore_mem>>, %arg19: memref<!tpu.dma_semaphore, #tpu.memory_space<semaphore_mem>>, %arg20: memref<!tpu.dma_semaphore, #tpu.memory_space<semaphore_mem>>, %arg21: memref<!tpu.dma_semaphore, #tpu.memory_space<semaphore_mem>>) attributes {dimension_semantics = [#tpu.dimension_semantics<core_parallel>, #tpu.dimension_semantics<subcore_parallel>], iteration_bounds = array<i64: 2, 16>, scalar_prefetch = 0 : i64, scratch_operands = 15 : i64, tpu.core_type = #tpu.core_type<sc_vector_subcore>, window_params = [{transform_indices = #map}, {transform_indices = #map1}, {transform_indices = #map1}, {transform_indices = #map}, {transform_indices = #map}]} {
    %mul3A = arith.constant 2 : i32
    %mul3A_0 = arith.muli %arg1, %mul3A : i32
    %add3A = arith.addi %mul3A_0, %arg0 : i32
    %mul3A_1 = arith.constant 14 : i32
    %mul3A_2 = arith.muli %add3A, %mul3A_1 : i32
    %mul3A_3 = arith.constant 128 : i32
    %mul3A_4 = arith.muli %mul3A_2, %mul3A_3 : i32
    %dma_start3A = arith.constant 0 : i32
    %dma_start3A_5 = arith.constant 0 : i32
    %dma_start3A_6 = tpu.memref_slice %arg3[%add3A, %dma_start3A, %dma_start3A_5] : memref<32x14x128xi32, #tpu.memory_space<hbm>> -> memref<1x14x128xi32, #tpu.memory_space<hbm>>
    %dma_start3A_7 = tpu.memref_squeeze %dma_start3A_6 : memref<1x14x128xi32, #tpu.memory_space<hbm>> -> memref<14x128xi32, #tpu.memory_space<hbm>>
    %dma_start3A_8 = arith.constant 0 : i32
    %dma_start3A_9 = arith.constant 0 : i32
    %dma_start3A_10 = tpu.memref_slice %arg3[%add3A, %dma_start3A_8, %dma_start3A_9] : memref<32x14x128xi32, #tpu.memory_space<hbm>> -> memref<1x14x128xi32, #tpu.memory_space<hbm>>
    %dma_start3A_11 = tpu.memref_squeeze %dma_start3A_10 : memref<1x14x128xi32, #tpu.memory_space<hbm>> -> memref<14x128xi32, #tpu.memory_space<hbm>>
    tpu.enqueue_dma source(%dma_start3A_11 : memref<14x128xi32, #tpu.memory_space<hbm>>) target(%arg7 : memref<14x128xi32, #tpu.memory_space<vmem>>) target_semaphore(%arg13 : memref<!tpu.dma_semaphore, #tpu.memory_space<semaphore_mem>>)
    %dma_start3A_12 = arith.constant 0 : i32
    %dma_start3A_13 = arith.constant 0 : i32
    %dma_start3A_14 = tpu.memref_slice %arg4[%add3A, %dma_start3A_12, %dma_start3A_13] : memref<32x14x128xi32, #tpu.memory_space<hbm>> -> memref<1x14x128xi32, #tpu.memory_space<hbm>>
    %dma_start3A_15 = tpu.memref_squeeze %dma_start3A_14 : memref<1x14x128xi32, #tpu.memory_space<hbm>> -> memref<14x128xi32, #tpu.memory_space<hbm>>
    %dma_start3A_16 = arith.constant 0 : i32
    %dma_start3A_17 = arith.constant 0 : i32
    %dma_start3A_18 = tpu.memref_slice %arg4[%add3A, %dma_start3A_16, %dma_start3A_17] : memref<32x14x128xi32, #tpu.memory_space<hbm>> -> memref<1x14x128xi32, #tpu.memory_space<hbm>>
    %dma_start3A_19 = tpu.memref_squeeze %dma_start3A_18 : memref<1x14x128xi32, #tpu.memory_space<hbm>> -> memref<14x128xi32, #tpu.memory_space<hbm>>
    tpu.enqueue_dma source(%dma_start3A_19 : memref<14x128xi32, #tpu.memory_space<hbm>>) target(%arg8 : memref<14x128xi32, #tpu.memory_space<vmem>>) target_semaphore(%arg13 : memref<!tpu.dma_semaphore, #tpu.memory_space<semaphore_mem>>)
    %dma_wait3A = arith.constant 0 : i32
    %dma_wait3A_20 = arith.constant 0 : i32
    %dma_wait3A_21 = tpu.memref_slice %arg3[%add3A, %dma_wait3A, %dma_wait3A_20] : memref<32x14x128xi32, #tpu.memory_space<hbm>> -> memref<1x14x128xi32, #tpu.memory_space<hbm>>
    %dma_wait3A_22 = tpu.memref_squeeze %dma_wait3A_21 : memref<1x14x128xi32, #tpu.memory_space<hbm>> -> memref<14x128xi32, #tpu.memory_space<hbm>>
    %dma_wait3A_23 = arith.constant 0 : i32
    %dma_wait3A_24 = arith.constant 0 : i32
    %dma_wait3A_25 = tpu.memref_slice %arg3[%add3A, %dma_wait3A_23, %dma_wait3A_24] : memref<32x14x128xi32, #tpu.memory_space<hbm>> -> memref<1x14x128xi32, #tpu.memory_space<hbm>>
    %dma_wait3A_26 = tpu.memref_squeeze %dma_wait3A_25 : memref<1x14x128xi32, #tpu.memory_space<hbm>> -> memref<14x128xi32, #tpu.memory_space<hbm>>
    tpu.wait_dma2 semaphore(%arg13 : memref<!tpu.dma_semaphore, #tpu.memory_space<semaphore_mem>>) src(%dma_wait3A_26 : memref<14x128xi32, #tpu.memory_space<hbm>>) dst(%arg7 : memref<14x128xi32, #tpu.memory_space<vmem>>)
    %dma_wait3A_27 = arith.constant 0 : i32
    %dma_wait3A_28 = arith.constant 0 : i32
    %dma_wait3A_29 = tpu.memref_slice %arg4[%add3A, %dma_wait3A_27, %dma_wait3A_28] : memref<32x14x128xi32, #tpu.memory_space<hbm>> -> memref<1x14x128xi32, #tpu.memory_space<hbm>>
    %dma_wait3A_30 = tpu.memref_squeeze %dma_wait3A_29 : memref<1x14x128xi32, #tpu.memory_space<hbm>> -> memref<14x128xi32, #tpu.memory_space<hbm>>
    %dma_wait3A_31 = arith.constant 0 : i32
    %dma_wait3A_32 = arith.constant 0 : i32
    %dma_wait3A_33 = tpu.memref_slice %arg4[%add3A, %dma_wait3A_31, %dma_wait3A_32] : memref<32x14x128xi32, #tpu.memory_space<hbm>> -> memref<1x14x128xi32, #tpu.memory_space<hbm>>
    %dma_wait3A_34 = tpu.memref_squeeze %dma_wait3A_33 : memref<1x14x128xi32, #tpu.memory_space<hbm>> -> memref<14x128xi32, #tpu.memory_space<hbm>>
    tpu.wait_dma2 semaphore(%arg13 : memref<!tpu.dma_semaphore, #tpu.memory_space<semaphore_mem>>) src(%dma_wait3A_34 : memref<14x128xi32, #tpu.memory_space<hbm>>) dst(%arg8 : memref<14x128xi32, #tpu.memory_space<vmem>>)
    %dma_start3A_35 = arith.constant 0 : i32
    %dma_start3A_36 = arith.constant 0 : i32
    %dma_start3A_37 = tpu.memref_slice %arg7[%dma_start3A_35, %dma_start3A_36] : memref<14x128xi32, #tpu.memory_space<vmem>> -> memref<1x128xi32, #tpu.memory_space<vmem>>
    %dma_start3A_38 = tpu.memref_squeeze %dma_start3A_37 : memref<1x128xi32, #tpu.memory_space<vmem>> -> memref<128xi32, #tpu.memory_space<vmem>>
    %dma_start3A_39 = arith.constant 0 : i32
    %dma_start3A_40 = arith.constant 0 : i32
    %dma_start3A_41 = tpu.memref_slice %arg2[%dma_start3A_39, %dma_start3A_40] : memref<10240x128xf32, #tpu.memory_space<hbm>> -> memref<10240x128xf32, #tpu.memory_space<hbm>>
    tpu.enqueue_indirect_dma source(%dma_start3A_41 : memref<10240x128xf32, #tpu.memory_space<hbm>>) target(%arg9 : memref<128x128xf32, #tpu.memory_space<vmem>>) offsets(%dma_start3A_38 : memref<128xi32, #tpu.memory_space<vmem>>) semaphore(%arg14 : memref<!tpu.dma_semaphore, #tpu.memory_space<semaphore_mem>>)
    %dma_start3A_42 = arith.constant 0 : i32
    %dma_start3A_43 = arith.constant 0 : i32
    %dma_start3A_44 = tpu.memref_slice %arg8[%dma_start3A_42, %dma_start3A_43] : memref<14x128xi32, #tpu.memory_space<vmem>> -> memref<1x128xi32, #tpu.memory_space<vmem>>
    %dma_start3A_45 = tpu.memref_squeeze %dma_start3A_44 : memref<1x128xi32, #tpu.memory_space<vmem>> -> memref<128xi32, #tpu.memory_space<vmem>>
    %dma_start3A_46 = arith.constant 0 : i32
    %dma_start3A_47 = arith.constant 0 : i32
    %dma_start3A_48 = tpu.memref_slice %arg2[%dma_start3A_46, %dma_start3A_47] : memref<10240x128xf32, #tpu.memory_space<hbm>> -> memref<10240x128xf32, #tpu.memory_space<hbm>>
    tpu.enqueue_indirect_dma source(%dma_start3A_48 : memref<10240x128xf32, #tpu.memory_space<hbm>>) target(%arg10 : memref<128x128xf32, #tpu.memory_space<vmem>>) offsets(%dma_start3A_45 : memref<128xi32, #tpu.memory_space<vmem>>) semaphore(%arg15 : memref<!tpu.dma_semaphore, #tpu.memory_space<semaphore_mem>>)
    %dma_start3A_49 = arith.constant 1 : i32
    %dma_start3A_50 = arith.constant 0 : i32
    %dma_start3A_51 = tpu.memref_slice %arg7[%dma_start3A_49, %dma_start3A_50] : memref<14x128xi32, #tpu.memory_space<vmem>> -> memref<1x128xi32, #tpu.memory_space<vmem>>
    %dma_start3A_52 = tpu.memref_squeeze %dma_start3A_51 : memref<1x128xi32, #tpu.memory_space<vmem>> -> memref<128xi32, #tpu.memory_space<vmem>>
    %dma_start3A_53 = arith.constant 0 : i32
    %dma_start3A_54 = arith.constant 0 : i32
    %dma_start3A_55 = tpu.memref_slice %arg2[%dma_start3A_53, %dma_start3A_54] : memref<10240x128xf32, #tpu.memory_space<hbm>> -> memref<10240x128xf32, #tpu.memory_space<hbm>>
    tpu.enqueue_indirect_dma source(%dma_start3A_55 : memref<10240x128xf32, #tpu.memory_space<hbm>>) target(%arg11 : memref<128x128xf32, #tpu.memory_space<vmem>>) offsets(%dma_start3A_52 : memref<128xi32, #tpu.memory_space<vmem>>) semaphore(%arg16 : memref<!tpu.dma_semaphore, #tpu.memory_space<semaphore_mem>>)
    %dma_start3A_56 = arith.constant 1 : i32
    %dma_start3A_57 = arith.constant 0 : i32
    %dma_start3A_58 = tpu.memref_slice %arg8[%dma_start3A_56, %dma_start3A_57] : memref<14x128xi32, #tpu.memory_space<vmem>> -> memref<1x128xi32, #tpu.memory_space<vmem>>
    %dma_start3A_59 = tpu.memref_squeeze %dma_start3A_58 : memref<1x128xi32, #tpu.memory_space<vmem>> -> memref<128xi32, #tpu.memory_space<vmem>>
    %dma_start3A_60 = arith.constant 0 : i32
    %dma_start3A_61 = arith.constant 0 : i32
    %dma_start3A_62 = tpu.memref_slice %arg2[%dma_start3A_60, %dma_start3A_61] : memref<10240x128xf32, #tpu.memory_space<hbm>> -> memref<10240x128xf32, #tpu.memory_space<hbm>>
    tpu.enqueue_indirect_dma source(%dma_start3A_62 : memref<10240x128xf32, #tpu.memory_space<hbm>>) target(%arg12 : memref<128x128xf32, #tpu.memory_space<vmem>>) offsets(%dma_start3A_59 : memref<128xi32, #tpu.memory_space<vmem>>) semaphore(%arg17 : memref<!tpu.dma_semaphore, #tpu.memory_space<semaphore_mem>>)
    %scan3A = arith.constant 0 : i32
    %scan3A_63 = arith.constant 7 : i32
    %scan3A_64 = arith.addi %scan3A, %scan3A_63 : i32
    %scan3A_65 = arith.constant 1 : i32
    scf.for %scan3A_67 = %scan3A to %scan3A_64 step %scan3A_65  : i32 {
      %mul3A_68 = arith.constant 1 : i32
      %mul3A_69 = arith.muli %scan3A_67, %mul3A_68 : i32
      %add3A_70 = arith.constant 0 : i32
      %add3A_71 = arith.addi %add3A_70, %mul3A_69 : i32
      %mul3A_72 = arith.constant 2 : i32
      %mul3A_73 = arith.muli %add3A_71, %mul3A_72 : i32
      %dma_wait3A_74 = arith.constant 0 : i32
      %dma_wait3A_75 = tpu.memref_slice %arg7[%mul3A_73, %dma_wait3A_74] : memref<14x128xi32, #tpu.memory_space<vmem>> -> memref<1x128xi32, #tpu.memory_space<vmem>>
      %dma_wait3A_76 = tpu.memref_squeeze %dma_wait3A_75 : memref<1x128xi32, #tpu.memory_space<vmem>> -> memref<128xi32, #tpu.memory_space<vmem>>
      %dma_wait3A_77 = arith.constant 0 : i32
      %dma_wait3A_78 = arith.constant 0 : i32
      %dma_wait3A_79 = tpu.memref_slice %arg2[%dma_wait3A_77, %dma_wait3A_78] : memref<10240x128xf32, #tpu.memory_space<hbm>> -> memref<10240x128xf32, #tpu.memory_space<hbm>>
      tpu.wait_indirect_dma semaphore(%arg14 : memref<!tpu.dma_semaphore, #tpu.memory_space<semaphore_mem>>) src(%dma_wait3A_79 : memref<10240x128xf32, #tpu.memory_space<hbm>>) dst(%arg9 : memref<128x128xf32, #tpu.memory_space<vmem>>)
      %mul3A_80 = arith.constant 128 : i32
      %mul3A_81 = arith.muli %mul3A_73, %mul3A_80 : i32
      %add3A_82 = arith.addi %mul3A_4, %mul3A_81 : i32
      %dma_start3A_83 = arith.constant 0 : i32
      %dma_start3A_84 = tpu.memref_slice %arg5[%add3A_82, %dma_start3A_83] : memref<57344x128xf32, #tpu.memory_space<hbm>> -> memref<128x128xf32, #tpu.memory_space<hbm>>
      %dma_start3A_85 = arith.constant 0 : i32
      %dma_start3A_86 = tpu.memref_slice %arg5[%add3A_82, %dma_start3A_85] : memref<57344x128xf32, #tpu.memory_space<hbm>> -> memref<128x128xf32, #tpu.memory_space<hbm>>
      tpu.enqueue_dma source(%arg9 : memref<128x128xf32, #tpu.memory_space<vmem>>) target(%dma_start3A_86 : memref<128x128xf32, #tpu.memory_space<hbm>>) target_semaphore(%arg18 : memref<!tpu.dma_semaphore, #tpu.memory_space<semaphore_mem>>)
      %dma_wait3A_87 = arith.constant 0 : i32
      %dma_wait3A_88 = tpu.memref_slice %arg8[%mul3A_73, %dma_wait3A_87] : memref<14x128xi32, #tpu.memory_space<vmem>> -> memref<1x128xi32, #tpu.memory_space<vmem>>
      %dma_wait3A_89 = tpu.memref_squeeze %dma_wait3A_88 : memref<1x128xi32, #tpu.memory_space<vmem>> -> memref<128xi32, #tpu.memory_space<vmem>>
      %dma_wait3A_90 = arith.constant 0 : i32
      %dma_wait3A_91 = arith.constant 0 : i32
      %dma_wait3A_92 = tpu.memref_slice %arg2[%dma_wait3A_90, %dma_wait3A_91] : memref<10240x128xf32, #tpu.memory_space<hbm>> -> memref<10240x128xf32, #tpu.memory_space<hbm>>
      tpu.wait_indirect_dma semaphore(%arg15 : memref<!tpu.dma_semaphore, #tpu.memory_space<semaphore_mem>>) src(%dma_wait3A_92 : memref<10240x128xf32, #tpu.memory_space<hbm>>) dst(%arg10 : memref<128x128xf32, #tpu.memory_space<vmem>>)
      %mul3A_93 = arith.constant 128 : i32
      %mul3A_94 = arith.muli %mul3A_73, %mul3A_93 : i32
      %add3A_95 = arith.addi %mul3A_4, %mul3A_94 : i32
      %dma_start3A_96 = arith.constant 0 : i32
      %dma_start3A_97 = tpu.memref_slice %arg6[%add3A_95, %dma_start3A_96] : memref<57344x128xf32, #tpu.memory_space<hbm>> -> memref<128x128xf32, #tpu.memory_space<hbm>>
      %dma_start3A_98 = arith.constant 0 : i32
      %dma_start3A_99 = tpu.memref_slice %arg6[%add3A_95, %dma_start3A_98] : memref<57344x128xf32, #tpu.memory_space<hbm>> -> memref<128x128xf32, #tpu.memory_space<hbm>>
      tpu.enqueue_dma source(%arg10 : memref<128x128xf32, #tpu.memory_space<vmem>>) target(%dma_start3A_99 : memref<128x128xf32, #tpu.memory_space<hbm>>) target_semaphore(%arg19 : memref<!tpu.dma_semaphore, #tpu.memory_space<semaphore_mem>>)
      %add3A_100 = arith.constant 1 : i32
      %add3A_101 = arith.addi %mul3A_73, %add3A_100 : i32
      %dma_wait3A_102 = arith.constant 0 : i32
      %dma_wait3A_103 = tpu.memref_slice %arg7[%add3A_101, %dma_wait3A_102] : memref<14x128xi32, #tpu.memory_space<vmem>> -> memref<1x128xi32, #tpu.memory_space<vmem>>
      %dma_wait3A_104 = tpu.memref_squeeze %dma_wait3A_103 : memref<1x128xi32, #tpu.memory_space<vmem>> -> memref<128xi32, #tpu.memory_space<vmem>>
      %dma_wait3A_105 = arith.constant 0 : i32
      %dma_wait3A_106 = arith.constant 0 : i32
      %dma_wait3A_107 = tpu.memref_slice %arg2[%dma_wait3A_105, %dma_wait3A_106] : memref<10240x128xf32, #tpu.memory_space<hbm>> -> memref<10240x128xf32, #tpu.memory_space<hbm>>
      tpu.wait_indirect_dma semaphore(%arg16 : memref<!tpu.dma_semaphore, #tpu.memory_space<semaphore_mem>>) src(%dma_wait3A_107 : memref<10240x128xf32, #tpu.memory_space<hbm>>) dst(%arg11 : memref<128x128xf32, #tpu.memory_space<vmem>>)
      %add3A_108 = arith.constant 1 : i32
      %add3A_109 = arith.addi %mul3A_73, %add3A_108 : i32
      %mul3A_110 = arith.constant 128 : i32
      %mul3A_111 = arith.muli %add3A_109, %mul3A_110 : i32
      %add3A_112 = arith.addi %mul3A_4, %mul3A_111 : i32
      %dma_start3A_113 = arith.constant 0 : i32
      %dma_start3A_114 = tpu.memref_slice %arg5[%add3A_112, %dma_start3A_113] : memref<57344x128xf32, #tpu.memory_space<hbm>> -> memref<128x128xf32, #tpu.memory_space<hbm>>
      %dma_start3A_115 = arith.constant 0 : i32
      %dma_start3A_116 = tpu.memref_slice %arg5[%add3A_112, %dma_start3A_115] : memref<57344x128xf32, #tpu.memory_space<hbm>> -> memref<128x128xf32, #tpu.memory_space<hbm>>
      tpu.enqueue_dma source(%arg11 : memref<128x128xf32, #tpu.memory_space<vmem>>) target(%dma_start3A_116 : memref<128x128xf32, #tpu.memory_space<hbm>>) target_semaphore(%arg20 : memref<!tpu.dma_semaphore, #tpu.memory_space<semaphore_mem>>)
      %add3A_117 = arith.constant 1 : i32
      %add3A_118 = arith.addi %mul3A_73, %add3A_117 : i32
      %dma_wait3A_119 = arith.constant 0 : i32
      %dma_wait3A_120 = tpu.memref_slice %arg8[%add3A_118, %dma_wait3A_119] : memref<14x128xi32, #tpu.memory_space<vmem>> -> memref<1x128xi32, #tpu.memory_space<vmem>>
      %dma_wait3A_121 = tpu.memref_squeeze %dma_wait3A_120 : memref<1x128xi32, #tpu.memory_space<vmem>> -> memref<128xi32, #tpu.memory_space<vmem>>
      %dma_wait3A_122 = arith.constant 0 : i32
      %dma_wait3A_123 = arith.constant 0 : i32
      %dma_wait3A_124 = tpu.memref_slice %arg2[%dma_wait3A_122, %dma_wait3A_123] : memref<10240x128xf32, #tpu.memory_space<hbm>> -> memref<10240x128xf32, #tpu.memory_space<hbm>>
      tpu.wait_indirect_dma semaphore(%arg17 : memref<!tpu.dma_semaphore, #tpu.memory_space<semaphore_mem>>) src(%dma_wait3A_124 : memref<10240x128xf32, #tpu.memory_space<hbm>>) dst(%arg12 : memref<128x128xf32, #tpu.memory_space<vmem>>)
      %add3A_125 = arith.constant 1 : i32
      %add3A_126 = arith.addi %mul3A_73, %add3A_125 : i32
      %mul3A_127 = arith.constant 128 : i32
      %mul3A_128 = arith.muli %add3A_126, %mul3A_127 : i32
      %add3A_129 = arith.addi %mul3A_4, %mul3A_128 : i32
      %dma_start3A_130 = arith.constant 0 : i32
      %dma_start3A_131 = tpu.memref_slice %arg6[%add3A_129, %dma_start3A_130] : memref<57344x128xf32, #tpu.memory_space<hbm>> -> memref<128x128xf32, #tpu.memory_space<hbm>>
      %dma_start3A_132 = arith.constant 0 : i32
      %dma_start3A_133 = tpu.memref_slice %arg6[%add3A_129, %dma_start3A_132] : memref<57344x128xf32, #tpu.memory_space<hbm>> -> memref<128x128xf32, #tpu.memory_space<hbm>>
      tpu.enqueue_dma source(%arg12 : memref<128x128xf32, #tpu.memory_space<vmem>>) target(%dma_start3A_133 : memref<128x128xf32, #tpu.memory_space<hbm>>) target_semaphore(%arg21 : memref<!tpu.dma_semaphore, #tpu.memory_space<semaphore_mem>>)
      %mul3A_134 = arith.constant 128 : i32
      %mul3A_135 = arith.muli %mul3A_73, %mul3A_134 : i32
      %add3A_136 = arith.addi %mul3A_4, %mul3A_135 : i32
      %dma_wait3A_137 = arith.constant 0 : i32
      %dma_wait3A_138 = tpu.memref_slice %arg5[%add3A_136, %dma_wait3A_137] : memref<57344x128xf32, #tpu.memory_space<hbm>> -> memref<128x128xf32, #tpu.memory_space<hbm>>
      %dma_wait3A_139 = arith.constant 0 : i32
      %dma_wait3A_140 = tpu.memref_slice %arg5[%add3A_136, %dma_wait3A_139] : memref<57344x128xf32, #tpu.memory_space<hbm>> -> memref<128x128xf32, #tpu.memory_space<hbm>>
      tpu.wait_dma2 semaphore(%arg18 : memref<!tpu.dma_semaphore, #tpu.memory_space<semaphore_mem>>) src(%arg9 : memref<128x128xf32, #tpu.memory_space<vmem>>) dst(%dma_wait3A_140 : memref<128x128xf32, #tpu.memory_space<hbm>>)
      %mul3A_141 = arith.constant 128 : i32
      %mul3A_142 = arith.muli %mul3A_73, %mul3A_141 : i32
      %add3A_143 = arith.addi %mul3A_4, %mul3A_142 : i32
      %dma_wait3A_144 = arith.constant 0 : i32
      %dma_wait3A_145 = tpu.memref_slice %arg6[%add3A_143, %dma_wait3A_144] : memref<57344x128xf32, #tpu.memory_space<hbm>> -> memref<128x128xf32, #tpu.memory_space<hbm>>
      %dma_wait3A_146 = arith.constant 0 : i32
      %dma_wait3A_147 = tpu.memref_slice %arg6[%add3A_143, %dma_wait3A_146] : memref<57344x128xf32, #tpu.memory_space<hbm>> -> memref<128x128xf32, #tpu.memory_space<hbm>>
      tpu.wait_dma2 semaphore(%arg19 : memref<!tpu.dma_semaphore, #tpu.memory_space<semaphore_mem>>) src(%arg10 : memref<128x128xf32, #tpu.memory_space<vmem>>) dst(%dma_wait3A_147 : memref<128x128xf32, #tpu.memory_space<hbm>>)
      %add3A_148 = arith.constant 2 : i32
      %add3A_149 = arith.addi %mul3A_73, %add3A_148 : i32
      %lt3A = arith.constant 14 : i32
      %lt3A_150 = arith.cmpi slt, %add3A_149, %lt3A : i32
      %convert_element_type3A = arith.extui %lt3A_150 : i1 to i32
      %cond3A = arith.constant 0 : i32
      %cond3A_151 = arith.cmpi ne, %convert_element_type3A, %cond3A : i32
      scf.if %cond3A_151 {
        %add3A_177 = arith.constant 2 : i32
        %add3A_178 = arith.addi %mul3A_73, %add3A_177 : i32
        %dma_start3A_179 = arith.constant 0 : i32
        %dma_start3A_180 = tpu.memref_slice %arg7[%add3A_178, %dma_start3A_179] : memref<14x128xi32, #tpu.memory_space<vmem>> -> memref<1x128xi32, #tpu.memory_space<vmem>>
        %dma_start3A_181 = tpu.memref_squeeze %dma_start3A_180 : memref<1x128xi32, #tpu.memory_space<vmem>> -> memref<128xi32, #tpu.memory_space<vmem>>
        %dma_start3A_182 = arith.constant 0 : i32
        %dma_start3A_183 = arith.constant 0 : i32
        %dma_start3A_184 = tpu.memref_slice %arg2[%dma_start3A_182, %dma_start3A_183] : memref<10240x128xf32, #tpu.memory_space<hbm>> -> memref<10240x128xf32, #tpu.memory_space<hbm>>
        tpu.enqueue_indirect_dma source(%dma_start3A_184 : memref<10240x128xf32, #tpu.memory_space<hbm>>) target(%arg9 : memref<128x128xf32, #tpu.memory_space<vmem>>) offsets(%dma_start3A_181 : memref<128xi32, #tpu.memory_space<vmem>>) semaphore(%arg14 : memref<!tpu.dma_semaphore, #tpu.memory_space<semaphore_mem>>)
        %add3A_185 = arith.constant 2 : i32
        %add3A_186 = arith.addi %mul3A_73, %add3A_185 : i32
        %dma_start3A_187 = arith.constant 0 : i32
        %dma_start3A_188 = tpu.memref_slice %arg8[%add3A_186, %dma_start3A_187] : memref<14x128xi32, #tpu.memory_space<vmem>> -> memref<1x128xi32, #tpu.memory_space<vmem>>
        %dma_start3A_189 = tpu.memref_squeeze %dma_start3A_188 : memref<1x128xi32, #tpu.memory_space<vmem>> -> memref<128xi32, #tpu.memory_space<vmem>>
        %dma_start3A_190 = arith.constant 0 : i32
        %dma_start3A_191 = arith.constant 0 : i32
        %dma_start3A_192 = tpu.memref_slice %arg2[%dma_start3A_190, %dma_start3A_191] : memref<10240x128xf32, #tpu.memory_space<hbm>> -> memref<10240x128xf32, #tpu.memory_space<hbm>>
        tpu.enqueue_indirect_dma source(%dma_start3A_192 : memref<10240x128xf32, #tpu.memory_space<hbm>>) target(%arg10 : memref<128x128xf32, #tpu.memory_space<vmem>>) offsets(%dma_start3A_189 : memref<128xi32, #tpu.memory_space<vmem>>) semaphore(%arg15 : memref<!tpu.dma_semaphore, #tpu.memory_space<semaphore_mem>>)
      } else {
      }
      %add3A_152 = arith.constant 1 : i32
      %add3A_153 = arith.addi %mul3A_73, %add3A_152 : i32
      %mul3A_154 = arith.constant 128 : i32
      %mul3A_155 = arith.muli %add3A_153, %mul3A_154 : i32
      %add3A_156 = arith.addi %mul3A_4, %mul3A_155 : i32
      %dma_wait3A_157 = arith.constant 0 : i32
      %dma_wait3A_158 = tpu.memref_slice %arg5[%add3A_156, %dma_wait3A_157] : memref<57344x128xf32, #tpu.memory_space<hbm>> -> memref<128x128xf32, #tpu.memory_space<hbm>>
      %dma_wait3A_159 = arith.constant 0 : i32
      %dma_wait3A_160 = tpu.memref_slice %arg5[%add3A_156, %dma_wait3A_159] : memref<57344x128xf32, #tpu.memory_space<hbm>> -> memref<128x128xf32, #tpu.memory_space<hbm>>
      tpu.wait_dma2 semaphore(%arg20 : memref<!tpu.dma_semaphore, #tpu.memory_space<semaphore_mem>>) src(%arg11 : memref<128x128xf32, #tpu.memory_space<vmem>>) dst(%dma_wait3A_160 : memref<128x128xf32, #tpu.memory_space<hbm>>)
      %add3A_161 = arith.constant 1 : i32
      %add3A_162 = arith.addi %mul3A_73, %add3A_161 : i32
      %mul3A_163 = arith.constant 128 : i32
      %mul3A_164 = arith.muli %add3A_162, %mul3A_163 : i32
      %add3A_165 = arith.addi %mul3A_4, %mul3A_164 : i32
      %dma_wait3A_166 = arith.constant 0 : i32
      %dma_wait3A_167 = tpu.memref_slice %arg6[%add3A_165, %dma_wait3A_166] : memref<57344x128xf32, #tpu.memory_space<hbm>> -> memref<128x128xf32, #tpu.memory_space<hbm>>
      %dma_wait3A_168 = arith.constant 0 : i32
      %dma_wait3A_169 = tpu.memref_slice %arg6[%add3A_165, %dma_wait3A_168] : memref<57344x128xf32, #tpu.memory_space<hbm>> -> memref<128x128xf32, #tpu.memory_space<hbm>>
      tpu.wait_dma2 semaphore(%arg21 : memref<!tpu.dma_semaphore, #tpu.memory_space<semaphore_mem>>) src(%arg12 : memref<128x128xf32, #tpu.memory_space<vmem>>) dst(%dma_wait3A_169 : memref<128x128xf32, #tpu.memory_space<hbm>>)
      %add3A_170 = arith.constant 3 : i32
      %add3A_171 = arith.addi %mul3A_73, %add3A_170 : i32
      %lt3A_172 = arith.constant 14 : i32
      %lt3A_173 = arith.cmpi slt, %add3A_171, %lt3A_172 : i32
      %convert_element_type3A_174 = arith.extui %lt3A_173 : i1 to i32
      %cond3A_175 = arith.constant 0 : i32
      %cond3A_176 = arith.cmpi ne, %convert_element_type3A_174, %cond3A_175 : i32
      scf.if %cond3A_176 {
        %add3A_177 = arith.constant 3 : i32
        %add3A_178 = arith.addi %mul3A_73, %add3A_177 : i32
        %dma_start3A_179 = arith.constant 0 : i32
        %dma_start3A_180 = tpu.memref_slice %arg7[%add3A_178, %dma_start3A_179] : memref<14x128xi32, #tpu.memory_space<vmem>> -> memref<1x128xi32, #tpu.memory_space<vmem>>
        %dma_start3A_181 = tpu.memref_squeeze %dma_start3A_180 : memref<1x128xi32, #tpu.memory_space<vmem>> -> memref<128xi32, #tpu.memory_space<vmem>>
        %dma_start3A_182 = arith.constant 0 : i32
        %dma_start3A_183 = arith.constant 0 : i32
        %dma_start3A_184 = tpu.memref_slice %arg2[%dma_start3A_182, %dma_start3A_183] : memref<10240x128xf32, #tpu.memory_space<hbm>> -> memref<10240x128xf32, #tpu.memory_space<hbm>>
        tpu.enqueue_indirect_dma source(%dma_start3A_184 : memref<10240x128xf32, #tpu.memory_space<hbm>>) target(%arg11 : memref<128x128xf32, #tpu.memory_space<vmem>>) offsets(%dma_start3A_181 : memref<128xi32, #tpu.memory_space<vmem>>) semaphore(%arg16 : memref<!tpu.dma_semaphore, #tpu.memory_space<semaphore_mem>>)
        %add3A_185 = arith.constant 3 : i32
        %add3A_186 = arith.addi %mul3A_73, %add3A_185 : i32
        %dma_start3A_187 = arith.constant 0 : i32
        %dma_start3A_188 = tpu.memref_slice %arg8[%add3A_186, %dma_start3A_187] : memref<14x128xi32, #tpu.memory_space<vmem>> -> memref<1x128xi32, #tpu.memory_space<vmem>>
        %dma_start3A_189 = tpu.memref_squeeze %dma_start3A_188 : memref<1x128xi32, #tpu.memory_space<vmem>> -> memref<128xi32, #tpu.memory_space<vmem>>
        %dma_start3A_190 = arith.constant 0 : i32
        %dma_start3A_191 = arith.constant 0 : i32
        %dma_start3A_192 = tpu.memref_slice %arg2[%dma_start3A_190, %dma_start3A_191] : memref<10240x128xf32, #tpu.memory_space<hbm>> -> memref<10240x128xf32, #tpu.memory_space<hbm>>
        tpu.enqueue_indirect_dma source(%dma_start3A_192 : memref<10240x128xf32, #tpu.memory_space<hbm>>) target(%arg12 : memref<128x128xf32, #tpu.memory_space<vmem>>) offsets(%dma_start3A_189 : memref<128xi32, #tpu.memory_space<vmem>>) semaphore(%arg17 : memref<!tpu.dma_semaphore, #tpu.memory_space<semaphore_mem>>)
      } else {
      }
    }
    %scan3A_66 = arith.constant 7 : i32
    return
  }
}

#map = affine_map<(d0, d1) -> (0, 0)>
#map1 = affine_map<(d0, d1) -> (0, 0, 0)>
module attributes {stable_mosaic.version = 14 : i64} {
  func.func @scat_kernel(%arg0: i32, %arg1: i32, %arg2: memref<10240x128xf32, #tpu.memory_space<hbm>>, %arg3: memref<32x80x128xi32, #tpu.memory_space<hbm>>, %arg4: memref<32x80x128xi32, #tpu.memory_space<hbm>>, %arg5: memref<2x10240x128xf32, #tpu.memory_space<hbm>>, %arg6: memref<4x128xi32, #tpu.memory_space<vmem>>, %arg7: memref<4x128xi32, #tpu.memory_space<vmem>>, %arg8: memref<128x128xf32, #tpu.memory_space<vmem>>, %arg9: memref<128x128xf32, #tpu.memory_space<vmem>>, %arg10: memref<10240x128xf32, #tpu.memory_space<vmem_shared>>, %arg11: memref<!tpu.dma_semaphore, #tpu.memory_space<semaphore_mem>>, %arg12: memref<!tpu.dma_semaphore, #tpu.memory_space<semaphore_mem>>, %arg13: memref<!tpu.dma_semaphore, #tpu.memory_space<semaphore_mem>>, %arg14: memref<!tpu.dma_semaphore, #tpu.memory_space<semaphore_mem>>, %arg15: memref<!tpu.dma_semaphore, #tpu.memory_space<semaphore_mem>>, %arg16: memref<!tpu.dma_semaphore, #tpu.memory_space<semaphore_mem>>, %arg17: memref<!tpu.dma_semaphore, #tpu.memory_space<semaphore_mem>>, %arg18: memref<!tpu.dma_semaphore, #tpu.memory_space<semaphore_mem>>, %arg19: memref<!tpu.dma_semaphore, #tpu.memory_space<semaphore_mem>>, %arg20: memref<!tpu.dma_semaphore, #tpu.memory_space<semaphore_mem>>) attributes {dimension_semantics = [#tpu.dimension_semantics<core_parallel>, #tpu.dimension_semantics<subcore_parallel>], iteration_bounds = array<i64: 2, 16>, scalar_prefetch = 0 : i64, scratch_operands = 15 : i64, tpu.core_type = #tpu.core_type<sc_vector_subcore>, window_params = [{transform_indices = #map}, {transform_indices = #map1}, {transform_indices = #map1}, {transform_indices = #map1}]} {
    %mul3A = arith.constant 2 : i32
    %mul3A_0 = arith.muli %arg1, %mul3A : i32
    %add3A = arith.addi %mul3A_0, %arg0 : i32
    %dma_start3A = arith.constant 0 : i32
    %dma_start3A_1 = arith.constant 0 : i32
    %dma_start3A_2 = arith.constant 0 : i32
    %dma_start3A_3 = tpu.memref_slice %arg6[%dma_start3A_1, %dma_start3A_2] : memref<4x128xi32, #tpu.memory_space<vmem>> -> memref<1x128xi32, #tpu.memory_space<vmem>>
    %dma_start3A_4 = tpu.memref_squeeze %dma_start3A_3 : memref<1x128xi32, #tpu.memory_space<vmem>> -> memref<128xi32, #tpu.memory_space<vmem>>
    %dma_start3A_5 = arith.constant 0 : i32
    %dma_start3A_6 = tpu.memref_slice %arg3[%add3A, %dma_start3A, %dma_start3A_5] : memref<32x80x128xi32, #tpu.memory_space<hbm>> -> memref<1x1x128xi32, #tpu.memory_space<hbm>>
    %dma_start3A_7 = tpu.memref_squeeze %dma_start3A_6 : memref<1x1x128xi32, #tpu.memory_space<hbm>> -> memref<128xi32, #tpu.memory_space<hbm>>
    %dma_start3A_8 = arith.constant 0 : i32
    %dma_start3A_9 = tpu.memref_slice %arg6[%dma_start3A_1, %dma_start3A_8] : memref<4x128xi32, #tpu.memory_space<vmem>> -> memref<1x128xi32, #tpu.memory_space<vmem>>
    %dma_start3A_10 = tpu.memref_squeeze %dma_start3A_9 : memref<1x128xi32, #tpu.memory_space<vmem>> -> memref<128xi32, #tpu.memory_space<vmem>>
    %dma_start3A_11 = arith.constant 0 : i32
    %dma_start3A_12 = tpu.memref_slice %arg3[%add3A, %dma_start3A, %dma_start3A_11] : memref<32x80x128xi32, #tpu.memory_space<hbm>> -> memref<1x1x128xi32, #tpu.memory_space<hbm>>
    %dma_start3A_13 = tpu.memref_squeeze %dma_start3A_12 : memref<1x1x128xi32, #tpu.memory_space<hbm>> -> memref<128xi32, #tpu.memory_space<hbm>>
    tpu.enqueue_dma source(%dma_start3A_13 : memref<128xi32, #tpu.memory_space<hbm>>) target(%dma_start3A_10 : memref<128xi32, #tpu.memory_space<vmem>>) target_semaphore(%arg11 : memref<!tpu.dma_semaphore, #tpu.memory_space<semaphore_mem>>)
    %dma_start3A_14 = arith.constant 0 : i32
    %dma_start3A_15 = arith.constant 0 : i32
    %dma_start3A_16 = arith.constant 0 : i32
    %dma_start3A_17 = tpu.memref_slice %arg7[%dma_start3A_15, %dma_start3A_16] : memref<4x128xi32, #tpu.memory_space<vmem>> -> memref<1x128xi32, #tpu.memory_space<vmem>>
    %dma_start3A_18 = tpu.memref_squeeze %dma_start3A_17 : memref<1x128xi32, #tpu.memory_space<vmem>> -> memref<128xi32, #tpu.memory_space<vmem>>
    %dma_start3A_19 = arith.constant 0 : i32
    %dma_start3A_20 = tpu.memref_slice %arg4[%add3A, %dma_start3A_14, %dma_start3A_19] : memref<32x80x128xi32, #tpu.memory_space<hbm>> -> memref<1x1x128xi32, #tpu.memory_space<hbm>>
    %dma_start3A_21 = tpu.memref_squeeze %dma_start3A_20 : memref<1x1x128xi32, #tpu.memory_space<hbm>> -> memref<128xi32, #tpu.memory_space<hbm>>
    %dma_start3A_22 = arith.constant 0 : i32
    %dma_start3A_23 = tpu.memref_slice %arg7[%dma_start3A_15, %dma_start3A_22] : memref<4x128xi32, #tpu.memory_space<vmem>> -> memref<1x128xi32, #tpu.memory_space<vmem>>
    %dma_start3A_24 = tpu.memref_squeeze %dma_start3A_23 : memref<1x128xi32, #tpu.memory_space<vmem>> -> memref<128xi32, #tpu.memory_space<vmem>>
    %dma_start3A_25 = arith.constant 0 : i32
    %dma_start3A_26 = tpu.memref_slice %arg4[%add3A, %dma_start3A_14, %dma_start3A_25] : memref<32x80x128xi32, #tpu.memory_space<hbm>> -> memref<1x1x128xi32, #tpu.memory_space<hbm>>
    %dma_start3A_27 = tpu.memref_squeeze %dma_start3A_26 : memref<1x1x128xi32, #tpu.memory_space<hbm>> -> memref<128xi32, #tpu.memory_space<hbm>>
    tpu.enqueue_dma source(%dma_start3A_27 : memref<128xi32, #tpu.memory_space<hbm>>) target(%dma_start3A_24 : memref<128xi32, #tpu.memory_space<vmem>>) target_semaphore(%arg15 : memref<!tpu.dma_semaphore, #tpu.memory_space<semaphore_mem>>)
    %dma_start3A_28 = arith.constant 1 : i32
    %dma_start3A_29 = arith.constant 1 : i32
    %dma_start3A_30 = arith.constant 0 : i32
    %dma_start3A_31 = tpu.memref_slice %arg6[%dma_start3A_29, %dma_start3A_30] : memref<4x128xi32, #tpu.memory_space<vmem>> -> memref<1x128xi32, #tpu.memory_space<vmem>>
    %dma_start3A_32 = tpu.memref_squeeze %dma_start3A_31 : memref<1x128xi32, #tpu.memory_space<vmem>> -> memref<128xi32, #tpu.memory_space<vmem>>
    %dma_start3A_33 = arith.constant 0 : i32
    %dma_start3A_34 = tpu.memref_slice %arg3[%add3A, %dma_start3A_28, %dma_start3A_33] : memref<32x80x128xi32, #tpu.memory_space<hbm>> -> memref<1x1x128xi32, #tpu.memory_space<hbm>>
    %dma_start3A_35 = tpu.memref_squeeze %dma_start3A_34 : memref<1x1x128xi32, #tpu.memory_space<hbm>> -> memref<128xi32, #tpu.memory_space<hbm>>
    %dma_start3A_36 = arith.constant 0 : i32
    %dma_start3A_37 = tpu.memref_slice %arg6[%dma_start3A_29, %dma_start3A_36] : memref<4x128xi32, #tpu.memory_space<vmem>> -> memref<1x128xi32, #tpu.memory_space<vmem>>
    %dma_start3A_38 = tpu.memref_squeeze %dma_start3A_37 : memref<1x128xi32, #tpu.memory_space<vmem>> -> memref<128xi32, #tpu.memory_space<vmem>>
    %dma_start3A_39 = arith.constant 0 : i32
    %dma_start3A_40 = tpu.memref_slice %arg3[%add3A, %dma_start3A_28, %dma_start3A_39] : memref<32x80x128xi32, #tpu.memory_space<hbm>> -> memref<1x1x128xi32, #tpu.memory_space<hbm>>
    %dma_start3A_41 = tpu.memref_squeeze %dma_start3A_40 : memref<1x1x128xi32, #tpu.memory_space<hbm>> -> memref<128xi32, #tpu.memory_space<hbm>>
    tpu.enqueue_dma source(%dma_start3A_41 : memref<128xi32, #tpu.memory_space<hbm>>) target(%dma_start3A_38 : memref<128xi32, #tpu.memory_space<vmem>>) target_semaphore(%arg12 : memref<!tpu.dma_semaphore, #tpu.memory_space<semaphore_mem>>)
    %dma_start3A_42 = arith.constant 1 : i32
    %dma_start3A_43 = arith.constant 1 : i32
    %dma_start3A_44 = arith.constant 0 : i32
    %dma_start3A_45 = tpu.memref_slice %arg7[%dma_start3A_43, %dma_start3A_44] : memref<4x128xi32, #tpu.memory_space<vmem>> -> memref<1x128xi32, #tpu.memory_space<vmem>>
    %dma_start3A_46 = tpu.memref_squeeze %dma_start3A_45 : memref<1x128xi32, #tpu.memory_space<vmem>> -> memref<128xi32, #tpu.memory_space<vmem>>
    %dma_start3A_47 = arith.constant 0 : i32
    %dma_start3A_48 = tpu.memref_slice %arg4[%add3A, %dma_start3A_42, %dma_start3A_47] : memref<32x80x128xi32, #tpu.memory_space<hbm>> -> memref<1x1x128xi32, #tpu.memory_space<hbm>>
    %dma_start3A_49 = tpu.memref_squeeze %dma_start3A_48 : memref<1x1x128xi32, #tpu.memory_space<hbm>> -> memref<128xi32, #tpu.memory_space<hbm>>
    %dma_start3A_50 = arith.constant 0 : i32
    %dma_start3A_51 = tpu.memref_slice %arg7[%dma_start3A_43, %dma_start3A_50] : memref<4x128xi32, #tpu.memory_space<vmem>> -> memref<1x128xi32, #tpu.memory_space<vmem>>
    %dma_start3A_52 = tpu.memref_squeeze %dma_start3A_51 : memref<1x128xi32, #tpu.memory_space<vmem>> -> memref<128xi32, #tpu.memory_space<vmem>>
    %dma_start3A_53 = arith.constant 0 : i32
    %dma_start3A_54 = tpu.memref_slice %arg4[%add3A, %dma_start3A_42, %dma_start3A_53] : memref<32x80x128xi32, #tpu.memory_space<hbm>> -> memref<1x1x128xi32, #tpu.memory_space<hbm>>
    %dma_start3A_55 = tpu.memref_squeeze %dma_start3A_54 : memref<1x1x128xi32, #tpu.memory_space<hbm>> -> memref<128xi32, #tpu.memory_space<hbm>>
    tpu.enqueue_dma source(%dma_start3A_55 : memref<128xi32, #tpu.memory_space<hbm>>) target(%dma_start3A_52 : memref<128xi32, #tpu.memory_space<vmem>>) target_semaphore(%arg16 : memref<!tpu.dma_semaphore, #tpu.memory_space<semaphore_mem>>)
    %dma_start3A_56 = arith.constant 2 : i32
    %dma_start3A_57 = arith.constant 2 : i32
    %dma_start3A_58 = arith.constant 0 : i32
    %dma_start3A_59 = tpu.memref_slice %arg6[%dma_start3A_57, %dma_start3A_58] : memref<4x128xi32, #tpu.memory_space<vmem>> -> memref<1x128xi32, #tpu.memory_space<vmem>>
    %dma_start3A_60 = tpu.memref_squeeze %dma_start3A_59 : memref<1x128xi32, #tpu.memory_space<vmem>> -> memref<128xi32, #tpu.memory_space<vmem>>
    %dma_start3A_61 = arith.constant 0 : i32
    %dma_start3A_62 = tpu.memref_slice %arg3[%add3A, %dma_start3A_56, %dma_start3A_61] : memref<32x80x128xi32, #tpu.memory_space<hbm>> -> memref<1x1x128xi32, #tpu.memory_space<hbm>>
    %dma_start3A_63 = tpu.memref_squeeze %dma_start3A_62 : memref<1x1x128xi32, #tpu.memory_space<hbm>> -> memref<128xi32, #tpu.memory_space<hbm>>
    %dma_start3A_64 = arith.constant 0 : i32
    %dma_start3A_65 = tpu.memref_slice %arg6[%dma_start3A_57, %dma_start3A_64] : memref<4x128xi32, #tpu.memory_space<vmem>> -> memref<1x128xi32, #tpu.memory_space<vmem>>
    %dma_start3A_66 = tpu.memref_squeeze %dma_start3A_65 : memref<1x128xi32, #tpu.memory_space<vmem>> -> memref<128xi32, #tpu.memory_space<vmem>>
    %dma_start3A_67 = arith.constant 0 : i32
    %dma_start3A_68 = tpu.memref_slice %arg3[%add3A, %dma_start3A_56, %dma_start3A_67] : memref<32x80x128xi32, #tpu.memory_space<hbm>> -> memref<1x1x128xi32, #tpu.memory_space<hbm>>
    %dma_start3A_69 = tpu.memref_squeeze %dma_start3A_68 : memref<1x1x128xi32, #tpu.memory_space<hbm>> -> memref<128xi32, #tpu.memory_space<hbm>>
    tpu.enqueue_dma source(%dma_start3A_69 : memref<128xi32, #tpu.memory_space<hbm>>) target(%dma_start3A_66 : memref<128xi32, #tpu.memory_space<vmem>>) target_semaphore(%arg13 : memref<!tpu.dma_semaphore, #tpu.memory_space<semaphore_mem>>)
    %dma_start3A_70 = arith.constant 2 : i32
    %dma_start3A_71 = arith.constant 2 : i32
    %dma_start3A_72 = arith.constant 0 : i32
    %dma_start3A_73 = tpu.memref_slice %arg7[%dma_start3A_71, %dma_start3A_72] : memref<4x128xi32, #tpu.memory_space<vmem>> -> memref<1x128xi32, #tpu.memory_space<vmem>>
    %dma_start3A_74 = tpu.memref_squeeze %dma_start3A_73 : memref<1x128xi32, #tpu.memory_space<vmem>> -> memref<128xi32, #tpu.memory_space<vmem>>
    %dma_start3A_75 = arith.constant 0 : i32
    %dma_start3A_76 = tpu.memref_slice %arg4[%add3A, %dma_start3A_70, %dma_start3A_75] : memref<32x80x128xi32, #tpu.memory_space<hbm>> -> memref<1x1x128xi32, #tpu.memory_space<hbm>>
    %dma_start3A_77 = tpu.memref_squeeze %dma_start3A_76 : memref<1x1x128xi32, #tpu.memory_space<hbm>> -> memref<128xi32, #tpu.memory_space<hbm>>
    %dma_start3A_78 = arith.constant 0 : i32
    %dma_start3A_79 = tpu.memref_slice %arg7[%dma_start3A_71, %dma_start3A_78] : memref<4x128xi32, #tpu.memory_space<vmem>> -> memref<1x128xi32, #tpu.memory_space<vmem>>
    %dma_start3A_80 = tpu.memref_squeeze %dma_start3A_79 : memref<1x128xi32, #tpu.memory_space<vmem>> -> memref<128xi32, #tpu.memory_space<vmem>>
    %dma_start3A_81 = arith.constant 0 : i32
    %dma_start3A_82 = tpu.memref_slice %arg4[%add3A, %dma_start3A_70, %dma_start3A_81] : memref<32x80x128xi32, #tpu.memory_space<hbm>> -> memref<1x1x128xi32, #tpu.memory_space<hbm>>
    %dma_start3A_83 = tpu.memref_squeeze %dma_start3A_82 : memref<1x1x128xi32, #tpu.memory_space<hbm>> -> memref<128xi32, #tpu.memory_space<hbm>>
    tpu.enqueue_dma source(%dma_start3A_83 : memref<128xi32, #tpu.memory_space<hbm>>) target(%dma_start3A_80 : memref<128xi32, #tpu.memory_space<vmem>>) target_semaphore(%arg17 : memref<!tpu.dma_semaphore, #tpu.memory_space<semaphore_mem>>)
    %dma_start3A_84 = arith.constant 3 : i32
    %dma_start3A_85 = arith.constant 3 : i32
    %dma_start3A_86 = arith.constant 0 : i32
    %dma_start3A_87 = tpu.memref_slice %arg6[%dma_start3A_85, %dma_start3A_86] : memref<4x128xi32, #tpu.memory_space<vmem>> -> memref<1x128xi32, #tpu.memory_space<vmem>>
    %dma_start3A_88 = tpu.memref_squeeze %dma_start3A_87 : memref<1x128xi32, #tpu.memory_space<vmem>> -> memref<128xi32, #tpu.memory_space<vmem>>
    %dma_start3A_89 = arith.constant 0 : i32
    %dma_start3A_90 = tpu.memref_slice %arg3[%add3A, %dma_start3A_84, %dma_start3A_89] : memref<32x80x128xi32, #tpu.memory_space<hbm>> -> memref<1x1x128xi32, #tpu.memory_space<hbm>>
    %dma_start3A_91 = tpu.memref_squeeze %dma_start3A_90 : memref<1x1x128xi32, #tpu.memory_space<hbm>> -> memref<128xi32, #tpu.memory_space<hbm>>
    %dma_start3A_92 = arith.constant 0 : i32
    %dma_start3A_93 = tpu.memref_slice %arg6[%dma_start3A_85, %dma_start3A_92] : memref<4x128xi32, #tpu.memory_space<vmem>> -> memref<1x128xi32, #tpu.memory_space<vmem>>
    %dma_start3A_94 = tpu.memref_squeeze %dma_start3A_93 : memref<1x128xi32, #tpu.memory_space<vmem>> -> memref<128xi32, #tpu.memory_space<vmem>>
    %dma_start3A_95 = arith.constant 0 : i32
    %dma_start3A_96 = tpu.memref_slice %arg3[%add3A, %dma_start3A_84, %dma_start3A_95] : memref<32x80x128xi32, #tpu.memory_space<hbm>> -> memref<1x1x128xi32, #tpu.memory_space<hbm>>
    %dma_start3A_97 = tpu.memref_squeeze %dma_start3A_96 : memref<1x1x128xi32, #tpu.memory_space<hbm>> -> memref<128xi32, #tpu.memory_space<hbm>>
    tpu.enqueue_dma source(%dma_start3A_97 : memref<128xi32, #tpu.memory_space<hbm>>) target(%dma_start3A_94 : memref<128xi32, #tpu.memory_space<vmem>>) target_semaphore(%arg14 : memref<!tpu.dma_semaphore, #tpu.memory_space<semaphore_mem>>)
    %dma_start3A_98 = arith.constant 3 : i32
    %dma_start3A_99 = arith.constant 3 : i32
    %dma_start3A_100 = arith.constant 0 : i32
    %dma_start3A_101 = tpu.memref_slice %arg7[%dma_start3A_99, %dma_start3A_100] : memref<4x128xi32, #tpu.memory_space<vmem>> -> memref<1x128xi32, #tpu.memory_space<vmem>>
    %dma_start3A_102 = tpu.memref_squeeze %dma_start3A_101 : memref<1x128xi32, #tpu.memory_space<vmem>> -> memref<128xi32, #tpu.memory_space<vmem>>
    %dma_start3A_103 = arith.constant 0 : i32
    %dma_start3A_104 = tpu.memref_slice %arg4[%add3A, %dma_start3A_98, %dma_start3A_103] : memref<32x80x128xi32, #tpu.memory_space<hbm>> -> memref<1x1x128xi32, #tpu.memory_space<hbm>>
    %dma_start3A_105 = tpu.memref_squeeze %dma_start3A_104 : memref<1x1x128xi32, #tpu.memory_space<hbm>> -> memref<128xi32, #tpu.memory_space<hbm>>
    %dma_start3A_106 = arith.constant 0 : i32
    %dma_start3A_107 = tpu.memref_slice %arg7[%dma_start3A_99, %dma_start3A_106] : memref<4x128xi32, #tpu.memory_space<vmem>> -> memref<1x128xi32, #tpu.memory_space<vmem>>
    %dma_start3A_108 = tpu.memref_squeeze %dma_start3A_107 : memref<1x128xi32, #tpu.memory_space<vmem>> -> memref<128xi32, #tpu.memory_space<vmem>>
    %dma_start3A_109 = arith.constant 0 : i32
    %dma_start3A_110 = tpu.memref_slice %arg4[%add3A, %dma_start3A_98, %dma_start3A_109] : memref<32x80x128xi32, #tpu.memory_space<hbm>> -> memref<1x1x128xi32, #tpu.memory_space<hbm>>
    %dma_start3A_111 = tpu.memref_squeeze %dma_start3A_110 : memref<1x1x128xi32, #tpu.memory_space<hbm>> -> memref<128xi32, #tpu.memory_space<hbm>>
    tpu.enqueue_dma source(%dma_start3A_111 : memref<128xi32, #tpu.memory_space<hbm>>) target(%dma_start3A_108 : memref<128xi32, #tpu.memory_space<vmem>>) target_semaphore(%arg18 : memref<!tpu.dma_semaphore, #tpu.memory_space<semaphore_mem>>)
    %scan3A = arith.constant 0 : i32
    %scan3A_112 = arith.constant 128 : i32
    %scan3A_113 = arith.addi %scan3A, %scan3A_112 : i32
    %scan3A_114 = arith.constant 1 : i32
    scf.for %scan3A_172 = %scan3A to %scan3A_113 step %scan3A_114  : i32 {
      %mul3A_173 = arith.constant 1 : i32
      %mul3A_174 = arith.muli %scan3A_172, %mul3A_173 : i32
      %add3A_175 = arith.constant 0 : i32
      %add3A_176 = arith.addi %add3A_175, %mul3A_174 : i32
      %broadcast_in_dim3A = arith.constant 0.000000e+00 : f32
      %broadcast_in_dim3A_177 = vector.broadcast %broadcast_in_dim3A : f32 to vector<16xf32>
      %swap3A = arith.index_cast %add3A_176 : i32 to index
      %swap3A_178 = arith.constant 0 : index
      %swap3A_179 = tpu.vector_load %arg8[%swap3A, %swap3A_178] {strides = array<i32>} : memref<128x128xf32, #tpu.memory_space<vmem>>, vector<1x16xf32>,
      %swap3A_180 = vector.shape_cast %swap3A_179 : vector<1x16xf32> to vector<16xf32>
      %swap3A_181 = vector.shape_cast %broadcast_in_dim3A_177 : vector<16xf32> to vector<1x16xf32>
      tpu.vector_store %arg8[%swap3A, %swap3A_178], %swap3A_181 {strides = array<i32>} : memref<128x128xf32, #tpu.memory_space<vmem>>, vector<1x16xf32>,
      %broadcast_in_dim3A_182 = arith.constant 0.000000e+00 : f32
      %broadcast_in_dim3A_183 = vector.broadcast %broadcast_in_dim3A_182 : f32 to vector<16xf32>
      %swap3A_184 = arith.index_cast %add3A_176 : i32 to index
      %swap3A_185 = arith.constant 16 : index
      %swap3A_186 = tpu.vector_load %arg8[%swap3A_184, %swap3A_185] {strides = array<i32>} : memref<128x128xf32, #tpu.memory_space<vmem>>, vector<1x16xf32>,
      %swap3A_187 = vector.shape_cast %swap3A_186 : vector<1x16xf32> to vector<16xf32>
      %swap3A_188 = vector.shape_cast %broadcast_in_dim3A_183 : vector<16xf32> to vector<1x16xf32>
      tpu.vector_store %arg8[%swap3A_184, %swap3A_185], %swap3A_188 {strides = array<i32>} : memref<128x128xf32, #tpu.memory_space<vmem>>, vector<1x16xf32>,
      %broadcast_in_dim3A_189 = arith.constant 0.000000e+00 : f32
      %broadcast_in_dim3A_190 = vector.broadcast %broadcast_in_dim3A_189 : f32 to vector<16xf32>
      %swap3A_191 = arith.index_cast %add3A_176 : i32 to index
      %swap3A_192 = arith.constant 32 : index
      %swap3A_193 = tpu.vector_load %arg8[%swap3A_191, %swap3A_192] {strides = array<i32>} : memref<128x128xf32, #tpu.memory_space<vmem>>, vector<1x16xf32>,
      %swap3A_194 = vector.shape_cast %swap3A_193 : vector<1x16xf32> to vector<16xf32>
      %swap3A_195 = vector.shape_cast %broadcast_in_dim3A_190 : vector<16xf32> to vector<1x16xf32>
      tpu.vector_store %arg8[%swap3A_191, %swap3A_192], %swap3A_195 {strides = array<i32>} : memref<128x128xf32, #tpu.memory_space<vmem>>, vector<1x16xf32>,
      %broadcast_in_dim3A_196 = arith.constant 0.000000e+00 : f32
      %broadcast_in_dim3A_197 = vector.broadcast %broadcast_in_dim3A_196 : f32 to vector<16xf32>
      %swap3A_198 = arith.index_cast %add3A_176 : i32 to index
      %swap3A_199 = arith.constant 48 : index
      %swap3A_200 = tpu.vector_load %arg8[%swap3A_198, %swap3A_199] {strides = array<i32>} : memref<128x128xf32, #tpu.memory_space<vmem>>, vector<1x16xf32>,
      %swap3A_201 = vector.shape_cast %swap3A_200 : vector<1x16xf32> to vector<16xf32>
      %swap3A_202 = vector.shape_cast %broadcast_in_dim3A_197 : vector<16xf32> to vector<1x16xf32>
      tpu.vector_store %arg8[%swap3A_198, %swap3A_199], %swap3A_202 {strides = array<i32>} : memref<128x128xf32, #tpu.memory_space<vmem>>, vector<1x16xf32>,
      %broadcast_in_dim3A_203 = arith.constant 0.000000e+00 : f32
      %broadcast_in_dim3A_204 = vector.broadcast %broadcast_in_dim3A_203 : f32 to vector<16xf32>
      %swap3A_205 = arith.index_cast %add3A_176 : i32 to index
      %swap3A_206 = arith.constant 64 : index
      %swap3A_207 = tpu.vector_load %arg8[%swap3A_205, %swap3A_206] {strides = array<i32>} : memref<128x128xf32, #tpu.memory_space<vmem>>, vector<1x16xf32>,
      %swap3A_208 = vector.shape_cast %swap3A_207 : vector<1x16xf32> to vector<16xf32>
      %swap3A_209 = vector.shape_cast %broadcast_in_dim3A_204 : vector<16xf32> to vector<1x16xf32>
      tpu.vector_store %arg8[%swap3A_205, %swap3A_206], %swap3A_209 {strides = array<i32>} : memref<128x128xf32, #tpu.memory_space<vmem>>, vector<1x16xf32>,
      %broadcast_in_dim3A_210 = arith.constant 0.000000e+00 : f32
      %broadcast_in_dim3A_211 = vector.broadcast %broadcast_in_dim3A_210 : f32 to vector<16xf32>
      %swap3A_212 = arith.index_cast %add3A_176 : i32 to index
      %swap3A_213 = arith.constant 80 : index
      %swap3A_214 = tpu.vector_load %arg8[%swap3A_212, %swap3A_213] {strides = array<i32>} : memref<128x128xf32, #tpu.memory_space<vmem>>, vector<1x16xf32>,
      %swap3A_215 = vector.shape_cast %swap3A_214 : vector<1x16xf32> to vector<16xf32>
      %swap3A_216 = vector.shape_cast %broadcast_in_dim3A_211 : vector<16xf32> to vector<1x16xf32>
      tpu.vector_store %arg8[%swap3A_212, %swap3A_213], %swap3A_216 {strides = array<i32>} : memref<128x128xf32, #tpu.memory_space<vmem>>, vector<1x16xf32>,
      %broadcast_in_dim3A_217 = arith.constant 0.000000e+00 : f32
      %broadcast_in_dim3A_218 = vector.broadcast %broadcast_in_dim3A_217 : f32 to vector<16xf32>
      %swap3A_219 = arith.index_cast %add3A_176 : i32 to index
      %swap3A_220 = arith.constant 96 : index
      %swap3A_221 = tpu.vector_load %arg8[%swap3A_219, %swap3A_220] {strides = array<i32>} : memref<128x128xf32, #tpu.memory_space<vmem>>, vector<1x16xf32>,
      %swap3A_222 = vector.shape_cast %swap3A_221 : vector<1x16xf32> to vector<16xf32>
      %swap3A_223 = vector.shape_cast %broadcast_in_dim3A_218 : vector<16xf32> to vector<1x16xf32>
      tpu.vector_store %arg8[%swap3A_219, %swap3A_220], %swap3A_223 {strides = array<i32>} : memref<128x128xf32, #tpu.memory_space<vmem>>, vector<1x16xf32>,
      %broadcast_in_dim3A_224 = arith.constant 0.000000e+00 : f32
      %broadcast_in_dim3A_225 = vector.broadcast %broadcast_in_dim3A_224 : f32 to vector<16xf32>
      %swap3A_226 = arith.index_cast %add3A_176 : i32 to index
      %swap3A_227 = arith.constant 112 : index
      %swap3A_228 = tpu.vector_load %arg8[%swap3A_226, %swap3A_227] {strides = array<i32>} : memref<128x128xf32, #tpu.memory_space<vmem>>, vector<1x16xf32>,
      %swap3A_229 = vector.shape_cast %swap3A_228 : vector<1x16xf32> to vector<16xf32>
      %swap3A_230 = vector.shape_cast %broadcast_in_dim3A_225 : vector<16xf32> to vector<1x16xf32>
      tpu.vector_store %arg8[%swap3A_226, %swap3A_227], %swap3A_230 {strides = array<i32>} : memref<128x128xf32, #tpu.memory_space<vmem>>, vector<1x16xf32>,
    }
    %scan3A_115 = arith.constant 128 : i32
    %scan3A_116 = arith.constant 0 : i32
    %scan3A_117 = arith.constant 5 : i32
    %scan3A_118 = arith.addi %scan3A_116, %scan3A_117 : i32
    %scan3A_119 = arith.constant 1 : i32
    scf.for %scan3A_172 = %scan3A_116 to %scan3A_118 step %scan3A_119  : i32 {
      %mul3A_173 = arith.constant 1 : i32
      %mul3A_174 = arith.muli %scan3A_172, %mul3A_173 : i32
      %add3A_175 = arith.constant 0 : i32
      %add3A_176 = arith.addi %add3A_175, %mul3A_174 : i32
      %mul3A_177 = arith.constant 640 : i32
      %mul3A_178 = arith.muli %arg1, %mul3A_177 : i32
      %mul3A_179 = arith.constant 128 : i32
      %mul3A_180 = arith.muli %add3A_176, %mul3A_179 : i32
      %add3A_181 = arith.addi %mul3A_178, %mul3A_180 : i32
      "tpu.region"() ({
        %run_scoped3A = tpu.sem_alloc : memref<!tpu.dma_semaphore, #tpu.memory_space<semaphore_mem>>
        %dma_start3A_182 = arith.constant 0 : i32
        %dma_start3A_183 = tpu.memref_slice %arg10[%add3A_181, %dma_start3A_182] : memref<10240x128xf32, #tpu.memory_space<vmem_shared>> -> memref<128x128xf32, #tpu.memory_space<vmem_shared>>
        %dma_start3A_184 = arith.constant 0 : i32
        %dma_start3A_185 = tpu.memref_slice %arg10[%add3A_181, %dma_start3A_184] : memref<10240x128xf32, #tpu.memory_space<vmem_shared>> -> memref<128x128xf32, #tpu.memory_space<vmem_shared>>
        tpu.enqueue_dma source(%arg8 : memref<128x128xf32, #tpu.memory_space<vmem>>) target(%dma_start3A_185 : memref<128x128xf32, #tpu.memory_space<vmem_shared>>) target_semaphore(%run_scoped3A : memref<!tpu.dma_semaphore, #tpu.memory_space<semaphore_mem>>)
        %dma_wait3A_186 = arith.constant 0 : i32
        %dma_wait3A_187 = tpu.memref_slice %arg10[%add3A_181, %dma_wait3A_186] : memref<10240x128xf32, #tpu.memory_space<vmem_shared>> -> memref<128x128xf32, #tpu.memory_space<vmem_shared>>
        %dma_wait3A_188 = arith.constant 0 : i32
        %dma_wait3A_189 = tpu.memref_slice %arg10[%add3A_181, %dma_wait3A_188] : memref<10240x128xf32, #tpu.memory_space<vmem_shared>> -> memref<128x128xf32, #tpu.memory_space<vmem_shared>>
        tpu.wait_dma2 semaphore(%run_scoped3A : memref<!tpu.dma_semaphore, #tpu.memory_space<semaphore_mem>>) src(%arg8 : memref<128x128xf32, #tpu.memory_space<vmem>>) dst(%dma_wait3A_189 : memref<128x128xf32, #tpu.memory_space<vmem_shared>>)
        tpu.yield
      }) : () -> ()
    }
    %scan3A_120 = arith.constant 5 : i32
    %barrier3A = arith.constant 0 : index
    tpu.barrier barrier_id(%barrier3A)
    %dma_wait3A = arith.constant 0 : i32
    %dma_wait3A_121 = arith.constant 0 : i32
    %dma_wait3A_122 = arith.constant 0 : i32
    %dma_wait3A_123 = tpu.memref_slice %arg6[%dma_wait3A_121, %dma_wait3A_122] : memref<4x128xi32, #tpu.memory_space<vmem>> -> memref<1x128xi32, #tpu.memory_space<vmem>>
    %dma_wait3A_124 = tpu.memref_squeeze %dma_wait3A_123 : memref<1x128xi32, #tpu.memory_space<vmem>> -> memref<128xi32, #tpu.memory_space<vmem>>
    %dma_wait3A_125 = arith.constant 0 : i32
    %dma_wait3A_126 = tpu.memref_slice %arg3[%add3A, %dma_wait3A, %dma_wait3A_125] : memref<32x80x128xi32, #tpu.memory_space<hbm>> -> memref<1x1x128xi32, #tpu.memory_space<hbm>>
    %dma_wait3A_127 = tpu.memref_squeeze %dma_wait3A_126 : memref<1x1x128xi32, #tpu.memory_space<hbm>> -> memref<128xi32, #tpu.memory_space<hbm>>
    %dma_wait3A_128 = arith.constant 0 : i32
    %dma_wait3A_129 = tpu.memref_slice %arg6[%dma_wait3A_121, %dma_wait3A_128] : memref<4x128xi32, #tpu.memory_space<vmem>> -> memref<1x128xi32, #tpu.memory_space<vmem>>
    %dma_wait3A_130 = tpu.memref_squeeze %dma_wait3A_129 : memref<1x128xi32, #tpu.memory_space<vmem>> -> memref<128xi32, #tpu.memory_space<vmem>>
    %dma_wait3A_131 = arith.constant 0 : i32
    %dma_wait3A_132 = tpu.memref_slice %arg3[%add3A, %dma_wait3A, %dma_wait3A_131] : memref<32x80x128xi32, #tpu.memory_space<hbm>> -> memref<1x1x128xi32, #tpu.memory_space<hbm>>
    %dma_wait3A_133 = tpu.memref_squeeze %dma_wait3A_132 : memref<1x1x128xi32, #tpu.memory_space<hbm>> -> memref<128xi32, #tpu.memory_space<hbm>>
    tpu.wait_dma2 semaphore(%arg11 : memref<!tpu.dma_semaphore, #tpu.memory_space<semaphore_mem>>) src(%dma_wait3A_133 : memref<128xi32, #tpu.memory_space<hbm>>) dst(%dma_wait3A_130 : memref<128xi32, #tpu.memory_space<vmem>>)
    %dma_start3A_134 = arith.constant 0 : i32
    %dma_start3A_135 = arith.constant 0 : i32
    %dma_start3A_136 = tpu.memref_slice %arg6[%dma_start3A_134, %dma_start3A_135] : memref<4x128xi32, #tpu.memory_space<vmem>> -> memref<1x128xi32, #tpu.memory_space<vmem>>
    %dma_start3A_137 = tpu.memref_squeeze %dma_start3A_136 : memref<1x128xi32, #tpu.memory_space<vmem>> -> memref<128xi32, #tpu.memory_space<vmem>>
    %dma_start3A_138 = arith.constant 0 : i32
    %dma_start3A_139 = arith.constant 0 : i32
    %dma_start3A_140 = tpu.memref_slice %arg2[%dma_start3A_138, %dma_start3A_139] : memref<10240x128xf32, #tpu.memory_space<hbm>> -> memref<10240x128xf32, #tpu.memory_space<hbm>>
    tpu.enqueue_indirect_dma source(%dma_start3A_140 : memref<10240x128xf32, #tpu.memory_space<hbm>>) target(%arg8 : memref<128x128xf32, #tpu.memory_space<vmem>>) offsets(%dma_start3A_137 : memref<128xi32, #tpu.memory_space<vmem>>) semaphore(%arg19 : memref<!tpu.dma_semaphore, #tpu.memory_space<semaphore_mem>>)
    %dma_wait3A_141 = arith.constant 1 : i32
    %dma_wait3A_142 = arith.constant 1 : i32
    %dma_wait3A_143 = arith.constant 0 : i32
    %dma_wait3A_144 = tpu.memref_slice %arg6[%dma_wait3A_142, %dma_wait3A_143] : memref<4x128xi32, #tpu.memory_space<vmem>> -> memref<1x128xi32, #tpu.memory_space<vmem>>
    %dma_wait3A_145 = tpu.memref_squeeze %dma_wait3A_144 : memref<1x128xi32, #tpu.memory_space<vmem>> -> memref<128xi32, #tpu.memory_space<vmem>>
    %dma_wait3A_146 = arith.constant 0 : i32
    %dma_wait3A_147 = tpu.memref_slice %arg3[%add3A, %dma_wait3A_141, %dma_wait3A_146] : memref<32x80x128xi32, #tpu.memory_space<hbm>> -> memref<1x1x128xi32, #tpu.memory_space<hbm>>
    %dma_wait3A_148 = tpu.memref_squeeze %dma_wait3A_147 : memref<1x1x128xi32, #tpu.memory_space<hbm>> -> memref<128xi32, #tpu.memory_space<hbm>>
    %dma_wait3A_149 = arith.constant 0 : i32
    %dma_wait3A_150 = tpu.memref_slice %arg6[%dma_wait3A_142, %dma_wait3A_149] : memref<4x128xi32, #tpu.memory_space<vmem>> -> memref<1x128xi32, #tpu.memory_space<vmem>>
    %dma_wait3A_151 = tpu.memref_squeeze %dma_wait3A_150 : memref<1x128xi32, #tpu.memory_space<vmem>> -> memref<128xi32, #tpu.memory_space<vmem>>
    %dma_wait3A_152 = arith.constant 0 : i32
    %dma_wait3A_153 = tpu.memref_slice %arg3[%add3A, %dma_wait3A_141, %dma_wait3A_152] : memref<32x80x128xi32, #tpu.memory_space<hbm>> -> memref<1x1x128xi32, #tpu.memory_space<hbm>>
    %dma_wait3A_154 = tpu.memref_squeeze %dma_wait3A_153 : memref<1x1x128xi32, #tpu.memory_space<hbm>> -> memref<128xi32, #tpu.memory_space<hbm>>
    tpu.wait_dma2 semaphore(%arg12 : memref<!tpu.dma_semaphore, #tpu.memory_space<semaphore_mem>>) src(%dma_wait3A_154 : memref<128xi32, #tpu.memory_space<hbm>>) dst(%dma_wait3A_151 : memref<128xi32, #tpu.memory_space<vmem>>)
    %dma_start3A_155 = arith.constant 1 : i32
    %dma_start3A_156 = arith.constant 0 : i32
    %dma_start3A_157 = tpu.memref_slice %arg6[%dma_start3A_155, %dma_start3A_156] : memref<4x128xi32, #tpu.memory_space<vmem>> -> memref<1x128xi32, #tpu.memory_space<vmem>>
    %dma_start3A_158 = tpu.memref_squeeze %dma_start3A_157 : memref<1x128xi32, #tpu.memory_space<vmem>> -> memref<128xi32, #tpu.memory_space<vmem>>
    %dma_start3A_159 = arith.constant 0 : i32
    %dma_start3A_160 = arith.constant 0 : i32
    %dma_start3A_161 = tpu.memref_slice %arg2[%dma_start3A_159, %dma_start3A_160] : memref<10240x128xf32, #tpu.memory_space<hbm>> -> memref<10240x128xf32, #tpu.memory_space<hbm>>
    tpu.enqueue_indirect_dma source(%dma_start3A_161 : memref<10240x128xf32, #tpu.memory_space<hbm>>) target(%arg9 : memref<128x128xf32, #tpu.memory_space<vmem>>) offsets(%dma_start3A_158 : memref<128xi32, #tpu.memory_space<vmem>>) semaphore(%arg20 : memref<!tpu.dma_semaphore, #tpu.memory_space<semaphore_mem>>)
    %scan3A_162 = arith.constant 0 : i32
    %scan3A_163 = arith.constant 20 : i32
    %scan3A_164 = arith.addi %scan3A_162, %scan3A_163 : i32
    %scan3A_165 = arith.constant 1 : i32
    scf.for %scan3A_172 = %scan3A_162 to %scan3A_164 step %scan3A_165  : i32 {
      %mul3A_173 = arith.constant 1 : i32
      %mul3A_174 = arith.muli %scan3A_172, %mul3A_173 : i32
      %add3A_175 = arith.constant 0 : i32
      %add3A_176 = arith.addi %add3A_175, %mul3A_174 : i32
      %mul3A_177 = arith.constant 4 : i32
      %mul3A_178 = arith.muli %add3A_176, %mul3A_177 : i32
      %add3A_179 = arith.constant 0 : i32
      %add3A_180 = arith.addi %mul3A_178, %add3A_179 : i32
      %dma_wait3A_181 = arith.constant 0 : i32
      %dma_wait3A_182 = arith.constant 0 : i32
      %dma_wait3A_183 = tpu.memref_slice %arg7[%dma_wait3A_181, %dma_wait3A_182] : memref<4x128xi32, #tpu.memory_space<vmem>> -> memref<1x128xi32, #tpu.memory_space<vmem>>
      %dma_wait3A_184 = tpu.memref_squeeze %dma_wait3A_183 : memref<1x128xi32, #tpu.memory_space<vmem>> -> memref<128xi32, #tpu.memory_space<vmem>>
      %dma_wait3A_185 = arith.constant 0 : i32
      %dma_wait3A_186 = tpu.memref_slice %arg4[%add3A, %add3A_180, %dma_wait3A_185] : memref<32x80x128xi32, #tpu.memory_space<hbm>> -> memref<1x1x128xi32, #tpu.memory_space<hbm>>
      %dma_wait3A_187 = tpu.memref_squeeze %dma_wait3A_186 : memref<1x1x128xi32, #tpu.memory_space<hbm>> -> memref<128xi32, #tpu.memory_space<hbm>>
      %dma_wait3A_188 = arith.constant 0 : i32
      %dma_wait3A_189 = tpu.memref_slice %arg7[%dma_wait3A_181, %dma_wait3A_188] : memref<4x128xi32, #tpu.memory_space<vmem>> -> memref<1x128xi32, #tpu.memory_space<vmem>>
      %dma_wait3A_190 = tpu.memref_squeeze %dma_wait3A_189 : memref<1x128xi32, #tpu.memory_space<vmem>> -> memref<128xi32, #tpu.memory_space<vmem>>
      %dma_wait3A_191 = arith.constant 0 : i32
      %dma_wait3A_192 = tpu.memref_slice %arg4[%add3A, %add3A_180, %dma_wait3A_191] : memref<32x80x128xi32, #tpu.memory_space<hbm>> -> memref<1x1x128xi32, #tpu.memory_space<hbm>>
      %dma_wait3A_193 = tpu.memref_squeeze %dma_wait3A_192 : memref<1x1x128xi32, #tpu.memory_space<hbm>> -> memref<128xi32, #tpu.memory_space<hbm>>
      tpu.wait_dma2 semaphore(%arg15 : memref<!tpu.dma_semaphore, #tpu.memory_space<semaphore_mem>>) src(%dma_wait3A_193 : memref<128xi32, #tpu.memory_space<hbm>>) dst(%dma_wait3A_190 : memref<128xi32, #tpu.memory_space<vmem>>)
      %dma_wait3A_194 = arith.constant 0 : i32
      %dma_wait3A_195 = arith.constant 0 : i32
      %dma_wait3A_196 = tpu.memref_slice %arg6[%dma_wait3A_194, %dma_wait3A_195] : memref<4x128xi32, #tpu.memory_space<vmem>> -> memref<1x128xi32, #tpu.memory_space<vmem>>
      %dma_wait3A_197 = tpu.memref_squeeze %dma_wait3A_196 : memref<1x128xi32, #tpu.memory_space<vmem>> -> memref<128xi32, #tpu.memory_space<vmem>>
      %dma_wait3A_198 = arith.constant 0 : i32
      %dma_wait3A_199 = arith.constant 0 : i32
      %dma_wait3A_200 = tpu.memref_slice %arg2[%dma_wait3A_198, %dma_wait3A_199] : memref<10240x128xf32, #tpu.memory_space<hbm>> -> memref<10240x128xf32, #tpu.memory_space<hbm>>
      tpu.wait_indirect_dma semaphore(%arg19 : memref<!tpu.dma_semaphore, #tpu.memory_space<semaphore_mem>>) src(%dma_wait3A_200 : memref<10240x128xf32, #tpu.memory_space<hbm>>) dst(%arg8 : memref<128x128xf32, #tpu.memory_space<vmem>>)
      %run_scoped3A = arith.constant 0 : i32
      "tpu.region"() ({
        %run_scoped3A_323 = tpu.sem_alloc : memref<!tpu.dma_semaphore, #tpu.memory_space<semaphore_mem>>
        %dma_start3A_324 = arith.constant 0 : i32
        %dma_start3A_325 = tpu.memref_slice %arg7[%run_scoped3A, %dma_start3A_324] : memref<4x128xi32, #tpu.memory_space<vmem>> -> memref<1x128xi32, #tpu.memory_space<vmem>>
        %dma_start3A_326 = tpu.memref_squeeze %dma_start3A_325 : memref<1x128xi32, #tpu.memory_space<vmem>> -> memref<128xi32, #tpu.memory_space<vmem>>
        %dma_start3A_327 = arith.constant 0 : i32
        %dma_start3A_328 = arith.constant 0 : i32
        %dma_start3A_329 = tpu.memref_slice %arg10[%dma_start3A_327, %dma_start3A_328] : memref<10240x128xf32, #tpu.memory_space<vmem_shared>> -> memref<10240x128xf32, #tpu.memory_space<vmem_shared>>
        tpu.enqueue_indirect_dma source(%arg8 : memref<128x128xf32, #tpu.memory_space<vmem>>) target(%dma_start3A_329 : memref<10240x128xf32, #tpu.memory_space<vmem_shared>>) offsets(%dma_start3A_326 : memref<128xi32, #tpu.memory_space<vmem>>) semaphore(%run_scoped3A_323 : memref<!tpu.dma_semaphore, #tpu.memory_space<semaphore_mem>>) {add = true}
        %dma_wait3A_330 = arith.constant 0 : i32
        %dma_wait3A_331 = tpu.memref_slice %arg7[%run_scoped3A, %dma_wait3A_330] : memref<4x128xi32, #tpu.memory_space<vmem>> -> memref<1x128xi32, #tpu.memory_space<vmem>>
        %dma_wait3A_332 = tpu.memref_squeeze %dma_wait3A_331 : memref<1x128xi32, #tpu.memory_space<vmem>> -> memref<128xi32, #tpu.memory_space<vmem>>
        %dma_wait3A_333 = arith.constant 0 : i32
        %dma_wait3A_334 = arith.constant 0 : i32
        %dma_wait3A_335 = tpu.memref_slice %arg10[%dma_wait3A_333, %dma_wait3A_334] : memref<10240x128xf32, #tpu.memory_space<vmem_shared>> -> memref<10240x128xf32, #tpu.memory_space<vmem_shared>>
        tpu.wait_indirect_dma semaphore(%run_scoped3A_323 : memref<!tpu.dma_semaphore, #tpu.memory_space<semaphore_mem>>) src(%arg8 : memref<128x128xf32, #tpu.memory_space<vmem>>) dst(%dma_wait3A_335 : memref<10240x128xf32, #tpu.memory_space<vmem_shared>>)
        tpu.yield
      }) : () -> ()
      %add3A_201 = arith.constant 2 : i32
      %add3A_202 = arith.addi %add3A_180, %add3A_201 : i32
      %lt3A = arith.constant 80 : i32
      %lt3A_203 = arith.cmpi slt, %add3A_202, %lt3A : i32
      %convert_element_type3A = arith.extui %lt3A_203 : i1 to i32
      %cond3A = arith.constant 0 : i32
      %cond3A_204 = arith.cmpi ne, %convert_element_type3A, %cond3A : i32
      scf.if %cond3A_204 {
        %add3A_323 = arith.constant 2 : i32
        %add3A_324 = arith.addi %add3A_180, %add3A_323 : i32
        %dma_wait3A_325 = arith.constant 2 : i32
        %dma_wait3A_326 = arith.constant 0 : i32
        %dma_wait3A_327 = tpu.memref_slice %arg6[%dma_wait3A_325, %dma_wait3A_326] : memref<4x128xi32, #tpu.memory_space<vmem>> -> memref<1x128xi32, #tpu.memory_space<vmem>>
        %dma_wait3A_328 = tpu.memref_squeeze %dma_wait3A_327 : memref<1x128xi32, #tpu.memory_space<vmem>> -> memref<128xi32, #tpu.memory_space<vmem>>
        %dma_wait3A_329 = arith.constant 0 : i32
        %dma_wait3A_330 = tpu.memref_slice %arg3[%add3A, %add3A_324, %dma_wait3A_329] : memref<32x80x128xi32, #tpu.memory_space<hbm>> -> memref<1x1x128xi32, #tpu.memory_space<hbm>>
        %dma_wait3A_331 = tpu.memref_squeeze %dma_wait3A_330 : memref<1x1x128xi32, #tpu.memory_space<hbm>> -> memref<128xi32, #tpu.memory_space<hbm>>
        %dma_wait3A_332 = arith.constant 0 : i32
        %dma_wait3A_333 = tpu.memref_slice %arg6[%dma_wait3A_325, %dma_wait3A_332] : memref<4x128xi32, #tpu.memory_space<vmem>> -> memref<1x128xi32, #tpu.memory_space<vmem>>
        %dma_wait3A_334 = tpu.memref_squeeze %dma_wait3A_333 : memref<1x128xi32, #tpu.memory_space<vmem>> -> memref<128xi32, #tpu.memory_space<vmem>>
        %dma_wait3A_335 = arith.constant 0 : i32
        %dma_wait3A_336 = tpu.memref_slice %arg3[%add3A, %add3A_324, %dma_wait3A_335] : memref<32x80x128xi32, #tpu.memory_space<hbm>> -> memref<1x1x128xi32, #tpu.memory_space<hbm>>
        %dma_wait3A_337 = tpu.memref_squeeze %dma_wait3A_336 : memref<1x1x128xi32, #tpu.memory_space<hbm>> -> memref<128xi32, #tpu.memory_space<hbm>>
        tpu.wait_dma2 semaphore(%arg13 : memref<!tpu.dma_semaphore, #tpu.memory_space<semaphore_mem>>) src(%dma_wait3A_337 : memref<128xi32, #tpu.memory_space<hbm>>) dst(%dma_wait3A_334 : memref<128xi32, #tpu.memory_space<vmem>>)
        %dma_start3A_338 = arith.constant 2 : i32
        %dma_start3A_339 = arith.constant 0 : i32
        %dma_start3A_340 = tpu.memref_slice %arg6[%dma_start3A_338, %dma_start3A_339] : memref<4x128xi32, #tpu.memory_space<vmem>> -> memref<1x128xi32, #tpu.memory_space<vmem>>
        %dma_start3A_341 = tpu.memref_squeeze %dma_start3A_340 : memref<1x128xi32, #tpu.memory_space<vmem>> -> memref<128xi32, #tpu.memory_space<vmem>>
        %dma_start3A_342 = arith.constant 0 : i32
        %dma_start3A_343 = arith.constant 0 : i32
        %dma_start3A_344 = tpu.memref_slice %arg2[%dma_start3A_342, %dma_start3A_343] : memref<10240x128xf32, #tpu.memory_space<hbm>> -> memref<10240x128xf32, #tpu.memory_space<hbm>>
        tpu.enqueue_indirect_dma source(%dma_start3A_344 : memref<10240x128xf32, #tpu.memory_space<hbm>>) target(%arg8 : memref<128x128xf32, #tpu.memory_space<vmem>>) offsets(%dma_start3A_341 : memref<128xi32, #tpu.memory_space<vmem>>) semaphore(%arg19 : memref<!tpu.dma_semaphore, #tpu.memory_space<semaphore_mem>>)
      } else {
      }
      %add3A_205 = arith.constant 4 : i32
      %add3A_206 = arith.addi %add3A_180, %add3A_205 : i32
      %lt3A_207 = arith.constant 80 : i32
      %lt3A_208 = arith.cmpi slt, %add3A_206, %lt3A_207 : i32
      %convert_element_type3A_209 = arith.extui %lt3A_208 : i1 to i32
      %cond3A_210 = arith.constant 0 : i32
      %cond3A_211 = arith.cmpi ne, %convert_element_type3A_209, %cond3A_210 : i32
      scf.if %cond3A_211 {
        %add3A_323 = arith.constant 4 : i32
        %add3A_324 = arith.addi %add3A_180, %add3A_323 : i32
        %dma_start3A_325 = arith.constant 0 : i32
        %dma_start3A_326 = arith.constant 0 : i32
        %dma_start3A_327 = tpu.memref_slice %arg6[%dma_start3A_325, %dma_start3A_326] : memref<4x128xi32, #tpu.memory_space<vmem>> -> memref<1x128xi32, #tpu.memory_space<vmem>>
        %dma_start3A_328 = tpu.memref_squeeze %dma_start3A_327 : memref<1x128xi32, #tpu.memory_space<vmem>> -> memref<128xi32, #tpu.memory_space<vmem>>
        %dma_start3A_329 = arith.constant 0 : i32
        %dma_start3A_330 = tpu.memref_slice %arg3[%add3A, %add3A_324, %dma_start3A_329] : memref<32x80x128xi32, #tpu.memory_space<hbm>> -> memref<1x1x128xi32, #tpu.memory_space<hbm>>
        %dma_start3A_331 = tpu.memref_squeeze %dma_start3A_330 : memref<1x1x128xi32, #tpu.memory_space<hbm>> -> memref<128xi32, #tpu.memory_space<hbm>>
        %dma_start3A_332 = arith.constant 0 : i32
        %dma_start3A_333 = tpu.memref_slice %arg6[%dma_start3A_325, %dma_start3A_332] : memref<4x128xi32, #tpu.memory_space<vmem>> -> memref<1x128xi32, #tpu.memory_space<vmem>>
        %dma_start3A_334 = tpu.memref_squeeze %dma_start3A_333 : memref<1x128xi32, #tpu.memory_space<vmem>> -> memref<128xi32, #tpu.memory_space<vmem>>
        %dma_start3A_335 = arith.constant 0 : i32
        %dma_start3A_336 = tpu.memref_slice %arg3[%add3A, %add3A_324, %dma_start3A_335] : memref<32x80x128xi32, #tpu.memory_space<hbm>> -> memref<1x1x128xi32, #tpu.memory_space<hbm>>
        %dma_start3A_337 = tpu.memref_squeeze %dma_start3A_336 : memref<1x1x128xi32, #tpu.memory_space<hbm>> -> memref<128xi32, #tpu.memory_space<hbm>>
        tpu.enqueue_dma source(%dma_start3A_337 : memref<128xi32, #tpu.memory_space<hbm>>) target(%dma_start3A_334 : memref<128xi32, #tpu.memory_space<vmem>>) target_semaphore(%arg11 : memref<!tpu.dma_semaphore, #tpu.memory_space<semaphore_mem>>)
        %add3A_338 = arith.constant 4 : i32
        %add3A_339 = arith.addi %add3A_180, %add3A_338 : i32
        %dma_start3A_340 = arith.constant 0 : i32
        %dma_start3A_341 = arith.constant 0 : i32
        %dma_start3A_342 = tpu.memref_slice %arg7[%dma_start3A_340, %dma_start3A_341] : memref<4x128xi32, #tpu.memory_space<vmem>> -> memref<1x128xi32, #tpu.memory_space<vmem>>
        %dma_start3A_343 = tpu.memref_squeeze %dma_start3A_342 : memref<1x128xi32, #tpu.memory_space<vmem>> -> memref<128xi32, #tpu.memory_space<vmem>>
        %dma_start3A_344 = arith.constant 0 : i32
        %dma_start3A_345 = tpu.memref_slice %arg4[%add3A, %add3A_339, %dma_start3A_344] : memref<32x80x128xi32, #tpu.memory_space<hbm>> -> memref<1x1x128xi32, #tpu.memory_space<hbm>>
        %dma_start3A_346 = tpu.memref_squeeze %dma_start3A_345 : memref<1x1x128xi32, #tpu.memory_space<hbm>> -> memref<128xi32, #tpu.memory_space<hbm>>
        %dma_start3A_347 = arith.constant 0 : i32
        %dma_start3A_348 = tpu.memref_slice %arg7[%dma_start3A_340, %dma_start3A_347] : memref<4x128xi32, #tpu.memory_space<vmem>> -> memref<1x128xi32, #tpu.memory_space<vmem>>
        %dma_start3A_349 = tpu.memref_squeeze %dma_start3A_348 : memref<1x128xi32, #tpu.memory_space<vmem>> -> memref<128xi32, #tpu.memory_space<vmem>>
        %dma_start3A_350 = arith.constant 0 : i32
        %dma_start3A_351 = tpu.memref_slice %arg4[%add3A, %add3A_339, %dma_start3A_350] : memref<32x80x128xi32, #tpu.memory_space<hbm>> -> memref<1x1x128xi32, #tpu.memory_space<hbm>>
        %dma_start3A_352 = tpu.memref_squeeze %dma_start3A_351 : memref<1x1x128xi32, #tpu.memory_space<hbm>> -> memref<128xi32, #tpu.memory_space<hbm>>
        tpu.enqueue_dma source(%dma_start3A_352 : memref<128xi32, #tpu.memory_space<hbm>>) target(%dma_start3A_349 : memref<128xi32, #tpu.memory_space<vmem>>) target_semaphore(%arg15 : memref<!tpu.dma_semaphore, #tpu.memory_space<semaphore_mem>>)
      } else {
      }
      %add3A_212 = arith.constant 1 : i32
      %add3A_213 = arith.addi %mul3A_178, %add3A_212 : i32
      %dma_wait3A_214 = arith.constant 1 : i32
      %dma_wait3A_215 = arith.constant 0 : i32
      %dma_wait3A_216 = tpu.memref_slice %arg7[%dma_wait3A_214, %dma_wait3A_215] : memref<4x128xi32, #tpu.memory_space<vmem>> -> memref<1x128xi32, #tpu.memory_space<vmem>>
      %dma_wait3A_217 = tpu.memref_squeeze %dma_wait3A_216 : memref<1x128xi32, #tpu.memory_space<vmem>> -> memref<128xi32, #tpu.memory_space<vmem>>
      %dma_wait3A_218 = arith.constant 0 : i32
      %dma_wait3A_219 = tpu.memref_slice %arg4[%add3A, %add3A_213, %dma_wait3A_218] : memref<32x80x128xi32, #tpu.memory_space<hbm>> -> memref<1x1x128xi32, #tpu.memory_space<hbm>>
      %dma_wait3A_220 = tpu.memref_squeeze %dma_wait3A_219 : memref<1x1x128xi32, #tpu.memory_space<hbm>> -> memref<128xi32, #tpu.memory_space<hbm>>
      %dma_wait3A_221 = arith.constant 0 : i32
      %dma_wait3A_222 = tpu.memref_slice %arg7[%dma_wait3A_214, %dma_wait3A_221] : memref<4x128xi32, #tpu.memory_space<vmem>> -> memref<1x128xi32, #tpu.memory_space<vmem>>
      %dma_wait3A_223 = tpu.memref_squeeze %dma_wait3A_222 : memref<1x128xi32, #tpu.memory_space<vmem>> -> memref<128xi32, #tpu.memory_space<vmem>>
      %dma_wait3A_224 = arith.constant 0 : i32
      %dma_wait3A_225 = tpu.memref_slice %arg4[%add3A, %add3A_213, %dma_wait3A_224] : memref<32x80x128xi32, #tpu.memory_space<hbm>> -> memref<1x1x128xi32, #tpu.memory_space<hbm>>
      %dma_wait3A_226 = tpu.memref_squeeze %dma_wait3A_225 : memref<1x1x128xi32, #tpu.memory_space<hbm>> -> memref<128xi32, #tpu.memory_space<hbm>>
      tpu.wait_dma2 semaphore(%arg16 : memref<!tpu.dma_semaphore, #tpu.memory_space<semaphore_mem>>) src(%dma_wait3A_226 : memref<128xi32, #tpu.memory_space<hbm>>) dst(%dma_wait3A_223 : memref<128xi32, #tpu.memory_space<vmem>>)
      %dma_wait3A_227 = arith.constant 1 : i32
      %dma_wait3A_228 = arith.constant 0 : i32
      %dma_wait3A_229 = tpu.memref_slice %arg6[%dma_wait3A_227, %dma_wait3A_228] : memref<4x128xi32, #tpu.memory_space<vmem>> -> memref<1x128xi32, #tpu.memory_space<vmem>>
      %dma_wait3A_230 = tpu.memref_squeeze %dma_wait3A_229 : memref<1x128xi32, #tpu.memory_space<vmem>> -> memref<128xi32, #tpu.memory_space<vmem>>
      %dma_wait3A_231 = arith.constant 0 : i32
      %dma_wait3A_232 = arith.constant 0 : i32
      %dma_wait3A_233 = tpu.memref_slice %arg2[%dma_wait3A_231, %dma_wait3A_232] : memref<10240x128xf32, #tpu.memory_space<hbm>> -> memref<10240x128xf32, #tpu.memory_space<hbm>>
      tpu.wait_indirect_dma semaphore(%arg20 : memref<!tpu.dma_semaphore, #tpu.memory_space<semaphore_mem>>) src(%dma_wait3A_233 : memref<10240x128xf32, #tpu.memory_space<hbm>>) dst(%arg9 : memref<128x128xf32, #tpu.memory_space<vmem>>)
      %run_scoped3A_234 = arith.constant 1 : i32
      "tpu.region"() ({
        %run_scoped3A_323 = tpu.sem_alloc : memref<!tpu.dma_semaphore, #tpu.memory_space<semaphore_mem>>
        %dma_start3A_324 = arith.constant 0 : i32
        %dma_start3A_325 = tpu.memref_slice %arg7[%run_scoped3A_234, %dma_start3A_324] : memref<4x128xi32, #tpu.memory_space<vmem>> -> memref<1x128xi32, #tpu.memory_space<vmem>>
        %dma_start3A_326 = tpu.memref_squeeze %dma_start3A_325 : memref<1x128xi32, #tpu.memory_space<vmem>> -> memref<128xi32, #tpu.memory_space<vmem>>
        %dma_start3A_327 = arith.constant 0 : i32
        %dma_start3A_328 = arith.constant 0 : i32
        %dma_start3A_329 = tpu.memref_slice %arg10[%dma_start3A_327, %dma_start3A_328] : memref<10240x128xf32, #tpu.memory_space<vmem_shared>> -> memref<10240x128xf32, #tpu.memory_space<vmem_shared>>
        tpu.enqueue_indirect_dma source(%arg9 : memref<128x128xf32, #tpu.memory_space<vmem>>) target(%dma_start3A_329 : memref<10240x128xf32, #tpu.memory_space<vmem_shared>>) offsets(%dma_start3A_326 : memref<128xi32, #tpu.memory_space<vmem>>) semaphore(%run_scoped3A_323 : memref<!tpu.dma_semaphore, #tpu.memory_space<semaphore_mem>>) {add = true}
        %dma_wait3A_330 = arith.constant 0 : i32
        %dma_wait3A_331 = tpu.memref_slice %arg7[%run_scoped3A_234, %dma_wait3A_330] : memref<4x128xi32, #tpu.memory_space<vmem>> -> memref<1x128xi32, #tpu.memory_space<vmem>>
        %dma_wait3A_332 = tpu.memref_squeeze %dma_wait3A_331 : memref<1x128xi32, #tpu.memory_space<vmem>> -> memref<128xi32, #tpu.memory_space<vmem>>
        %dma_wait3A_333 = arith.constant 0 : i32
        %dma_wait3A_334 = arith.constant 0 : i32
        %dma_wait3A_335 = tpu.memref_slice %arg10[%dma_wait3A_333, %dma_wait3A_334] : memref<10240x128xf32, #tpu.memory_space<vmem_shared>> -> memref<10240x128xf32, #tpu.memory_space<vmem_shared>>
        tpu.wait_indirect_dma semaphore(%run_scoped3A_323 : memref<!tpu.dma_semaphore, #tpu.memory_space<semaphore_mem>>) src(%arg9 : memref<128x128xf32, #tpu.memory_space<vmem>>) dst(%dma_wait3A_335 : memref<10240x128xf32, #tpu.memory_space<vmem_shared>>)
        tpu.yield
      }) : () -> ()
      %add3A_235 = arith.constant 2 : i32
      %add3A_236 = arith.addi %add3A_213, %add3A_235 : i32
      %lt3A_237 = arith.constant 80 : i32
      %lt3A_238 = arith.cmpi slt, %add3A_236, %lt3A_237 : i32
      %convert_element_type3A_239 = arith.extui %lt3A_238 : i1 to i32
      %cond3A_240 = arith.constant 0 : i32
      %cond3A_241 = arith.cmpi ne, %convert_element_type3A_239, %cond3A_240 : i32
      scf.if %cond3A_241 {
        %add3A_323 = arith.constant 2 : i32
        %add3A_324 = arith.addi %add3A_213, %add3A_323 : i32
        %dma_wait3A_325 = arith.constant 3 : i32
        %dma_wait3A_326 = arith.constant 0 : i32
        %dma_wait3A_327 = tpu.memref_slice %arg6[%dma_wait3A_325, %dma_wait3A_326] : memref<4x128xi32, #tpu.memory_space<vmem>> -> memref<1x128xi32, #tpu.memory_space<vmem>>
        %dma_wait3A_328 = tpu.memref_squeeze %dma_wait3A_327 : memref<1x128xi32, #tpu.memory_space<vmem>> -> memref<128xi32, #tpu.memory_space<vmem>>
        %dma_wait3A_329 = arith.constant 0 : i32
        %dma_wait3A_330 = tpu.memref_slice %arg3[%add3A, %add3A_324, %dma_wait3A_329] : memref<32x80x128xi32, #tpu.memory_space<hbm>> -> memref<1x1x128xi32, #tpu.memory_space<hbm>>
        %dma_wait3A_331 = tpu.memref_squeeze %dma_wait3A_330 : memref<1x1x128xi32, #tpu.memory_space<hbm>> -> memref<128xi32, #tpu.memory_space<hbm>>
        %dma_wait3A_332 = arith.constant 0 : i32
        %dma_wait3A_333 = tpu.memref_slice %arg6[%dma_wait3A_325, %dma_wait3A_332] : memref<4x128xi32, #tpu.memory_space<vmem>> -> memref<1x128xi32, #tpu.memory_space<vmem>>
        %dma_wait3A_334 = tpu.memref_squeeze %dma_wait3A_333 : memref<1x128xi32, #tpu.memory_space<vmem>> -> memref<128xi32, #tpu.memory_space<vmem>>
        %dma_wait3A_335 = arith.constant 0 : i32
        %dma_wait3A_336 = tpu.memref_slice %arg3[%add3A, %add3A_324, %dma_wait3A_335] : memref<32x80x128xi32, #tpu.memory_space<hbm>> -> memref<1x1x128xi32, #tpu.memory_space<hbm>>
        %dma_wait3A_337 = tpu.memref_squeeze %dma_wait3A_336 : memref<1x1x128xi32, #tpu.memory_space<hbm>> -> memref<128xi32, #tpu.memory_space<hbm>>
        tpu.wait_dma2 semaphore(%arg14 : memref<!tpu.dma_semaphore, #tpu.memory_space<semaphore_mem>>) src(%dma_wait3A_337 : memref<128xi32, #tpu.memory_space<hbm>>) dst(%dma_wait3A_334 : memref<128xi32, #tpu.memory_space<vmem>>)
        %dma_start3A_338 = arith.constant 3 : i32
        %dma_start3A_339 = arith.constant 0 : i32
        %dma_start3A_340 = tpu.memref_slice %arg6[%dma_start3A_338, %dma_start3A_339] : memref<4x128xi32, #tpu.memory_space<vmem>> -> memref<1x128xi32, #tpu.memory_space<vmem>>
        %dma_start3A_341 = tpu.memref_squeeze %dma_start3A_340 : memref<1x128xi32, #tpu.memory_space<vmem>> -> memref<128xi32, #tpu.memory_space<vmem>>
        %dma_start3A_342 = arith.constant 0 : i32
        %dma_start3A_343 = arith.constant 0 : i32
        %dma_start3A_344 = tpu.memref_slice %arg2[%dma_start3A_342, %dma_start3A_343] : memref<10240x128xf32, #tpu.memory_space<hbm>> -> memref<10240x128xf32, #tpu.memory_space<hbm>>
        tpu.enqueue_indirect_dma source(%dma_start3A_344 : memref<10240x128xf32, #tpu.memory_space<hbm>>) target(%arg9 : memref<128x128xf32, #tpu.memory_space<vmem>>) offsets(%dma_start3A_341 : memref<128xi32, #tpu.memory_space<vmem>>) semaphore(%arg20 : memref<!tpu.dma_semaphore, #tpu.memory_space<semaphore_mem>>)
      } else {
      }
      %add3A_242 = arith.constant 4 : i32
      %add3A_243 = arith.addi %add3A_213, %add3A_242 : i32
      %lt3A_244 = arith.constant 80 : i32
      %lt3A_245 = arith.cmpi slt, %add3A_243, %lt3A_244 : i32
      %convert_element_type3A_246 = arith.extui %lt3A_245 : i1 to i32
      %cond3A_247 = arith.constant 0 : i32
      %cond3A_248 = arith.cmpi ne, %convert_element_type3A_246, %cond3A_247 : i32
      scf.if %cond3A_248 {
        %add3A_323 = arith.constant 4 : i32
        %add3A_324 = arith.addi %add3A_213, %add3A_323 : i32
        %dma_start3A_325 = arith.constant 1 : i32
        %dma_start3A_326 = arith.constant 0 : i32
        %dma_start3A_327 = tpu.memref_slice %arg6[%dma_start3A_325, %dma_start3A_326] : memref<4x128xi32, #tpu.memory_space<vmem>> -> memref<1x128xi32, #tpu.memory_space<vmem>>
        %dma_start3A_328 = tpu.memref_squeeze %dma_start3A_327 : memref<1x128xi32, #tpu.memory_space<vmem>> -> memref<128xi32, #tpu.memory_space<vmem>>
        %dma_start3A_329 = arith.constant 0 : i32
        %dma_start3A_330 = tpu.memref_slice %arg3[%add3A, %add3A_324, %dma_start3A_329] : memref<32x80x128xi32, #tpu.memory_space<hbm>> -> memref<1x1x128xi32, #tpu.memory_space<hbm>>
        %dma_start3A_331 = tpu.memref_squeeze %dma_start3A_330 : memref<1x1x128xi32, #tpu.memory_space<hbm>> -> memref<128xi32, #tpu.memory_space<hbm>>
        %dma_start3A_332 = arith.constant 0 : i32
        %dma_start3A_333 = tpu.memref_slice %arg6[%dma_start3A_325, %dma_start3A_332] : memref<4x128xi32, #tpu.memory_space<vmem>> -> memref<1x128xi32, #tpu.memory_space<vmem>>
        %dma_start3A_334 = tpu.memref_squeeze %dma_start3A_333 : memref<1x128xi32, #tpu.memory_space<vmem>> -> memref<128xi32, #tpu.memory_space<vmem>>
        %dma_start3A_335 = arith.constant 0 : i32
        %dma_start3A_336 = tpu.memref_slice %arg3[%add3A, %add3A_324, %dma_start3A_335] : memref<32x80x128xi32, #tpu.memory_space<hbm>> -> memref<1x1x128xi32, #tpu.memory_space<hbm>>
        %dma_start3A_337 = tpu.memref_squeeze %dma_start3A_336 : memref<1x1x128xi32, #tpu.memory_space<hbm>> -> memref<128xi32, #tpu.memory_space<hbm>>
        tpu.enqueue_dma source(%dma_start3A_337 : memref<128xi32, #tpu.memory_space<hbm>>) target(%dma_start3A_334 : memref<128xi32, #tpu.memory_space<vmem>>) target_semaphore(%arg12 : memref<!tpu.dma_semaphore, #tpu.memory_space<semaphore_mem>>)
        %add3A_338 = arith.constant 4 : i32
        %add3A_339 = arith.addi %add3A_213, %add3A_338 : i32
        %dma_start3A_340 = arith.constant 1 : i32
        %dma_start3A_341 = arith.constant 0 : i32
        %dma_start3A_342 = tpu.memref_slice %arg7[%dma_start3A_340, %dma_start3A_341] : memref<4x128xi32, #tpu.memory_space<vmem>> -> memref<1x128xi32, #tpu.memory_space<vmem>>
        %dma_start3A_343 = tpu.memref_squeeze %dma_start3A_342 : memref<1x128xi32, #tpu.memory_space<vmem>> -> memref<128xi32, #tpu.memory_space<vmem>>
        %dma_start3A_344 = arith.constant 0 : i32
        %dma_start3A_345 = tpu.memref_slice %arg4[%add3A, %add3A_339, %dma_start3A_344] : memref<32x80x128xi32, #tpu.memory_space<hbm>> -> memref<1x1x128xi32, #tpu.memory_space<hbm>>
        %dma_start3A_346 = tpu.memref_squeeze %dma_start3A_345 : memref<1x1x128xi32, #tpu.memory_space<hbm>> -> memref<128xi32, #tpu.memory_space<hbm>>
        %dma_start3A_347 = arith.constant 0 : i32
        %dma_start3A_348 = tpu.memref_slice %arg7[%dma_start3A_340, %dma_start3A_347] : memref<4x128xi32, #tpu.memory_space<vmem>> -> memref<1x128xi32, #tpu.memory_space<vmem>>
        %dma_start3A_349 = tpu.memref_squeeze %dma_start3A_348 : memref<1x128xi32, #tpu.memory_space<vmem>> -> memref<128xi32, #tpu.memory_space<vmem>>
        %dma_start3A_350 = arith.constant 0 : i32
        %dma_start3A_351 = tpu.memref_slice %arg4[%add3A, %add3A_339, %dma_start3A_350] : memref<32x80x128xi32, #tpu.memory_space<hbm>> -> memref<1x1x128xi32, #tpu.memory_space<hbm>>
        %dma_start3A_352 = tpu.memref_squeeze %dma_start3A_351 : memref<1x1x128xi32, #tpu.memory_space<hbm>> -> memref<128xi32, #tpu.memory_space<hbm>>
        tpu.enqueue_dma source(%dma_start3A_352 : memref<128xi32, #tpu.memory_space<hbm>>) target(%dma_start3A_349 : memref<128xi32, #tpu.memory_space<vmem>>) target_semaphore(%arg16 : memref<!tpu.dma_semaphore, #tpu.memory_space<semaphore_mem>>)
      } else {
      }
      %add3A_249 = arith.constant 2 : i32
      %add3A_250 = arith.addi %mul3A_178, %add3A_249 : i32
      %dma_wait3A_251 = arith.constant 2 : i32
      %dma_wait3A_252 = arith.constant 0 : i32
      %dma_wait3A_253 = tpu.memref_slice %arg7[%dma_wait3A_251, %dma_wait3A_252] : memref<4x128xi32, #tpu.memory_space<vmem>> -> memref<1x128xi32, #tpu.memory_space<vmem>>
      %dma_wait3A_254 = tpu.memref_squeeze %dma_wait3A_253 : memref<1x128xi32, #tpu.memory_space<vmem>> -> memref<128xi32, #tpu.memory_space<vmem>>
      %dma_wait3A_255 = arith.constant 0 : i32
      %dma_wait3A_256 = tpu.memref_slice %arg4[%add3A, %add3A_250, %dma_wait3A_255] : memref<32x80x128xi32, #tpu.memory_space<hbm>> -> memref<1x1x128xi32, #tpu.memory_space<hbm>>
      %dma_wait3A_257 = tpu.memref_squeeze %dma_wait3A_256 : memref<1x1x128xi32, #tpu.memory_space<hbm>> -> memref<128xi32, #tpu.memory_space<hbm>>
      %dma_wait3A_258 = arith.constant 0 : i32
      %dma_wait3A_259 = tpu.memref_slice %arg7[%dma_wait3A_251, %dma_wait3A_258] : memref<4x128xi32, #tpu.memory_space<vmem>> -> memref<1x128xi32, #tpu.memory_space<vmem>>
      %dma_wait3A_260 = tpu.memref_squeeze %dma_wait3A_259 : memref<1x128xi32, #tpu.memory_space<vmem>> -> memref<128xi32, #tpu.memory_space<vmem>>
      %dma_wait3A_261 = arith.constant 0 : i32
      %dma_wait3A_262 = tpu.memref_slice %arg4[%add3A, %add3A_250, %dma_wait3A_261] : memref<32x80x128xi32, #tpu.memory_space<hbm>> -> memref<1x1x128xi32, #tpu.memory_space<hbm>>
      %dma_wait3A_263 = tpu.memref_squeeze %dma_wait3A_262 : memref<1x1x128xi32, #tpu.memory_space<hbm>> -> memref<128xi32, #tpu.memory_space<hbm>>
      tpu.wait_dma2 semaphore(%arg17 : memref<!tpu.dma_semaphore, #tpu.memory_space<semaphore_mem>>) src(%dma_wait3A_263 : memref<128xi32, #tpu.memory_space<hbm>>) dst(%dma_wait3A_260 : memref<128xi32, #tpu.memory_space<vmem>>)
      %dma_wait3A_264 = arith.constant 2 : i32
      %dma_wait3A_265 = arith.constant 0 : i32
      %dma_wait3A_266 = tpu.memref_slice %arg6[%dma_wait3A_264, %dma_wait3A_265] : memref<4x128xi32, #tpu.memory_space<vmem>> -> memref<1x128xi32, #tpu.memory_space<vmem>>
      %dma_wait3A_267 = tpu.memref_squeeze %dma_wait3A_266 : memref<1x128xi32, #tpu.memory_space<vmem>> -> memref<128xi32, #tpu.memory_space<vmem>>
      %dma_wait3A_268 = arith.constant 0 : i32
      %dma_wait3A_269 = arith.constant 0 : i32
      %dma_wait3A_270 = tpu.memref_slice %arg2[%dma_wait3A_268, %dma_wait3A_269] : memref<10240x128xf32, #tpu.memory_space<hbm>> -> memref<10240x128xf32, #tpu.memory_space<hbm>>
      tpu.wait_indirect_dma semaphore(%arg19 : memref<!tpu.dma_semaphore, #tpu.memory_space<semaphore_mem>>) src(%dma_wait3A_270 : memref<10240x128xf32, #tpu.memory_space<hbm>>) dst(%arg8 : memref<128x128xf32, #tpu.memory_space<vmem>>)
      %run_scoped3A_271 = arith.constant 2 : i32
      "tpu.region"() ({
        %run_scoped3A_323 = tpu.sem_alloc : memref<!tpu.dma_semaphore, #tpu.memory_space<semaphore_mem>>
        %dma_start3A_324 = arith.constant 0 : i32
        %dma_start3A_325 = tpu.memref_slice %arg7[%run_scoped3A_271, %dma_start3A_324] : memref<4x128xi32, #tpu.memory_space<vmem>> -> memref<1x128xi32, #tpu.memory_space<vmem>>
        %dma_start3A_326 = tpu.memref_squeeze %dma_start3A_325 : memref<1x128xi32, #tpu.memory_space<vmem>> -> memref<128xi32, #tpu.memory_space<vmem>>
        %dma_start3A_327 = arith.constant 0 : i32
        %dma_start3A_328 = arith.constant 0 : i32
        %dma_start3A_329 = tpu.memref_slice %arg10[%dma_start3A_327, %dma_start3A_328] : memref<10240x128xf32, #tpu.memory_space<vmem_shared>> -> memref<10240x128xf32, #tpu.memory_space<vmem_shared>>
        tpu.enqueue_indirect_dma source(%arg8 : memref<128x128xf32, #tpu.memory_space<vmem>>) target(%dma_start3A_329 : memref<10240x128xf32, #tpu.memory_space<vmem_shared>>) offsets(%dma_start3A_326 : memref<128xi32, #tpu.memory_space<vmem>>) semaphore(%run_scoped3A_323 : memref<!tpu.dma_semaphore, #tpu.memory_space<semaphore_mem>>) {add = true}
        %dma_wait3A_330 = arith.constant 0 : i32
        %dma_wait3A_331 = tpu.memref_slice %arg7[%run_scoped3A_271, %dma_wait3A_330] : memref<4x128xi32, #tpu.memory_space<vmem>> -> memref<1x128xi32, #tpu.memory_space<vmem>>
        %dma_wait3A_332 = tpu.memref_squeeze %dma_wait3A_331 : memref<1x128xi32, #tpu.memory_space<vmem>> -> memref<128xi32, #tpu.memory_space<vmem>>
        %dma_wait3A_333 = arith.constant 0 : i32
        %dma_wait3A_334 = arith.constant 0 : i32
        %dma_wait3A_335 = tpu.memref_slice %arg10[%dma_wait3A_333, %dma_wait3A_334] : memref<10240x128xf32, #tpu.memory_space<vmem_shared>> -> memref<10240x128xf32, #tpu.memory_space<vmem_shared>>
        tpu.wait_indirect_dma semaphore(%run_scoped3A_323 : memref<!tpu.dma_semaphore, #tpu.memory_space<semaphore_mem>>) src(%arg8 : memref<128x128xf32, #tpu.memory_space<vmem>>) dst(%dma_wait3A_335 : memref<10240x128xf32, #tpu.memory_space<vmem_shared>>)
        tpu.yield
      }) : () -> ()
      %add3A_272 = arith.constant 2 : i32
      %add3A_273 = arith.addi %add3A_250, %add3A_272 : i32
      %lt3A_274 = arith.constant 80 : i32
      %lt3A_275 = arith.cmpi slt, %add3A_273, %lt3A_274 : i32
      %convert_element_type3A_276 = arith.extui %lt3A_275 : i1 to i32
      %cond3A_277 = arith.constant 0 : i32
      %cond3A_278 = arith.cmpi ne, %convert_element_type3A_276, %cond3A_277 : i32
      scf.if %cond3A_278 {
        %add3A_323 = arith.constant 2 : i32
        %add3A_324 = arith.addi %add3A_250, %add3A_323 : i32
        %dma_wait3A_325 = arith.constant 0 : i32
        %dma_wait3A_326 = arith.constant 0 : i32
        %dma_wait3A_327 = tpu.memref_slice %arg6[%dma_wait3A_325, %dma_wait3A_326] : memref<4x128xi32, #tpu.memory_space<vmem>> -> memref<1x128xi32, #tpu.memory_space<vmem>>
        %dma_wait3A_328 = tpu.memref_squeeze %dma_wait3A_327 : memref<1x128xi32, #tpu.memory_space<vmem>> -> memref<128xi32, #tpu.memory_space<vmem>>
        %dma_wait3A_329 = arith.constant 0 : i32
        %dma_wait3A_330 = tpu.memref_slice %arg3[%add3A, %add3A_324, %dma_wait3A_329] : memref<32x80x128xi32, #tpu.memory_space<hbm>> -> memref<1x1x128xi32, #tpu.memory_space<hbm>>
        %dma_wait3A_331 = tpu.memref_squeeze %dma_wait3A_330 : memref<1x1x128xi32, #tpu.memory_space<hbm>> -> memref<128xi32, #tpu.memory_space<hbm>>
        %dma_wait3A_332 = arith.constant 0 : i32
        %dma_wait3A_333 = tpu.memref_slice %arg6[%dma_wait3A_325, %dma_wait3A_332] : memref<4x128xi32, #tpu.memory_space<vmem>> -> memref<1x128xi32, #tpu.memory_space<vmem>>
        %dma_wait3A_334 = tpu.memref_squeeze %dma_wait3A_333 : memref<1x128xi32, #tpu.memory_space<vmem>> -> memref<128xi32, #tpu.memory_space<vmem>>
        %dma_wait3A_335 = arith.constant 0 : i32
        %dma_wait3A_336 = tpu.memref_slice %arg3[%add3A, %add3A_324, %dma_wait3A_335] : memref<32x80x128xi32, #tpu.memory_space<hbm>> -> memref<1x1x128xi32, #tpu.memory_space<hbm>>
        %dma_wait3A_337 = tpu.memref_squeeze %dma_wait3A_336 : memref<1x1x128xi32, #tpu.memory_space<hbm>> -> memref<128xi32, #tpu.memory_space<hbm>>
        tpu.wait_dma2 semaphore(%arg11 : memref<!tpu.dma_semaphore, #tpu.memory_space<semaphore_mem>>) src(%dma_wait3A_337 : memref<128xi32, #tpu.memory_space<hbm>>) dst(%dma_wait3A_334 : memref<128xi32, #tpu.memory_space<vmem>>)
        %dma_start3A_338 = arith.constant 0 : i32
        %dma_start3A_339 = arith.constant 0 : i32
        %dma_start3A_340 = tpu.memref_slice %arg6[%dma_start3A_338, %dma_start3A_339] : memref<4x128xi32, #tpu.memory_space<vmem>> -> memref<1x128xi32, #tpu.memory_space<vmem>>
        %dma_start3A_341 = tpu.memref_squeeze %dma_start3A_340 : memref<1x128xi32, #tpu.memory_space<vmem>> -> memref<128xi32, #tpu.memory_space<vmem>>
        %dma_start3A_342 = arith.constant 0 : i32
        %dma_start3A_343 = arith.constant 0 : i32
        %dma_start3A_344 = tpu.memref_slice %arg2[%dma_start3A_342, %dma_start3A_343] : memref<10240x128xf32, #tpu.memory_space<hbm>> -> memref<10240x128xf32, #tpu.memory_space<hbm>>
        tpu.enqueue_indirect_dma source(%dma_start3A_344 : memref<10240x128xf32, #tpu.memory_space<hbm>>) target(%arg8 : memref<128x128xf32, #tpu.memory_space<vmem>>) offsets(%dma_start3A_341 : memref<128xi32, #tpu.memory_space<vmem>>) semaphore(%arg19 : memref<!tpu.dma_semaphore, #tpu.memory_space<semaphore_mem>>)
      } else {
      }
      %add3A_279 = arith.constant 4 : i32
      %add3A_280 = arith.addi %add3A_250, %add3A_279 : i32
      %lt3A_281 = arith.constant 80 : i32
      %lt3A_282 = arith.cmpi slt, %add3A_280, %lt3A_281 : i32
      %convert_element_type3A_283 = arith.extui %lt3A_282 : i1 to i32
      %cond3A_284 = arith.constant 0 : i32
      %cond3A_285 = arith.cmpi ne, %convert_element_type3A_283, %cond3A_284 : i32
      scf.if %cond3A_285 {
        %add3A_323 = arith.constant 4 : i32
        %add3A_324 = arith.addi %add3A_250, %add3A_323 : i32
        %dma_start3A_325 = arith.constant 2 : i32
        %dma_start3A_326 = arith.constant 0 : i32
        %dma_start3A_327 = tpu.memref_slice %arg6[%dma_start3A_325, %dma_start3A_326] : memref<4x128xi32, #tpu.memory_space<vmem>> -> memref<1x128xi32, #tpu.memory_space<vmem>>
        %dma_start3A_328 = tpu.memref_squeeze %dma_start3A_327 : memref<1x128xi32, #tpu.memory_space<vmem>> -> memref<128xi32, #tpu.memory_space<vmem>>
        %dma_start3A_329 = arith.constant 0 : i32
        %dma_start3A_330 = tpu.memref_slice %arg3[%add3A, %add3A_324, %dma_start3A_329] : memref<32x80x128xi32, #tpu.memory_space<hbm>> -> memref<1x1x128xi32, #tpu.memory_space<hbm>>
        %dma_start3A_331 = tpu.memref_squeeze %dma_start3A_330 : memref<1x1x128xi32, #tpu.memory_space<hbm>> -> memref<128xi32, #tpu.memory_space<hbm>>
        %dma_start3A_332 = arith.constant 0 : i32
        %dma_start3A_333 = tpu.memref_slice %arg6[%dma_start3A_325, %dma_start3A_332] : memref<4x128xi32, #tpu.memory_space<vmem>> -> memref<1x128xi32, #tpu.memory_space<vmem>>
        %dma_start3A_334 = tpu.memref_squeeze %dma_start3A_333 : memref<1x128xi32, #tpu.memory_space<vmem>> -> memref<128xi32, #tpu.memory_space<vmem>>
        %dma_start3A_335 = arith.constant 0 : i32
        %dma_start3A_336 = tpu.memref_slice %arg3[%add3A, %add3A_324, %dma_start3A_335] : memref<32x80x128xi32, #tpu.memory_space<hbm>> -> memref<1x1x128xi32, #tpu.memory_space<hbm>>
        %dma_start3A_337 = tpu.memref_squeeze %dma_start3A_336 : memref<1x1x128xi32, #tpu.memory_space<hbm>> -> memref<128xi32, #tpu.memory_space<hbm>>
        tpu.enqueue_dma source(%dma_start3A_337 : memref<128xi32, #tpu.memory_space<hbm>>) target(%dma_start3A_334 : memref<128xi32, #tpu.memory_space<vmem>>) target_semaphore(%arg13 : memref<!tpu.dma_semaphore, #tpu.memory_space<semaphore_mem>>)
        %add3A_338 = arith.constant 4 : i32
        %add3A_339 = arith.addi %add3A_250, %add3A_338 : i32
        %dma_start3A_340 = arith.constant 2 : i32
        %dma_start3A_341 = arith.constant 0 : i32
        %dma_start3A_342 = tpu.memref_slice %arg7[%dma_start3A_340, %dma_start3A_341] : memref<4x128xi32, #tpu.memory_space<vmem>> -> memref<1x128xi32, #tpu.memory_space<vmem>>
        %dma_start3A_343 = tpu.memref_squeeze %dma_start3A_342 : memref<1x128xi32, #tpu.memory_space<vmem>> -> memref<128xi32, #tpu.memory_space<vmem>>
        %dma_start3A_344 = arith.constant 0 : i32
        %dma_start3A_345 = tpu.memref_slice %arg4[%add3A, %add3A_339, %dma_start3A_344] : memref<32x80x128xi32, #tpu.memory_space<hbm>> -> memref<1x1x128xi32, #tpu.memory_space<hbm>>
        %dma_start3A_346 = tpu.memref_squeeze %dma_start3A_345 : memref<1x1x128xi32, #tpu.memory_space<hbm>> -> memref<128xi32, #tpu.memory_space<hbm>>
        %dma_start3A_347 = arith.constant 0 : i32
        %dma_start3A_348 = tpu.memref_slice %arg7[%dma_start3A_340, %dma_start3A_347] : memref<4x128xi32, #tpu.memory_space<vmem>> -> memref<1x128xi32, #tpu.memory_space<vmem>>
        %dma_start3A_349 = tpu.memref_squeeze %dma_start3A_348 : memref<1x128xi32, #tpu.memory_space<vmem>> -> memref<128xi32, #tpu.memory_space<vmem>>
        %dma_start3A_350 = arith.constant 0 : i32
        %dma_start3A_351 = tpu.memref_slice %arg4[%add3A, %add3A_339, %dma_start3A_350] : memref<32x80x128xi32, #tpu.memory_space<hbm>> -> memref<1x1x128xi32, #tpu.memory_space<hbm>>
        %dma_start3A_352 = tpu.memref_squeeze %dma_start3A_351 : memref<1x1x128xi32, #tpu.memory_space<hbm>> -> memref<128xi32, #tpu.memory_space<hbm>>
        tpu.enqueue_dma source(%dma_start3A_352 : memref<128xi32, #tpu.memory_space<hbm>>) target(%dma_start3A_349 : memref<128xi32, #tpu.memory_space<vmem>>) target_semaphore(%arg17 : memref<!tpu.dma_semaphore, #tpu.memory_space<semaphore_mem>>)
      } else {
      }
      %add3A_286 = arith.constant 3 : i32
      %add3A_287 = arith.addi %mul3A_178, %add3A_286 : i32
      %dma_wait3A_288 = arith.constant 3 : i32
      %dma_wait3A_289 = arith.constant 0 : i32
      %dma_wait3A_290 = tpu.memref_slice %arg7[%dma_wait3A_288, %dma_wait3A_289] : memref<4x128xi32, #tpu.memory_space<vmem>> -> memref<1x128xi32, #tpu.memory_space<vmem>>
      %dma_wait3A_291 = tpu.memref_squeeze %dma_wait3A_290 : memref<1x128xi32, #tpu.memory_space<vmem>> -> memref<128xi32, #tpu.memory_space<vmem>>
      %dma_wait3A_292 = arith.constant 0 : i32
      %dma_wait3A_293 = tpu.memref_slice %arg4[%add3A, %add3A_287, %dma_wait3A_292] : memref<32x80x128xi32, #tpu.memory_space<hbm>> -> memref<1x1x128xi32, #tpu.memory_space<hbm>>
      %dma_wait3A_294 = tpu.memref_squeeze %dma_wait3A_293 : memref<1x1x128xi32, #tpu.memory_space<hbm>> -> memref<128xi32, #tpu.memory_space<hbm>>
      %dma_wait3A_295 = arith.constant 0 : i32
      %dma_wait3A_296 = tpu.memref_slice %arg7[%dma_wait3A_288, %dma_wait3A_295] : memref<4x128xi32, #tpu.memory_space<vmem>> -> memref<1x128xi32, #tpu.memory_space<vmem>>
      %dma_wait3A_297 = tpu.memref_squeeze %dma_wait3A_296 : memref<1x128xi32, #tpu.memory_space<vmem>> -> memref<128xi32, #tpu.memory_space<vmem>>
      %dma_wait3A_298 = arith.constant 0 : i32
      %dma_wait3A_299 = tpu.memref_slice %arg4[%add3A, %add3A_287, %dma_wait3A_298] : memref<32x80x128xi32, #tpu.memory_space<hbm>> -> memref<1x1x128xi32, #tpu.memory_space<hbm>>
      %dma_wait3A_300 = tpu.memref_squeeze %dma_wait3A_299 : memref<1x1x128xi32, #tpu.memory_space<hbm>> -> memref<128xi32, #tpu.memory_space<hbm>>
      tpu.wait_dma2 semaphore(%arg18 : memref<!tpu.dma_semaphore, #tpu.memory_space<semaphore_mem>>) src(%dma_wait3A_300 : memref<128xi32, #tpu.memory_space<hbm>>) dst(%dma_wait3A_297 : memref<128xi32, #tpu.memory_space<vmem>>)
      %dma_wait3A_301 = arith.constant 3 : i32
      %dma_wait3A_302 = arith.constant 0 : i32
      %dma_wait3A_303 = tpu.memref_slice %arg6[%dma_wait3A_301, %dma_wait3A_302] : memref<4x128xi32, #tpu.memory_space<vmem>> -> memref<1x128xi32, #tpu.memory_space<vmem>>
      %dma_wait3A_304 = tpu.memref_squeeze %dma_wait3A_303 : memref<1x128xi32, #tpu.memory_space<vmem>> -> memref<128xi32, #tpu.memory_space<vmem>>
      %dma_wait3A_305 = arith.constant 0 : i32
      %dma_wait3A_306 = arith.constant 0 : i32
      %dma_wait3A_307 = tpu.memref_slice %arg2[%dma_wait3A_305, %dma_wait3A_306] : memref<10240x128xf32, #tpu.memory_space<hbm>> -> memref<10240x128xf32, #tpu.memory_space<hbm>>
      tpu.wait_indirect_dma semaphore(%arg20 : memref<!tpu.dma_semaphore, #tpu.memory_space<semaphore_mem>>) src(%dma_wait3A_307 : memref<10240x128xf32, #tpu.memory_space<hbm>>) dst(%arg9 : memref<128x128xf32, #tpu.memory_space<vmem>>)
      %run_scoped3A_308 = arith.constant 3 : i32
      "tpu.region"() ({
        %run_scoped3A_323 = tpu.sem_alloc : memref<!tpu.dma_semaphore, #tpu.memory_space<semaphore_mem>>
        %dma_start3A_324 = arith.constant 0 : i32
        %dma_start3A_325 = tpu.memref_slice %arg7[%run_scoped3A_308, %dma_start3A_324] : memref<4x128xi32, #tpu.memory_space<vmem>> -> memref<1x128xi32, #tpu.memory_space<vmem>>
        %dma_start3A_326 = tpu.memref_squeeze %dma_start3A_325 : memref<1x128xi32, #tpu.memory_space<vmem>> -> memref<128xi32, #tpu.memory_space<vmem>>
        %dma_start3A_327 = arith.constant 0 : i32
        %dma_start3A_328 = arith.constant 0 : i32
        %dma_start3A_329 = tpu.memref_slice %arg10[%dma_start3A_327, %dma_start3A_328] : memref<10240x128xf32, #tpu.memory_space<vmem_shared>> -> memref<10240x128xf32, #tpu.memory_space<vmem_shared>>
        tpu.enqueue_indirect_dma source(%arg9 : memref<128x128xf32, #tpu.memory_space<vmem>>) target(%dma_start3A_329 : memref<10240x128xf32, #tpu.memory_space<vmem_shared>>) offsets(%dma_start3A_326 : memref<128xi32, #tpu.memory_space<vmem>>) semaphore(%run_scoped3A_323 : memref<!tpu.dma_semaphore, #tpu.memory_space<semaphore_mem>>) {add = true}
        %dma_wait3A_330 = arith.constant 0 : i32
        %dma_wait3A_331 = tpu.memref_slice %arg7[%run_scoped3A_308, %dma_wait3A_330] : memref<4x128xi32, #tpu.memory_space<vmem>> -> memref<1x128xi32, #tpu.memory_space<vmem>>
        %dma_wait3A_332 = tpu.memref_squeeze %dma_wait3A_331 : memref<1x128xi32, #tpu.memory_space<vmem>> -> memref<128xi32, #tpu.memory_space<vmem>>
        %dma_wait3A_333 = arith.constant 0 : i32
        %dma_wait3A_334 = arith.constant 0 : i32
        %dma_wait3A_335 = tpu.memref_slice %arg10[%dma_wait3A_333, %dma_wait3A_334] : memref<10240x128xf32, #tpu.memory_space<vmem_shared>> -> memref<10240x128xf32, #tpu.memory_space<vmem_shared>>
        tpu.wait_indirect_dma semaphore(%run_scoped3A_323 : memref<!tpu.dma_semaphore, #tpu.memory_space<semaphore_mem>>) src(%arg9 : memref<128x128xf32, #tpu.memory_space<vmem>>) dst(%dma_wait3A_335 : memref<10240x128xf32, #tpu.memory_space<vmem_shared>>)
        tpu.yield
      }) : () -> ()
      %add3A_309 = arith.constant 2 : i32
      %add3A_310 = arith.addi %add3A_287, %add3A_309 : i32
      %lt3A_311 = arith.constant 80 : i32
      %lt3A_312 = arith.cmpi slt, %add3A_310, %lt3A_311 : i32
      %convert_element_type3A_313 = arith.extui %lt3A_312 : i1 to i32
      %cond3A_314 = arith.constant 0 : i32
      %cond3A_315 = arith.cmpi ne, %convert_element_type3A_313, %cond3A_314 : i32
      scf.if %cond3A_315 {
        %add3A_323 = arith.constant 2 : i32
        %add3A_324 = arith.addi %add3A_287, %add3A_323 : i32
        %dma_wait3A_325 = arith.constant 1 : i32
        %dma_wait3A_326 = arith.constant 0 : i32
        %dma_wait3A_327 = tpu.memref_slice %arg6[%dma_wait3A_325, %dma_wait3A_326] : memref<4x128xi32, #tpu.memory_space<vmem>> -> memref<1x128xi32, #tpu.memory_space<vmem>>
        %dma_wait3A_328 = tpu.memref_squeeze %dma_wait3A_327 : memref<1x128xi32, #tpu.memory_space<vmem>> -> memref<128xi32, #tpu.memory_space<vmem>>
        %dma_wait3A_329 = arith.constant 0 : i32
        %dma_wait3A_330 = tpu.memref_slice %arg3[%add3A, %add3A_324, %dma_wait3A_329] : memref<32x80x128xi32, #tpu.memory_space<hbm>> -> memref<1x1x128xi32, #tpu.memory_space<hbm>>
        %dma_wait3A_331 = tpu.memref_squeeze %dma_wait3A_330 : memref<1x1x128xi32, #tpu.memory_space<hbm>> -> memref<128xi32, #tpu.memory_space<hbm>>
        %dma_wait3A_332 = arith.constant 0 : i32
        %dma_wait3A_333 = tpu.memref_slice %arg6[%dma_wait3A_325, %dma_wait3A_332] : memref<4x128xi32, #tpu.memory_space<vmem>> -> memref<1x128xi32, #tpu.memory_space<vmem>>
        %dma_wait3A_334 = tpu.memref_squeeze %dma_wait3A_333 : memref<1x128xi32, #tpu.memory_space<vmem>> -> memref<128xi32, #tpu.memory_space<vmem>>
        %dma_wait3A_335 = arith.constant 0 : i32
        %dma_wait3A_336 = tpu.memref_slice %arg3[%add3A, %add3A_324, %dma_wait3A_335] : memref<32x80x128xi32, #tpu.memory_space<hbm>> -> memref<1x1x128xi32, #tpu.memory_space<hbm>>
        %dma_wait3A_337 = tpu.memref_squeeze %dma_wait3A_336 : memref<1x1x128xi32, #tpu.memory_space<hbm>> -> memref<128xi32, #tpu.memory_space<hbm>>
        tpu.wait_dma2 semaphore(%arg12 : memref<!tpu.dma_semaphore, #tpu.memory_space<semaphore_mem>>) src(%dma_wait3A_337 : memref<128xi32, #tpu.memory_space<hbm>>) dst(%dma_wait3A_334 : memref<128xi32, #tpu.memory_space<vmem>>)
        %dma_start3A_338 = arith.constant 1 : i32
        %dma_start3A_339 = arith.constant 0 : i32
        %dma_start3A_340 = tpu.memref_slice %arg6[%dma_start3A_338, %dma_start3A_339] : memref<4x128xi32, #tpu.memory_space<vmem>> -> memref<1x128xi32, #tpu.memory_space<vmem>>
        %dma_start3A_341 = tpu.memref_squeeze %dma_start3A_340 : memref<1x128xi32, #tpu.memory_space<vmem>> -> memref<128xi32, #tpu.memory_space<vmem>>
        %dma_start3A_342 = arith.constant 0 : i32
        %dma_start3A_343 = arith.constant 0 : i32
        %dma_start3A_344 = tpu.memref_slice %arg2[%dma_start3A_342, %dma_start3A_343] : memref<10240x128xf32, #tpu.memory_space<hbm>> -> memref<10240x128xf32, #tpu.memory_space<hbm>>
        tpu.enqueue_indirect_dma source(%dma_start3A_344 : memref<10240x128xf32, #tpu.memory_space<hbm>>) target(%arg9 : memref<128x128xf32, #tpu.memory_space<vmem>>) offsets(%dma_start3A_341 : memref<128xi32, #tpu.memory_space<vmem>>) semaphore(%arg20 : memref<!tpu.dma_semaphore, #tpu.memory_space<semaphore_mem>>)
      } else {
      }
      %add3A_316 = arith.constant 4 : i32
      %add3A_317 = arith.addi %add3A_287, %add3A_316 : i32
      %lt3A_318 = arith.constant 80 : i32
      %lt3A_319 = arith.cmpi slt, %add3A_317, %lt3A_318 : i32
      %convert_element_type3A_320 = arith.extui %lt3A_319 : i1 to i32
      %cond3A_321 = arith.constant 0 : i32
      %cond3A_322 = arith.cmpi ne, %convert_element_type3A_320, %cond3A_321 : i32
      scf.if %cond3A_322 {
        %add3A_323 = arith.constant 4 : i32
        %add3A_324 = arith.addi %add3A_287, %add3A_323 : i32
        %dma_start3A_325 = arith.constant 3 : i32
        %dma_start3A_326 = arith.constant 0 : i32
        %dma_start3A_327 = tpu.memref_slice %arg6[%dma_start3A_325, %dma_start3A_326] : memref<4x128xi32, #tpu.memory_space<vmem>> -> memref<1x128xi32, #tpu.memory_space<vmem>>
        %dma_start3A_328 = tpu.memref_squeeze %dma_start3A_327 : memref<1x128xi32, #tpu.memory_space<vmem>> -> memref<128xi32, #tpu.memory_space<vmem>>
        %dma_start3A_329 = arith.constant 0 : i32
        %dma_start3A_330 = tpu.memref_slice %arg3[%add3A, %add3A_324, %dma_start3A_329] : memref<32x80x128xi32, #tpu.memory_space<hbm>> -> memref<1x1x128xi32, #tpu.memory_space<hbm>>
        %dma_start3A_331 = tpu.memref_squeeze %dma_start3A_330 : memref<1x1x128xi32, #tpu.memory_space<hbm>> -> memref<128xi32, #tpu.memory_space<hbm>>
        %dma_start3A_332 = arith.constant 0 : i32
        %dma_start3A_333 = tpu.memref_slice %arg6[%dma_start3A_325, %dma_start3A_332] : memref<4x128xi32, #tpu.memory_space<vmem>> -> memref<1x128xi32, #tpu.memory_space<vmem>>
        %dma_start3A_334 = tpu.memref_squeeze %dma_start3A_333 : memref<1x128xi32, #tpu.memory_space<vmem>> -> memref<128xi32, #tpu.memory_space<vmem>>
        %dma_start3A_335 = arith.constant 0 : i32
        %dma_start3A_336 = tpu.memref_slice %arg3[%add3A, %add3A_324, %dma_start3A_335] : memref<32x80x128xi32, #tpu.memory_space<hbm>> -> memref<1x1x128xi32, #tpu.memory_space<hbm>>
        %dma_start3A_337 = tpu.memref_squeeze %dma_start3A_336 : memref<1x1x128xi32, #tpu.memory_space<hbm>> -> memref<128xi32, #tpu.memory_space<hbm>>
        tpu.enqueue_dma source(%dma_start3A_337 : memref<128xi32, #tpu.memory_space<hbm>>) target(%dma_start3A_334 : memref<128xi32, #tpu.memory_space<vmem>>) target_semaphore(%arg14 : memref<!tpu.dma_semaphore, #tpu.memory_space<semaphore_mem>>)
        %add3A_338 = arith.constant 4 : i32
        %add3A_339 = arith.addi %add3A_287, %add3A_338 : i32
        %dma_start3A_340 = arith.constant 3 : i32
        %dma_start3A_341 = arith.constant 0 : i32
        %dma_start3A_342 = tpu.memref_slice %arg7[%dma_start3A_340, %dma_start3A_341] : memref<4x128xi32, #tpu.memory_space<vmem>> -> memref<1x128xi32, #tpu.memory_space<vmem>>
        %dma_start3A_343 = tpu.memref_squeeze %dma_start3A_342 : memref<1x128xi32, #tpu.memory_space<vmem>> -> memref<128xi32, #tpu.memory_space<vmem>>
        %dma_start3A_344 = arith.constant 0 : i32
        %dma_start3A_345 = tpu.memref_slice %arg4[%add3A, %add3A_339, %dma_start3A_344] : memref<32x80x128xi32, #tpu.memory_space<hbm>> -> memref<1x1x128xi32, #tpu.memory_space<hbm>>
        %dma_start3A_346 = tpu.memref_squeeze %dma_start3A_345 : memref<1x1x128xi32, #tpu.memory_space<hbm>> -> memref<128xi32, #tpu.memory_space<hbm>>
        %dma_start3A_347 = arith.constant 0 : i32
        %dma_start3A_348 = tpu.memref_slice %arg7[%dma_start3A_340, %dma_start3A_347] : memref<4x128xi32, #tpu.memory_space<vmem>> -> memref<1x128xi32, #tpu.memory_space<vmem>>
        %dma_start3A_349 = tpu.memref_squeeze %dma_start3A_348 : memref<1x128xi32, #tpu.memory_space<vmem>> -> memref<128xi32, #tpu.memory_space<vmem>>
        %dma_start3A_350 = arith.constant 0 : i32
        %dma_start3A_351 = tpu.memref_slice %arg4[%add3A, %add3A_339, %dma_start3A_350] : memref<32x80x128xi32, #tpu.memory_space<hbm>> -> memref<1x1x128xi32, #tpu.memory_space<hbm>>
        %dma_start3A_352 = tpu.memref_squeeze %dma_start3A_351 : memref<1x1x128xi32, #tpu.memory_space<hbm>> -> memref<128xi32, #tpu.memory_space<hbm>>
        tpu.enqueue_dma source(%dma_start3A_352 : memref<128xi32, #tpu.memory_space<hbm>>) target(%dma_start3A_349 : memref<128xi32, #tpu.memory_space<vmem>>) target_semaphore(%arg18 : memref<!tpu.dma_semaphore, #tpu.memory_space<semaphore_mem>>)
      } else {
      }
    }
    %scan3A_166 = arith.constant 20 : i32
    %barrier3A_167 = arith.constant 0 : index
    tpu.barrier barrier_id(%barrier3A_167)
    %mul3A_168 = arith.constant 640 : i32
    %mul3A_169 = arith.muli %arg1, %mul3A_168 : i32
    %mul3A_170 = arith.constant 640 : i32
    %mul3A_171 = arith.muli %arg1, %mul3A_170 : i32
    "tpu.region"() ({
      %run_scoped3A = tpu.sem_alloc : memref<!tpu.dma_semaphore, #tpu.memory_space<semaphore_mem>>
      %dma_start3A_172 = arith.constant 0 : i32
      %dma_start3A_173 = tpu.memref_slice %arg5[%arg0, %mul3A_171, %dma_start3A_172] : memref<2x10240x128xf32, #tpu.memory_space<hbm>> -> memref<1x640x128xf32, #tpu.memory_space<hbm>>
      %dma_start3A_174 = tpu.memref_squeeze %dma_start3A_173 : memref<1x640x128xf32, #tpu.memory_space<hbm>> -> memref<640x128xf32, #tpu.memory_space<hbm>>
      %dma_start3A_175 = arith.constant 0 : i32
      %dma_start3A_176 = tpu.memref_slice %arg10[%mul3A_169, %dma_start3A_175] : memref<10240x128xf32, #tpu.memory_space<vmem_shared>> -> memref<640x128xf32, #tpu.memory_space<vmem_shared>>
      tpu.enqueue_dma source(%dma_start3A_176 : memref<640x128xf32, #tpu.memory_space<vmem_shared>>) target(%dma_start3A_174 : memref<640x128xf32, #tpu.memory_space<hbm>>) target_semaphore(%run_scoped3A : memref<!tpu.dma_semaphore, #tpu.memory_space<semaphore_mem>>)
      %dma_wait3A_177 = arith.constant 0 : i32
      %dma_wait3A_178 = tpu.memref_slice %arg5[%arg0, %mul3A_171, %dma_wait3A_177] : memref<2x10240x128xf32, #tpu.memory_space<hbm>> -> memref<1x640x128xf32, #tpu.memory_space<hbm>>
      %dma_wait3A_179 = tpu.memref_squeeze %dma_wait3A_178 : memref<1x640x128xf32, #tpu.memory_space<hbm>> -> memref<640x128xf32, #tpu.memory_space<hbm>>
      %dma_wait3A_180 = arith.constant 0 : i32
      %dma_wait3A_181 = tpu.memref_slice %arg10[%mul3A_169, %dma_wait3A_180] : memref<10240x128xf32, #tpu.memory_space<vmem_shared>> -> memref<640x128xf32, #tpu.memory_space<vmem_shared>>
      tpu.wait_dma2 semaphore(%run_scoped3A : memref<!tpu.dma_semaphore, #tpu.memory_space<semaphore_mem>>) src(%dma_wait3A_181 : memref<640x128xf32, #tpu.memory_space<vmem_shared>>) dst(%dma_wait3A_179 : memref<640x128xf32, #tpu.memory_space<hbm>>)
      tpu.yield
    }) : () -> ()
    return
  }
}

#map = affine_map<(d0, d1) -> (0, 0)>
#map1 = affine_map<(d0, d1) -> (0, 0, 0)>
module attributes {stable_mosaic.version = 14 : i64} {
  func.func @scat_kernel(%arg0: i32, %arg1: i32, %arg2: memref<10240x128xf32, #tpu.memory_space<hbm>>, %arg3: memref<32x80x128xi32, #tpu.memory_space<hbm>>, %arg4: memref<32x80x128xi32, #tpu.memory_space<hbm>>, %arg5: memref<2x10240x128xf32, #tpu.memory_space<hbm>>, %arg6: memref<4x128xi32, #tpu.memory_space<vmem>>, %arg7: memref<4x128xi32, #tpu.memory_space<vmem>>, %arg8: memref<128x128xf32, #tpu.memory_space<vmem>>, %arg9: memref<128x128xf32, #tpu.memory_space<vmem>>, %arg10: memref<10240x128xf32, #tpu.memory_space<vmem_shared>>, %arg11: memref<!tpu.dma_semaphore, #tpu.memory_space<semaphore_mem>>, %arg12: memref<!tpu.dma_semaphore, #tpu.memory_space<semaphore_mem>>, %arg13: memref<!tpu.dma_semaphore, #tpu.memory_space<semaphore_mem>>, %arg14: memref<!tpu.dma_semaphore, #tpu.memory_space<semaphore_mem>>, %arg15: memref<!tpu.dma_semaphore, #tpu.memory_space<semaphore_mem>>, %arg16: memref<!tpu.dma_semaphore, #tpu.memory_space<semaphore_mem>>, %arg17: memref<!tpu.dma_semaphore, #tpu.memory_space<semaphore_mem>>, %arg18: memref<!tpu.dma_semaphore, #tpu.memory_space<semaphore_mem>>, %arg19: memref<!tpu.dma_semaphore, #tpu.memory_space<semaphore_mem>>, %arg20: memref<!tpu.dma_semaphore, #tpu.memory_space<semaphore_mem>>) attributes {dimension_semantics = [#tpu.dimension_semantics<core_parallel>, #tpu.dimension_semantics<subcore_parallel>], iteration_bounds = array<i64: 2, 16>, scalar_prefetch = 0 : i64, scratch_operands = 15 : i64, tpu.core_type = #tpu.core_type<sc_vector_subcore>, window_params = [{transform_indices = #map}, {transform_indices = #map1}, {transform_indices = #map1}, {transform_indices = #map1}]} {
    %mul3A = arith.constant 2 : i32
    %mul3A_0 = arith.muli %arg1, %mul3A : i32
    %add3A = arith.addi %mul3A_0, %arg0 : i32
    %dma_start3A = arith.constant 0 : i32
    %dma_start3A_1 = arith.constant 0 : i32
    %dma_start3A_2 = arith.constant 0 : i32
    %dma_start3A_3 = tpu.memref_slice %arg6[%dma_start3A_1, %dma_start3A_2] : memref<4x128xi32, #tpu.memory_space<vmem>> -> memref<1x128xi32, #tpu.memory_space<vmem>>
    %dma_start3A_4 = tpu.memref_squeeze %dma_start3A_3 : memref<1x128xi32, #tpu.memory_space<vmem>> -> memref<128xi32, #tpu.memory_space<vmem>>
    %dma_start3A_5 = arith.constant 0 : i32
    %dma_start3A_6 = tpu.memref_slice %arg3[%add3A, %dma_start3A, %dma_start3A_5] : memref<32x80x128xi32, #tpu.memory_space<hbm>> -> memref<1x1x128xi32, #tpu.memory_space<hbm>>
    %dma_start3A_7 = tpu.memref_squeeze %dma_start3A_6 : memref<1x1x128xi32, #tpu.memory_space<hbm>> -> memref<128xi32, #tpu.memory_space<hbm>>
    %dma_start3A_8 = arith.constant 0 : i32
    %dma_start3A_9 = tpu.memref_slice %arg6[%dma_start3A_1, %dma_start3A_8] : memref<4x128xi32, #tpu.memory_space<vmem>> -> memref<1x128xi32, #tpu.memory_space<vmem>>
    %dma_start3A_10 = tpu.memref_squeeze %dma_start3A_9 : memref<1x128xi32, #tpu.memory_space<vmem>> -> memref<128xi32, #tpu.memory_space<vmem>>
    %dma_start3A_11 = arith.constant 0 : i32
    %dma_start3A_12 = tpu.memref_slice %arg3[%add3A, %dma_start3A, %dma_start3A_11] : memref<32x80x128xi32, #tpu.memory_space<hbm>> -> memref<1x1x128xi32, #tpu.memory_space<hbm>>
    %dma_start3A_13 = tpu.memref_squeeze %dma_start3A_12 : memref<1x1x128xi32, #tpu.memory_space<hbm>> -> memref<128xi32, #tpu.memory_space<hbm>>
    tpu.enqueue_dma source(%dma_start3A_13 : memref<128xi32, #tpu.memory_space<hbm>>) target(%dma_start3A_10 : memref<128xi32, #tpu.memory_space<vmem>>) target_semaphore(%arg11 : memref<!tpu.dma_semaphore, #tpu.memory_space<semaphore_mem>>)
    %dma_start3A_14 = arith.constant 0 : i32
    %dma_start3A_15 = arith.constant 0 : i32
    %dma_start3A_16 = arith.constant 0 : i32
    %dma_start3A_17 = tpu.memref_slice %arg7[%dma_start3A_15, %dma_start3A_16] : memref<4x128xi32, #tpu.memory_space<vmem>> -> memref<1x128xi32, #tpu.memory_space<vmem>>
    %dma_start3A_18 = tpu.memref_squeeze %dma_start3A_17 : memref<1x128xi32, #tpu.memory_space<vmem>> -> memref<128xi32, #tpu.memory_space<vmem>>
    %dma_start3A_19 = arith.constant 0 : i32
    %dma_start3A_20 = tpu.memref_slice %arg4[%add3A, %dma_start3A_14, %dma_start3A_19] : memref<32x80x128xi32, #tpu.memory_space<hbm>> -> memref<1x1x128xi32, #tpu.memory_space<hbm>>
    %dma_start3A_21 = tpu.memref_squeeze %dma_start3A_20 : memref<1x1x128xi32, #tpu.memory_space<hbm>> -> memref<128xi32, #tpu.memory_space<hbm>>
    %dma_start3A_22 = arith.constant 0 : i32
    %dma_start3A_23 = tpu.memref_slice %arg7[%dma_start3A_15, %dma_start3A_22] : memref<4x128xi32, #tpu.memory_space<vmem>> -> memref<1x128xi32, #tpu.memory_space<vmem>>
    %dma_start3A_24 = tpu.memref_squeeze %dma_start3A_23 : memref<1x128xi32, #tpu.memory_space<vmem>> -> memref<128xi32, #tpu.memory_space<vmem>>
    %dma_start3A_25 = arith.constant 0 : i32
    %dma_start3A_26 = tpu.memref_slice %arg4[%add3A, %dma_start3A_14, %dma_start3A_25] : memref<32x80x128xi32, #tpu.memory_space<hbm>> -> memref<1x1x128xi32, #tpu.memory_space<hbm>>
    %dma_start3A_27 = tpu.memref_squeeze %dma_start3A_26 : memref<1x1x128xi32, #tpu.memory_space<hbm>> -> memref<128xi32, #tpu.memory_space<hbm>>
    tpu.enqueue_dma source(%dma_start3A_27 : memref<128xi32, #tpu.memory_space<hbm>>) target(%dma_start3A_24 : memref<128xi32, #tpu.memory_space<vmem>>) target_semaphore(%arg15 : memref<!tpu.dma_semaphore, #tpu.memory_space<semaphore_mem>>)
    %dma_start3A_28 = arith.constant 1 : i32
    %dma_start3A_29 = arith.constant 1 : i32
    %dma_start3A_30 = arith.constant 0 : i32
    %dma_start3A_31 = tpu.memref_slice %arg6[%dma_start3A_29, %dma_start3A_30] : memref<4x128xi32, #tpu.memory_space<vmem>> -> memref<1x128xi32, #tpu.memory_space<vmem>>
    %dma_start3A_32 = tpu.memref_squeeze %dma_start3A_31 : memref<1x128xi32, #tpu.memory_space<vmem>> -> memref<128xi32, #tpu.memory_space<vmem>>
    %dma_start3A_33 = arith.constant 0 : i32
    %dma_start3A_34 = tpu.memref_slice %arg3[%add3A, %dma_start3A_28, %dma_start3A_33] : memref<32x80x128xi32, #tpu.memory_space<hbm>> -> memref<1x1x128xi32, #tpu.memory_space<hbm>>
    %dma_start3A_35 = tpu.memref_squeeze %dma_start3A_34 : memref<1x1x128xi32, #tpu.memory_space<hbm>> -> memref<128xi32, #tpu.memory_space<hbm>>
    %dma_start3A_36 = arith.constant 0 : i32
    %dma_start3A_37 = tpu.memref_slice %arg6[%dma_start3A_29, %dma_start3A_36] : memref<4x128xi32, #tpu.memory_space<vmem>> -> memref<1x128xi32, #tpu.memory_space<vmem>>
    %dma_start3A_38 = tpu.memref_squeeze %dma_start3A_37 : memref<1x128xi32, #tpu.memory_space<vmem>> -> memref<128xi32, #tpu.memory_space<vmem>>
    %dma_start3A_39 = arith.constant 0 : i32
    %dma_start3A_40 = tpu.memref_slice %arg3[%add3A, %dma_start3A_28, %dma_start3A_39] : memref<32x80x128xi32, #tpu.memory_space<hbm>> -> memref<1x1x128xi32, #tpu.memory_space<hbm>>
    %dma_start3A_41 = tpu.memref_squeeze %dma_start3A_40 : memref<1x1x128xi32, #tpu.memory_space<hbm>> -> memref<128xi32, #tpu.memory_space<hbm>>
    tpu.enqueue_dma source(%dma_start3A_41 : memref<128xi32, #tpu.memory_space<hbm>>) target(%dma_start3A_38 : memref<128xi32, #tpu.memory_space<vmem>>) target_semaphore(%arg12 : memref<!tpu.dma_semaphore, #tpu.memory_space<semaphore_mem>>)
    %dma_start3A_42 = arith.constant 1 : i32
    %dma_start3A_43 = arith.constant 1 : i32
    %dma_start3A_44 = arith.constant 0 : i32
    %dma_start3A_45 = tpu.memref_slice %arg7[%dma_start3A_43, %dma_start3A_44] : memref<4x128xi32, #tpu.memory_space<vmem>> -> memref<1x128xi32, #tpu.memory_space<vmem>>
    %dma_start3A_46 = tpu.memref_squeeze %dma_start3A_45 : memref<1x128xi32, #tpu.memory_space<vmem>> -> memref<128xi32, #tpu.memory_space<vmem>>
    %dma_start3A_47 = arith.constant 0 : i32
    %dma_start3A_48 = tpu.memref_slice %arg4[%add3A, %dma_start3A_42, %dma_start3A_47] : memref<32x80x128xi32, #tpu.memory_space<hbm>> -> memref<1x1x128xi32, #tpu.memory_space<hbm>>
    %dma_start3A_49 = tpu.memref_squeeze %dma_start3A_48 : memref<1x1x128xi32, #tpu.memory_space<hbm>> -> memref<128xi32, #tpu.memory_space<hbm>>
    %dma_start3A_50 = arith.constant 0 : i32
    %dma_start3A_51 = tpu.memref_slice %arg7[%dma_start3A_43, %dma_start3A_50] : memref<4x128xi32, #tpu.memory_space<vmem>> -> memref<1x128xi32, #tpu.memory_space<vmem>>
    %dma_start3A_52 = tpu.memref_squeeze %dma_start3A_51 : memref<1x128xi32, #tpu.memory_space<vmem>> -> memref<128xi32, #tpu.memory_space<vmem>>
    %dma_start3A_53 = arith.constant 0 : i32
    %dma_start3A_54 = tpu.memref_slice %arg4[%add3A, %dma_start3A_42, %dma_start3A_53] : memref<32x80x128xi32, #tpu.memory_space<hbm>> -> memref<1x1x128xi32, #tpu.memory_space<hbm>>
    %dma_start3A_55 = tpu.memref_squeeze %dma_start3A_54 : memref<1x1x128xi32, #tpu.memory_space<hbm>> -> memref<128xi32, #tpu.memory_space<hbm>>
    tpu.enqueue_dma source(%dma_start3A_55 : memref<128xi32, #tpu.memory_space<hbm>>) target(%dma_start3A_52 : memref<128xi32, #tpu.memory_space<vmem>>) target_semaphore(%arg16 : memref<!tpu.dma_semaphore, #tpu.memory_space<semaphore_mem>>)
    %dma_start3A_56 = arith.constant 2 : i32
    %dma_start3A_57 = arith.constant 2 : i32
    %dma_start3A_58 = arith.constant 0 : i32
    %dma_start3A_59 = tpu.memref_slice %arg6[%dma_start3A_57, %dma_start3A_58] : memref<4x128xi32, #tpu.memory_space<vmem>> -> memref<1x128xi32, #tpu.memory_space<vmem>>
    %dma_start3A_60 = tpu.memref_squeeze %dma_start3A_59 : memref<1x128xi32, #tpu.memory_space<vmem>> -> memref<128xi32, #tpu.memory_space<vmem>>
    %dma_start3A_61 = arith.constant 0 : i32
    %dma_start3A_62 = tpu.memref_slice %arg3[%add3A, %dma_start3A_56, %dma_start3A_61] : memref<32x80x128xi32, #tpu.memory_space<hbm>> -> memref<1x1x128xi32, #tpu.memory_space<hbm>>
    %dma_start3A_63 = tpu.memref_squeeze %dma_start3A_62 : memref<1x1x128xi32, #tpu.memory_space<hbm>> -> memref<128xi32, #tpu.memory_space<hbm>>
    %dma_start3A_64 = arith.constant 0 : i32
    %dma_start3A_65 = tpu.memref_slice %arg6[%dma_start3A_57, %dma_start3A_64] : memref<4x128xi32, #tpu.memory_space<vmem>> -> memref<1x128xi32, #tpu.memory_space<vmem>>
    %dma_start3A_66 = tpu.memref_squeeze %dma_start3A_65 : memref<1x128xi32, #tpu.memory_space<vmem>> -> memref<128xi32, #tpu.memory_space<vmem>>
    %dma_start3A_67 = arith.constant 0 : i32
    %dma_start3A_68 = tpu.memref_slice %arg3[%add3A, %dma_start3A_56, %dma_start3A_67] : memref<32x80x128xi32, #tpu.memory_space<hbm>> -> memref<1x1x128xi32, #tpu.memory_space<hbm>>
    %dma_start3A_69 = tpu.memref_squeeze %dma_start3A_68 : memref<1x1x128xi32, #tpu.memory_space<hbm>> -> memref<128xi32, #tpu.memory_space<hbm>>
    tpu.enqueue_dma source(%dma_start3A_69 : memref<128xi32, #tpu.memory_space<hbm>>) target(%dma_start3A_66 : memref<128xi32, #tpu.memory_space<vmem>>) target_semaphore(%arg13 : memref<!tpu.dma_semaphore, #tpu.memory_space<semaphore_mem>>)
    %dma_start3A_70 = arith.constant 2 : i32
    %dma_start3A_71 = arith.constant 2 : i32
    %dma_start3A_72 = arith.constant 0 : i32
    %dma_start3A_73 = tpu.memref_slice %arg7[%dma_start3A_71, %dma_start3A_72] : memref<4x128xi32, #tpu.memory_space<vmem>> -> memref<1x128xi32, #tpu.memory_space<vmem>>
    %dma_start3A_74 = tpu.memref_squeeze %dma_start3A_73 : memref<1x128xi32, #tpu.memory_space<vmem>> -> memref<128xi32, #tpu.memory_space<vmem>>
    %dma_start3A_75 = arith.constant 0 : i32
    %dma_start3A_76 = tpu.memref_slice %arg4[%add3A, %dma_start3A_70, %dma_start3A_75] : memref<32x80x128xi32, #tpu.memory_space<hbm>> -> memref<1x1x128xi32, #tpu.memory_space<hbm>>
    %dma_start3A_77 = tpu.memref_squeeze %dma_start3A_76 : memref<1x1x128xi32, #tpu.memory_space<hbm>> -> memref<128xi32, #tpu.memory_space<hbm>>
    %dma_start3A_78 = arith.constant 0 : i32
    %dma_start3A_79 = tpu.memref_slice %arg7[%dma_start3A_71, %dma_start3A_78] : memref<4x128xi32, #tpu.memory_space<vmem>> -> memref<1x128xi32, #tpu.memory_space<vmem>>
    %dma_start3A_80 = tpu.memref_squeeze %dma_start3A_79 : memref<1x128xi32, #tpu.memory_space<vmem>> -> memref<128xi32, #tpu.memory_space<vmem>>
    %dma_start3A_81 = arith.constant 0 : i32
    %dma_start3A_82 = tpu.memref_slice %arg4[%add3A, %dma_start3A_70, %dma_start3A_81] : memref<32x80x128xi32, #tpu.memory_space<hbm>> -> memref<1x1x128xi32, #tpu.memory_space<hbm>>
    %dma_start3A_83 = tpu.memref_squeeze %dma_start3A_82 : memref<1x1x128xi32, #tpu.memory_space<hbm>> -> memref<128xi32, #tpu.memory_space<hbm>>
    tpu.enqueue_dma source(%dma_start3A_83 : memref<128xi32, #tpu.memory_space<hbm>>) target(%dma_start3A_80 : memref<128xi32, #tpu.memory_space<vmem>>) target_semaphore(%arg17 : memref<!tpu.dma_semaphore, #tpu.memory_space<semaphore_mem>>)
    %dma_start3A_84 = arith.constant 3 : i32
    %dma_start3A_85 = arith.constant 3 : i32
    %dma_start3A_86 = arith.constant 0 : i32
    %dma_start3A_87 = tpu.memref_slice %arg6[%dma_start3A_85, %dma_start3A_86] : memref<4x128xi32, #tpu.memory_space<vmem>> -> memref<1x128xi32, #tpu.memory_space<vmem>>
    %dma_start3A_88 = tpu.memref_squeeze %dma_start3A_87 : memref<1x128xi32, #tpu.memory_space<vmem>> -> memref<128xi32, #tpu.memory_space<vmem>>
    %dma_start3A_89 = arith.constant 0 : i32
    %dma_start3A_90 = tpu.memref_slice %arg3[%add3A, %dma_start3A_84, %dma_start3A_89] : memref<32x80x128xi32, #tpu.memory_space<hbm>> -> memref<1x1x128xi32, #tpu.memory_space<hbm>>
    %dma_start3A_91 = tpu.memref_squeeze %dma_start3A_90 : memref<1x1x128xi32, #tpu.memory_space<hbm>> -> memref<128xi32, #tpu.memory_space<hbm>>
    %dma_start3A_92 = arith.constant 0 : i32
    %dma_start3A_93 = tpu.memref_slice %arg6[%dma_start3A_85, %dma_start3A_92] : memref<4x128xi32, #tpu.memory_space<vmem>> -> memref<1x128xi32, #tpu.memory_space<vmem>>
    %dma_start3A_94 = tpu.memref_squeeze %dma_start3A_93 : memref<1x128xi32, #tpu.memory_space<vmem>> -> memref<128xi32, #tpu.memory_space<vmem>>
    %dma_start3A_95 = arith.constant 0 : i32
    %dma_start3A_96 = tpu.memref_slice %arg3[%add3A, %dma_start3A_84, %dma_start3A_95] : memref<32x80x128xi32, #tpu.memory_space<hbm>> -> memref<1x1x128xi32, #tpu.memory_space<hbm>>
    %dma_start3A_97 = tpu.memref_squeeze %dma_start3A_96 : memref<1x1x128xi32, #tpu.memory_space<hbm>> -> memref<128xi32, #tpu.memory_space<hbm>>
    tpu.enqueue_dma source(%dma_start3A_97 : memref<128xi32, #tpu.memory_space<hbm>>) target(%dma_start3A_94 : memref<128xi32, #tpu.memory_space<vmem>>) target_semaphore(%arg14 : memref<!tpu.dma_semaphore, #tpu.memory_space<semaphore_mem>>)
    %dma_start3A_98 = arith.constant 3 : i32
    %dma_start3A_99 = arith.constant 3 : i32
    %dma_start3A_100 = arith.constant 0 : i32
    %dma_start3A_101 = tpu.memref_slice %arg7[%dma_start3A_99, %dma_start3A_100] : memref<4x128xi32, #tpu.memory_space<vmem>> -> memref<1x128xi32, #tpu.memory_space<vmem>>
    %dma_start3A_102 = tpu.memref_squeeze %dma_start3A_101 : memref<1x128xi32, #tpu.memory_space<vmem>> -> memref<128xi32, #tpu.memory_space<vmem>>
    %dma_start3A_103 = arith.constant 0 : i32
    %dma_start3A_104 = tpu.memref_slice %arg4[%add3A, %dma_start3A_98, %dma_start3A_103] : memref<32x80x128xi32, #tpu.memory_space<hbm>> -> memref<1x1x128xi32, #tpu.memory_space<hbm>>
    %dma_start3A_105 = tpu.memref_squeeze %dma_start3A_104 : memref<1x1x128xi32, #tpu.memory_space<hbm>> -> memref<128xi32, #tpu.memory_space<hbm>>
    %dma_start3A_106 = arith.constant 0 : i32
    %dma_start3A_107 = tpu.memref_slice %arg7[%dma_start3A_99, %dma_start3A_106] : memref<4x128xi32, #tpu.memory_space<vmem>> -> memref<1x128xi32, #tpu.memory_space<vmem>>
    %dma_start3A_108 = tpu.memref_squeeze %dma_start3A_107 : memref<1x128xi32, #tpu.memory_space<vmem>> -> memref<128xi32, #tpu.memory_space<vmem>>
    %dma_start3A_109 = arith.constant 0 : i32
    %dma_start3A_110 = tpu.memref_slice %arg4[%add3A, %dma_start3A_98, %dma_start3A_109] : memref<32x80x128xi32, #tpu.memory_space<hbm>> -> memref<1x1x128xi32, #tpu.memory_space<hbm>>
    %dma_start3A_111 = tpu.memref_squeeze %dma_start3A_110 : memref<1x1x128xi32, #tpu.memory_space<hbm>> -> memref<128xi32, #tpu.memory_space<hbm>>
    tpu.enqueue_dma source(%dma_start3A_111 : memref<128xi32, #tpu.memory_space<hbm>>) target(%dma_start3A_108 : memref<128xi32, #tpu.memory_space<vmem>>) target_semaphore(%arg18 : memref<!tpu.dma_semaphore, #tpu.memory_space<semaphore_mem>>)
    %scan3A = arith.constant 0 : i32
    %scan3A_112 = arith.constant 128 : i32
    %scan3A_113 = arith.addi %scan3A, %scan3A_112 : i32
    %scan3A_114 = arith.constant 1 : i32
    scf.for %scan3A_172 = %scan3A to %scan3A_113 step %scan3A_114  : i32 {
      %mul3A_173 = arith.constant 1 : i32
      %mul3A_174 = arith.muli %scan3A_172, %mul3A_173 : i32
      %add3A_175 = arith.constant 0 : i32
      %add3A_176 = arith.addi %add3A_175, %mul3A_174 : i32
      %broadcast_in_dim3A = arith.constant 0.000000e+00 : f32
      %broadcast_in_dim3A_177 = vector.broadcast %broadcast_in_dim3A : f32 to vector<16xf32>
      %swap3A = arith.index_cast %add3A_176 : i32 to index
      %swap3A_178 = arith.constant 0 : index
      %swap3A_179 = tpu.vector_load %arg8[%swap3A, %swap3A_178] {strides = array<i32>} : memref<128x128xf32, #tpu.memory_space<vmem>>, vector<1x16xf32>,
      %swap3A_180 = vector.shape_cast %swap3A_179 : vector<1x16xf32> to vector<16xf32>
      %swap3A_181 = vector.shape_cast %broadcast_in_dim3A_177 : vector<16xf32> to vector<1x16xf32>
      tpu.vector_store %arg8[%swap3A, %swap3A_178], %swap3A_181 {strides = array<i32>} : memref<128x128xf32, #tpu.memory_space<vmem>>, vector<1x16xf32>,
      %broadcast_in_dim3A_182 = arith.constant 0.000000e+00 : f32
      %broadcast_in_dim3A_183 = vector.broadcast %broadcast_in_dim3A_182 : f32 to vector<16xf32>
      %swap3A_184 = arith.index_cast %add3A_176 : i32 to index
      %swap3A_185 = arith.constant 16 : index
      %swap3A_186 = tpu.vector_load %arg8[%swap3A_184, %swap3A_185] {strides = array<i32>} : memref<128x128xf32, #tpu.memory_space<vmem>>, vector<1x16xf32>,
      %swap3A_187 = vector.shape_cast %swap3A_186 : vector<1x16xf32> to vector<16xf32>
      %swap3A_188 = vector.shape_cast %broadcast_in_dim3A_183 : vector<16xf32> to vector<1x16xf32>
      tpu.vector_store %arg8[%swap3A_184, %swap3A_185], %swap3A_188 {strides = array<i32>} : memref<128x128xf32, #tpu.memory_space<vmem>>, vector<1x16xf32>,
      %broadcast_in_dim3A_189 = arith.constant 0.000000e+00 : f32
      %broadcast_in_dim3A_190 = vector.broadcast %broadcast_in_dim3A_189 : f32 to vector<16xf32>
      %swap3A_191 = arith.index_cast %add3A_176 : i32 to index
      %swap3A_192 = arith.constant 32 : index
      %swap3A_193 = tpu.vector_load %arg8[%swap3A_191, %swap3A_192] {strides = array<i32>} : memref<128x128xf32, #tpu.memory_space<vmem>>, vector<1x16xf32>,
      %swap3A_194 = vector.shape_cast %swap3A_193 : vector<1x16xf32> to vector<16xf32>
      %swap3A_195 = vector.shape_cast %broadcast_in_dim3A_190 : vector<16xf32> to vector<1x16xf32>
      tpu.vector_store %arg8[%swap3A_191, %swap3A_192], %swap3A_195 {strides = array<i32>} : memref<128x128xf32, #tpu.memory_space<vmem>>, vector<1x16xf32>,
      %broadcast_in_dim3A_196 = arith.constant 0.000000e+00 : f32
      %broadcast_in_dim3A_197 = vector.broadcast %broadcast_in_dim3A_196 : f32 to vector<16xf32>
      %swap3A_198 = arith.index_cast %add3A_176 : i32 to index
      %swap3A_199 = arith.constant 48 : index
      %swap3A_200 = tpu.vector_load %arg8[%swap3A_198, %swap3A_199] {strides = array<i32>} : memref<128x128xf32, #tpu.memory_space<vmem>>, vector<1x16xf32>,
      %swap3A_201 = vector.shape_cast %swap3A_200 : vector<1x16xf32> to vector<16xf32>
      %swap3A_202 = vector.shape_cast %broadcast_in_dim3A_197 : vector<16xf32> to vector<1x16xf32>
      tpu.vector_store %arg8[%swap3A_198, %swap3A_199], %swap3A_202 {strides = array<i32>} : memref<128x128xf32, #tpu.memory_space<vmem>>, vector<1x16xf32>,
      %broadcast_in_dim3A_203 = arith.constant 0.000000e+00 : f32
      %broadcast_in_dim3A_204 = vector.broadcast %broadcast_in_dim3A_203 : f32 to vector<16xf32>
      %swap3A_205 = arith.index_cast %add3A_176 : i32 to index
      %swap3A_206 = arith.constant 64 : index
      %swap3A_207 = tpu.vector_load %arg8[%swap3A_205, %swap3A_206] {strides = array<i32>} : memref<128x128xf32, #tpu.memory_space<vmem>>, vector<1x16xf32>,
      %swap3A_208 = vector.shape_cast %swap3A_207 : vector<1x16xf32> to vector<16xf32>
      %swap3A_209 = vector.shape_cast %broadcast_in_dim3A_204 : vector<16xf32> to vector<1x16xf32>
      tpu.vector_store %arg8[%swap3A_205, %swap3A_206], %swap3A_209 {strides = array<i32>} : memref<128x128xf32, #tpu.memory_space<vmem>>, vector<1x16xf32>,
      %broadcast_in_dim3A_210 = arith.constant 0.000000e+00 : f32
      %broadcast_in_dim3A_211 = vector.broadcast %broadcast_in_dim3A_210 : f32 to vector<16xf32>
      %swap3A_212 = arith.index_cast %add3A_176 : i32 to index
      %swap3A_213 = arith.constant 80 : index
      %swap3A_214 = tpu.vector_load %arg8[%swap3A_212, %swap3A_213] {strides = array<i32>} : memref<128x128xf32, #tpu.memory_space<vmem>>, vector<1x16xf32>,
      %swap3A_215 = vector.shape_cast %swap3A_214 : vector<1x16xf32> to vector<16xf32>
      %swap3A_216 = vector.shape_cast %broadcast_in_dim3A_211 : vector<16xf32> to vector<1x16xf32>
      tpu.vector_store %arg8[%swap3A_212, %swap3A_213], %swap3A_216 {strides = array<i32>} : memref<128x128xf32, #tpu.memory_space<vmem>>, vector<1x16xf32>,
      %broadcast_in_dim3A_217 = arith.constant 0.000000e+00 : f32
      %broadcast_in_dim3A_218 = vector.broadcast %broadcast_in_dim3A_217 : f32 to vector<16xf32>
      %swap3A_219 = arith.index_cast %add3A_176 : i32 to index
      %swap3A_220 = arith.constant 96 : index
      %swap3A_221 = tpu.vector_load %arg8[%swap3A_219, %swap3A_220] {strides = array<i32>} : memref<128x128xf32, #tpu.memory_space<vmem>>, vector<1x16xf32>,
      %swap3A_222 = vector.shape_cast %swap3A_221 : vector<1x16xf32> to vector<16xf32>
      %swap3A_223 = vector.shape_cast %broadcast_in_dim3A_218 : vector<16xf32> to vector<1x16xf32>
      tpu.vector_store %arg8[%swap3A_219, %swap3A_220], %swap3A_223 {strides = array<i32>} : memref<128x128xf32, #tpu.memory_space<vmem>>, vector<1x16xf32>,
      %broadcast_in_dim3A_224 = arith.constant 0.000000e+00 : f32
      %broadcast_in_dim3A_225 = vector.broadcast %broadcast_in_dim3A_224 : f32 to vector<16xf32>
      %swap3A_226 = arith.index_cast %add3A_176 : i32 to index
      %swap3A_227 = arith.constant 112 : index
      %swap3A_228 = tpu.vector_load %arg8[%swap3A_226, %swap3A_227] {strides = array<i32>} : memref<128x128xf32, #tpu.memory_space<vmem>>, vector<1x16xf32>,
      %swap3A_229 = vector.shape_cast %swap3A_228 : vector<1x16xf32> to vector<16xf32>
      %swap3A_230 = vector.shape_cast %broadcast_in_dim3A_225 : vector<16xf32> to vector<1x16xf32>
      tpu.vector_store %arg8[%swap3A_226, %swap3A_227], %swap3A_230 {strides = array<i32>} : memref<128x128xf32, #tpu.memory_space<vmem>>, vector<1x16xf32>,
    }
    %scan3A_115 = arith.constant 128 : i32
    %scan3A_116 = arith.constant 0 : i32
    %scan3A_117 = arith.constant 5 : i32
    %scan3A_118 = arith.addi %scan3A_116, %scan3A_117 : i32
    %scan3A_119 = arith.constant 1 : i32
    scf.for %scan3A_172 = %scan3A_116 to %scan3A_118 step %scan3A_119  : i32 {
      %mul3A_173 = arith.constant 1 : i32
      %mul3A_174 = arith.muli %scan3A_172, %mul3A_173 : i32
      %add3A_175 = arith.constant 0 : i32
      %add3A_176 = arith.addi %add3A_175, %mul3A_174 : i32
      %mul3A_177 = arith.constant 640 : i32
      %mul3A_178 = arith.muli %arg1, %mul3A_177 : i32
      %mul3A_179 = arith.constant 128 : i32
      %mul3A_180 = arith.muli %add3A_176, %mul3A_179 : i32
      %add3A_181 = arith.addi %mul3A_178, %mul3A_180 : i32
      "tpu.region"() ({
        %run_scoped3A = tpu.sem_alloc : memref<!tpu.dma_semaphore, #tpu.memory_space<semaphore_mem>>
        %dma_start3A_182 = arith.constant 0 : i32
        %dma_start3A_183 = tpu.memref_slice %arg10[%add3A_181, %dma_start3A_182] : memref<10240x128xf32, #tpu.memory_space<vmem_shared>> -> memref<128x128xf32, #tpu.memory_space<vmem_shared>>
        %dma_start3A_184 = arith.constant 0 : i32
        %dma_start3A_185 = tpu.memref_slice %arg10[%add3A_181, %dma_start3A_184] : memref<10240x128xf32, #tpu.memory_space<vmem_shared>> -> memref<128x128xf32, #tpu.memory_space<vmem_shared>>
        tpu.enqueue_dma source(%arg8 : memref<128x128xf32, #tpu.memory_space<vmem>>) target(%dma_start3A_185 : memref<128x128xf32, #tpu.memory_space<vmem_shared>>) target_semaphore(%run_scoped3A : memref<!tpu.dma_semaphore, #tpu.memory_space<semaphore_mem>>)
        %dma_wait3A_186 = arith.constant 0 : i32
        %dma_wait3A_187 = tpu.memref_slice %arg10[%add3A_181, %dma_wait3A_186] : memref<10240x128xf32, #tpu.memory_space<vmem_shared>> -> memref<128x128xf32, #tpu.memory_space<vmem_shared>>
        %dma_wait3A_188 = arith.constant 0 : i32
        %dma_wait3A_189 = tpu.memref_slice %arg10[%add3A_181, %dma_wait3A_188] : memref<10240x128xf32, #tpu.memory_space<vmem_shared>> -> memref<128x128xf32, #tpu.memory_space<vmem_shared>>
        tpu.wait_dma2 semaphore(%run_scoped3A : memref<!tpu.dma_semaphore, #tpu.memory_space<semaphore_mem>>) src(%arg8 : memref<128x128xf32, #tpu.memory_space<vmem>>) dst(%dma_wait3A_189 : memref<128x128xf32, #tpu.memory_space<vmem_shared>>)
        tpu.yield
      }) : () -> ()
    }
    %scan3A_120 = arith.constant 5 : i32
    %barrier3A = arith.constant 0 : index
    tpu.barrier barrier_id(%barrier3A)
    %dma_wait3A = arith.constant 0 : i32
    %dma_wait3A_121 = arith.constant 0 : i32
    %dma_wait3A_122 = arith.constant 0 : i32
    %dma_wait3A_123 = tpu.memref_slice %arg6[%dma_wait3A_121, %dma_wait3A_122] : memref<4x128xi32, #tpu.memory_space<vmem>> -> memref<1x128xi32, #tpu.memory_space<vmem>>
    %dma_wait3A_124 = tpu.memref_squeeze %dma_wait3A_123 : memref<1x128xi32, #tpu.memory_space<vmem>> -> memref<128xi32, #tpu.memory_space<vmem>>
    %dma_wait3A_125 = arith.constant 0 : i32
    %dma_wait3A_126 = tpu.memref_slice %arg3[%add3A, %dma_wait3A, %dma_wait3A_125] : memref<32x80x128xi32, #tpu.memory_space<hbm>> -> memref<1x1x128xi32, #tpu.memory_space<hbm>>
    %dma_wait3A_127 = tpu.memref_squeeze %dma_wait3A_126 : memref<1x1x128xi32, #tpu.memory_space<hbm>> -> memref<128xi32, #tpu.memory_space<hbm>>
    %dma_wait3A_128 = arith.constant 0 : i32
    %dma_wait3A_129 = tpu.memref_slice %arg6[%dma_wait3A_121, %dma_wait3A_128] : memref<4x128xi32, #tpu.memory_space<vmem>> -> memref<1x128xi32, #tpu.memory_space<vmem>>
    %dma_wait3A_130 = tpu.memref_squeeze %dma_wait3A_129 : memref<1x128xi32, #tpu.memory_space<vmem>> -> memref<128xi32, #tpu.memory_space<vmem>>
    %dma_wait3A_131 = arith.constant 0 : i32
    %dma_wait3A_132 = tpu.memref_slice %arg3[%add3A, %dma_wait3A, %dma_wait3A_131] : memref<32x80x128xi32, #tpu.memory_space<hbm>> -> memref<1x1x128xi32, #tpu.memory_space<hbm>>
    %dma_wait3A_133 = tpu.memref_squeeze %dma_wait3A_132 : memref<1x1x128xi32, #tpu.memory_space<hbm>> -> memref<128xi32, #tpu.memory_space<hbm>>
    tpu.wait_dma2 semaphore(%arg11 : memref<!tpu.dma_semaphore, #tpu.memory_space<semaphore_mem>>) src(%dma_wait3A_133 : memref<128xi32, #tpu.memory_space<hbm>>) dst(%dma_wait3A_130 : memref<128xi32, #tpu.memory_space<vmem>>)
    %dma_start3A_134 = arith.constant 0 : i32
    %dma_start3A_135 = arith.constant 0 : i32
    %dma_start3A_136 = tpu.memref_slice %arg6[%dma_start3A_134, %dma_start3A_135] : memref<4x128xi32, #tpu.memory_space<vmem>> -> memref<1x128xi32, #tpu.memory_space<vmem>>
    %dma_start3A_137 = tpu.memref_squeeze %dma_start3A_136 : memref<1x128xi32, #tpu.memory_space<vmem>> -> memref<128xi32, #tpu.memory_space<vmem>>
    %dma_start3A_138 = arith.constant 0 : i32
    %dma_start3A_139 = arith.constant 0 : i32
    %dma_start3A_140 = tpu.memref_slice %arg2[%dma_start3A_138, %dma_start3A_139] : memref<10240x128xf32, #tpu.memory_space<hbm>> -> memref<10240x128xf32, #tpu.memory_space<hbm>>
    tpu.enqueue_indirect_dma source(%dma_start3A_140 : memref<10240x128xf32, #tpu.memory_space<hbm>>) target(%arg8 : memref<128x128xf32, #tpu.memory_space<vmem>>) offsets(%dma_start3A_137 : memref<128xi32, #tpu.memory_space<vmem>>) semaphore(%arg19 : memref<!tpu.dma_semaphore, #tpu.memory_space<semaphore_mem>>)
    %dma_wait3A_141 = arith.constant 1 : i32
    %dma_wait3A_142 = arith.constant 1 : i32
    %dma_wait3A_143 = arith.constant 0 : i32
    %dma_wait3A_144 = tpu.memref_slice %arg6[%dma_wait3A_142, %dma_wait3A_143] : memref<4x128xi32, #tpu.memory_space<vmem>> -> memref<1x128xi32, #tpu.memory_space<vmem>>
    %dma_wait3A_145 = tpu.memref_squeeze %dma_wait3A_144 : memref<1x128xi32, #tpu.memory_space<vmem>> -> memref<128xi32, #tpu.memory_space<vmem>>
    %dma_wait3A_146 = arith.constant 0 : i32
    %dma_wait3A_147 = tpu.memref_slice %arg3[%add3A, %dma_wait3A_141, %dma_wait3A_146] : memref<32x80x128xi32, #tpu.memory_space<hbm>> -> memref<1x1x128xi32, #tpu.memory_space<hbm>>
    %dma_wait3A_148 = tpu.memref_squeeze %dma_wait3A_147 : memref<1x1x128xi32, #tpu.memory_space<hbm>> -> memref<128xi32, #tpu.memory_space<hbm>>
    %dma_wait3A_149 = arith.constant 0 : i32
    %dma_wait3A_150 = tpu.memref_slice %arg6[%dma_wait3A_142, %dma_wait3A_149] : memref<4x128xi32, #tpu.memory_space<vmem>> -> memref<1x128xi32, #tpu.memory_space<vmem>>
    %dma_wait3A_151 = tpu.memref_squeeze %dma_wait3A_150 : memref<1x128xi32, #tpu.memory_space<vmem>> -> memref<128xi32, #tpu.memory_space<vmem>>
    %dma_wait3A_152 = arith.constant 0 : i32
    %dma_wait3A_153 = tpu.memref_slice %arg3[%add3A, %dma_wait3A_141, %dma_wait3A_152] : memref<32x80x128xi32, #tpu.memory_space<hbm>> -> memref<1x1x128xi32, #tpu.memory_space<hbm>>
    %dma_wait3A_154 = tpu.memref_squeeze %dma_wait3A_153 : memref<1x1x128xi32, #tpu.memory_space<hbm>> -> memref<128xi32, #tpu.memory_space<hbm>>
    tpu.wait_dma2 semaphore(%arg12 : memref<!tpu.dma_semaphore, #tpu.memory_space<semaphore_mem>>) src(%dma_wait3A_154 : memref<128xi32, #tpu.memory_space<hbm>>) dst(%dma_wait3A_151 : memref<128xi32, #tpu.memory_space<vmem>>)
    %dma_start3A_155 = arith.constant 1 : i32
    %dma_start3A_156 = arith.constant 0 : i32
    %dma_start3A_157 = tpu.memref_slice %arg6[%dma_start3A_155, %dma_start3A_156] : memref<4x128xi32, #tpu.memory_space<vmem>> -> memref<1x128xi32, #tpu.memory_space<vmem>>
    %dma_start3A_158 = tpu.memref_squeeze %dma_start3A_157 : memref<1x128xi32, #tpu.memory_space<vmem>> -> memref<128xi32, #tpu.memory_space<vmem>>
    %dma_start3A_159 = arith.constant 0 : i32
    %dma_start3A_160 = arith.constant 0 : i32
    %dma_start3A_161 = tpu.memref_slice %arg2[%dma_start3A_159, %dma_start3A_160] : memref<10240x128xf32, #tpu.memory_space<hbm>> -> memref<10240x128xf32, #tpu.memory_space<hbm>>
    tpu.enqueue_indirect_dma source(%dma_start3A_161 : memref<10240x128xf32, #tpu.memory_space<hbm>>) target(%arg9 : memref<128x128xf32, #tpu.memory_space<vmem>>) offsets(%dma_start3A_158 : memref<128xi32, #tpu.memory_space<vmem>>) semaphore(%arg20 : memref<!tpu.dma_semaphore, #tpu.memory_space<semaphore_mem>>)
    %scan3A_162 = arith.constant 0 : i32
    %scan3A_163 = arith.constant 20 : i32
    %scan3A_164 = arith.addi %scan3A_162, %scan3A_163 : i32
    %scan3A_165 = arith.constant 1 : i32
    scf.for %scan3A_172 = %scan3A_162 to %scan3A_164 step %scan3A_165  : i32 {
      %mul3A_173 = arith.constant 1 : i32
      %mul3A_174 = arith.muli %scan3A_172, %mul3A_173 : i32
      %add3A_175 = arith.constant 0 : i32
      %add3A_176 = arith.addi %add3A_175, %mul3A_174 : i32
      %mul3A_177 = arith.constant 4 : i32
      %mul3A_178 = arith.muli %add3A_176, %mul3A_177 : i32
      %add3A_179 = arith.constant 0 : i32
      %add3A_180 = arith.addi %mul3A_178, %add3A_179 : i32
      %dma_wait3A_181 = arith.constant 0 : i32
      %dma_wait3A_182 = arith.constant 0 : i32
      %dma_wait3A_183 = tpu.memref_slice %arg7[%dma_wait3A_181, %dma_wait3A_182] : memref<4x128xi32, #tpu.memory_space<vmem>> -> memref<1x128xi32, #tpu.memory_space<vmem>>
      %dma_wait3A_184 = tpu.memref_squeeze %dma_wait3A_183 : memref<1x128xi32, #tpu.memory_space<vmem>> -> memref<128xi32, #tpu.memory_space<vmem>>
      %dma_wait3A_185 = arith.constant 0 : i32
      %dma_wait3A_186 = tpu.memref_slice %arg4[%add3A, %add3A_180, %dma_wait3A_185] : memref<32x80x128xi32, #tpu.memory_space<hbm>> -> memref<1x1x128xi32, #tpu.memory_space<hbm>>
      %dma_wait3A_187 = tpu.memref_squeeze %dma_wait3A_186 : memref<1x1x128xi32, #tpu.memory_space<hbm>> -> memref<128xi32, #tpu.memory_space<hbm>>
      %dma_wait3A_188 = arith.constant 0 : i32
      %dma_wait3A_189 = tpu.memref_slice %arg7[%dma_wait3A_181, %dma_wait3A_188] : memref<4x128xi32, #tpu.memory_space<vmem>> -> memref<1x128xi32, #tpu.memory_space<vmem>>
      %dma_wait3A_190 = tpu.memref_squeeze %dma_wait3A_189 : memref<1x128xi32, #tpu.memory_space<vmem>> -> memref<128xi32, #tpu.memory_space<vmem>>
      %dma_wait3A_191 = arith.constant 0 : i32
      %dma_wait3A_192 = tpu.memref_slice %arg4[%add3A, %add3A_180, %dma_wait3A_191] : memref<32x80x128xi32, #tpu.memory_space<hbm>> -> memref<1x1x128xi32, #tpu.memory_space<hbm>>
      %dma_wait3A_193 = tpu.memref_squeeze %dma_wait3A_192 : memref<1x1x128xi32, #tpu.memory_space<hbm>> -> memref<128xi32, #tpu.memory_space<hbm>>
      tpu.wait_dma2 semaphore(%arg15 : memref<!tpu.dma_semaphore, #tpu.memory_space<semaphore_mem>>) src(%dma_wait3A_193 : memref<128xi32, #tpu.memory_space<hbm>>) dst(%dma_wait3A_190 : memref<128xi32, #tpu.memory_space<vmem>>)
      %dma_wait3A_194 = arith.constant 0 : i32
      %dma_wait3A_195 = arith.constant 0 : i32
      %dma_wait3A_196 = tpu.memref_slice %arg6[%dma_wait3A_194, %dma_wait3A_195] : memref<4x128xi32, #tpu.memory_space<vmem>> -> memref<1x128xi32, #tpu.memory_space<vmem>>
      %dma_wait3A_197 = tpu.memref_squeeze %dma_wait3A_196 : memref<1x128xi32, #tpu.memory_space<vmem>> -> memref<128xi32, #tpu.memory_space<vmem>>
      %dma_wait3A_198 = arith.constant 0 : i32
      %dma_wait3A_199 = arith.constant 0 : i32
      %dma_wait3A_200 = tpu.memref_slice %arg2[%dma_wait3A_198, %dma_wait3A_199] : memref<10240x128xf32, #tpu.memory_space<hbm>> -> memref<10240x128xf32, #tpu.memory_space<hbm>>
      tpu.wait_indirect_dma semaphore(%arg19 : memref<!tpu.dma_semaphore, #tpu.memory_space<semaphore_mem>>) src(%dma_wait3A_200 : memref<10240x128xf32, #tpu.memory_space<hbm>>) dst(%arg8 : memref<128x128xf32, #tpu.memory_space<vmem>>)
      %run_scoped3A = arith.constant 0 : i32
      "tpu.region"() ({
        %run_scoped3A_323 = tpu.sem_alloc : memref<!tpu.dma_semaphore, #tpu.memory_space<semaphore_mem>>
        %dma_start3A_324 = arith.constant 0 : i32
        %dma_start3A_325 = tpu.memref_slice %arg7[%run_scoped3A, %dma_start3A_324] : memref<4x128xi32, #tpu.memory_space<vmem>> -> memref<1x128xi32, #tpu.memory_space<vmem>>
        %dma_start3A_326 = tpu.memref_squeeze %dma_start3A_325 : memref<1x128xi32, #tpu.memory_space<vmem>> -> memref<128xi32, #tpu.memory_space<vmem>>
        %dma_start3A_327 = arith.constant 0 : i32
        %dma_start3A_328 = arith.constant 0 : i32
        %dma_start3A_329 = tpu.memref_slice %arg10[%dma_start3A_327, %dma_start3A_328] : memref<10240x128xf32, #tpu.memory_space<vmem_shared>> -> memref<10240x128xf32, #tpu.memory_space<vmem_shared>>
        tpu.enqueue_indirect_dma source(%arg8 : memref<128x128xf32, #tpu.memory_space<vmem>>) target(%dma_start3A_329 : memref<10240x128xf32, #tpu.memory_space<vmem_shared>>) offsets(%dma_start3A_326 : memref<128xi32, #tpu.memory_space<vmem>>) semaphore(%run_scoped3A_323 : memref<!tpu.dma_semaphore, #tpu.memory_space<semaphore_mem>>) {add = true}
        %dma_wait3A_330 = arith.constant 0 : i32
        %dma_wait3A_331 = tpu.memref_slice %arg7[%run_scoped3A, %dma_wait3A_330] : memref<4x128xi32, #tpu.memory_space<vmem>> -> memref<1x128xi32, #tpu.memory_space<vmem>>
        %dma_wait3A_332 = tpu.memref_squeeze %dma_wait3A_331 : memref<1x128xi32, #tpu.memory_space<vmem>> -> memref<128xi32, #tpu.memory_space<vmem>>
        %dma_wait3A_333 = arith.constant 0 : i32
        %dma_wait3A_334 = arith.constant 0 : i32
        %dma_wait3A_335 = tpu.memref_slice %arg10[%dma_wait3A_333, %dma_wait3A_334] : memref<10240x128xf32, #tpu.memory_space<vmem_shared>> -> memref<10240x128xf32, #tpu.memory_space<vmem_shared>>
        tpu.wait_indirect_dma semaphore(%run_scoped3A_323 : memref<!tpu.dma_semaphore, #tpu.memory_space<semaphore_mem>>) src(%arg8 : memref<128x128xf32, #tpu.memory_space<vmem>>) dst(%dma_wait3A_335 : memref<10240x128xf32, #tpu.memory_space<vmem_shared>>)
        tpu.yield
      }) : () -> ()
      %add3A_201 = arith.constant 2 : i32
      %add3A_202 = arith.addi %add3A_180, %add3A_201 : i32
      %lt3A = arith.constant 80 : i32
      %lt3A_203 = arith.cmpi slt, %add3A_202, %lt3A : i32
      %convert_element_type3A = arith.extui %lt3A_203 : i1 to i32
      %cond3A = arith.constant 0 : i32
      %cond3A_204 = arith.cmpi ne, %convert_element_type3A, %cond3A : i32
      scf.if %cond3A_204 {
        %add3A_323 = arith.constant 2 : i32
        %add3A_324 = arith.addi %add3A_180, %add3A_323 : i32
        %dma_wait3A_325 = arith.constant 2 : i32
        %dma_wait3A_326 = arith.constant 0 : i32
        %dma_wait3A_327 = tpu.memref_slice %arg6[%dma_wait3A_325, %dma_wait3A_326] : memref<4x128xi32, #tpu.memory_space<vmem>> -> memref<1x128xi32, #tpu.memory_space<vmem>>
        %dma_wait3A_328 = tpu.memref_squeeze %dma_wait3A_327 : memref<1x128xi32, #tpu.memory_space<vmem>> -> memref<128xi32, #tpu.memory_space<vmem>>
        %dma_wait3A_329 = arith.constant 0 : i32
        %dma_wait3A_330 = tpu.memref_slice %arg3[%add3A, %add3A_324, %dma_wait3A_329] : memref<32x80x128xi32, #tpu.memory_space<hbm>> -> memref<1x1x128xi32, #tpu.memory_space<hbm>>
        %dma_wait3A_331 = tpu.memref_squeeze %dma_wait3A_330 : memref<1x1x128xi32, #tpu.memory_space<hbm>> -> memref<128xi32, #tpu.memory_space<hbm>>
        %dma_wait3A_332 = arith.constant 0 : i32
        %dma_wait3A_333 = tpu.memref_slice %arg6[%dma_wait3A_325, %dma_wait3A_332] : memref<4x128xi32, #tpu.memory_space<vmem>> -> memref<1x128xi32, #tpu.memory_space<vmem>>
        %dma_wait3A_334 = tpu.memref_squeeze %dma_wait3A_333 : memref<1x128xi32, #tpu.memory_space<vmem>> -> memref<128xi32, #tpu.memory_space<vmem>>
        %dma_wait3A_335 = arith.constant 0 : i32
        %dma_wait3A_336 = tpu.memref_slice %arg3[%add3A, %add3A_324, %dma_wait3A_335] : memref<32x80x128xi32, #tpu.memory_space<hbm>> -> memref<1x1x128xi32, #tpu.memory_space<hbm>>
        %dma_wait3A_337 = tpu.memref_squeeze %dma_wait3A_336 : memref<1x1x128xi32, #tpu.memory_space<hbm>> -> memref<128xi32, #tpu.memory_space<hbm>>
        tpu.wait_dma2 semaphore(%arg13 : memref<!tpu.dma_semaphore, #tpu.memory_space<semaphore_mem>>) src(%dma_wait3A_337 : memref<128xi32, #tpu.memory_space<hbm>>) dst(%dma_wait3A_334 : memref<128xi32, #tpu.memory_space<vmem>>)
        %dma_start3A_338 = arith.constant 2 : i32
        %dma_start3A_339 = arith.constant 0 : i32
        %dma_start3A_340 = tpu.memref_slice %arg6[%dma_start3A_338, %dma_start3A_339] : memref<4x128xi32, #tpu.memory_space<vmem>> -> memref<1x128xi32, #tpu.memory_space<vmem>>
        %dma_start3A_341 = tpu.memref_squeeze %dma_start3A_340 : memref<1x128xi32, #tpu.memory_space<vmem>> -> memref<128xi32, #tpu.memory_space<vmem>>
        %dma_start3A_342 = arith.constant 0 : i32
        %dma_start3A_343 = arith.constant 0 : i32
        %dma_start3A_344 = tpu.memref_slice %arg2[%dma_start3A_342, %dma_start3A_343] : memref<10240x128xf32, #tpu.memory_space<hbm>> -> memref<10240x128xf32, #tpu.memory_space<hbm>>
        tpu.enqueue_indirect_dma source(%dma_start3A_344 : memref<10240x128xf32, #tpu.memory_space<hbm>>) target(%arg8 : memref<128x128xf32, #tpu.memory_space<vmem>>) offsets(%dma_start3A_341 : memref<128xi32, #tpu.memory_space<vmem>>) semaphore(%arg19 : memref<!tpu.dma_semaphore, #tpu.memory_space<semaphore_mem>>)
      } else {
      }
      %add3A_205 = arith.constant 4 : i32
      %add3A_206 = arith.addi %add3A_180, %add3A_205 : i32
      %lt3A_207 = arith.constant 80 : i32
      %lt3A_208 = arith.cmpi slt, %add3A_206, %lt3A_207 : i32
      %convert_element_type3A_209 = arith.extui %lt3A_208 : i1 to i32
      %cond3A_210 = arith.constant 0 : i32
      %cond3A_211 = arith.cmpi ne, %convert_element_type3A_209, %cond3A_210 : i32
      scf.if %cond3A_211 {
        %add3A_323 = arith.constant 4 : i32
        %add3A_324 = arith.addi %add3A_180, %add3A_323 : i32
        %dma_start3A_325 = arith.constant 0 : i32
        %dma_start3A_326 = arith.constant 0 : i32
        %dma_start3A_327 = tpu.memref_slice %arg6[%dma_start3A_325, %dma_start3A_326] : memref<4x128xi32, #tpu.memory_space<vmem>> -> memref<1x128xi32, #tpu.memory_space<vmem>>
        %dma_start3A_328 = tpu.memref_squeeze %dma_start3A_327 : memref<1x128xi32, #tpu.memory_space<vmem>> -> memref<128xi32, #tpu.memory_space<vmem>>
        %dma_start3A_329 = arith.constant 0 : i32
        %dma_start3A_330 = tpu.memref_slice %arg3[%add3A, %add3A_324, %dma_start3A_329] : memref<32x80x128xi32, #tpu.memory_space<hbm>> -> memref<1x1x128xi32, #tpu.memory_space<hbm>>
        %dma_start3A_331 = tpu.memref_squeeze %dma_start3A_330 : memref<1x1x128xi32, #tpu.memory_space<hbm>> -> memref<128xi32, #tpu.memory_space<hbm>>
        %dma_start3A_332 = arith.constant 0 : i32
        %dma_start3A_333 = tpu.memref_slice %arg6[%dma_start3A_325, %dma_start3A_332] : memref<4x128xi32, #tpu.memory_space<vmem>> -> memref<1x128xi32, #tpu.memory_space<vmem>>
        %dma_start3A_334 = tpu.memref_squeeze %dma_start3A_333 : memref<1x128xi32, #tpu.memory_space<vmem>> -> memref<128xi32, #tpu.memory_space<vmem>>
        %dma_start3A_335 = arith.constant 0 : i32
        %dma_start3A_336 = tpu.memref_slice %arg3[%add3A, %add3A_324, %dma_start3A_335] : memref<32x80x128xi32, #tpu.memory_space<hbm>> -> memref<1x1x128xi32, #tpu.memory_space<hbm>>
        %dma_start3A_337 = tpu.memref_squeeze %dma_start3A_336 : memref<1x1x128xi32, #tpu.memory_space<hbm>> -> memref<128xi32, #tpu.memory_space<hbm>>
        tpu.enqueue_dma source(%dma_start3A_337 : memref<128xi32, #tpu.memory_space<hbm>>) target(%dma_start3A_334 : memref<128xi32, #tpu.memory_space<vmem>>) target_semaphore(%arg11 : memref<!tpu.dma_semaphore, #tpu.memory_space<semaphore_mem>>)
        %add3A_338 = arith.constant 4 : i32
        %add3A_339 = arith.addi %add3A_180, %add3A_338 : i32
        %dma_start3A_340 = arith.constant 0 : i32
        %dma_start3A_341 = arith.constant 0 : i32
        %dma_start3A_342 = tpu.memref_slice %arg7[%dma_start3A_340, %dma_start3A_341] : memref<4x128xi32, #tpu.memory_space<vmem>> -> memref<1x128xi32, #tpu.memory_space<vmem>>
        %dma_start3A_343 = tpu.memref_squeeze %dma_start3A_342 : memref<1x128xi32, #tpu.memory_space<vmem>> -> memref<128xi32, #tpu.memory_space<vmem>>
        %dma_start3A_344 = arith.constant 0 : i32
        %dma_start3A_345 = tpu.memref_slice %arg4[%add3A, %add3A_339, %dma_start3A_344] : memref<32x80x128xi32, #tpu.memory_space<hbm>> -> memref<1x1x128xi32, #tpu.memory_space<hbm>>
        %dma_start3A_346 = tpu.memref_squeeze %dma_start3A_345 : memref<1x1x128xi32, #tpu.memory_space<hbm>> -> memref<128xi32, #tpu.memory_space<hbm>>
        %dma_start3A_347 = arith.constant 0 : i32
        %dma_start3A_348 = tpu.memref_slice %arg7[%dma_start3A_340, %dma_start3A_347] : memref<4x128xi32, #tpu.memory_space<vmem>> -> memref<1x128xi32, #tpu.memory_space<vmem>>
        %dma_start3A_349 = tpu.memref_squeeze %dma_start3A_348 : memref<1x128xi32, #tpu.memory_space<vmem>> -> memref<128xi32, #tpu.memory_space<vmem>>
        %dma_start3A_350 = arith.constant 0 : i32
        %dma_start3A_351 = tpu.memref_slice %arg4[%add3A, %add3A_339, %dma_start3A_350] : memref<32x80x128xi32, #tpu.memory_space<hbm>> -> memref<1x1x128xi32, #tpu.memory_space<hbm>>
        %dma_start3A_352 = tpu.memref_squeeze %dma_start3A_351 : memref<1x1x128xi32, #tpu.memory_space<hbm>> -> memref<128xi32, #tpu.memory_space<hbm>>
        tpu.enqueue_dma source(%dma_start3A_352 : memref<128xi32, #tpu.memory_space<hbm>>) target(%dma_start3A_349 : memref<128xi32, #tpu.memory_space<vmem>>) target_semaphore(%arg15 : memref<!tpu.dma_semaphore, #tpu.memory_space<semaphore_mem>>)
      } else {
      }
      %add3A_212 = arith.constant 1 : i32
      %add3A_213 = arith.addi %mul3A_178, %add3A_212 : i32
      %dma_wait3A_214 = arith.constant 1 : i32
      %dma_wait3A_215 = arith.constant 0 : i32
      %dma_wait3A_216 = tpu.memref_slice %arg7[%dma_wait3A_214, %dma_wait3A_215] : memref<4x128xi32, #tpu.memory_space<vmem>> -> memref<1x128xi32, #tpu.memory_space<vmem>>
      %dma_wait3A_217 = tpu.memref_squeeze %dma_wait3A_216 : memref<1x128xi32, #tpu.memory_space<vmem>> -> memref<128xi32, #tpu.memory_space<vmem>>
      %dma_wait3A_218 = arith.constant 0 : i32
      %dma_wait3A_219 = tpu.memref_slice %arg4[%add3A, %add3A_213, %dma_wait3A_218] : memref<32x80x128xi32, #tpu.memory_space<hbm>> -> memref<1x1x128xi32, #tpu.memory_space<hbm>>
      %dma_wait3A_220 = tpu.memref_squeeze %dma_wait3A_219 : memref<1x1x128xi32, #tpu.memory_space<hbm>> -> memref<128xi32, #tpu.memory_space<hbm>>
      %dma_wait3A_221 = arith.constant 0 : i32
      %dma_wait3A_222 = tpu.memref_slice %arg7[%dma_wait3A_214, %dma_wait3A_221] : memref<4x128xi32, #tpu.memory_space<vmem>> -> memref<1x128xi32, #tpu.memory_space<vmem>>
      %dma_wait3A_223 = tpu.memref_squeeze %dma_wait3A_222 : memref<1x128xi32, #tpu.memory_space<vmem>> -> memref<128xi32, #tpu.memory_space<vmem>>
      %dma_wait3A_224 = arith.constant 0 : i32
      %dma_wait3A_225 = tpu.memref_slice %arg4[%add3A, %add3A_213, %dma_wait3A_224] : memref<32x80x128xi32, #tpu.memory_space<hbm>> -> memref<1x1x128xi32, #tpu.memory_space<hbm>>
      %dma_wait3A_226 = tpu.memref_squeeze %dma_wait3A_225 : memref<1x1x128xi32, #tpu.memory_space<hbm>> -> memref<128xi32, #tpu.memory_space<hbm>>
      tpu.wait_dma2 semaphore(%arg16 : memref<!tpu.dma_semaphore, #tpu.memory_space<semaphore_mem>>) src(%dma_wait3A_226 : memref<128xi32, #tpu.memory_space<hbm>>) dst(%dma_wait3A_223 : memref<128xi32, #tpu.memory_space<vmem>>)
      %dma_wait3A_227 = arith.constant 1 : i32
      %dma_wait3A_228 = arith.constant 0 : i32
      %dma_wait3A_229 = tpu.memref_slice %arg6[%dma_wait3A_227, %dma_wait3A_228] : memref<4x128xi32, #tpu.memory_space<vmem>> -> memref<1x128xi32, #tpu.memory_space<vmem>>
      %dma_wait3A_230 = tpu.memref_squeeze %dma_wait3A_229 : memref<1x128xi32, #tpu.memory_space<vmem>> -> memref<128xi32, #tpu.memory_space<vmem>>
      %dma_wait3A_231 = arith.constant 0 : i32
      %dma_wait3A_232 = arith.constant 0 : i32
      %dma_wait3A_233 = tpu.memref_slice %arg2[%dma_wait3A_231, %dma_wait3A_232] : memref<10240x128xf32, #tpu.memory_space<hbm>> -> memref<10240x128xf32, #tpu.memory_space<hbm>>
      tpu.wait_indirect_dma semaphore(%arg20 : memref<!tpu.dma_semaphore, #tpu.memory_space<semaphore_mem>>) src(%dma_wait3A_233 : memref<10240x128xf32, #tpu.memory_space<hbm>>) dst(%arg9 : memref<128x128xf32, #tpu.memory_space<vmem>>)
      %run_scoped3A_234 = arith.constant 1 : i32
      "tpu.region"() ({
        %run_scoped3A_323 = tpu.sem_alloc : memref<!tpu.dma_semaphore, #tpu.memory_space<semaphore_mem>>
        %dma_start3A_324 = arith.constant 0 : i32
        %dma_start3A_325 = tpu.memref_slice %arg7[%run_scoped3A_234, %dma_start3A_324] : memref<4x128xi32, #tpu.memory_space<vmem>> -> memref<1x128xi32, #tpu.memory_space<vmem>>
        %dma_start3A_326 = tpu.memref_squeeze %dma_start3A_325 : memref<1x128xi32, #tpu.memory_space<vmem>> -> memref<128xi32, #tpu.memory_space<vmem>>
        %dma_start3A_327 = arith.constant 0 : i32
        %dma_start3A_328 = arith.constant 0 : i32
        %dma_start3A_329 = tpu.memref_slice %arg10[%dma_start3A_327, %dma_start3A_328] : memref<10240x128xf32, #tpu.memory_space<vmem_shared>> -> memref<10240x128xf32, #tpu.memory_space<vmem_shared>>
        tpu.enqueue_indirect_dma source(%arg9 : memref<128x128xf32, #tpu.memory_space<vmem>>) target(%dma_start3A_329 : memref<10240x128xf32, #tpu.memory_space<vmem_shared>>) offsets(%dma_start3A_326 : memref<128xi32, #tpu.memory_space<vmem>>) semaphore(%run_scoped3A_323 : memref<!tpu.dma_semaphore, #tpu.memory_space<semaphore_mem>>) {add = true}
        %dma_wait3A_330 = arith.constant 0 : i32
        %dma_wait3A_331 = tpu.memref_slice %arg7[%run_scoped3A_234, %dma_wait3A_330] : memref<4x128xi32, #tpu.memory_space<vmem>> -> memref<1x128xi32, #tpu.memory_space<vmem>>
        %dma_wait3A_332 = tpu.memref_squeeze %dma_wait3A_331 : memref<1x128xi32, #tpu.memory_space<vmem>> -> memref<128xi32, #tpu.memory_space<vmem>>
        %dma_wait3A_333 = arith.constant 0 : i32
        %dma_wait3A_334 = arith.constant 0 : i32
        %dma_wait3A_335 = tpu.memref_slice %arg10[%dma_wait3A_333, %dma_wait3A_334] : memref<10240x128xf32, #tpu.memory_space<vmem_shared>> -> memref<10240x128xf32, #tpu.memory_space<vmem_shared>>
        tpu.wait_indirect_dma semaphore(%run_scoped3A_323 : memref<!tpu.dma_semaphore, #tpu.memory_space<semaphore_mem>>) src(%arg9 : memref<128x128xf32, #tpu.memory_space<vmem>>) dst(%dma_wait3A_335 : memref<10240x128xf32, #tpu.memory_space<vmem_shared>>)
        tpu.yield
      }) : () -> ()
      %add3A_235 = arith.constant 2 : i32
      %add3A_236 = arith.addi %add3A_213, %add3A_235 : i32
      %lt3A_237 = arith.constant 80 : i32
      %lt3A_238 = arith.cmpi slt, %add3A_236, %lt3A_237 : i32
      %convert_element_type3A_239 = arith.extui %lt3A_238 : i1 to i32
      %cond3A_240 = arith.constant 0 : i32
      %cond3A_241 = arith.cmpi ne, %convert_element_type3A_239, %cond3A_240 : i32
      scf.if %cond3A_241 {
        %add3A_323 = arith.constant 2 : i32
        %add3A_324 = arith.addi %add3A_213, %add3A_323 : i32
        %dma_wait3A_325 = arith.constant 3 : i32
        %dma_wait3A_326 = arith.constant 0 : i32
        %dma_wait3A_327 = tpu.memref_slice %arg6[%dma_wait3A_325, %dma_wait3A_326] : memref<4x128xi32, #tpu.memory_space<vmem>> -> memref<1x128xi32, #tpu.memory_space<vmem>>
        %dma_wait3A_328 = tpu.memref_squeeze %dma_wait3A_327 : memref<1x128xi32, #tpu.memory_space<vmem>> -> memref<128xi32, #tpu.memory_space<vmem>>
        %dma_wait3A_329 = arith.constant 0 : i32
        %dma_wait3A_330 = tpu.memref_slice %arg3[%add3A, %add3A_324, %dma_wait3A_329] : memref<32x80x128xi32, #tpu.memory_space<hbm>> -> memref<1x1x128xi32, #tpu.memory_space<hbm>>
        %dma_wait3A_331 = tpu.memref_squeeze %dma_wait3A_330 : memref<1x1x128xi32, #tpu.memory_space<hbm>> -> memref<128xi32, #tpu.memory_space<hbm>>
        %dma_wait3A_332 = arith.constant 0 : i32
        %dma_wait3A_333 = tpu.memref_slice %arg6[%dma_wait3A_325, %dma_wait3A_332] : memref<4x128xi32, #tpu.memory_space<vmem>> -> memref<1x128xi32, #tpu.memory_space<vmem>>
        %dma_wait3A_334 = tpu.memref_squeeze %dma_wait3A_333 : memref<1x128xi32, #tpu.memory_space<vmem>> -> memref<128xi32, #tpu.memory_space<vmem>>
        %dma_wait3A_335 = arith.constant 0 : i32
        %dma_wait3A_336 = tpu.memref_slice %arg3[%add3A, %add3A_324, %dma_wait3A_335] : memref<32x80x128xi32, #tpu.memory_space<hbm>> -> memref<1x1x128xi32, #tpu.memory_space<hbm>>
        %dma_wait3A_337 = tpu.memref_squeeze %dma_wait3A_336 : memref<1x1x128xi32, #tpu.memory_space<hbm>> -> memref<128xi32, #tpu.memory_space<hbm>>
        tpu.wait_dma2 semaphore(%arg14 : memref<!tpu.dma_semaphore, #tpu.memory_space<semaphore_mem>>) src(%dma_wait3A_337 : memref<128xi32, #tpu.memory_space<hbm>>) dst(%dma_wait3A_334 : memref<128xi32, #tpu.memory_space<vmem>>)
        %dma_start3A_338 = arith.constant 3 : i32
        %dma_start3A_339 = arith.constant 0 : i32
        %dma_start3A_340 = tpu.memref_slice %arg6[%dma_start3A_338, %dma_start3A_339] : memref<4x128xi32, #tpu.memory_space<vmem>> -> memref<1x128xi32, #tpu.memory_space<vmem>>
        %dma_start3A_341 = tpu.memref_squeeze %dma_start3A_340 : memref<1x128xi32, #tpu.memory_space<vmem>> -> memref<128xi32, #tpu.memory_space<vmem>>
        %dma_start3A_342 = arith.constant 0 : i32
        %dma_start3A_343 = arith.constant 0 : i32
        %dma_start3A_344 = tpu.memref_slice %arg2[%dma_start3A_342, %dma_start3A_343] : memref<10240x128xf32, #tpu.memory_space<hbm>> -> memref<10240x128xf32, #tpu.memory_space<hbm>>
        tpu.enqueue_indirect_dma source(%dma_start3A_344 : memref<10240x128xf32, #tpu.memory_space<hbm>>) target(%arg9 : memref<128x128xf32, #tpu.memory_space<vmem>>) offsets(%dma_start3A_341 : memref<128xi32, #tpu.memory_space<vmem>>) semaphore(%arg20 : memref<!tpu.dma_semaphore, #tpu.memory_space<semaphore_mem>>)
      } else {
      }
      %add3A_242 = arith.constant 4 : i32
      %add3A_243 = arith.addi %add3A_213, %add3A_242 : i32
      %lt3A_244 = arith.constant 80 : i32
      %lt3A_245 = arith.cmpi slt, %add3A_243, %lt3A_244 : i32
      %convert_element_type3A_246 = arith.extui %lt3A_245 : i1 to i32
      %cond3A_247 = arith.constant 0 : i32
      %cond3A_248 = arith.cmpi ne, %convert_element_type3A_246, %cond3A_247 : i32
      scf.if %cond3A_248 {
        %add3A_323 = arith.constant 4 : i32
        %add3A_324 = arith.addi %add3A_213, %add3A_323 : i32
        %dma_start3A_325 = arith.constant 1 : i32
        %dma_start3A_326 = arith.constant 0 : i32
        %dma_start3A_327 = tpu.memref_slice %arg6[%dma_start3A_325, %dma_start3A_326] : memref<4x128xi32, #tpu.memory_space<vmem>> -> memref<1x128xi32, #tpu.memory_space<vmem>>
        %dma_start3A_328 = tpu.memref_squeeze %dma_start3A_327 : memref<1x128xi32, #tpu.memory_space<vmem>> -> memref<128xi32, #tpu.memory_space<vmem>>
        %dma_start3A_329 = arith.constant 0 : i32
        %dma_start3A_330 = tpu.memref_slice %arg3[%add3A, %add3A_324, %dma_start3A_329] : memref<32x80x128xi32, #tpu.memory_space<hbm>> -> memref<1x1x128xi32, #tpu.memory_space<hbm>>
        %dma_start3A_331 = tpu.memref_squeeze %dma_start3A_330 : memref<1x1x128xi32, #tpu.memory_space<hbm>> -> memref<128xi32, #tpu.memory_space<hbm>>
        %dma_start3A_332 = arith.constant 0 : i32
        %dma_start3A_333 = tpu.memref_slice %arg6[%dma_start3A_325, %dma_start3A_332] : memref<4x128xi32, #tpu.memory_space<vmem>> -> memref<1x128xi32, #tpu.memory_space<vmem>>
        %dma_start3A_334 = tpu.memref_squeeze %dma_start3A_333 : memref<1x128xi32, #tpu.memory_space<vmem>> -> memref<128xi32, #tpu.memory_space<vmem>>
        %dma_start3A_335 = arith.constant 0 : i32
        %dma_start3A_336 = tpu.memref_slice %arg3[%add3A, %add3A_324, %dma_start3A_335] : memref<32x80x128xi32, #tpu.memory_space<hbm>> -> memref<1x1x128xi32, #tpu.memory_space<hbm>>
        %dma_start3A_337 = tpu.memref_squeeze %dma_start3A_336 : memref<1x1x128xi32, #tpu.memory_space<hbm>> -> memref<128xi32, #tpu.memory_space<hbm>>
        tpu.enqueue_dma source(%dma_start3A_337 : memref<128xi32, #tpu.memory_space<hbm>>) target(%dma_start3A_334 : memref<128xi32, #tpu.memory_space<vmem>>) target_semaphore(%arg12 : memref<!tpu.dma_semaphore, #tpu.memory_space<semaphore_mem>>)
        %add3A_338 = arith.constant 4 : i32
        %add3A_339 = arith.addi %add3A_213, %add3A_338 : i32
        %dma_start3A_340 = arith.constant 1 : i32
        %dma_start3A_341 = arith.constant 0 : i32
        %dma_start3A_342 = tpu.memref_slice %arg7[%dma_start3A_340, %dma_start3A_341] : memref<4x128xi32, #tpu.memory_space<vmem>> -> memref<1x128xi32, #tpu.memory_space<vmem>>
        %dma_start3A_343 = tpu.memref_squeeze %dma_start3A_342 : memref<1x128xi32, #tpu.memory_space<vmem>> -> memref<128xi32, #tpu.memory_space<vmem>>
        %dma_start3A_344 = arith.constant 0 : i32
        %dma_start3A_345 = tpu.memref_slice %arg4[%add3A, %add3A_339, %dma_start3A_344] : memref<32x80x128xi32, #tpu.memory_space<hbm>> -> memref<1x1x128xi32, #tpu.memory_space<hbm>>
        %dma_start3A_346 = tpu.memref_squeeze %dma_start3A_345 : memref<1x1x128xi32, #tpu.memory_space<hbm>> -> memref<128xi32, #tpu.memory_space<hbm>>
        %dma_start3A_347 = arith.constant 0 : i32
        %dma_start3A_348 = tpu.memref_slice %arg7[%dma_start3A_340, %dma_start3A_347] : memref<4x128xi32, #tpu.memory_space<vmem>> -> memref<1x128xi32, #tpu.memory_space<vmem>>
        %dma_start3A_349 = tpu.memref_squeeze %dma_start3A_348 : memref<1x128xi32, #tpu.memory_space<vmem>> -> memref<128xi32, #tpu.memory_space<vmem>>
        %dma_start3A_350 = arith.constant 0 : i32
        %dma_start3A_351 = tpu.memref_slice %arg4[%add3A, %add3A_339, %dma_start3A_350] : memref<32x80x128xi32, #tpu.memory_space<hbm>> -> memref<1x1x128xi32, #tpu.memory_space<hbm>>
        %dma_start3A_352 = tpu.memref_squeeze %dma_start3A_351 : memref<1x1x128xi32, #tpu.memory_space<hbm>> -> memref<128xi32, #tpu.memory_space<hbm>>
        tpu.enqueue_dma source(%dma_start3A_352 : memref<128xi32, #tpu.memory_space<hbm>>) target(%dma_start3A_349 : memref<128xi32, #tpu.memory_space<vmem>>) target_semaphore(%arg16 : memref<!tpu.dma_semaphore, #tpu.memory_space<semaphore_mem>>)
      } else {
      }
      %add3A_249 = arith.constant 2 : i32
      %add3A_250 = arith.addi %mul3A_178, %add3A_249 : i32
      %dma_wait3A_251 = arith.constant 2 : i32
      %dma_wait3A_252 = arith.constant 0 : i32
      %dma_wait3A_253 = tpu.memref_slice %arg7[%dma_wait3A_251, %dma_wait3A_252] : memref<4x128xi32, #tpu.memory_space<vmem>> -> memref<1x128xi32, #tpu.memory_space<vmem>>
      %dma_wait3A_254 = tpu.memref_squeeze %dma_wait3A_253 : memref<1x128xi32, #tpu.memory_space<vmem>> -> memref<128xi32, #tpu.memory_space<vmem>>
      %dma_wait3A_255 = arith.constant 0 : i32
      %dma_wait3A_256 = tpu.memref_slice %arg4[%add3A, %add3A_250, %dma_wait3A_255] : memref<32x80x128xi32, #tpu.memory_space<hbm>> -> memref<1x1x128xi32, #tpu.memory_space<hbm>>
      %dma_wait3A_257 = tpu.memref_squeeze %dma_wait3A_256 : memref<1x1x128xi32, #tpu.memory_space<hbm>> -> memref<128xi32, #tpu.memory_space<hbm>>
      %dma_wait3A_258 = arith.constant 0 : i32
      %dma_wait3A_259 = tpu.memref_slice %arg7[%dma_wait3A_251, %dma_wait3A_258] : memref<4x128xi32, #tpu.memory_space<vmem>> -> memref<1x128xi32, #tpu.memory_space<vmem>>
      %dma_wait3A_260 = tpu.memref_squeeze %dma_wait3A_259 : memref<1x128xi32, #tpu.memory_space<vmem>> -> memref<128xi32, #tpu.memory_space<vmem>>
      %dma_wait3A_261 = arith.constant 0 : i32
      %dma_wait3A_262 = tpu.memref_slice %arg4[%add3A, %add3A_250, %dma_wait3A_261] : memref<32x80x128xi32, #tpu.memory_space<hbm>> -> memref<1x1x128xi32, #tpu.memory_space<hbm>>
      %dma_wait3A_263 = tpu.memref_squeeze %dma_wait3A_262 : memref<1x1x128xi32, #tpu.memory_space<hbm>> -> memref<128xi32, #tpu.memory_space<hbm>>
      tpu.wait_dma2 semaphore(%arg17 : memref<!tpu.dma_semaphore, #tpu.memory_space<semaphore_mem>>) src(%dma_wait3A_263 : memref<128xi32, #tpu.memory_space<hbm>>) dst(%dma_wait3A_260 : memref<128xi32, #tpu.memory_space<vmem>>)
      %dma_wait3A_264 = arith.constant 2 : i32
      %dma_wait3A_265 = arith.constant 0 : i32
      %dma_wait3A_266 = tpu.memref_slice %arg6[%dma_wait3A_264, %dma_wait3A_265] : memref<4x128xi32, #tpu.memory_space<vmem>> -> memref<1x128xi32, #tpu.memory_space<vmem>>
      %dma_wait3A_267 = tpu.memref_squeeze %dma_wait3A_266 : memref<1x128xi32, #tpu.memory_space<vmem>> -> memref<128xi32, #tpu.memory_space<vmem>>
      %dma_wait3A_268 = arith.constant 0 : i32
      %dma_wait3A_269 = arith.constant 0 : i32
      %dma_wait3A_270 = tpu.memref_slice %arg2[%dma_wait3A_268, %dma_wait3A_269] : memref<10240x128xf32, #tpu.memory_space<hbm>> -> memref<10240x128xf32, #tpu.memory_space<hbm>>
      tpu.wait_indirect_dma semaphore(%arg19 : memref<!tpu.dma_semaphore, #tpu.memory_space<semaphore_mem>>) src(%dma_wait3A_270 : memref<10240x128xf32, #tpu.memory_space<hbm>>) dst(%arg8 : memref<128x128xf32, #tpu.memory_space<vmem>>)
      %run_scoped3A_271 = arith.constant 2 : i32
      "tpu.region"() ({
        %run_scoped3A_323 = tpu.sem_alloc : memref<!tpu.dma_semaphore, #tpu.memory_space<semaphore_mem>>
        %dma_start3A_324 = arith.constant 0 : i32
        %dma_start3A_325 = tpu.memref_slice %arg7[%run_scoped3A_271, %dma_start3A_324] : memref<4x128xi32, #tpu.memory_space<vmem>> -> memref<1x128xi32, #tpu.memory_space<vmem>>
        %dma_start3A_326 = tpu.memref_squeeze %dma_start3A_325 : memref<1x128xi32, #tpu.memory_space<vmem>> -> memref<128xi32, #tpu.memory_space<vmem>>
        %dma_start3A_327 = arith.constant 0 : i32
        %dma_start3A_328 = arith.constant 0 : i32
        %dma_start3A_329 = tpu.memref_slice %arg10[%dma_start3A_327, %dma_start3A_328] : memref<10240x128xf32, #tpu.memory_space<vmem_shared>> -> memref<10240x128xf32, #tpu.memory_space<vmem_shared>>
        tpu.enqueue_indirect_dma source(%arg8 : memref<128x128xf32, #tpu.memory_space<vmem>>) target(%dma_start3A_329 : memref<10240x128xf32, #tpu.memory_space<vmem_shared>>) offsets(%dma_start3A_326 : memref<128xi32, #tpu.memory_space<vmem>>) semaphore(%run_scoped3A_323 : memref<!tpu.dma_semaphore, #tpu.memory_space<semaphore_mem>>) {add = true}
        %dma_wait3A_330 = arith.constant 0 : i32
        %dma_wait3A_331 = tpu.memref_slice %arg7[%run_scoped3A_271, %dma_wait3A_330] : memref<4x128xi32, #tpu.memory_space<vmem>> -> memref<1x128xi32, #tpu.memory_space<vmem>>
        %dma_wait3A_332 = tpu.memref_squeeze %dma_wait3A_331 : memref<1x128xi32, #tpu.memory_space<vmem>> -> memref<128xi32, #tpu.memory_space<vmem>>
        %dma_wait3A_333 = arith.constant 0 : i32
        %dma_wait3A_334 = arith.constant 0 : i32
        %dma_wait3A_335 = tpu.memref_slice %arg10[%dma_wait3A_333, %dma_wait3A_334] : memref<10240x128xf32, #tpu.memory_space<vmem_shared>> -> memref<10240x128xf32, #tpu.memory_space<vmem_shared>>
        tpu.wait_indirect_dma semaphore(%run_scoped3A_323 : memref<!tpu.dma_semaphore, #tpu.memory_space<semaphore_mem>>) src(%arg8 : memref<128x128xf32, #tpu.memory_space<vmem>>) dst(%dma_wait3A_335 : memref<10240x128xf32, #tpu.memory_space<vmem_shared>>)
        tpu.yield
      }) : () -> ()
      %add3A_272 = arith.constant 2 : i32
      %add3A_273 = arith.addi %add3A_250, %add3A_272 : i32
      %lt3A_274 = arith.constant 80 : i32
      %lt3A_275 = arith.cmpi slt, %add3A_273, %lt3A_274 : i32
      %convert_element_type3A_276 = arith.extui %lt3A_275 : i1 to i32
      %cond3A_277 = arith.constant 0 : i32
      %cond3A_278 = arith.cmpi ne, %convert_element_type3A_276, %cond3A_277 : i32
      scf.if %cond3A_278 {
        %add3A_323 = arith.constant 2 : i32
        %add3A_324 = arith.addi %add3A_250, %add3A_323 : i32
        %dma_wait3A_325 = arith.constant 0 : i32
        %dma_wait3A_326 = arith.constant 0 : i32
        %dma_wait3A_327 = tpu.memref_slice %arg6[%dma_wait3A_325, %dma_wait3A_326] : memref<4x128xi32, #tpu.memory_space<vmem>> -> memref<1x128xi32, #tpu.memory_space<vmem>>
        %dma_wait3A_328 = tpu.memref_squeeze %dma_wait3A_327 : memref<1x128xi32, #tpu.memory_space<vmem>> -> memref<128xi32, #tpu.memory_space<vmem>>
        %dma_wait3A_329 = arith.constant 0 : i32
        %dma_wait3A_330 = tpu.memref_slice %arg3[%add3A, %add3A_324, %dma_wait3A_329] : memref<32x80x128xi32, #tpu.memory_space<hbm>> -> memref<1x1x128xi32, #tpu.memory_space<hbm>>
        %dma_wait3A_331 = tpu.memref_squeeze %dma_wait3A_330 : memref<1x1x128xi32, #tpu.memory_space<hbm>> -> memref<128xi32, #tpu.memory_space<hbm>>
        %dma_wait3A_332 = arith.constant 0 : i32
        %dma_wait3A_333 = tpu.memref_slice %arg6[%dma_wait3A_325, %dma_wait3A_332] : memref<4x128xi32, #tpu.memory_space<vmem>> -> memref<1x128xi32, #tpu.memory_space<vmem>>
        %dma_wait3A_334 = tpu.memref_squeeze %dma_wait3A_333 : memref<1x128xi32, #tpu.memory_space<vmem>> -> memref<128xi32, #tpu.memory_space<vmem>>
        %dma_wait3A_335 = arith.constant 0 : i32
        %dma_wait3A_336 = tpu.memref_slice %arg3[%add3A, %add3A_324, %dma_wait3A_335] : memref<32x80x128xi32, #tpu.memory_space<hbm>> -> memref<1x1x128xi32, #tpu.memory_space<hbm>>
        %dma_wait3A_337 = tpu.memref_squeeze %dma_wait3A_336 : memref<1x1x128xi32, #tpu.memory_space<hbm>> -> memref<128xi32, #tpu.memory_space<hbm>>
        tpu.wait_dma2 semaphore(%arg11 : memref<!tpu.dma_semaphore, #tpu.memory_space<semaphore_mem>>) src(%dma_wait3A_337 : memref<128xi32, #tpu.memory_space<hbm>>) dst(%dma_wait3A_334 : memref<128xi32, #tpu.memory_space<vmem>>)
        %dma_start3A_338 = arith.constant 0 : i32
        %dma_start3A_339 = arith.constant 0 : i32
        %dma_start3A_340 = tpu.memref_slice %arg6[%dma_start3A_338, %dma_start3A_339] : memref<4x128xi32, #tpu.memory_space<vmem>> -> memref<1x128xi32, #tpu.memory_space<vmem>>
        %dma_start3A_341 = tpu.memref_squeeze %dma_start3A_340 : memref<1x128xi32, #tpu.memory_space<vmem>> -> memref<128xi32, #tpu.memory_space<vmem>>
        %dma_start3A_342 = arith.constant 0 : i32
        %dma_start3A_343 = arith.constant 0 : i32
        %dma_start3A_344 = tpu.memref_slice %arg2[%dma_start3A_342, %dma_start3A_343] : memref<10240x128xf32, #tpu.memory_space<hbm>> -> memref<10240x128xf32, #tpu.memory_space<hbm>>
        tpu.enqueue_indirect_dma source(%dma_start3A_344 : memref<10240x128xf32, #tpu.memory_space<hbm>>) target(%arg8 : memref<128x128xf32, #tpu.memory_space<vmem>>) offsets(%dma_start3A_341 : memref<128xi32, #tpu.memory_space<vmem>>) semaphore(%arg19 : memref<!tpu.dma_semaphore, #tpu.memory_space<semaphore_mem>>)
      } else {
      }
      %add3A_279 = arith.constant 4 : i32
      %add3A_280 = arith.addi %add3A_250, %add3A_279 : i32
      %lt3A_281 = arith.constant 80 : i32
      %lt3A_282 = arith.cmpi slt, %add3A_280, %lt3A_281 : i32
      %convert_element_type3A_283 = arith.extui %lt3A_282 : i1 to i32
      %cond3A_284 = arith.constant 0 : i32
      %cond3A_285 = arith.cmpi ne, %convert_element_type3A_283, %cond3A_284 : i32
      scf.if %cond3A_285 {
        %add3A_323 = arith.constant 4 : i32
        %add3A_324 = arith.addi %add3A_250, %add3A_323 : i32
        %dma_start3A_325 = arith.constant 2 : i32
        %dma_start3A_326 = arith.constant 0 : i32
        %dma_start3A_327 = tpu.memref_slice %arg6[%dma_start3A_325, %dma_start3A_326] : memref<4x128xi32, #tpu.memory_space<vmem>> -> memref<1x128xi32, #tpu.memory_space<vmem>>
        %dma_start3A_328 = tpu.memref_squeeze %dma_start3A_327 : memref<1x128xi32, #tpu.memory_space<vmem>> -> memref<128xi32, #tpu.memory_space<vmem>>
        %dma_start3A_329 = arith.constant 0 : i32
        %dma_start3A_330 = tpu.memref_slice %arg3[%add3A, %add3A_324, %dma_start3A_329] : memref<32x80x128xi32, #tpu.memory_space<hbm>> -> memref<1x1x128xi32, #tpu.memory_space<hbm>>
        %dma_start3A_331 = tpu.memref_squeeze %dma_start3A_330 : memref<1x1x128xi32, #tpu.memory_space<hbm>> -> memref<128xi32, #tpu.memory_space<hbm>>
        %dma_start3A_332 = arith.constant 0 : i32
        %dma_start3A_333 = tpu.memref_slice %arg6[%dma_start3A_325, %dma_start3A_332] : memref<4x128xi32, #tpu.memory_space<vmem>> -> memref<1x128xi32, #tpu.memory_space<vmem>>
        %dma_start3A_334 = tpu.memref_squeeze %dma_start3A_333 : memref<1x128xi32, #tpu.memory_space<vmem>> -> memref<128xi32, #tpu.memory_space<vmem>>
        %dma_start3A_335 = arith.constant 0 : i32
        %dma_start3A_336 = tpu.memref_slice %arg3[%add3A, %add3A_324, %dma_start3A_335] : memref<32x80x128xi32, #tpu.memory_space<hbm>> -> memref<1x1x128xi32, #tpu.memory_space<hbm>>
        %dma_start3A_337 = tpu.memref_squeeze %dma_start3A_336 : memref<1x1x128xi32, #tpu.memory_space<hbm>> -> memref<128xi32, #tpu.memory_space<hbm>>
        tpu.enqueue_dma source(%dma_start3A_337 : memref<128xi32, #tpu.memory_space<hbm>>) target(%dma_start3A_334 : memref<128xi32, #tpu.memory_space<vmem>>) target_semaphore(%arg13 : memref<!tpu.dma_semaphore, #tpu.memory_space<semaphore_mem>>)
        %add3A_338 = arith.constant 4 : i32
        %add3A_339 = arith.addi %add3A_250, %add3A_338 : i32
        %dma_start3A_340 = arith.constant 2 : i32
        %dma_start3A_341 = arith.constant 0 : i32
        %dma_start3A_342 = tpu.memref_slice %arg7[%dma_start3A_340, %dma_start3A_341] : memref<4x128xi32, #tpu.memory_space<vmem>> -> memref<1x128xi32, #tpu.memory_space<vmem>>
        %dma_start3A_343 = tpu.memref_squeeze %dma_start3A_342 : memref<1x128xi32, #tpu.memory_space<vmem>> -> memref<128xi32, #tpu.memory_space<vmem>>
        %dma_start3A_344 = arith.constant 0 : i32
        %dma_start3A_345 = tpu.memref_slice %arg4[%add3A, %add3A_339, %dma_start3A_344] : memref<32x80x128xi32, #tpu.memory_space<hbm>> -> memref<1x1x128xi32, #tpu.memory_space<hbm>>
        %dma_start3A_346 = tpu.memref_squeeze %dma_start3A_345 : memref<1x1x128xi32, #tpu.memory_space<hbm>> -> memref<128xi32, #tpu.memory_space<hbm>>
        %dma_start3A_347 = arith.constant 0 : i32
        %dma_start3A_348 = tpu.memref_slice %arg7[%dma_start3A_340, %dma_start3A_347] : memref<4x128xi32, #tpu.memory_space<vmem>> -> memref<1x128xi32, #tpu.memory_space<vmem>>
        %dma_start3A_349 = tpu.memref_squeeze %dma_start3A_348 : memref<1x128xi32, #tpu.memory_space<vmem>> -> memref<128xi32, #tpu.memory_space<vmem>>
        %dma_start3A_350 = arith.constant 0 : i32
        %dma_start3A_351 = tpu.memref_slice %arg4[%add3A, %add3A_339, %dma_start3A_350] : memref<32x80x128xi32, #tpu.memory_space<hbm>> -> memref<1x1x128xi32, #tpu.memory_space<hbm>>
        %dma_start3A_352 = tpu.memref_squeeze %dma_start3A_351 : memref<1x1x128xi32, #tpu.memory_space<hbm>> -> memref<128xi32, #tpu.memory_space<hbm>>
        tpu.enqueue_dma source(%dma_start3A_352 : memref<128xi32, #tpu.memory_space<hbm>>) target(%dma_start3A_349 : memref<128xi32, #tpu.memory_space<vmem>>) target_semaphore(%arg17 : memref<!tpu.dma_semaphore, #tpu.memory_space<semaphore_mem>>)
      } else {
      }
      %add3A_286 = arith.constant 3 : i32
      %add3A_287 = arith.addi %mul3A_178, %add3A_286 : i32
      %dma_wait3A_288 = arith.constant 3 : i32
      %dma_wait3A_289 = arith.constant 0 : i32
      %dma_wait3A_290 = tpu.memref_slice %arg7[%dma_wait3A_288, %dma_wait3A_289] : memref<4x128xi32, #tpu.memory_space<vmem>> -> memref<1x128xi32, #tpu.memory_space<vmem>>
      %dma_wait3A_291 = tpu.memref_squeeze %dma_wait3A_290 : memref<1x128xi32, #tpu.memory_space<vmem>> -> memref<128xi32, #tpu.memory_space<vmem>>
      %dma_wait3A_292 = arith.constant 0 : i32
      %dma_wait3A_293 = tpu.memref_slice %arg4[%add3A, %add3A_287, %dma_wait3A_292] : memref<32x80x128xi32, #tpu.memory_space<hbm>> -> memref<1x1x128xi32, #tpu.memory_space<hbm>>
      %dma_wait3A_294 = tpu.memref_squeeze %dma_wait3A_293 : memref<1x1x128xi32, #tpu.memory_space<hbm>> -> memref<128xi32, #tpu.memory_space<hbm>>
      %dma_wait3A_295 = arith.constant 0 : i32
      %dma_wait3A_296 = tpu.memref_slice %arg7[%dma_wait3A_288, %dma_wait3A_295] : memref<4x128xi32, #tpu.memory_space<vmem>> -> memref<1x128xi32, #tpu.memory_space<vmem>>
      %dma_wait3A_297 = tpu.memref_squeeze %dma_wait3A_296 : memref<1x128xi32, #tpu.memory_space<vmem>> -> memref<128xi32, #tpu.memory_space<vmem>>
      %dma_wait3A_298 = arith.constant 0 : i32
      %dma_wait3A_299 = tpu.memref_slice %arg4[%add3A, %add3A_287, %dma_wait3A_298] : memref<32x80x128xi32, #tpu.memory_space<hbm>> -> memref<1x1x128xi32, #tpu.memory_space<hbm>>
      %dma_wait3A_300 = tpu.memref_squeeze %dma_wait3A_299 : memref<1x1x128xi32, #tpu.memory_space<hbm>> -> memref<128xi32, #tpu.memory_space<hbm>>
      tpu.wait_dma2 semaphore(%arg18 : memref<!tpu.dma_semaphore, #tpu.memory_space<semaphore_mem>>) src(%dma_wait3A_300 : memref<128xi32, #tpu.memory_space<hbm>>) dst(%dma_wait3A_297 : memref<128xi32, #tpu.memory_space<vmem>>)
      %dma_wait3A_301 = arith.constant 3 : i32
      %dma_wait3A_302 = arith.constant 0 : i32
      %dma_wait3A_303 = tpu.memref_slice %arg6[%dma_wait3A_301, %dma_wait3A_302] : memref<4x128xi32, #tpu.memory_space<vmem>> -> memref<1x128xi32, #tpu.memory_space<vmem>>
      %dma_wait3A_304 = tpu.memref_squeeze %dma_wait3A_303 : memref<1x128xi32, #tpu.memory_space<vmem>> -> memref<128xi32, #tpu.memory_space<vmem>>
      %dma_wait3A_305 = arith.constant 0 : i32
      %dma_wait3A_306 = arith.constant 0 : i32
      %dma_wait3A_307 = tpu.memref_slice %arg2[%dma_wait3A_305, %dma_wait3A_306] : memref<10240x128xf32, #tpu.memory_space<hbm>> -> memref<10240x128xf32, #tpu.memory_space<hbm>>
      tpu.wait_indirect_dma semaphore(%arg20 : memref<!tpu.dma_semaphore, #tpu.memory_space<semaphore_mem>>) src(%dma_wait3A_307 : memref<10240x128xf32, #tpu.memory_space<hbm>>) dst(%arg9 : memref<128x128xf32, #tpu.memory_space<vmem>>)
      %run_scoped3A_308 = arith.constant 3 : i32
      "tpu.region"() ({
        %run_scoped3A_323 = tpu.sem_alloc : memref<!tpu.dma_semaphore, #tpu.memory_space<semaphore_mem>>
        %dma_start3A_324 = arith.constant 0 : i32
        %dma_start3A_325 = tpu.memref_slice %arg7[%run_scoped3A_308, %dma_start3A_324] : memref<4x128xi32, #tpu.memory_space<vmem>> -> memref<1x128xi32, #tpu.memory_space<vmem>>
        %dma_start3A_326 = tpu.memref_squeeze %dma_start3A_325 : memref<1x128xi32, #tpu.memory_space<vmem>> -> memref<128xi32, #tpu.memory_space<vmem>>
        %dma_start3A_327 = arith.constant 0 : i32
        %dma_start3A_328 = arith.constant 0 : i32
        %dma_start3A_329 = tpu.memref_slice %arg10[%dma_start3A_327, %dma_start3A_328] : memref<10240x128xf32, #tpu.memory_space<vmem_shared>> -> memref<10240x128xf32, #tpu.memory_space<vmem_shared>>
        tpu.enqueue_indirect_dma source(%arg9 : memref<128x128xf32, #tpu.memory_space<vmem>>) target(%dma_start3A_329 : memref<10240x128xf32, #tpu.memory_space<vmem_shared>>) offsets(%dma_start3A_326 : memref<128xi32, #tpu.memory_space<vmem>>) semaphore(%run_scoped3A_323 : memref<!tpu.dma_semaphore, #tpu.memory_space<semaphore_mem>>) {add = true}
        %dma_wait3A_330 = arith.constant 0 : i32
        %dma_wait3A_331 = tpu.memref_slice %arg7[%run_scoped3A_308, %dma_wait3A_330] : memref<4x128xi32, #tpu.memory_space<vmem>> -> memref<1x128xi32, #tpu.memory_space<vmem>>
        %dma_wait3A_332 = tpu.memref_squeeze %dma_wait3A_331 : memref<1x128xi32, #tpu.memory_space<vmem>> -> memref<128xi32, #tpu.memory_space<vmem>>
        %dma_wait3A_333 = arith.constant 0 : i32
        %dma_wait3A_334 = arith.constant 0 : i32
        %dma_wait3A_335 = tpu.memref_slice %arg10[%dma_wait3A_333, %dma_wait3A_334] : memref<10240x128xf32, #tpu.memory_space<vmem_shared>> -> memref<10240x128xf32, #tpu.memory_space<vmem_shared>>
        tpu.wait_indirect_dma semaphore(%run_scoped3A_323 : memref<!tpu.dma_semaphore, #tpu.memory_space<semaphore_mem>>) src(%arg9 : memref<128x128xf32, #tpu.memory_space<vmem>>) dst(%dma_wait3A_335 : memref<10240x128xf32, #tpu.memory_space<vmem_shared>>)
        tpu.yield
      }) : () -> ()
      %add3A_309 = arith.constant 2 : i32
      %add3A_310 = arith.addi %add3A_287, %add3A_309 : i32
      %lt3A_311 = arith.constant 80 : i32
      %lt3A_312 = arith.cmpi slt, %add3A_310, %lt3A_311 : i32
      %convert_element_type3A_313 = arith.extui %lt3A_312 : i1 to i32
      %cond3A_314 = arith.constant 0 : i32
      %cond3A_315 = arith.cmpi ne, %convert_element_type3A_313, %cond3A_314 : i32
      scf.if %cond3A_315 {
        %add3A_323 = arith.constant 2 : i32
        %add3A_324 = arith.addi %add3A_287, %add3A_323 : i32
        %dma_wait3A_325 = arith.constant 1 : i32
        %dma_wait3A_326 = arith.constant 0 : i32
        %dma_wait3A_327 = tpu.memref_slice %arg6[%dma_wait3A_325, %dma_wait3A_326] : memref<4x128xi32, #tpu.memory_space<vmem>> -> memref<1x128xi32, #tpu.memory_space<vmem>>
        %dma_wait3A_328 = tpu.memref_squeeze %dma_wait3A_327 : memref<1x128xi32, #tpu.memory_space<vmem>> -> memref<128xi32, #tpu.memory_space<vmem>>
        %dma_wait3A_329 = arith.constant 0 : i32
        %dma_wait3A_330 = tpu.memref_slice %arg3[%add3A, %add3A_324, %dma_wait3A_329] : memref<32x80x128xi32, #tpu.memory_space<hbm>> -> memref<1x1x128xi32, #tpu.memory_space<hbm>>
        %dma_wait3A_331 = tpu.memref_squeeze %dma_wait3A_330 : memref<1x1x128xi32, #tpu.memory_space<hbm>> -> memref<128xi32, #tpu.memory_space<hbm>>
        %dma_wait3A_332 = arith.constant 0 : i32
        %dma_wait3A_333 = tpu.memref_slice %arg6[%dma_wait3A_325, %dma_wait3A_332] : memref<4x128xi32, #tpu.memory_space<vmem>> -> memref<1x128xi32, #tpu.memory_space<vmem>>
        %dma_wait3A_334 = tpu.memref_squeeze %dma_wait3A_333 : memref<1x128xi32, #tpu.memory_space<vmem>> -> memref<128xi32, #tpu.memory_space<vmem>>
        %dma_wait3A_335 = arith.constant 0 : i32
        %dma_wait3A_336 = tpu.memref_slice %arg3[%add3A, %add3A_324, %dma_wait3A_335] : memref<32x80x128xi32, #tpu.memory_space<hbm>> -> memref<1x1x128xi32, #tpu.memory_space<hbm>>
        %dma_wait3A_337 = tpu.memref_squeeze %dma_wait3A_336 : memref<1x1x128xi32, #tpu.memory_space<hbm>> -> memref<128xi32, #tpu.memory_space<hbm>>
        tpu.wait_dma2 semaphore(%arg12 : memref<!tpu.dma_semaphore, #tpu.memory_space<semaphore_mem>>) src(%dma_wait3A_337 : memref<128xi32, #tpu.memory_space<hbm>>) dst(%dma_wait3A_334 : memref<128xi32, #tpu.memory_space<vmem>>)
        %dma_start3A_338 = arith.constant 1 : i32
        %dma_start3A_339 = arith.constant 0 : i32
        %dma_start3A_340 = tpu.memref_slice %arg6[%dma_start3A_338, %dma_start3A_339] : memref<4x128xi32, #tpu.memory_space<vmem>> -> memref<1x128xi32, #tpu.memory_space<vmem>>
        %dma_start3A_341 = tpu.memref_squeeze %dma_start3A_340 : memref<1x128xi32, #tpu.memory_space<vmem>> -> memref<128xi32, #tpu.memory_space<vmem>>
        %dma_start3A_342 = arith.constant 0 : i32
        %dma_start3A_343 = arith.constant 0 : i32
        %dma_start3A_344 = tpu.memref_slice %arg2[%dma_start3A_342, %dma_start3A_343] : memref<10240x128xf32, #tpu.memory_space<hbm>> -> memref<10240x128xf32, #tpu.memory_space<hbm>>
        tpu.enqueue_indirect_dma source(%dma_start3A_344 : memref<10240x128xf32, #tpu.memory_space<hbm>>) target(%arg9 : memref<128x128xf32, #tpu.memory_space<vmem>>) offsets(%dma_start3A_341 : memref<128xi32, #tpu.memory_space<vmem>>) semaphore(%arg20 : memref<!tpu.dma_semaphore, #tpu.memory_space<semaphore_mem>>)
      } else {
      }
      %add3A_316 = arith.constant 4 : i32
      %add3A_317 = arith.addi %add3A_287, %add3A_316 : i32
      %lt3A_318 = arith.constant 80 : i32
      %lt3A_319 = arith.cmpi slt, %add3A_317, %lt3A_318 : i32
      %convert_element_type3A_320 = arith.extui %lt3A_319 : i1 to i32
      %cond3A_321 = arith.constant 0 : i32
      %cond3A_322 = arith.cmpi ne, %convert_element_type3A_320, %cond3A_321 : i32
      scf.if %cond3A_322 {
        %add3A_323 = arith.constant 4 : i32
        %add3A_324 = arith.addi %add3A_287, %add3A_323 : i32
        %dma_start3A_325 = arith.constant 3 : i32
        %dma_start3A_326 = arith.constant 0 : i32
        %dma_start3A_327 = tpu.memref_slice %arg6[%dma_start3A_325, %dma_start3A_326] : memref<4x128xi32, #tpu.memory_space<vmem>> -> memref<1x128xi32, #tpu.memory_space<vmem>>
        %dma_start3A_328 = tpu.memref_squeeze %dma_start3A_327 : memref<1x128xi32, #tpu.memory_space<vmem>> -> memref<128xi32, #tpu.memory_space<vmem>>
        %dma_start3A_329 = arith.constant 0 : i32
        %dma_start3A_330 = tpu.memref_slice %arg3[%add3A, %add3A_324, %dma_start3A_329] : memref<32x80x128xi32, #tpu.memory_space<hbm>> -> memref<1x1x128xi32, #tpu.memory_space<hbm>>
        %dma_start3A_331 = tpu.memref_squeeze %dma_start3A_330 : memref<1x1x128xi32, #tpu.memory_space<hbm>> -> memref<128xi32, #tpu.memory_space<hbm>>
        %dma_start3A_332 = arith.constant 0 : i32
        %dma_start3A_333 = tpu.memref_slice %arg6[%dma_start3A_325, %dma_start3A_332] : memref<4x128xi32, #tpu.memory_space<vmem>> -> memref<1x128xi32, #tpu.memory_space<vmem>>
        %dma_start3A_334 = tpu.memref_squeeze %dma_start3A_333 : memref<1x128xi32, #tpu.memory_space<vmem>> -> memref<128xi32, #tpu.memory_space<vmem>>
        %dma_start3A_335 = arith.constant 0 : i32
        %dma_start3A_336 = tpu.memref_slice %arg3[%add3A, %add3A_324, %dma_start3A_335] : memref<32x80x128xi32, #tpu.memory_space<hbm>> -> memref<1x1x128xi32, #tpu.memory_space<hbm>>
        %dma_start3A_337 = tpu.memref_squeeze %dma_start3A_336 : memref<1x1x128xi32, #tpu.memory_space<hbm>> -> memref<128xi32, #tpu.memory_space<hbm>>
        tpu.enqueue_dma source(%dma_start3A_337 : memref<128xi32, #tpu.memory_space<hbm>>) target(%dma_start3A_334 : memref<128xi32, #tpu.memory_space<vmem>>) target_semaphore(%arg14 : memref<!tpu.dma_semaphore, #tpu.memory_space<semaphore_mem>>)
        %add3A_338 = arith.constant 4 : i32
        %add3A_339 = arith.addi %add3A_287, %add3A_338 : i32
        %dma_start3A_340 = arith.constant 3 : i32
        %dma_start3A_341 = arith.constant 0 : i32
        %dma_start3A_342 = tpu.memref_slice %arg7[%dma_start3A_340, %dma_start3A_341] : memref<4x128xi32, #tpu.memory_space<vmem>> -> memref<1x128xi32, #tpu.memory_space<vmem>>
        %dma_start3A_343 = tpu.memref_squeeze %dma_start3A_342 : memref<1x128xi32, #tpu.memory_space<vmem>> -> memref<128xi32, #tpu.memory_space<vmem>>
        %dma_start3A_344 = arith.constant 0 : i32
        %dma_start3A_345 = tpu.memref_slice %arg4[%add3A, %add3A_339, %dma_start3A_344] : memref<32x80x128xi32, #tpu.memory_space<hbm>> -> memref<1x1x128xi32, #tpu.memory_space<hbm>>
        %dma_start3A_346 = tpu.memref_squeeze %dma_start3A_345 : memref<1x1x128xi32, #tpu.memory_space<hbm>> -> memref<128xi32, #tpu.memory_space<hbm>>
        %dma_start3A_347 = arith.constant 0 : i32
        %dma_start3A_348 = tpu.memref_slice %arg7[%dma_start3A_340, %dma_start3A_347] : memref<4x128xi32, #tpu.memory_space<vmem>> -> memref<1x128xi32, #tpu.memory_space<vmem>>
        %dma_start3A_349 = tpu.memref_squeeze %dma_start3A_348 : memref<1x128xi32, #tpu.memory_space<vmem>> -> memref<128xi32, #tpu.memory_space<vmem>>
        %dma_start3A_350 = arith.constant 0 : i32
        %dma_start3A_351 = tpu.memref_slice %arg4[%add3A, %add3A_339, %dma_start3A_350] : memref<32x80x128xi32, #tpu.memory_space<hbm>> -> memref<1x1x128xi32, #tpu.memory_space<hbm>>
        %dma_start3A_352 = tpu.memref_squeeze %dma_start3A_351 : memref<1x1x128xi32, #tpu.memory_space<hbm>> -> memref<128xi32, #tpu.memory_space<hbm>>
        tpu.enqueue_dma source(%dma_start3A_352 : memref<128xi32, #tpu.memory_space<hbm>>) target(%dma_start3A_349 : memref<128xi32, #tpu.memory_space<vmem>>) target_semaphore(%arg18 : memref<!tpu.dma_semaphore, #tpu.memory_space<semaphore_mem>>)
      } else {
      }
    }
    %scan3A_166 = arith.constant 20 : i32
    %barrier3A_167 = arith.constant 0 : index
    tpu.barrier barrier_id(%barrier3A_167)
    %mul3A_168 = arith.constant 640 : i32
    %mul3A_169 = arith.muli %arg1, %mul3A_168 : i32
    %mul3A_170 = arith.constant 640 : i32
    %mul3A_171 = arith.muli %arg1, %mul3A_170 : i32
    "tpu.region"() ({
      %run_scoped3A = tpu.sem_alloc : memref<!tpu.dma_semaphore, #tpu.memory_space<semaphore_mem>>
      %dma_start3A_172 = arith.constant 0 : i32
      %dma_start3A_173 = tpu.memref_slice %arg5[%arg0, %mul3A_171, %dma_start3A_172] : memref<2x10240x128xf32, #tpu.memory_space<hbm>> -> memref<1x640x128xf32, #tpu.memory_space<hbm>>
      %dma_start3A_174 = tpu.memref_squeeze %dma_start3A_173 : memref<1x640x128xf32, #tpu.memory_space<hbm>> -> memref<640x128xf32, #tpu.memory_space<hbm>>
      %dma_start3A_175 = arith.constant 0 : i32
      %dma_start3A_176 = tpu.memref_slice %arg10[%mul3A_169, %dma_start3A_175] : memref<10240x128xf32, #tpu.memory_space<vmem_shared>> -> memref<640x128xf32, #tpu.memory_space<vmem_shared>>
      tpu.enqueue_dma source(%dma_start3A_176 : memref<640x128xf32, #tpu.memory_space<vmem_shared>>) target(%dma_start3A_174 : memref<640x128xf32, #tpu.memory_space<hbm>>) target_semaphore(%run_scoped3A : memref<!tpu.dma_semaphore, #tpu.memory_space<semaphore_mem>>)
      %dma_wait3A_177 = arith.constant 0 : i32
      %dma_wait3A_178 = tpu.memref_slice %arg5[%arg0, %mul3A_171, %dma_wait3A_177] : memref<2x10240x128xf32, #tpu.memory_space<hbm>> -> memref<1x640x128xf32, #tpu.memory_space<hbm>>
      %dma_wait3A_179 = tpu.memref_squeeze %dma_wait3A_178 : memref<1x640x128xf32, #tpu.memory_space<hbm>> -> memref<640x128xf32, #tpu.memory_space<hbm>>
      %dma_wait3A_180 = arith.constant 0 : i32
      %dma_wait3A_181 = tpu.memref_slice %arg10[%mul3A_169, %dma_wait3A_180] : memref<10240x128xf32, #tpu.memory_space<vmem_shared>> -> memref<640x128xf32, #tpu.memory_space<vmem_shared>>
      tpu.wait_dma2 semaphore(%run_scoped3A : memref<!tpu.dma_semaphore, #tpu.memory_space<semaphore_mem>>) src(%dma_wait3A_181 : memref<640x128xf32, #tpu.memory_space<vmem_shared>>) dst(%dma_wait3A_179 : memref<640x128xf32, #tpu.memory_space<hbm>>)
      tpu.yield
    }) : () -> ()
    return
  }
}

#map = affine_map<(d0, d1) -> (0, 0)>
#map1 = affine_map<(d0, d1) -> (0, 0, 0)>
module attributes {stable_mosaic.version = 14 : i64} {
  func.func @gat_kernel(%arg0: i32, %arg1: i32, %arg2: memref<10240x128xf32, #tpu.memory_space<hbm>>, %arg3: memref<32x14x128xi32, #tpu.memory_space<hbm>>, %arg4: memref<32x14x128xi32, #tpu.memory_space<hbm>>, %arg5: memref<57344x128xf32, #tpu.memory_space<hbm>>, %arg6: memref<57344x128xf32, #tpu.memory_space<hbm>>, %arg7: memref<14x128xi32, #tpu.memory_space<vmem>>, %arg8: memref<14x128xi32, #tpu.memory_space<vmem>>, %arg9: memref<128x128xf32, #tpu.memory_space<vmem>>, %arg10: memref<128x128xf32, #tpu.memory_space<vmem>>, %arg11: memref<128x128xf32, #tpu.memory_space<vmem>>, %arg12: memref<128x128xf32, #tpu.memory_space<vmem>>, %arg13: memref<!tpu.dma_semaphore, #tpu.memory_space<semaphore_mem>>, %arg14: memref<!tpu.dma_semaphore, #tpu.memory_space<semaphore_mem>>, %arg15: memref<!tpu.dma_semaphore, #tpu.memory_space<semaphore_mem>>, %arg16: memref<!tpu.dma_semaphore, #tpu.memory_space<semaphore_mem>>, %arg17: memref<!tpu.dma_semaphore, #tpu.memory_space<semaphore_mem>>, %arg18: memref<!tpu.dma_semaphore, #tpu.memory_space<semaphore_mem>>, %arg19: memref<!tpu.dma_semaphore, #tpu.memory_space<semaphore_mem>>, %arg20: memref<!tpu.dma_semaphore, #tpu.memory_space<semaphore_mem>>, %arg21: memref<!tpu.dma_semaphore, #tpu.memory_space<semaphore_mem>>) attributes {dimension_semantics = [#tpu.dimension_semantics<core_parallel>, #tpu.dimension_semantics<subcore_parallel>], iteration_bounds = array<i64: 2, 16>, scalar_prefetch = 0 : i64, scratch_operands = 15 : i64, tpu.core_type = #tpu.core_type<sc_vector_subcore>, window_params = [{transform_indices = #map}, {transform_indices = #map1}, {transform_indices = #map1}, {transform_indices = #map}, {transform_indices = #map}]} {
    %mul3A = arith.constant 2 : i32
    %mul3A_0 = arith.muli %arg1, %mul3A : i32
    %add3A = arith.addi %mul3A_0, %arg0 : i32
    %mul3A_1 = arith.constant 14 : i32
    %mul3A_2 = arith.muli %add3A, %mul3A_1 : i32
    %mul3A_3 = arith.constant 128 : i32
    %mul3A_4 = arith.muli %mul3A_2, %mul3A_3 : i32
    %dma_start3A = arith.constant 0 : i32
    %dma_start3A_5 = arith.constant 0 : i32
    %dma_start3A_6 = tpu.memref_slice %arg3[%add3A, %dma_start3A, %dma_start3A_5] : memref<32x14x128xi32, #tpu.memory_space<hbm>> -> memref<1x14x128xi32, #tpu.memory_space<hbm>>
    %dma_start3A_7 = tpu.memref_squeeze %dma_start3A_6 : memref<1x14x128xi32, #tpu.memory_space<hbm>> -> memref<14x128xi32, #tpu.memory_space<hbm>>
    %dma_start3A_8 = arith.constant 0 : i32
    %dma_start3A_9 = arith.constant 0 : i32
    %dma_start3A_10 = tpu.memref_slice %arg3[%add3A, %dma_start3A_8, %dma_start3A_9] : memref<32x14x128xi32, #tpu.memory_space<hbm>> -> memref<1x14x128xi32, #tpu.memory_space<hbm>>
    %dma_start3A_11 = tpu.memref_squeeze %dma_start3A_10 : memref<1x14x128xi32, #tpu.memory_space<hbm>> -> memref<14x128xi32, #tpu.memory_space<hbm>>
    tpu.enqueue_dma source(%dma_start3A_11 : memref<14x128xi32, #tpu.memory_space<hbm>>) target(%arg7 : memref<14x128xi32, #tpu.memory_space<vmem>>) target_semaphore(%arg13 : memref<!tpu.dma_semaphore, #tpu.memory_space<semaphore_mem>>)
    %dma_start3A_12 = arith.constant 0 : i32
    %dma_start3A_13 = arith.constant 0 : i32
    %dma_start3A_14 = tpu.memref_slice %arg4[%add3A, %dma_start3A_12, %dma_start3A_13] : memref<32x14x128xi32, #tpu.memory_space<hbm>> -> memref<1x14x128xi32, #tpu.memory_space<hbm>>
    %dma_start3A_15 = tpu.memref_squeeze %dma_start3A_14 : memref<1x14x128xi32, #tpu.memory_space<hbm>> -> memref<14x128xi32, #tpu.memory_space<hbm>>
    %dma_start3A_16 = arith.constant 0 : i32
    %dma_start3A_17 = arith.constant 0 : i32
    %dma_start3A_18 = tpu.memref_slice %arg4[%add3A, %dma_start3A_16, %dma_start3A_17] : memref<32x14x128xi32, #tpu.memory_space<hbm>> -> memref<1x14x128xi32, #tpu.memory_space<hbm>>
    %dma_start3A_19 = tpu.memref_squeeze %dma_start3A_18 : memref<1x14x128xi32, #tpu.memory_space<hbm>> -> memref<14x128xi32, #tpu.memory_space<hbm>>
    tpu.enqueue_dma source(%dma_start3A_19 : memref<14x128xi32, #tpu.memory_space<hbm>>) target(%arg8 : memref<14x128xi32, #tpu.memory_space<vmem>>) target_semaphore(%arg13 : memref<!tpu.dma_semaphore, #tpu.memory_space<semaphore_mem>>)
    %dma_wait3A = arith.constant 0 : i32
    %dma_wait3A_20 = arith.constant 0 : i32
    %dma_wait3A_21 = tpu.memref_slice %arg3[%add3A, %dma_wait3A, %dma_wait3A_20] : memref<32x14x128xi32, #tpu.memory_space<hbm>> -> memref<1x14x128xi32, #tpu.memory_space<hbm>>
    %dma_wait3A_22 = tpu.memref_squeeze %dma_wait3A_21 : memref<1x14x128xi32, #tpu.memory_space<hbm>> -> memref<14x128xi32, #tpu.memory_space<hbm>>
    %dma_wait3A_23 = arith.constant 0 : i32
    %dma_wait3A_24 = arith.constant 0 : i32
    %dma_wait3A_25 = tpu.memref_slice %arg3[%add3A, %dma_wait3A_23, %dma_wait3A_24] : memref<32x14x128xi32, #tpu.memory_space<hbm>> -> memref<1x14x128xi32, #tpu.memory_space<hbm>>
    %dma_wait3A_26 = tpu.memref_squeeze %dma_wait3A_25 : memref<1x14x128xi32, #tpu.memory_space<hbm>> -> memref<14x128xi32, #tpu.memory_space<hbm>>
    tpu.wait_dma2 semaphore(%arg13 : memref<!tpu.dma_semaphore, #tpu.memory_space<semaphore_mem>>) src(%dma_wait3A_26 : memref<14x128xi32, #tpu.memory_space<hbm>>) dst(%arg7 : memref<14x128xi32, #tpu.memory_space<vmem>>)
    %dma_wait3A_27 = arith.constant 0 : i32
    %dma_wait3A_28 = arith.constant 0 : i32
    %dma_wait3A_29 = tpu.memref_slice %arg4[%add3A, %dma_wait3A_27, %dma_wait3A_28] : memref<32x14x128xi32, #tpu.memory_space<hbm>> -> memref<1x14x128xi32, #tpu.memory_space<hbm>>
    %dma_wait3A_30 = tpu.memref_squeeze %dma_wait3A_29 : memref<1x14x128xi32, #tpu.memory_space<hbm>> -> memref<14x128xi32, #tpu.memory_space<hbm>>
    %dma_wait3A_31 = arith.constant 0 : i32
    %dma_wait3A_32 = arith.constant 0 : i32
    %dma_wait3A_33 = tpu.memref_slice %arg4[%add3A, %dma_wait3A_31, %dma_wait3A_32] : memref<32x14x128xi32, #tpu.memory_space<hbm>> -> memref<1x14x128xi32, #tpu.memory_space<hbm>>
    %dma_wait3A_34 = tpu.memref_squeeze %dma_wait3A_33 : memref<1x14x128xi32, #tpu.memory_space<hbm>> -> memref<14x128xi32, #tpu.memory_space<hbm>>
    tpu.wait_dma2 semaphore(%arg13 : memref<!tpu.dma_semaphore, #tpu.memory_space<semaphore_mem>>) src(%dma_wait3A_34 : memref<14x128xi32, #tpu.memory_space<hbm>>) dst(%arg8 : memref<14x128xi32, #tpu.memory_space<vmem>>)
    %dma_start3A_35 = arith.constant 0 : i32
    %dma_start3A_36 = arith.constant 0 : i32
    %dma_start3A_37 = tpu.memref_slice %arg7[%dma_start3A_35, %dma_start3A_36] : memref<14x128xi32, #tpu.memory_space<vmem>> -> memref<1x128xi32, #tpu.memory_space<vmem>>
    %dma_start3A_38 = tpu.memref_squeeze %dma_start3A_37 : memref<1x128xi32, #tpu.memory_space<vmem>> -> memref<128xi32, #tpu.memory_space<vmem>>
    %dma_start3A_39 = arith.constant 0 : i32
    %dma_start3A_40 = arith.constant 0 : i32
    %dma_start3A_41 = tpu.memref_slice %arg2[%dma_start3A_39, %dma_start3A_40] : memref<10240x128xf32, #tpu.memory_space<hbm>> -> memref<10240x128xf32, #tpu.memory_space<hbm>>
    tpu.enqueue_indirect_dma source(%dma_start3A_41 : memref<10240x128xf32, #tpu.memory_space<hbm>>) target(%arg9 : memref<128x128xf32, #tpu.memory_space<vmem>>) offsets(%dma_start3A_38 : memref<128xi32, #tpu.memory_space<vmem>>) semaphore(%arg14 : memref<!tpu.dma_semaphore, #tpu.memory_space<semaphore_mem>>)
    %dma_start3A_42 = arith.constant 0 : i32
    %dma_start3A_43 = arith.constant 0 : i32
    %dma_start3A_44 = tpu.memref_slice %arg8[%dma_start3A_42, %dma_start3A_43] : memref<14x128xi32, #tpu.memory_space<vmem>> -> memref<1x128xi32, #tpu.memory_space<vmem>>
    %dma_start3A_45 = tpu.memref_squeeze %dma_start3A_44 : memref<1x128xi32, #tpu.memory_space<vmem>> -> memref<128xi32, #tpu.memory_space<vmem>>
    %dma_start3A_46 = arith.constant 0 : i32
    %dma_start3A_47 = arith.constant 0 : i32
    %dma_start3A_48 = tpu.memref_slice %arg2[%dma_start3A_46, %dma_start3A_47] : memref<10240x128xf32, #tpu.memory_space<hbm>> -> memref<10240x128xf32, #tpu.memory_space<hbm>>
    tpu.enqueue_indirect_dma source(%dma_start3A_48 : memref<10240x128xf32, #tpu.memory_space<hbm>>) target(%arg10 : memref<128x128xf32, #tpu.memory_space<vmem>>) offsets(%dma_start3A_45 : memref<128xi32, #tpu.memory_space<vmem>>) semaphore(%arg15 : memref<!tpu.dma_semaphore, #tpu.memory_space<semaphore_mem>>)
    %dma_start3A_49 = arith.constant 1 : i32
    %dma_start3A_50 = arith.constant 0 : i32
    %dma_start3A_51 = tpu.memref_slice %arg7[%dma_start3A_49, %dma_start3A_50] : memref<14x128xi32, #tpu.memory_space<vmem>> -> memref<1x128xi32, #tpu.memory_space<vmem>>
    %dma_start3A_52 = tpu.memref_squeeze %dma_start3A_51 : memref<1x128xi32, #tpu.memory_space<vmem>> -> memref<128xi32, #tpu.memory_space<vmem>>
    %dma_start3A_53 = arith.constant 0 : i32
    %dma_start3A_54 = arith.constant 0 : i32
    %dma_start3A_55 = tpu.memref_slice %arg2[%dma_start3A_53, %dma_start3A_54] : memref<10240x128xf32, #tpu.memory_space<hbm>> -> memref<10240x128xf32, #tpu.memory_space<hbm>>
    tpu.enqueue_indirect_dma source(%dma_start3A_55 : memref<10240x128xf32, #tpu.memory_space<hbm>>) target(%arg11 : memref<128x128xf32, #tpu.memory_space<vmem>>) offsets(%dma_start3A_52 : memref<128xi32, #tpu.memory_space<vmem>>) semaphore(%arg16 : memref<!tpu.dma_semaphore, #tpu.memory_space<semaphore_mem>>)
    %dma_start3A_56 = arith.constant 1 : i32
    %dma_start3A_57 = arith.constant 0 : i32
    %dma_start3A_58 = tpu.memref_slice %arg8[%dma_start3A_56, %dma_start3A_57] : memref<14x128xi32, #tpu.memory_space<vmem>> -> memref<1x128xi32, #tpu.memory_space<vmem>>
    %dma_start3A_59 = tpu.memref_squeeze %dma_start3A_58 : memref<1x128xi32, #tpu.memory_space<vmem>> -> memref<128xi32, #tpu.memory_space<vmem>>
    %dma_start3A_60 = arith.constant 0 : i32
    %dma_start3A_61 = arith.constant 0 : i32
    %dma_start3A_62 = tpu.memref_slice %arg2[%dma_start3A_60, %dma_start3A_61] : memref<10240x128xf32, #tpu.memory_space<hbm>> -> memref<10240x128xf32, #tpu.memory_space<hbm>>
    tpu.enqueue_indirect_dma source(%dma_start3A_62 : memref<10240x128xf32, #tpu.memory_space<hbm>>) target(%arg12 : memref<128x128xf32, #tpu.memory_space<vmem>>) offsets(%dma_start3A_59 : memref<128xi32, #tpu.memory_space<vmem>>) semaphore(%arg17 : memref<!tpu.dma_semaphore, #tpu.memory_space<semaphore_mem>>)
    %scan3A = arith.constant 0 : i32
    %scan3A_63 = arith.constant 7 : i32
    %scan3A_64 = arith.addi %scan3A, %scan3A_63 : i32
    %scan3A_65 = arith.constant 1 : i32
    scf.for %scan3A_67 = %scan3A to %scan3A_64 step %scan3A_65  : i32 {
      %mul3A_68 = arith.constant 1 : i32
      %mul3A_69 = arith.muli %scan3A_67, %mul3A_68 : i32
      %add3A_70 = arith.constant 0 : i32
      %add3A_71 = arith.addi %add3A_70, %mul3A_69 : i32
      %mul3A_72 = arith.constant 2 : i32
      %mul3A_73 = arith.muli %add3A_71, %mul3A_72 : i32
      %dma_wait3A_74 = arith.constant 0 : i32
      %dma_wait3A_75 = tpu.memref_slice %arg7[%mul3A_73, %dma_wait3A_74] : memref<14x128xi32, #tpu.memory_space<vmem>> -> memref<1x128xi32, #tpu.memory_space<vmem>>
      %dma_wait3A_76 = tpu.memref_squeeze %dma_wait3A_75 : memref<1x128xi32, #tpu.memory_space<vmem>> -> memref<128xi32, #tpu.memory_space<vmem>>
      %dma_wait3A_77 = arith.constant 0 : i32
      %dma_wait3A_78 = arith.constant 0 : i32
      %dma_wait3A_79 = tpu.memref_slice %arg2[%dma_wait3A_77, %dma_wait3A_78] : memref<10240x128xf32, #tpu.memory_space<hbm>> -> memref<10240x128xf32, #tpu.memory_space<hbm>>
      tpu.wait_indirect_dma semaphore(%arg14 : memref<!tpu.dma_semaphore, #tpu.memory_space<semaphore_mem>>) src(%dma_wait3A_79 : memref<10240x128xf32, #tpu.memory_space<hbm>>) dst(%arg9 : memref<128x128xf32, #tpu.memory_space<vmem>>)
      %mul3A_80 = arith.constant 128 : i32
      %mul3A_81 = arith.muli %mul3A_73, %mul3A_80 : i32
      %add3A_82 = arith.addi %mul3A_4, %mul3A_81 : i32
      %dma_start3A_83 = arith.constant 0 : i32
      %dma_start3A_84 = tpu.memref_slice %arg5[%add3A_82, %dma_start3A_83] : memref<57344x128xf32, #tpu.memory_space<hbm>> -> memref<128x128xf32, #tpu.memory_space<hbm>>
      %dma_start3A_85 = arith.constant 0 : i32
      %dma_start3A_86 = tpu.memref_slice %arg5[%add3A_82, %dma_start3A_85] : memref<57344x128xf32, #tpu.memory_space<hbm>> -> memref<128x128xf32, #tpu.memory_space<hbm>>
      tpu.enqueue_dma source(%arg9 : memref<128x128xf32, #tpu.memory_space<vmem>>) target(%dma_start3A_86 : memref<128x128xf32, #tpu.memory_space<hbm>>) target_semaphore(%arg18 : memref<!tpu.dma_semaphore, #tpu.memory_space<semaphore_mem>>)
      %dma_wait3A_87 = arith.constant 0 : i32
      %dma_wait3A_88 = tpu.memref_slice %arg8[%mul3A_73, %dma_wait3A_87] : memref<14x128xi32, #tpu.memory_space<vmem>> -> memref<1x128xi32, #tpu.memory_space<vmem>>
      %dma_wait3A_89 = tpu.memref_squeeze %dma_wait3A_88 : memref<1x128xi32, #tpu.memory_space<vmem>> -> memref<128xi32, #tpu.memory_space<vmem>>
      %dma_wait3A_90 = arith.constant 0 : i32
      %dma_wait3A_91 = arith.constant 0 : i32
      %dma_wait3A_92 = tpu.memref_slice %arg2[%dma_wait3A_90, %dma_wait3A_91] : memref<10240x128xf32, #tpu.memory_space<hbm>> -> memref<10240x128xf32, #tpu.memory_space<hbm>>
      tpu.wait_indirect_dma semaphore(%arg15 : memref<!tpu.dma_semaphore, #tpu.memory_space<semaphore_mem>>) src(%dma_wait3A_92 : memref<10240x128xf32, #tpu.memory_space<hbm>>) dst(%arg10 : memref<128x128xf32, #tpu.memory_space<vmem>>)
      %mul3A_93 = arith.constant 128 : i32
      %mul3A_94 = arith.muli %mul3A_73, %mul3A_93 : i32
      %add3A_95 = arith.addi %mul3A_4, %mul3A_94 : i32
      %dma_start3A_96 = arith.constant 0 : i32
      %dma_start3A_97 = tpu.memref_slice %arg6[%add3A_95, %dma_start3A_96] : memref<57344x128xf32, #tpu.memory_space<hbm>> -> memref<128x128xf32, #tpu.memory_space<hbm>>
      %dma_start3A_98 = arith.constant 0 : i32
      %dma_start3A_99 = tpu.memref_slice %arg6[%add3A_95, %dma_start3A_98] : memref<57344x128xf32, #tpu.memory_space<hbm>> -> memref<128x128xf32, #tpu.memory_space<hbm>>
      tpu.enqueue_dma source(%arg10 : memref<128x128xf32, #tpu.memory_space<vmem>>) target(%dma_start3A_99 : memref<128x128xf32, #tpu.memory_space<hbm>>) target_semaphore(%arg19 : memref<!tpu.dma_semaphore, #tpu.memory_space<semaphore_mem>>)
      %add3A_100 = arith.constant 1 : i32
      %add3A_101 = arith.addi %mul3A_73, %add3A_100 : i32
      %dma_wait3A_102 = arith.constant 0 : i32
      %dma_wait3A_103 = tpu.memref_slice %arg7[%add3A_101, %dma_wait3A_102] : memref<14x128xi32, #tpu.memory_space<vmem>> -> memref<1x128xi32, #tpu.memory_space<vmem>>
      %dma_wait3A_104 = tpu.memref_squeeze %dma_wait3A_103 : memref<1x128xi32, #tpu.memory_space<vmem>> -> memref<128xi32, #tpu.memory_space<vmem>>
      %dma_wait3A_105 = arith.constant 0 : i32
      %dma_wait3A_106 = arith.constant 0 : i32
      %dma_wait3A_107 = tpu.memref_slice %arg2[%dma_wait3A_105, %dma_wait3A_106] : memref<10240x128xf32, #tpu.memory_space<hbm>> -> memref<10240x128xf32, #tpu.memory_space<hbm>>
      tpu.wait_indirect_dma semaphore(%arg16 : memref<!tpu.dma_semaphore, #tpu.memory_space<semaphore_mem>>) src(%dma_wait3A_107 : memref<10240x128xf32, #tpu.memory_space<hbm>>) dst(%arg11 : memref<128x128xf32, #tpu.memory_space<vmem>>)
      %add3A_108 = arith.constant 1 : i32
      %add3A_109 = arith.addi %mul3A_73, %add3A_108 : i32
      %mul3A_110 = arith.constant 128 : i32
      %mul3A_111 = arith.muli %add3A_109, %mul3A_110 : i32
      %add3A_112 = arith.addi %mul3A_4, %mul3A_111 : i32
      %dma_start3A_113 = arith.constant 0 : i32
      %dma_start3A_114 = tpu.memref_slice %arg5[%add3A_112, %dma_start3A_113] : memref<57344x128xf32, #tpu.memory_space<hbm>> -> memref<128x128xf32, #tpu.memory_space<hbm>>
      %dma_start3A_115 = arith.constant 0 : i32
      %dma_start3A_116 = tpu.memref_slice %arg5[%add3A_112, %dma_start3A_115] : memref<57344x128xf32, #tpu.memory_space<hbm>> -> memref<128x128xf32, #tpu.memory_space<hbm>>
      tpu.enqueue_dma source(%arg11 : memref<128x128xf32, #tpu.memory_space<vmem>>) target(%dma_start3A_116 : memref<128x128xf32, #tpu.memory_space<hbm>>) target_semaphore(%arg20 : memref<!tpu.dma_semaphore, #tpu.memory_space<semaphore_mem>>)
      %add3A_117 = arith.constant 1 : i32
      %add3A_118 = arith.addi %mul3A_73, %add3A_117 : i32
      %dma_wait3A_119 = arith.constant 0 : i32
      %dma_wait3A_120 = tpu.memref_slice %arg8[%add3A_118, %dma_wait3A_119] : memref<14x128xi32, #tpu.memory_space<vmem>> -> memref<1x128xi32, #tpu.memory_space<vmem>>
      %dma_wait3A_121 = tpu.memref_squeeze %dma_wait3A_120 : memref<1x128xi32, #tpu.memory_space<vmem>> -> memref<128xi32, #tpu.memory_space<vmem>>
      %dma_wait3A_122 = arith.constant 0 : i32
      %dma_wait3A_123 = arith.constant 0 : i32
      %dma_wait3A_124 = tpu.memref_slice %arg2[%dma_wait3A_122, %dma_wait3A_123] : memref<10240x128xf32, #tpu.memory_space<hbm>> -> memref<10240x128xf32, #tpu.memory_space<hbm>>
      tpu.wait_indirect_dma semaphore(%arg17 : memref<!tpu.dma_semaphore, #tpu.memory_space<semaphore_mem>>) src(%dma_wait3A_124 : memref<10240x128xf32, #tpu.memory_space<hbm>>) dst(%arg12 : memref<128x128xf32, #tpu.memory_space<vmem>>)
      %add3A_125 = arith.constant 1 : i32
      %add3A_126 = arith.addi %mul3A_73, %add3A_125 : i32
      %mul3A_127 = arith.constant 128 : i32
      %mul3A_128 = arith.muli %add3A_126, %mul3A_127 : i32
      %add3A_129 = arith.addi %mul3A_4, %mul3A_128 : i32
      %dma_start3A_130 = arith.constant 0 : i32
      %dma_start3A_131 = tpu.memref_slice %arg6[%add3A_129, %dma_start3A_130] : memref<57344x128xf32, #tpu.memory_space<hbm>> -> memref<128x128xf32, #tpu.memory_space<hbm>>
      %dma_start3A_132 = arith.constant 0 : i32
      %dma_start3A_133 = tpu.memref_slice %arg6[%add3A_129, %dma_start3A_132] : memref<57344x128xf32, #tpu.memory_space<hbm>> -> memref<128x128xf32, #tpu.memory_space<hbm>>
      tpu.enqueue_dma source(%arg12 : memref<128x128xf32, #tpu.memory_space<vmem>>) target(%dma_start3A_133 : memref<128x128xf32, #tpu.memory_space<hbm>>) target_semaphore(%arg21 : memref<!tpu.dma_semaphore, #tpu.memory_space<semaphore_mem>>)
      %mul3A_134 = arith.constant 128 : i32
      %mul3A_135 = arith.muli %mul3A_73, %mul3A_134 : i32
      %add3A_136 = arith.addi %mul3A_4, %mul3A_135 : i32
      %dma_wait3A_137 = arith.constant 0 : i32
      %dma_wait3A_138 = tpu.memref_slice %arg5[%add3A_136, %dma_wait3A_137] : memref<57344x128xf32, #tpu.memory_space<hbm>> -> memref<128x128xf32, #tpu.memory_space<hbm>>
      %dma_wait3A_139 = arith.constant 0 : i32
      %dma_wait3A_140 = tpu.memref_slice %arg5[%add3A_136, %dma_wait3A_139] : memref<57344x128xf32, #tpu.memory_space<hbm>> -> memref<128x128xf32, #tpu.memory_space<hbm>>
      tpu.wait_dma2 semaphore(%arg18 : memref<!tpu.dma_semaphore, #tpu.memory_space<semaphore_mem>>) src(%arg9 : memref<128x128xf32, #tpu.memory_space<vmem>>) dst(%dma_wait3A_140 : memref<128x128xf32, #tpu.memory_space<hbm>>)
      %mul3A_141 = arith.constant 128 : i32
      %mul3A_142 = arith.muli %mul3A_73, %mul3A_141 : i32
      %add3A_143 = arith.addi %mul3A_4, %mul3A_142 : i32
      %dma_wait3A_144 = arith.constant 0 : i32
      %dma_wait3A_145 = tpu.memref_slice %arg6[%add3A_143, %dma_wait3A_144] : memref<57344x128xf32, #tpu.memory_space<hbm>> -> memref<128x128xf32, #tpu.memory_space<hbm>>
      %dma_wait3A_146 = arith.constant 0 : i32
      %dma_wait3A_147 = tpu.memref_slice %arg6[%add3A_143, %dma_wait3A_146] : memref<57344x128xf32, #tpu.memory_space<hbm>> -> memref<128x128xf32, #tpu.memory_space<hbm>>
      tpu.wait_dma2 semaphore(%arg19 : memref<!tpu.dma_semaphore, #tpu.memory_space<semaphore_mem>>) src(%arg10 : memref<128x128xf32, #tpu.memory_space<vmem>>) dst(%dma_wait3A_147 : memref<128x128xf32, #tpu.memory_space<hbm>>)
      %add3A_148 = arith.constant 2 : i32
      %add3A_149 = arith.addi %mul3A_73, %add3A_148 : i32
      %lt3A = arith.constant 14 : i32
      %lt3A_150 = arith.cmpi slt, %add3A_149, %lt3A : i32
      %convert_element_type3A = arith.extui %lt3A_150 : i1 to i32
      %cond3A = arith.constant 0 : i32
      %cond3A_151 = arith.cmpi ne, %convert_element_type3A, %cond3A : i32
      scf.if %cond3A_151 {
        %add3A_177 = arith.constant 2 : i32
        %add3A_178 = arith.addi %mul3A_73, %add3A_177 : i32
        %dma_start3A_179 = arith.constant 0 : i32
        %dma_start3A_180 = tpu.memref_slice %arg7[%add3A_178, %dma_start3A_179] : memref<14x128xi32, #tpu.memory_space<vmem>> -> memref<1x128xi32, #tpu.memory_space<vmem>>
        %dma_start3A_181 = tpu.memref_squeeze %dma_start3A_180 : memref<1x128xi32, #tpu.memory_space<vmem>> -> memref<128xi32, #tpu.memory_space<vmem>>
        %dma_start3A_182 = arith.constant 0 : i32
        %dma_start3A_183 = arith.constant 0 : i32
        %dma_start3A_184 = tpu.memref_slice %arg2[%dma_start3A_182, %dma_start3A_183] : memref<10240x128xf32, #tpu.memory_space<hbm>> -> memref<10240x128xf32, #tpu.memory_space<hbm>>
        tpu.enqueue_indirect_dma source(%dma_start3A_184 : memref<10240x128xf32, #tpu.memory_space<hbm>>) target(%arg9 : memref<128x128xf32, #tpu.memory_space<vmem>>) offsets(%dma_start3A_181 : memref<128xi32, #tpu.memory_space<vmem>>) semaphore(%arg14 : memref<!tpu.dma_semaphore, #tpu.memory_space<semaphore_mem>>)
        %add3A_185 = arith.constant 2 : i32
        %add3A_186 = arith.addi %mul3A_73, %add3A_185 : i32
        %dma_start3A_187 = arith.constant 0 : i32
        %dma_start3A_188 = tpu.memref_slice %arg8[%add3A_186, %dma_start3A_187] : memref<14x128xi32, #tpu.memory_space<vmem>> -> memref<1x128xi32, #tpu.memory_space<vmem>>
        %dma_start3A_189 = tpu.memref_squeeze %dma_start3A_188 : memref<1x128xi32, #tpu.memory_space<vmem>> -> memref<128xi32, #tpu.memory_space<vmem>>
        %dma_start3A_190 = arith.constant 0 : i32
        %dma_start3A_191 = arith.constant 0 : i32
        %dma_start3A_192 = tpu.memref_slice %arg2[%dma_start3A_190, %dma_start3A_191] : memref<10240x128xf32, #tpu.memory_space<hbm>> -> memref<10240x128xf32, #tpu.memory_space<hbm>>
        tpu.enqueue_indirect_dma source(%dma_start3A_192 : memref<10240x128xf32, #tpu.memory_space<hbm>>) target(%arg10 : memref<128x128xf32, #tpu.memory_space<vmem>>) offsets(%dma_start3A_189 : memref<128xi32, #tpu.memory_space<vmem>>) semaphore(%arg15 : memref<!tpu.dma_semaphore, #tpu.memory_space<semaphore_mem>>)
      } else {
      }
      %add3A_152 = arith.constant 1 : i32
      %add3A_153 = arith.addi %mul3A_73, %add3A_152 : i32
      %mul3A_154 = arith.constant 128 : i32
      %mul3A_155 = arith.muli %add3A_153, %mul3A_154 : i32
      %add3A_156 = arith.addi %mul3A_4, %mul3A_155 : i32
      %dma_wait3A_157 = arith.constant 0 : i32
      %dma_wait3A_158 = tpu.memref_slice %arg5[%add3A_156, %dma_wait3A_157] : memref<57344x128xf32, #tpu.memory_space<hbm>> -> memref<128x128xf32, #tpu.memory_space<hbm>>
      %dma_wait3A_159 = arith.constant 0 : i32
      %dma_wait3A_160 = tpu.memref_slice %arg5[%add3A_156, %dma_wait3A_159] : memref<57344x128xf32, #tpu.memory_space<hbm>> -> memref<128x128xf32, #tpu.memory_space<hbm>>
      tpu.wait_dma2 semaphore(%arg20 : memref<!tpu.dma_semaphore, #tpu.memory_space<semaphore_mem>>) src(%arg11 : memref<128x128xf32, #tpu.memory_space<vmem>>) dst(%dma_wait3A_160 : memref<128x128xf32, #tpu.memory_space<hbm>>)
      %add3A_161 = arith.constant 1 : i32
      %add3A_162 = arith.addi %mul3A_73, %add3A_161 : i32
      %mul3A_163 = arith.constant 128 : i32
      %mul3A_164 = arith.muli %add3A_162, %mul3A_163 : i32
      %add3A_165 = arith.addi %mul3A_4, %mul3A_164 : i32
      %dma_wait3A_166 = arith.constant 0 : i32
      %dma_wait3A_167 = tpu.memref_slice %arg6[%add3A_165, %dma_wait3A_166] : memref<57344x128xf32, #tpu.memory_space<hbm>> -> memref<128x128xf32, #tpu.memory_space<hbm>>
      %dma_wait3A_168 = arith.constant 0 : i32
      %dma_wait3A_169 = tpu.memref_slice %arg6[%add3A_165, %dma_wait3A_168] : memref<57344x128xf32, #tpu.memory_space<hbm>> -> memref<128x128xf32, #tpu.memory_space<hbm>>
      tpu.wait_dma2 semaphore(%arg21 : memref<!tpu.dma_semaphore, #tpu.memory_space<semaphore_mem>>) src(%arg12 : memref<128x128xf32, #tpu.memory_space<vmem>>) dst(%dma_wait3A_169 : memref<128x128xf32, #tpu.memory_space<hbm>>)
      %add3A_170 = arith.constant 3 : i32
      %add3A_171 = arith.addi %mul3A_73, %add3A_170 : i32
      %lt3A_172 = arith.constant 14 : i32
      %lt3A_173 = arith.cmpi slt, %add3A_171, %lt3A_172 : i32
      %convert_element_type3A_174 = arith.extui %lt3A_173 : i1 to i32
      %cond3A_175 = arith.constant 0 : i32
      %cond3A_176 = arith.cmpi ne, %convert_element_type3A_174, %cond3A_175 : i32
      scf.if %cond3A_176 {
        %add3A_177 = arith.constant 3 : i32
        %add3A_178 = arith.addi %mul3A_73, %add3A_177 : i32
        %dma_start3A_179 = arith.constant 0 : i32
        %dma_start3A_180 = tpu.memref_slice %arg7[%add3A_178, %dma_start3A_179] : memref<14x128xi32, #tpu.memory_space<vmem>> -> memref<1x128xi32, #tpu.memory_space<vmem>>
        %dma_start3A_181 = tpu.memref_squeeze %dma_start3A_180 : memref<1x128xi32, #tpu.memory_space<vmem>> -> memref<128xi32, #tpu.memory_space<vmem>>
        %dma_start3A_182 = arith.constant 0 : i32
        %dma_start3A_183 = arith.constant 0 : i32
        %dma_start3A_184 = tpu.memref_slice %arg2[%dma_start3A_182, %dma_start3A_183] : memref<10240x128xf32, #tpu.memory_space<hbm>> -> memref<10240x128xf32, #tpu.memory_space<hbm>>
        tpu.enqueue_indirect_dma source(%dma_start3A_184 : memref<10240x128xf32, #tpu.memory_space<hbm>>) target(%arg11 : memref<128x128xf32, #tpu.memory_space<vmem>>) offsets(%dma_start3A_181 : memref<128xi32, #tpu.memory_space<vmem>>) semaphore(%arg16 : memref<!tpu.dma_semaphore, #tpu.memory_space<semaphore_mem>>)
        %add3A_185 = arith.constant 3 : i32
        %add3A_186 = arith.addi %mul3A_73, %add3A_185 : i32
        %dma_start3A_187 = arith.constant 0 : i32
        %dma_start3A_188 = tpu.memref_slice %arg8[%add3A_186, %dma_start3A_187] : memref<14x128xi32, #tpu.memory_space<vmem>> -> memref<1x128xi32, #tpu.memory_space<vmem>>
        %dma_start3A_189 = tpu.memref_squeeze %dma_start3A_188 : memref<1x128xi32, #tpu.memory_space<vmem>> -> memref<128xi32, #tpu.memory_space<vmem>>
        %dma_start3A_190 = arith.constant 0 : i32
        %dma_start3A_191 = arith.constant 0 : i32
        %dma_start3A_192 = tpu.memref_slice %arg2[%dma_start3A_190, %dma_start3A_191] : memref<10240x128xf32, #tpu.memory_space<hbm>> -> memref<10240x128xf32, #tpu.memory_space<hbm>>
        tpu.enqueue_indirect_dma source(%dma_start3A_192 : memref<10240x128xf32, #tpu.memory_space<hbm>>) target(%arg12 : memref<128x128xf32, #tpu.memory_space<vmem>>) offsets(%dma_start3A_189 : memref<128xi32, #tpu.memory_space<vmem>>) semaphore(%arg17 : memref<!tpu.dma_semaphore, #tpu.memory_space<semaphore_mem>>)
      } else {
      }
    }
    %scan3A_66 = arith.constant 7 : i32
    return
  }
}

module attributes {stable_mosaic.version = 14 : i64} {
  func.func @body(%arg0: i32, %arg1: memref<2048x128xf32, #tpu.memory_space<vmem>>, %arg2: memref<128x128xf32, #tpu.memory_space<vmem>>, %arg3: memref<2048xf32, #tpu.memory_space<vmem>>, %arg4: memref<2048xf32, #tpu.memory_space<vmem>>, %arg5: memref<2048x128xf32, #tpu.memory_space<vmem>>, %arg6: memref<2048xf32, #tpu.memory_space<vmem>>) attributes {dimension_semantics = [#tpu.dimension_semantics<arbitrary>], iteration_bounds = array<i64: 5>, scalar_prefetch = 0 : i64, scratch_operands = 0 : i64, tpu.core_type = #tpu.core_type<tc>, window_params = [{transform_indices = @transform_0, window_bounds = array<i64: 2048, 128>}, {pipeline_mode = #tpu.pipeline_mode<synchronous>, transform_indices = @transform_1, window_bounds = array<i64: 128, 128>}, {transform_indices = @transform_2, window_bounds = array<i64: 2048>}, {transform_indices = @transform_3, window_bounds = array<i64: 2048>}, {transform_indices = @transform_4, window_bounds = array<i64: 2048, 128>}, {transform_indices = @transform_5, window_bounds = array<i64: 2048>}]} {
    %get3A = arith.constant 0 : index
    %get3A_0 = vector.load %arg3[%get3A] : memref<2048xf32, #tpu.memory_space<vmem>>, vector<2048xf32>
    %get3A_1 = arith.constant 0 : index
    %get3A_2 = vector.load %arg4[%get3A_1] : memref<2048xf32, #tpu.memory_space<vmem>>, vector<2048xf32>
    %add3A = arith.addf %get3A_0, %get3A_2 : vector<2048xf32>
    %add3A_3 = arith.constant 1.000000e+00 : f32
    %add3A_4 = vector.broadcast %add3A_3 : f32 to vector<2048xf32>
    %add3A_5 = arith.addf %add3A, %add3A_4 : vector<2048xf32>
    %rsqrt3A = math.rsqrt %add3A_5 : vector<2048xf32>
    %swap3A = arith.constant 0 : index
    %swap3A_6 = vector.load %arg6[%swap3A] : memref<2048xf32, #tpu.memory_space<vmem>>, vector<2048xf32>
    tpu.vector_store %arg6[%swap3A], %rsqrt3A {strides = array<i32>} : memref<2048xf32, #tpu.memory_space<vmem>>, vector<2048xf32>,
    %get3A_7 = arith.constant 0 : index
    %get3A_8 = arith.constant 0 : index
    %get3A_9 = vector.load %arg1[%get3A_7, %get3A_8] : memref<2048x128xf32, #tpu.memory_space<vmem>>, vector<2048x128xf32>
    %get3A_10 = arith.constant 0 : index
    %get3A_11 = arith.constant 0 : index
    %get3A_12 = vector.load %arg2[%get3A_10, %get3A_11] : memref<128x128xf32, #tpu.memory_space<vmem>>, vector<128x128xf32>
    %convert_element_type3A = arith.truncf %get3A_9 : vector<2048x128xf32> to vector<2048x128xbf16>
    %convert_element_type3A_13 = arith.truncf %get3A_12 : vector<128x128xf32> to vector<128x128xbf16>
    %dot_general3A = arith.constant dense<0.000000e+00> : vector<2048x128xf32>
    %dot_general3A_14 = tpu.matmul %convert_element_type3A, %convert_element_type3A_13, %dot_general3A {dimension_numbers = #tpu.dot_dimension_numbers<[1], [0], [0], [1], [0, 0, 1, 1], [], []>, transpose_lhs_hint = false} : vector<2048x128xbf16>, vector<128x128xbf16>, vector<2048x128xf32> -> vector<2048x128xf32>
    %broadcast_in_dim3A = vector.shape_cast %rsqrt3A : vector<2048xf32> to vector<2048x1xf32>
    %mul3A = vector.broadcast %broadcast_in_dim3A : vector<2048x1xf32> to vector<2048x128xf32>
    %mul3A_15 = arith.mulf %dot_general3A_14, %mul3A : vector<2048x128xf32>
    %swap3A_16 = arith.constant 0 : index
    %swap3A_17 = arith.constant 0 : index
    %swap3A_18 = vector.load %arg5[%swap3A_16, %swap3A_17] : memref<2048x128xf32, #tpu.memory_space<vmem>>, vector<2048x128xf32>
    tpu.vector_store %arg5[%swap3A_16, %swap3A_17], %mul3A_15 {strides = array<i32>} : memref<2048x128xf32, #tpu.memory_space<vmem>>, vector<2048x128xf32>,
    return
  }
  func.func @transform_0(%arg0: i32) -> (i32, i32) {
    %c0_i32 = arith.constant 0 : i32
    %c0_i32_0 = arith.constant 0 : i32
    return %arg0, %c0_i32 : i32, i32
  }
  func.func @transform_1(%arg0: i32) -> (i32, i32) {
    %c0_i32 = arith.constant 0 : i32
    %c0_i32_0 = arith.constant 0 : i32
    %c0_i32_1 = arith.constant 0 : i32
    return %c0_i32, %c0_i32_0 : i32, i32
  }
  func.func @transform_2(%arg0: i32) -> i32 {
    %c0_i32 = arith.constant 0 : i32
    return %arg0 : i32
  }
  func.func @transform_3(%arg0: i32) -> i32 {
    %c0_i32 = arith.constant 0 : i32
    return %arg0 : i32
  }
  func.func @transform_4(%arg0: i32) -> (i32, i32) {
    %c0_i32 = arith.constant 0 : i32
    %c0_i32_0 = arith.constant 0 : i32
    return %arg0, %c0_i32 : i32, i32
  }
  func.func @transform_5(%arg0: i32) -> i32 {
    %c0_i32 = arith.constant 0 : i32
    return %arg0 : i32
  }
}

module attributes {stable_mosaic.version = 14 : i64} {
  func.func @body(%arg0: i32, %arg1: memref<1x2048x128xf32, #tpu.memory_space<vmem>>, %arg2: memref<1x2048x128xf32, #tpu.memory_space<vmem>>, %arg3: memref<2048x128xf32, #tpu.memory_space<vmem>>, %arg4: memref<2048xf32, #tpu.memory_space<vmem>>, %arg5: memref<128xf32, #tpu.memory_space<vmem>>, %arg6: memref<128x128xf32, #tpu.memory_space<vmem>>, %arg7: memref<2048x128xf32, #tpu.memory_space<vmem>>) attributes {dimension_semantics = [#tpu.dimension_semantics<arbitrary>], iteration_bounds = array<i64: 5>, scalar_prefetch = 0 : i64, scratch_operands = 0 : i64, tpu.core_type = #tpu.core_type<tc>, window_params = [{transform_indices = @transform_0, window_bounds = array<i64: 1, 2048, 128>}, {transform_indices = @transform_1, window_bounds = array<i64: 1, 2048, 128>}, {transform_indices = @transform_2, window_bounds = array<i64: 2048, 128>}, {transform_indices = @transform_3, window_bounds = array<i64: 2048>}, {pipeline_mode = #tpu.pipeline_mode<synchronous>, transform_indices = @transform_4, window_bounds = array<i64: 128>}, {pipeline_mode = #tpu.pipeline_mode<synchronous>, transform_indices = @transform_5, window_bounds = array<i64: 128, 128>}, {transform_indices = @transform_6, window_bounds = array<i64: 2048, 128>}]} {
    %get3A = arith.constant 0 : index
    %get3A_0 = vector.load %arg4[%get3A] : memref<2048xf32, #tpu.memory_space<vmem>>, vector<2048xf32>
    %broadcast_in_dim3A = vector.shape_cast %get3A_0 : vector<2048xf32> to vector<2048x1xf32>
    %get3A_1 = arith.constant 0 : index
    %get3A_2 = arith.constant 0 : index
    %get3A_3 = arith.constant 0 : index
    %get3A_4 = vector.load %arg1[%get3A_1, %get3A_2, %get3A_3] : memref<1x2048x128xf32, #tpu.memory_space<vmem>>, vector<1x2048x128xf32>
    %get3A_5 = vector.shape_cast %get3A_4 : vector<1x2048x128xf32> to vector<2048x128xf32>
    %get3A_6 = arith.constant 0 : index
    %get3A_7 = arith.constant 0 : index
    %get3A_8 = arith.constant 0 : index
    %get3A_9 = vector.load %arg2[%get3A_6, %get3A_7, %get3A_8] : memref<1x2048x128xf32, #tpu.memory_space<vmem>>, vector<1x2048x128xf32>
    %get3A_10 = vector.shape_cast %get3A_9 : vector<1x2048x128xf32> to vector<2048x128xf32>
    %add3A = arith.addf %get3A_5, %get3A_10 : vector<2048x128xf32>
    %get3A_11 = arith.constant 0 : index
    %get3A_12 = arith.constant 0 : index
    %get3A_13 = vector.load %arg3[%get3A_11, %get3A_12] : memref<2048x128xf32, #tpu.memory_space<vmem>>, vector<2048x128xf32>
    %add3A_14 = arith.addf %add3A, %get3A_13 : vector<2048x128xf32>
    %mul3A = vector.broadcast %broadcast_in_dim3A : vector<2048x1xf32> to vector<2048x128xf32>
    %mul3A_15 = arith.mulf %mul3A, %add3A_14 : vector<2048x128xf32>
    %get3A_16 = arith.constant 0 : index
    %get3A_17 = vector.load %arg5[%get3A_16] : memref<128xf32, #tpu.memory_space<vmem>>, vector<128xf32>
    %broadcast_in_dim3A_18 = vector.shape_cast %get3A_17 : vector<128xf32> to vector<1x128xf32>
    %add3A_19 = vector.broadcast %broadcast_in_dim3A_18 : vector<1x128xf32> to vector<2048x128xf32>
    %add3A_20 = arith.addf %mul3A_15, %add3A_19 : vector<2048x128xf32>
    %max3A = arith.constant 0.000000e+00 : f32
    %max3A_21 = vector.broadcast %max3A : f32 to vector<2048x128xf32>
    %max3A_22 = arith.maximumf %add3A_20, %max3A_21 : vector<2048x128xf32>
    %get3A_23 = arith.constant 0 : index
    %get3A_24 = arith.constant 0 : index
    %get3A_25 = vector.load %arg6[%get3A_23, %get3A_24] : memref<128x128xf32, #tpu.memory_space<vmem>>, vector<128x128xf32>
    %convert_element_type3A = arith.truncf %max3A_22 : vector<2048x128xf32> to vector<2048x128xbf16>
    %convert_element_type3A_26 = arith.truncf %get3A_25 : vector<128x128xf32> to vector<128x128xbf16>
    %dot_general3A = arith.constant dense<0.000000e+00> : vector<2048x128xf32>
    %dot_general3A_27 = tpu.matmul %convert_element_type3A, %convert_element_type3A_26, %dot_general3A {dimension_numbers = #tpu.dot_dimension_numbers<[1], [0], [0], [1], [0, 0, 1, 1], [], []>, transpose_lhs_hint = false} : vector<2048x128xbf16>, vector<128x128xbf16>, vector<2048x128xf32> -> vector<2048x128xf32>
    %broadcast_in_dim3A_28 = vector.shape_cast %get3A_0 : vector<2048xf32> to vector<2048x1xf32>
    %mul3A_29 = vector.broadcast %broadcast_in_dim3A_28 : vector<2048x1xf32> to vector<2048x128xf32>
    %mul3A_30 = arith.mulf %dot_general3A_27, %mul3A_29 : vector<2048x128xf32>
    %swap3A = arith.constant 0 : index
    %swap3A_31 = arith.constant 0 : index
    %swap3A_32 = vector.load %arg7[%swap3A, %swap3A_31] : memref<2048x128xf32, #tpu.memory_space<vmem>>, vector<2048x128xf32>
    tpu.vector_store %arg7[%swap3A, %swap3A_31], %mul3A_30 {strides = array<i32>} : memref<2048x128xf32, #tpu.memory_space<vmem>>, vector<2048x128xf32>,
    return
  }
  func.func @transform_0(%arg0: i32) -> (i32, i32, i32) {
    %c0_i32 = arith.constant 0 : i32
    %c0_i32_0 = arith.constant 0 : i32
    %c0_i32_1 = arith.constant 0 : i32
    return %c0_i32, %arg0, %c0_i32_0 : i32, i32, i32
  }
  func.func @transform_1(%arg0: i32) -> (i32, i32, i32) {
    %c1_i32 = arith.constant 1 : i32
    %c0_i32 = arith.constant 0 : i32
    %c0_i32_0 = arith.constant 0 : i32
    return %c1_i32, %arg0, %c0_i32 : i32, i32, i32
  }
  func.func @transform_2(%arg0: i32) -> (i32, i32) {
    %c0_i32 = arith.constant 0 : i32
    %c0_i32_0 = arith.constant 0 : i32
    return %arg0, %c0_i32 : i32, i32
  }
  func.func @transform_3(%arg0: i32) -> i32 {
    %c0_i32 = arith.constant 0 : i32
    return %arg0 : i32
  }
  func.func @transform_4(%arg0: i32) -> i32 {
    %c0_i32 = arith.constant 0 : i32
    %c0_i32_0 = arith.constant 0 : i32
    return %c0_i32 : i32
  }
  func.func @transform_5(%arg0: i32) -> (i32, i32) {
    %c0_i32 = arith.constant 0 : i32
    %c0_i32_0 = arith.constant 0 : i32
    %c0_i32_1 = arith.constant 0 : i32
    return %c0_i32, %c0_i32_0 : i32, i32
  }
  func.func @transform_6(%arg0: i32) -> (i32, i32) {
    %c0_i32 = arith.constant 0 : i32
    %c0_i32_0 = arith.constant 0 : i32
    return %arg0, %c0_i32 : i32, i32
  }
}

module attributes {stable_mosaic.version = 14 : i64} {
  func.func @body(%arg0: i32, %arg1: memref<1x2048x128xf32, #tpu.memory_space<vmem>>, %arg2: memref<1x2048x128xf32, #tpu.memory_space<vmem>>, %arg3: memref<2048x128xf32, #tpu.memory_space<vmem>>, %arg4: memref<2048xf32, #tpu.memory_space<vmem>>, %arg5: memref<128xf32, #tpu.memory_space<vmem>>, %arg6: memref<2048x128xf32, #tpu.memory_space<vmem>>) attributes {dimension_semantics = [#tpu.dimension_semantics<arbitrary>], iteration_bounds = array<i64: 5>, scalar_prefetch = 0 : i64, scratch_operands = 0 : i64, tpu.core_type = #tpu.core_type<tc>, window_params = [{transform_indices = @transform_0, window_bounds = array<i64: 1, 2048, 128>}, {transform_indices = @transform_1, window_bounds = array<i64: 1, 2048, 128>}, {transform_indices = @transform_2, window_bounds = array<i64: 2048, 128>}, {transform_indices = @transform_3, window_bounds = array<i64: 2048>}, {pipeline_mode = #tpu.pipeline_mode<synchronous>, transform_indices = @transform_4, window_bounds = array<i64: 128>}, {transform_indices = @transform_5, window_bounds = array<i64: 2048, 128>}]} {
    %get3A = arith.constant 0 : index
    %get3A_0 = vector.load %arg4[%get3A] : memref<2048xf32, #tpu.memory_space<vmem>>, vector<2048xf32>
    %broadcast_in_dim3A = vector.shape_cast %get3A_0 : vector<2048xf32> to vector<2048x1xf32>
    %get3A_1 = arith.constant 0 : index
    %get3A_2 = arith.constant 0 : index
    %get3A_3 = arith.constant 0 : index
    %get3A_4 = vector.load %arg1[%get3A_1, %get3A_2, %get3A_3] : memref<1x2048x128xf32, #tpu.memory_space<vmem>>, vector<1x2048x128xf32>
    %get3A_5 = vector.shape_cast %get3A_4 : vector<1x2048x128xf32> to vector<2048x128xf32>
    %get3A_6 = arith.constant 0 : index
    %get3A_7 = arith.constant 0 : index
    %get3A_8 = arith.constant 0 : index
    %get3A_9 = vector.load %arg2[%get3A_6, %get3A_7, %get3A_8] : memref<1x2048x128xf32, #tpu.memory_space<vmem>>, vector<1x2048x128xf32>
    %get3A_10 = vector.shape_cast %get3A_9 : vector<1x2048x128xf32> to vector<2048x128xf32>
    %add3A = arith.addf %get3A_5, %get3A_10 : vector<2048x128xf32>
    %get3A_11 = arith.constant 0 : index
    %get3A_12 = arith.constant 0 : index
    %get3A_13 = vector.load %arg3[%get3A_11, %get3A_12] : memref<2048x128xf32, #tpu.memory_space<vmem>>, vector<2048x128xf32>
    %add3A_14 = arith.addf %add3A, %get3A_13 : vector<2048x128xf32>
    %mul3A = vector.broadcast %broadcast_in_dim3A : vector<2048x1xf32> to vector<2048x128xf32>
    %mul3A_15 = arith.mulf %mul3A, %add3A_14 : vector<2048x128xf32>
    %get3A_16 = arith.constant 0 : index
    %get3A_17 = vector.load %arg5[%get3A_16] : memref<128xf32, #tpu.memory_space<vmem>>, vector<128xf32>
    %broadcast_in_dim3A_18 = vector.shape_cast %get3A_17 : vector<128xf32> to vector<1x128xf32>
    %add3A_19 = vector.broadcast %broadcast_in_dim3A_18 : vector<1x128xf32> to vector<2048x128xf32>
    %add3A_20 = arith.addf %mul3A_15, %add3A_19 : vector<2048x128xf32>
    %swap3A = arith.constant 0 : index
    %swap3A_21 = arith.constant 0 : index
    %swap3A_22 = vector.load %arg6[%swap3A, %swap3A_21] : memref<2048x128xf32, #tpu.memory_space<vmem>>, vector<2048x128xf32>
    tpu.vector_store %arg6[%swap3A, %swap3A_21], %add3A_20 {strides = array<i32>} : memref<2048x128xf32, #tpu.memory_space<vmem>>, vector<2048x128xf32>,
    return
  }
  func.func @transform_0(%arg0: i32) -> (i32, i32, i32) {
    %c0_i32 = arith.constant 0 : i32
    %c0_i32_0 = arith.constant 0 : i32
    %c0_i32_1 = arith.constant 0 : i32
    return %c0_i32, %arg0, %c0_i32_0 : i32, i32, i32
  }
  func.func @transform_1(%arg0: i32) -> (i32, i32, i32) {
    %c1_i32 = arith.constant 1 : i32
    %c0_i32 = arith.constant 0 : i32
    %c0_i32_0 = arith.constant 0 : i32
    return %c1_i32, %arg0, %c0_i32 : i32, i32, i32
  }
  func.func @transform_2(%arg0: i32) -> (i32, i32) {
    %c0_i32 = arith.constant 0 : i32
    %c0_i32_0 = arith.constant 0 : i32
    return %arg0, %c0_i32 : i32, i32
  }
  func.func @transform_3(%arg0: i32) -> i32 {
    %c0_i32 = arith.constant 0 : i32
    return %arg0 : i32
  }
  func.func @transform_4(%arg0: i32) -> i32 {
    %c0_i32 = arith.constant 0 : i32
    %c0_i32_0 = arith.constant 0 : i32
    return %c0_i32 : i32
  }
  func.func @transform_5(%arg0: i32) -> (i32, i32) {
    %c0_i32 = arith.constant 0 : i32
    %c0_i32_0 = arith.constant 0 : i32
    return %arg0, %c0_i32 : i32, i32
  }
}

module attributes {stable_mosaic.version = 14 : i64} {
  func.func @body(%arg0: i32, %arg1: memref<2048x128xf32, #tpu.memory_space<vmem>>, %arg2: memref<2048x128xf32, #tpu.memory_space<vmem>>, %arg3: memref<128x128xf32, #tpu.memory_space<vmem>>, %arg4: memref<128xf32, #tpu.memory_space<vmem>>, %arg5: memref<128x128xf32, #tpu.memory_space<vmem>>, %arg6: memref<128xf32, #tpu.memory_space<vmem>>, %arg7: memref<128x8xf32, #tpu.memory_space<vmem>>, %arg8: memref<1xf32, #tpu.memory_space<vmem>>, %arg9: memref<2048xf32, #tpu.memory_space<vmem>>) attributes {dimension_semantics = [#tpu.dimension_semantics<arbitrary>], iteration_bounds = array<i64: 28>, scalar_prefetch = 0 : i64, scratch_operands = 0 : i64, tpu.core_type = #tpu.core_type<tc>, window_params = [{transform_indices = @transform_0, window_bounds = array<i64: 2048, 128>}, {transform_indices = @transform_1, window_bounds = array<i64: 2048, 128>}, {pipeline_mode = #tpu.pipeline_mode<synchronous>, transform_indices = @transform_2, window_bounds = array<i64: 128, 128>}, {pipeline_mode = #tpu.pipeline_mode<synchronous>, transform_indices = @transform_3, window_bounds = array<i64: 128>}, {pipeline_mode = #tpu.pipeline_mode<synchronous>, transform_indices = @transform_4, window_bounds = array<i64: 128, 128>}, {pipeline_mode = #tpu.pipeline_mode<synchronous>, transform_indices = @transform_5, window_bounds = array<i64: 128>}, {pipeline_mode = #tpu.pipeline_mode<synchronous>, transform_indices = @transform_6, window_bounds = array<i64: 128, 8>}, {pipeline_mode = #tpu.pipeline_mode<synchronous>, transform_indices = @transform_7, window_bounds = array<i64: 1>}, {transform_indices = @transform_8, window_bounds = array<i64: 2048>}]} {
    %get3A = arith.constant 0 : index
    %get3A_0 = arith.constant 0 : index
    %get3A_1 = vector.load %arg1[%get3A, %get3A_0] : memref<2048x128xf32, #tpu.memory_space<vmem>>, vector<2048x128xf32>
    %get3A_2 = arith.constant 0 : index
    %get3A_3 = arith.constant 0 : index
    %get3A_4 = vector.load %arg2[%get3A_2, %get3A_3] : memref<2048x128xf32, #tpu.memory_space<vmem>>, vector<2048x128xf32>
    %mul3A = arith.mulf %get3A_1, %get3A_4 : vector<2048x128xf32>
    %get3A_5 = arith.constant 0 : index
    %get3A_6 = arith.constant 0 : index
    %get3A_7 = vector.load %arg3[%get3A_5, %get3A_6] : memref<128x128xf32, #tpu.memory_space<vmem>>, vector<128x128xf32>
    %convert_element_type3A = arith.truncf %mul3A : vector<2048x128xf32> to vector<2048x128xbf16>
    %convert_element_type3A_8 = arith.truncf %get3A_7 : vector<128x128xf32> to vector<128x128xbf16>
    %dot_general3A = arith.constant dense<0.000000e+00> : vector<2048x128xf32>
    %dot_general3A_9 = tpu.matmul %convert_element_type3A, %convert_element_type3A_8, %dot_general3A {dimension_numbers = #tpu.dot_dimension_numbers<[1], [0], [0], [1], [0, 0, 1, 1], [], []>, transpose_lhs_hint = false} : vector<2048x128xbf16>, vector<128x128xbf16>, vector<2048x128xf32> -> vector<2048x128xf32>
    %get3A_10 = arith.constant 0 : index
    %get3A_11 = vector.load %arg4[%get3A_10] : memref<128xf32, #tpu.memory_space<vmem>>, vector<128xf32>
    %broadcast_in_dim3A = vector.shape_cast %get3A_11 : vector<128xf32> to vector<1x128xf32>
    %add3A = vector.broadcast %broadcast_in_dim3A : vector<1x128xf32> to vector<2048x128xf32>
    %add3A_12 = arith.addf %dot_general3A_9, %add3A : vector<2048x128xf32>
    %max3A = arith.constant 0.000000e+00 : f32
    %max3A_13 = vector.broadcast %max3A : f32 to vector<2048x128xf32>
    %max3A_14 = arith.maximumf %add3A_12, %max3A_13 : vector<2048x128xf32>
    %get3A_15 = arith.constant 0 : index
    %get3A_16 = arith.constant 0 : index
    %get3A_17 = vector.load %arg5[%get3A_15, %get3A_16] : memref<128x128xf32, #tpu.memory_space<vmem>>, vector<128x128xf32>
    %convert_element_type3A_18 = arith.truncf %max3A_14 : vector<2048x128xf32> to vector<2048x128xbf16>
    %convert_element_type3A_19 = arith.truncf %get3A_17 : vector<128x128xf32> to vector<128x128xbf16>
    %dot_general3A_20 = arith.constant dense<0.000000e+00> : vector<2048x128xf32>
    %dot_general3A_21 = tpu.matmul %convert_element_type3A_18, %convert_element_type3A_19, %dot_general3A_20 {dimension_numbers = #tpu.dot_dimension_numbers<[1], [0], [0], [1], [0, 0, 1, 1], [], []>, transpose_lhs_hint = false} : vector<2048x128xbf16>, vector<128x128xbf16>, vector<2048x128xf32> -> vector<2048x128xf32>
    %get3A_22 = arith.constant 0 : index
    %get3A_23 = vector.load %arg6[%get3A_22] : memref<128xf32, #tpu.memory_space<vmem>>, vector<128xf32>
    %broadcast_in_dim3A_24 = vector.shape_cast %get3A_23 : vector<128xf32> to vector<1x128xf32>
    %add3A_25 = vector.broadcast %broadcast_in_dim3A_24 : vector<1x128xf32> to vector<2048x128xf32>
    %add3A_26 = arith.addf %dot_general3A_21, %add3A_25 : vector<2048x128xf32>
    %max3A_27 = arith.constant 0.000000e+00 : f32
    %max3A_28 = vector.broadcast %max3A_27 : f32 to vector<2048x128xf32>
    %max3A_29 = arith.maximumf %add3A_26, %max3A_28 : vector<2048x128xf32>
    %get3A_30 = arith.constant 0 : index
    %get3A_31 = arith.constant 0 : index
    %get3A_32 = vector.load %arg7[%get3A_30, %get3A_31] : memref<128x8xf32, #tpu.memory_space<vmem>>, vector<128x8xf32>
    %convert_element_type3A_33 = arith.truncf %max3A_29 : vector<2048x128xf32> to vector<2048x128xbf16>
    %convert_element_type3A_34 = arith.truncf %get3A_32 : vector<128x8xf32> to vector<128x8xbf16>
    %dot_general3A_35 = arith.constant dense<0.000000e+00> : vector<2048x8xf32>
    %dot_general3A_36 = tpu.matmul %convert_element_type3A_33, %convert_element_type3A_34, %dot_general3A_35 {dimension_numbers = #tpu.dot_dimension_numbers<[1], [0], [0], [1], [0, 0, 1, 1], [], []>, transpose_lhs_hint = false} : vector<2048x128xbf16>, vector<128x8xbf16>, vector<2048x8xf32> -> vector<2048x8xf32>
    %reduce_sum3A = arith.constant dense<0.000000e+00> : vector<2048xf32>
    %reduce_sum3A_37 = vector.multi_reduction <add>, %dot_general3A_36, %reduce_sum3A [1] : vector<2048x8xf32> to vector<2048xf32>
    %get3A_38 = arith.constant 0 : index
    %get3A_39 = vector.load %arg8[%get3A_38] : memref<1xf32, #tpu.memory_space<vmem>>, vector<1xf32>
    %reduce_sum3A_40 = vector.shape_cast %get3A_39 : vector<1xf32> to vector<1x1xf32>
    %reduce_sum3A_41 = arith.constant dense<0.000000e+00> : vector<1xf32>
    %reduce_sum3A_42 = vector.multi_reduction <add>, %reduce_sum3A_40, %reduce_sum3A_41 [1] : vector<1x1xf32> to vector<1xf32>
    %reduce_sum3A_43 = vector.shape_cast %reduce_sum3A_42 : vector<1xf32> to vector<1x1xf32>
    %reduce_sum3A_44 = vector.extract %reduce_sum3A_43[0, 0] : f32 from vector<1x1xf32>
    %add3A_45 = vector.broadcast %reduce_sum3A_44 : f32 to vector<2048xf32>
    %add3A_46 = arith.addf %reduce_sum3A_37, %add3A_45 : vector<2048xf32>
    %swap3A = arith.constant 0 : index
    %swap3A_47 = vector.load %arg9[%swap3A] : memref<2048xf32, #tpu.memory_space<vmem>>, vector<2048xf32>
    tpu.vector_store %arg9[%swap3A], %add3A_46 {strides = array<i32>} : memref<2048xf32, #tpu.memory_space<vmem>>, vector<2048xf32>,
    return
  }
  func.func @transform_0(%arg0: i32) -> (i32, i32) {
    %c0_i32 = arith.constant 0 : i32
    %c0_i32_0 = arith.constant 0 : i32
    return %arg0, %c0_i32 : i32, i32
  }
  func.func @transform_1(%arg0: i32) -> (i32, i32) {
    %c0_i32 = arith.constant 0 : i32
    %c0_i32_0 = arith.constant 0 : i32
    return %arg0, %c0_i32 : i32, i32
  }
  func.func @transform_2(%arg0: i32) -> (i32, i32) {
    %c0_i32 = arith.constant 0 : i32
    %c0_i32_0 = arith.constant 0 : i32
    %c0_i32_1 = arith.constant 0 : i32
    return %c0_i32, %c0_i32_0 : i32, i32
  }
  func.func @transform_3(%arg0: i32) -> i32 {
    %c0_i32 = arith.constant 0 : i32
    %c0_i32_0 = arith.constant 0 : i32
    return %c0_i32 : i32
  }
  func.func @transform_4(%arg0: i32) -> (i32, i32) {
    %c0_i32 = arith.constant 0 : i32
    %c0_i32_0 = arith.constant 0 : i32
    %c0_i32_1 = arith.constant 0 : i32
    return %c0_i32, %c0_i32_0 : i32, i32
  }
  func.func @transform_5(%arg0: i32) -> i32 {
    %c0_i32 = arith.constant 0 : i32
    %c0_i32_0 = arith.constant 0 : i32
    return %c0_i32 : i32
  }
  func.func @transform_6(%arg0: i32) -> (i32, i32) {
    %c0_i32 = arith.constant 0 : i32
    %c0_i32_0 = arith.constant 0 : i32
    %c0_i32_1 = arith.constant 0 : i32
    return %c0_i32, %c0_i32_0 : i32, i32
  }
  func.func @transform_7(%arg0: i32) -> i32 {
    %c0_i32 = arith.constant 0 : i32
    %c0_i32_0 = arith.constant 0 : i32
    return %c0_i32 : i32
  }
  func.func @transform_8(%arg0: i32) -> i32 {
    %c0_i32 = arith.constant 0 : i32
    return %arg0 : i32
  }
}

</mosaic_0001>

<sc_bundles>
// kernel: kernel.12.cloned.1.call-start
scs
__scs_entry_jumppad:
0x0: {  	(pc) =	sbr.rel $0x88, $3  }
0x1: {  	(tag) =	ssettag $0x0;
	lr =	simm.s32 $0x1  }
0x2: {  	[smem:$0x3F94] =	sst lr;
	_ =	strace $0xD0000000  }
0x3: {  	_ = 	snop  }
0x4: {  	_ = 	snop  }
0x5: {  	_ = 	snop  }
0x6: {  	_ = 	snop  }
0x7: {  	_ = 	snop  }
__scs_overlays_trampoline_lowered:
0x8: {  	[smem:$0x3FA3] =	sst s0  }
0x9: {  	[smem:$0x3FA4] =	sst s1  }
0xa: {  	[smem:$0x3FA5] =	sst s2  }
0xb: {  	[smem:$0x3FA6] =	sst s3  }
0xc: {  	[smem:$0x3FA7] =	sst s4  }
0xd: {  	[smem:$0x3FA8] =	sst s5  }
0xe: {  	[smem:$0x3FA9] =	sst s6  }
0xf: {  	[smem:$0x3FAA] =	sst s7  }
0x10: {  	[smem:$0x3FAB] =	sst s8  }
0x11: {  	[smem:$0x3FAC] =	sst s9;
	s0 =	simm.s32 @!p0 $0x0  }
0x12: {  	s1 =	sld [smem:$0x3F92];
	s0 =	simm.s32 @p0 $0x1  }
0x13: {  	[smem:$0x3FAD] =	sst s0;
	s0 =	simm.s32 @!p1 $0x0  }
0x14: {  	s2 =	sld [smem:$0x3F91];
	s0 =	simm.s32 @p1 $0x1  }
0x15: {  	[smem:$0x3FAE] =	sst s0;
	s0 =	simm.s32 @!p2 $0x0  }
0x16: {  	s3 =	sld [smem:$0x3FDB];
	s0 =	simm.s32 @p2 $0x1  }
0x17: {  	s4 =	simm.s32 $0x1BF5;
	[smem:$0x3FB0] =	sst s0  }
0x18: {  	s0 =	sld [smem:$0x3F93];
	_ =	swait.ge [sflag:s4], $0x0  }
0x19: {  	s7 =	sld [smem:$0x3F94]  }
0x1a: {  	s8 =	sadd.s32 $0xFFFFE003, lr  }
0x1b: {  	s9 =	sadd.s32 $0xFFFFFEF7, lr;
	s5 =	simm.s32 $0xFFFFFFFF;
	p2 =	slt.u32 s8, $0xFFFFF086  }
0x1c: {  	p1 =	slt.u32 s9, $0xF7A;
	s5 =	simm.s32 @!p2 $0x0  }
0x1d: {  	s5 =	simm.s32 @p1 $0x1;
	p0 =	seq.s32 s7, s2  }
0x1e: {  	s7 =	smul.u32 @!p0 $0xF7A, s2;
	p2 =	seq.s32 @!p0 s5, $0x0  }
0x1f: {  	s9 =	smul.u32 $0xF7A, s1;
	s8 =	simm.s32 @!p0 $0x1BF5;
	p2 =	por !p2, p0  }
0x20: {  	[sflag:s8] =	ssyncset.s32 @!p0 $0xFFFFF086;
	s6 =	sadd.s32 @!p0 s3, s7;
	s7 =	simm.s32 @!p0 $0x108  }
0x21: {  	s3 =	sadd.s32 s3, s9;
	s6 =	sadd.s32 @!p0 $0x88, s6;
	s7 =	simm.s32 @p2 $0x1082  }
0x22: {  	[simem:s7], [sflag:s8] =	dma.local @!p0 [hbm:s6], $0xF7A  }
0x23: {  	s9 =	sor.u32 $0xD0000000, s2;
	s6 =	simm.s32 $0x108;
	_ =	swait.ge @!p0 [sflag:s8], $0x0  }
0x24: {  	s3 =	sadd.s32 $0x88, s3;
	s6 =	simm.s32 @!p1 $0x1082;
	[sflag:s4] =	ssyncset.s32 $0xFFFFF086  }
0x25: {  	[simem:s6], [sflag:s4] =	dma.local [hbm:s3], $0xF7A  }
0x26: {  	[smem:$0x3F94] =	sst s1;
	(tag) =	ssettag s2;
	_ =	strace s9  }
0x27: {  	s1 =	sld [smem:$0x3FA4]  }
0x28: {  	s2 =	sld [smem:$0x3FA5]  }
0x29: {  	s4 =	sld [smem:$0x3FA7]  }
0x2a: {  	p0 =	seq.s32 s5, $0x0;
	s5 =	sld [smem:$0x3FA8]  }
0x2b: {  	s6 =	sld [smem:$0x3FA9]  }
0x2c: {  	s7 =	sld [smem:$0x3FAA]  }
0x2d: {  	s3 =	simm.s32 $0x108;
	s8 =	sld [smem:$0x3FAB]  }
0x2e: {  	s3 =	simm.s32 @!p0 $0x1082;
	s9 =	sld [smem:$0x3FAC]  }
0x2f: {  	lr =	sadd.s32 s0, s3;
	s0 =	sld [smem:$0x3FA3]  }
0x30: {  	s3 =	sld [smem:$0x3FA6]  }
0x31: {  	[smem:$0x3FAF] =	sst s10  }
0x32: {  	s10 =	sld [smem:$0x3FAD];
	_ =	sdelay $0x3  }
0x33: {  	p0 =	seq.s32 s10, $0x1;
	s10 =	sld [smem:$0x3FAF];
	_ =	sdelay $0x3  }
0x34: {  	[smem:$0x3FAF] =	sst s10  }
0x35: {  	s10 =	sld [smem:$0x3FAE];
	_ =	sdelay $0x3  }
0x36: {  	p1 =	seq.s32 s10, $0x1;
	s10 =	sld [smem:$0x3FAF];
	_ =	sdelay $0x3  }
0x37: {  	[smem:$0x3FAF] =	sst s10  }
0x38: {  	s10 =	sld [smem:$0x3FB0]  }
0x39: {  	_ = 	snop;
	(pc) =	sbr.ind lr, $3  }
0x3a: {  	_ = 	snop  }
0x3b: {  	_ = 	snop  }
0x3c: {  	p2 =	seq.s32 s10, $0x1;
	s10 =	sld [smem:$0x3FAF]  }
0x3d: {  	_ =	shalt  }
0x3e: {  	_ =	shalt  }
0x3f: {  	_ =	shalt  }
0x40: {  	_ =	shalt  }
0x41: {  	_ =	shalt  }
0x42: {  	_ =	shalt  }
0x43: {  	_ =	shalt  }
0x44: {  	_ =	shalt  }
0x45: {  	_ =	shalt  }
0x46: {  	_ =	shalt  }
0x47: {  	_ =	shalt  }
0x48: {  	_ =	shalt  }
0x49: {  	_ =	shalt  }
0x4a: {  	_ =	shalt  }
0x4b: {  	_ =	shalt  }
0x4c: {  	_ =	shalt  }
0x4d: {  	_ =	shalt  }
0x4e: {  	_ =	shalt  }
0x4f: {  	_ =	shalt  }
0x50: {  	_ =	shalt  }
0x51: {  	_ =	shalt  }
0x52: {  	_ =	shalt  }
0x53: {  	_ =	shalt  }
0x54: {  	_ =	shalt  }
0x55: {  	_ =	shalt  }
0x56: {  	_ =	shalt  }
0x57: {  	_ =	shalt  }
0x58: {  	_ =	shalt  }
0x59: {  	_ =	shalt  }
0x5a: {  	_ =	shalt  }
0x5b: {  	_ =	shalt  }
0x5c: {  	_ =	shalt  }
0x5d: {  	_ =	shalt  }
0x5e: {  	_ =	shalt  }
0x5f: {  	_ =	shalt  }
0x60: {  	_ =	shalt  }
0x61: {  	_ =	shalt  }
0x62: {  	_ =	shalt  }
0x63: {  	_ =	shalt  }
0x64: {  	_ =	shalt  }
0x65: {  	_ =	shalt  }
0x66: {  	_ =	shalt  }
0x67: {  	_ =	shalt  }
0x68: {  	_ =	shalt  }
0x69: {  	_ =	shalt  }
0x6a: {  	_ =	shalt  }
0x6b: {  	_ =	shalt  }
0x6c: {  	_ =	shalt  }
0x6d: {  	_ =	shalt  }
0x6e: {  	_ =	shalt  }
0x6f: {  	_ =	shalt  }
0x70: {  	_ =	shalt  }
0x71: {  	_ =	shalt  }
0x72: {  	_ =	shalt  }
0x73: {  	_ =	shalt  }
0x74: {  	_ =	shalt  }
0x75: {  	_ =	shalt  }
0x76: {  	_ =	shalt  }
0x77: {  	_ =	shalt  }
0x78: {  	_ =	shalt  }
0x79: {  	_ =	shalt  }
0x7a: {  	_ =	shalt  }
0x7b: {  	_ =	shalt  }
0x7c: {  	_ =	shalt  }
0x7d: {  	_ =	shalt  }
0x7e: {  	_ =	shalt  }
0x7f: {  	_ =	shalt  }
0x80: {  	_ =	shalt  }
0x81: {  	_ =	shalt  }
0x82: {  	_ =	shalt  }
0x83: {  	_ =	shalt  }
0x84: {  	_ =	shalt  }
0x85: {  	_ =	shalt  }
0x86: {  	_ =	shalt  }
0x87: {  	_ =	shalt  }
.Lfunc_end0:
.L_simem_size_0:
called_computation_lowered:
.L_overlay_start_0:
0x88: {  	s2 =	sld [smem:$0x3FD9]  }
0x89: {  	s3 =	sld [smem:$0x3FFE];
	_ =	sdelay $0x1  }
0x8a: {  	s1 =	srdreg.scid  }
0x8b: {  	s0 =	sand.u32 $0x1, s1  }
0x8c: {  	s17 =	sshll.u32 s0, $0xA;
	s2 =	sadd.s32 s3, s2  }
0x8d: {  	s2 =	sadd.s32 s2, s17  }
0x8e: {  	[smem:$0x3FBB] =	sst s2  }
0x8f: {  	_ = 	snop  }
0x90: {  	s2 =	sld [smem:$0x3FD0];
	(tm) =	ssettm $0x1  }
0x91: {  	s18 =	sld [smem:$0x3FFB];
	_ =	sdelay $0x3  }
0x92: {  	_ =	strace s18  }
0x93: {  	s3 =	sld [smem:$0x3FFC];
	_ =	sdelay $0x3  }
0x94: {  	_ =	strace s3  }
0x95: {  	s3 =	sld [smem:$0x3FFD];
	_ =	sdelay $0x3  }
0x96: {  	_ =	strace s3  }
0x97: {  	_ =	strace $0x8FFFFFFF  }
0x98: {  	s19 =	sld [smem:$0x3FDB];
	_ =	sdelay $0x1  }
0x99: {  	s4 =	simm.s32 $_scs_section_size  }
0x9a: {  	s5 =	simm.s32 $_size__tile_overlayer_lowered;
	s6 =	simm.s32 $_tile_overlayer_lowered  }
0x9b: {  	s22 =	simm.s32 $0x1BFF;
	s21 =	sshll.u32 s6, $0x1;
	s3 =	sadd.s32 s4, s19  }
0x9c: {  	s7 =	simm.s32 $0x0;
	s20 =	sshll.u32 s5, $0x1;
	s5 =	sadd.s32 s21, s3  }
0x9d: {  	[timem:s7], [sflag:s22] =	dma.local [hbm:s5], s20  }
0x9e: {  	_ =	swait.ge [sflag:s22], s20  }
0x9f: {  	s4 =	ssub.s32 $0x0, s20;
	[sflag:s22] =	ssyncset.done $0x0  }
0xa0: {  	[sflag:s22] =	ssyncadd.s32 s4;
	_ =	sdelay $0x1  }
0xa1: {  	s23 =	simm.s32 $0x1B8B  }
0xa2: {  	_ =	swait.ge [sflag:s23], $0x1  }
0xa3: {  	[sflag:s23] =	ssyncset.done $0x0  }
0xa4: {  	s25 =	simm.s32 $0x1B8E;
	s24 =	sld [smem:$0x3FFE];
	[sflag:s23] =	ssyncadd.s32 $0xFFFFFFFF  }
0xa5: {  	s26 =	simm.s32 $execute0_lowered;
	[smem:$0x3FD2] =	sst s25  }
0xa6: {  	s5 =	sshll.u32 s26, $0x1;
	_ =	strace $0x80000046;
	[dreg:$0x1] =	wrdreg $0xFFFFFFFF  }
0xa7: {  	s28 =	simm.s32 $_size_execute0_lowered;
	s3 =	sadd.s32 s3, s5;
	[dreg:$0x0] =	wrdreg $0x0  }
0xa8: {  	s5 =	sshll.u32 s28, $0x1;
	[dreg:$0x2] =	wrdreg s3  }
0xa9: {  	[dreg:$0x3] =	wrdreg s5  }
0xaa: {  	[dreg:$0x4] =	wrdreg $0xC0  }
0xab: {  	_ =	task [dreg:s7], $0x5FFFF  }
0xac: {  	[dreg:$0x1] =	wrdreg $0xFFFFFFFF  }
0xad: {  	[dreg:$0x0] =	wrdreg $0x60  }
0xae: {  	[dreg:$0x2] =	wrdreg s24  }
0xaf: {  	[dreg:$0x3] =	wrdreg s2  }
0xb0: {  	[dreg:$0x4] =	wrdreg $0x2B000  }
0xb1: {  	[dreg:$0x5] =	wrdreg $0x9  }
0xb2: {  	_ =	task.clear_ibuf [dreg:s7], $0x6FFFF;
	_ =	strace $0x90000046  }
0xb3: {  	s29 =	simm.s32 $0x9;
	_ =	strace $0x80000048  }
0xb4: {  	_ =	swait.ge [sflag:s29], $0x1  }
0xb5: {  	[sflag:s29] =	ssyncadd.s32 $0xFFFFFFFF  }
0xb6: {  	_ =	strace $0x90000048  }
0xb7: {  	_ =	sfence  }
0xb8: {  	s30 =	sld [smem:$0x0];
	_ =	sdelay $0x2  }
0xb9: {  	s31 =	sshll.u32 s1, $0xD;
	s1 =	sshrl.u32 s1, $0x2  }
0xba: {  	s3 =	sand.u32 $0x4000, s31;
	s1 =	sadd.s32 s1, s30  }
0xbb: {  	s0 =	sor.u32 s3, s0;
	s1 =	sshll.u32 s1, $0x11  }
0xbc: {  	s0 =	sor.u32 s1, s0  }
0xbd: {  	s0 =	sadd.s32 $0x8F2B, s0  }
0xbe: {  	[sflag:s0] =	ssyncadd.remote.s32 $0x1  }
0xbf: {  	_ =	sfence.sel $0xFFFF  }
0xc0: {  	[dreg:$0x0] =	wrdreg $0xFFFFFFFF;
	(pc) =	sbr.abs _section_cstart, $3  }
0xc1: {  	[dreg:$0x1] =	wrdreg $0xFFFFFFFF  }
0xc2: {  	_ =	task.clear_ibuf [dreg:s7], $0x2FFFF;
	_ =	strace $0x9FFFFFFF  }
0xc3: {  	(tm) =	ssettm $0x7FFFFFFF  }
tec
execute0_lowered:
.L_overlay_start_1:
0x0: {  	(tag) =	ssettag $0x1  }
0x1: {  	s4 =	rddreg [dreg:$0x0];
	s1 =	srdreg.scid  }
0x2: {  	s0 =	stileid.u32;
	s6 =	rddreg [dreg:$0x1]  }
0x3: {  	s2 =	rddreg [dreg:$0x2];
	s3 =	simm.s32 $0x0;
	s11 =	simm.s32 $0x2800  }
0x4: {  	s14 =	simm.s32 $0x20;
	s15 =	simm.s32 $0x10;
	s16 =	simm.s32 $0x0  }
0x5: {  	s5 =	sand.u32 $0x1, s1;
	s1 =	rddreg [dreg:$0x3];
	s8 =	smul.u32 $0xA00, s0  }
0x6: {  	s26 =	sshll.u32 s0, $0x1;
	[smem:$0x7FF] =	sst s3;
	s10 =	smul.u32 $0x500, s0  }
0x7: {  	s12 =	sshll.u32 s0, $0x6;
	s7 =	sor.u32 s5, s26;
	_ =	strace $0x80000047  }
0x8: {  	s9 =	ssub.s32 $0x2, s5;
	s5 =	sshll.u32 s5, $0x7;
	s12 =	sor.u32 $0x1C01, s12  }
0x9: {  	s7 =	smul.u32 $0x500, s7;
	s28 =	sshrl.u32 s9, $0x1;
	s29 =	sshrl.u32 s8, $0x2  }
0xa: {  	s30 =	sor.u32 s5, s10;
	s8 =	simm.s32 $0x2880;
	s10 =	simm.s32 $0x80  }
0xb: {  	s9 =	ssub.s32 s9, s28;
	s31 =	sshrl.u32 s30, $0x3;
	s7 =	sadd.s32 s7, s4  }
0xc: {  	s4 =	sadd.s32 s29, s2;
	s6 =	sadd.s32 s6, s31;
	s5 =	sadd.s32 $0x4600, s7  }
0xd: {  	v0 =	vimm.f32 $0.0e+00;
	v1 =	vimm.f32 $1.000000000e+00;
	s7 =	smax.u32 s9, $0x1;
	s9 =	simm.s32 $0x1;
	s13 =	sshrl.u32 s4, $0x3  }
.LBB2_1:
0xe: {  	[tilespmem:$0x2880] =	vst v0  }
0xf: {  	[tilespmem:$0x2890] =	vst v0  }
0x10: {  	[tilespmem:$0x28A0] =	vst v0  }
0x11: {  	[tilespmem:$0x28B0] =	vst v0  }
0x12: {  	[tilespmem:$0x28C0] =	vst v0  }
0x13: {  	[tilespmem:$0x28D0] =	vst v0  }
0x14: {  	[tilespmem:$0x28E0] =	vst v0  }
0x15: {  	[tilespmem:$0x28F0] =	vst v0  }
0x16: {  	[tilespmem:$0x2900] =	vst v0  }
0x17: {  	[tilespmem:$0x2910] =	vst v0  }
0x18: {  	[tilespmem:$0x2920] =	vst v0  }
0x19: {  	[tilespmem:$0x2930] =	vst v0  }
0x1a: {  	[tilespmem:$0x2940] =	vst v0  }
0x1b: {  	[tilespmem:$0x2950] =	vst v0  }
0x1c: {  	[tilespmem:$0x2960] =	vst v0  }
0x1d: {  	[tilespmem:$0x2970] =	vst v0  }
0x1e: {  	[tilespmem:$0x2980] =	vst v0  }
0x1f: {  	[tilespmem:$0x2990] =	vst v0  }
0x20: {  	[tilespmem:$0x29A0] =	vst v0  }
0x21: {  	[tilespmem:$0x29B0] =	vst v0  }
0x22: {  	[tilespmem:$0x29C0] =	vst v0  }
0x23: {  	[tilespmem:$0x29D0] =	vst v0  }
0x24: {  	[tilespmem:$0x29E0] =	vst v0  }
0x25: {  	[tilespmem:$0x29F0] =	vst v0  }
0x26: {  	[tilespmem:$0x2A00] =	vst v0  }
0x27: {  	[tilespmem:$0x2A10] =	vst v0  }
0x28: {  	[tilespmem:$0x2A20] =	vst v0  }
0x29: {  	[tilespmem:$0x2A30] =	vst v0  }
0x2a: {  	[tilespmem:$0x2A40] =	vst v0  }
0x2b: {  	[tilespmem:$0x2A50] =	vst v0  }
0x2c: {  	[tilespmem:$0x2A60] =	vst v0  }
0x2d: {  	[tilespmem:$0x2A70] =	vst v0  }
0x2e: {  	[tilespmem:$0x2A80] =	vst v0  }
0x2f: {  	[tilespmem:$0x2A90] =	vst v0  }
0x30: {  	[tilespmem:$0x2AA0] =	vst v0  }
0x31: {  	[tilespmem:$0x2AB0] =	vst v0  }
0x32: {  	[tilespmem:$0x2AC0] =	vst v0  }
0x33: {  	[tilespmem:$0x2AD0] =	vst v0  }
0x34: {  	[tilespmem:$0x2AE0] =	vst v0  }
0x35: {  	[tilespmem:$0x2AF0] =	vst v0  }
0x36: {  	[tilespmem:$0x2800] =	vst v1  }
0x37: {  	[tilespmem:$0x2810] =	vst v1  }
0x38: {  	[tilespmem:$0x2820] =	vst v1  }
0x39: {  	[tilespmem:$0x2830] =	vst v1  }
0x3a: {  	[tilespmem:$0x2840] =	vst v1  }
0x3b: {  	[tilespmem:$0x2850] =	vst v1  }
0x3c: {  	[tilespmem:$0x2860] =	vst v1  }
0x3d: {  	[tilespmem:$0x2870] =	vst v1  }
0x3e: {  	[spmem:s4] =	stream.linear.scatter [tilespmem:s8], [sflag:$0x1], $0x280, $0x38;
	[tilespmem:$0x2D80] =	vst v63  }
0x3f: {  	_ =	swait.ge [sflag:s9], $0x280  }
0x40: {  	[sflag:s9] =	ssyncset.done $0x0  }
0x41: {  	[sflag:s9] =	ssyncadd.s32 $0xFFFFFD80  }
0x42: {  	[bflag:$0x0] =	sbarrier.arrive $0xFFFF  }
0x43: {  	[tilespmem:s3], [sflag:$0x1] =	stream.linear.gather [hbm4b:s5+s3], $0x2800, $0x38;
	[tilespmem:$0x2D80] =	vst v63  }
0x44: {  	_ =	swait.ge [sflag:s9], $0x2800  }
0x45: {  	[sflag:s9] =	ssyncset.done $0x0  }
0x46: {  	s17 =	simm.s32 $0x0;
	[sflag:s9] =	ssyncadd.s32 $0xFFFFD800  }
0x47: {  	[spmem:s2] =	stream.indirect.scatter.add.f32 [tilespmem:s11], [sflag:$0x1], $0x1, s17, s10, $0xb8;
	[tilespmem:$0x2D80] =	vst v63  }
0x48: {  	_ =	swait.ge [sflag:s9], $0x80  }
0x49: {  	s17 =	simm.s32 $0x200;
	[sflag:s9] =	ssyncset.done $0x0  }
.LBB2_2:
0x4a: {  	s18 =	sshra.s32 s17, $0x2;
	[sflag:s9] =	ssyncadd.s32 $0xFFFFFF80;
	p0 =	sne.s32 s17, $0x9E00  }
0x4b: {  	[spmem:s2] =	stream.indirect.scatter.add.f32 [tilespmem:s11], [sflag:$0x1], $0x1, s18, s10, $0xb8;
	[tilespmem:$0x2D80] =	vst v63  }
.Ltmp0:
0x4c: {  	_ = 	snop;
	(pc) =	sbr.rel @p0 .LBB2_2-.Ltmp0, $4  }
0x4d: {  	_ = 	snop  }
0x4e: {  	s17 =	sadd.s32 $0x200, s17  }
0x4f: {  	_ =	swait.ge [sflag:s9], $0x80  }
0x50: {  	[sflag:s9] =	ssyncset.done $0x0  }
0x51: {  	s16 =	sadd.s32 $0x1, s16  }
0x52: {  	[sflag:s9] =	ssyncadd.s32 $0xFFFFFF80;
	p0 =	sne.s32 s16, s7  }
.Ltmp1:
0x53: {  	[bflag:$0x0] =	sbarrier.arrive $0xFFFF;
	(pc) =	sbr.rel @p0 .LBB2_1-.Ltmp1, $4  }
0x54: {  	[hbm:s6@s14], [sflag:s12] =	dma.strided [spmem:s13@s15], $0x50, s9, $0x10   }
0x55: {  	_ =	swait.ge [sflag:s9], $0x50  }
0x56: {  	[sflag:s9] =	ssyncset.done $0x0  }
0x57: {  	[sflag:s9] =	ssyncadd.s32 $0xFFFFFFB0  }
0x58: {  	_ =	sfence.sel $0x180000  }
0x59: {  	[bflag:$0x0] =	sbarrier.arrive $0xFFFF  }
0x5a: {  	p0 =	sne.s32 s0, $0x0;
	_ =	strace $0x90000047  }
0x5b: {  	s0 =	sadd.s32 @!p0 $0x100000, s1;
	[bflag:$0x2] =	sbarrier.arrive $0xFFFF  }
0x5c: {  	[sflag:s0] =	ssyncadd.tile.s32 @!p0 $0x1;
	_ =	shalt  }
.Lfunc_end2:
_tile_overlayer_lowered:
.L_overlay_start_2:
0x5d: {  	(tag) =	ssettag $0x2  }
0x5e: {  	s0 =	rddreg [dreg:$0x0];
	s2 =	stileid.u32  }
0x5f: {  	s1 =	rddreg [dreg:$0x1];
	p0 =	sne.s32 s2, $0x0  }
0x60: {  	s3 =	rddreg [dreg:$0x2];
	[bflag:$0x3] =	sbarrier.arrive $0xFFFF;
	s2 =	simm.s32 @!p0 $0x1C01  }
0x61: {  	[timem:s3], [sflag:s2] =	dma.local @!p0 [hbm:s0], s1  }
0x62: {  	s0 =	simm.s32 @!p0 $0x1  }
0x63: {  	_ =	swait.ge @!p0 [sflag:s0], s1  }
0x64: {  	s1 =	ssub.s32 @!p0 $0x0, s1;
	[sflag:s0] =	ssyncset.done @!p0 $0x0  }
0x65: {  	[sflag:s0] =	ssyncadd.s32 @!p0 s1  }
0x66: {  	[bflag:$0x3] =	sbarrier.arrive $0xFFFF  }
0x67: {  	_ =	shalt  }

// kernel: kernel.15.cloned.1.call-start
scs
__scs_entry_jumppad:
0x0: {  	(pc) =	sbr.rel $0x88, $3  }
0x1: {  	(tag) =	ssettag $0x0;
	lr =	simm.s32 $0x1  }
0x2: {  	[smem:$0x3F94] =	sst lr;
	_ =	strace $0xD0000000  }
0x3: {  	_ = 	snop  }
0x4: {  	_ = 	snop  }
0x5: {  	_ = 	snop  }
0x6: {  	_ = 	snop  }
0x7: {  	_ = 	snop  }
__scs_overlays_trampoline_lowered:
0x8: {  	[smem:$0x3FA3] =	sst s0  }
0x9: {  	[smem:$0x3FA4] =	sst s1  }
0xa: {  	[smem:$0x3FA5] =	sst s2  }
0xb: {  	[smem:$0x3FA6] =	sst s3  }
0xc: {  	[smem:$0x3FA7] =	sst s4  }
0xd: {  	[smem:$0x3FA8] =	sst s5  }
0xe: {  	[smem:$0x3FA9] =	sst s6  }
0xf: {  	[smem:$0x3FAA] =	sst s7  }
0x10: {  	[smem:$0x3FAB] =	sst s8  }
0x11: {  	[smem:$0x3FAC] =	sst s9;
	s0 =	simm.s32 @!p0 $0x0  }
0x12: {  	s1 =	sld [smem:$0x3F92];
	s0 =	simm.s32 @p0 $0x1  }
0x13: {  	[smem:$0x3FAD] =	sst s0;
	s0 =	simm.s32 @!p1 $0x0  }
0x14: {  	s2 =	sld [smem:$0x3F91];
	s0 =	simm.s32 @p1 $0x1  }
0x15: {  	[smem:$0x3FAE] =	sst s0;
	s0 =	simm.s32 @!p2 $0x0  }
0x16: {  	s3 =	sld [smem:$0x3FDB];
	s0 =	simm.s32 @p2 $0x1  }
0x17: {  	s4 =	simm.s32 $0x1BF5;
	[smem:$0x3FB0] =	sst s0  }
0x18: {  	s0 =	sld [smem:$0x3F93];
	_ =	swait.ge [sflag:s4], $0x0  }
0x19: {  	s7 =	sld [smem:$0x3F94]  }
0x1a: {  	s8 =	sadd.s32 $0xFFFFE003, lr  }
0x1b: {  	s9 =	sadd.s32 $0xFFFFFEF7, lr;
	s5 =	simm.s32 $0xFFFFFFFF;
	p2 =	slt.u32 s8, $0xFFFFF086  }
0x1c: {  	p1 =	slt.u32 s9, $0xF7A;
	s5 =	simm.s32 @!p2 $0x0  }
0x1d: {  	s5 =	simm.s32 @p1 $0x1;
	p0 =	seq.s32 s7, s2  }
0x1e: {  	s7 =	smul.u32 @!p0 $0xF7A, s2;
	p2 =	seq.s32 @!p0 s5, $0x0  }
0x1f: {  	s9 =	smul.u32 $0xF7A, s1;
	s8 =	simm.s32 @!p0 $0x1BF5;
	p2 =	por !p2, p0  }
0x20: {  	[sflag:s8] =	ssyncset.s32 @!p0 $0xFFFFF086;
	s6 =	sadd.s32 @!p0 s3, s7;
	s7 =	simm.s32 @!p0 $0x108  }
0x21: {  	s3 =	sadd.s32 s3, s9;
	s6 =	sadd.s32 @!p0 $0x88, s6;
	s7 =	simm.s32 @p2 $0x1082  }
0x22: {  	[simem:s7], [sflag:s8] =	dma.local @!p0 [hbm:s6], $0xF7A  }
0x23: {  	s9 =	sor.u32 $0xD0000000, s2;
	s6 =	simm.s32 $0x108;
	_ =	swait.ge @!p0 [sflag:s8], $0x0  }
0x24: {  	s3 =	sadd.s32 $0x88, s3;
	s6 =	simm.s32 @!p1 $0x1082;
	[sflag:s4] =	ssyncset.s32 $0xFFFFF086  }
0x25: {  	[simem:s6], [sflag:s4] =	dma.local [hbm:s3], $0xF7A  }
0x26: {  	[smem:$0x3F94] =	sst s1;
	(tag) =	ssettag s2;
	_ =	strace s9  }
0x27: {  	s1 =	sld [smem:$0x3FA4]  }
0x28: {  	s2 =	sld [smem:$0x3FA5]  }
0x29: {  	s4 =	sld [smem:$0x3FA7]  }
0x2a: {  	p0 =	seq.s32 s5, $0x0;
	s5 =	sld [smem:$0x3FA8]  }
0x2b: {  	s6 =	sld [smem:$0x3FA9]  }
0x2c: {  	s7 =	sld [smem:$0x3FAA]  }
0x2d: {  	s3 =	simm.s32 $0x108;
	s8 =	sld [smem:$0x3FAB]  }
0x2e: {  	s3 =	simm.s32 @!p0 $0x1082;
	s9 =	sld [smem:$0x3FAC]  }
0x2f: {  	lr =	sadd.s32 s0, s3;
	s0 =	sld [smem:$0x3FA3]  }
0x30: {  	s3 =	sld [smem:$0x3FA6]  }
0x31: {  	[smem:$0x3FAF] =	sst s10  }
0x32: {  	s10 =	sld [smem:$0x3FAD];
	_ =	sdelay $0x3  }
0x33: {  	p0 =	seq.s32 s10, $0x1;
	s10 =	sld [smem:$0x3FAF];
	_ =	sdelay $0x3  }
0x34: {  	[smem:$0x3FAF] =	sst s10  }
0x35: {  	s10 =	sld [smem:$0x3FAE];
	_ =	sdelay $0x3  }
0x36: {  	p1 =	seq.s32 s10, $0x1;
	s10 =	sld [smem:$0x3FAF];
	_ =	sdelay $0x3  }
0x37: {  	[smem:$0x3FAF] =	sst s10  }
0x38: {  	s10 =	sld [smem:$0x3FB0]  }
0x39: {  	_ = 	snop;
	(pc) =	sbr.ind lr, $3  }
0x3a: {  	_ = 	snop  }
0x3b: {  	_ = 	snop  }
0x3c: {  	p2 =	seq.s32 s10, $0x1;
	s10 =	sld [smem:$0x3FAF]  }
0x3d: {  	_ =	shalt  }
0x3e: {  	_ =	shalt  }
0x3f: {  	_ =	shalt  }
0x40: {  	_ =	shalt  }
0x41: {  	_ =	shalt  }
0x42: {  	_ =	shalt  }
0x43: {  	_ =	shalt  }
0x44: {  	_ =	shalt  }
0x45: {  	_ =	shalt  }
0x46: {  	_ =	shalt  }
0x47: {  	_ =	shalt  }
0x48: {  	_ =	shalt  }
0x49: {  	_ =	shalt  }
0x4a: {  	_ =	shalt  }
0x4b: {  	_ =	shalt  }
0x4c: {  	_ =	shalt  }
0x4d: {  	_ =	shalt  }
0x4e: {  	_ =	shalt  }
0x4f: {  	_ =	shalt  }
0x50: {  	_ =	shalt  }
0x51: {  	_ =	shalt  }
0x52: {  	_ =	shalt  }
0x53: {  	_ =	shalt  }
0x54: {  	_ =	shalt  }
0x55: {  	_ =	shalt  }
0x56: {  	_ =	shalt  }
0x57: {  	_ =	shalt  }
0x58: {  	_ =	shalt  }
0x59: {  	_ =	shalt  }
0x5a: {  	_ =	shalt  }
0x5b: {  	_ =	shalt  }
0x5c: {  	_ =	shalt  }
0x5d: {  	_ =	shalt  }
0x5e: {  	_ =	shalt  }
0x5f: {  	_ =	shalt  }
0x60: {  	_ =	shalt  }
0x61: {  	_ =	shalt  }
0x62: {  	_ =	shalt  }
0x63: {  	_ =	shalt  }
0x64: {  	_ =	shalt  }
0x65: {  	_ =	shalt  }
0x66: {  	_ =	shalt  }
0x67: {  	_ =	shalt  }
0x68: {  	_ =	shalt  }
0x69: {  	_ =	shalt  }
0x6a: {  	_ =	shalt  }
0x6b: {  	_ =	shalt  }
0x6c: {  	_ =	shalt  }
0x6d: {  	_ =	shalt  }
0x6e: {  	_ =	shalt  }
0x6f: {  	_ =	shalt  }
0x70: {  	_ =	shalt  }
0x71: {  	_ =	shalt  }
0x72: {  	_ =	shalt  }
0x73: {  	_ =	shalt  }
0x74: {  	_ =	shalt  }
0x75: {  	_ =	shalt  }
0x76: {  	_ =	shalt  }
0x77: {  	_ =	shalt  }
0x78: {  	_ =	shalt  }
0x79: {  	_ =	shalt  }
0x7a: {  	_ =	shalt  }
0x7b: {  	_ =	shalt  }
0x7c: {  	_ =	shalt  }
0x7d: {  	_ =	shalt  }
0x7e: {  	_ =	shalt  }
0x7f: {  	_ =	shalt  }
0x80: {  	_ =	shalt  }
0x81: {  	_ =	shalt  }
0x82: {  	_ =	shalt  }
0x83: {  	_ =	shalt  }
0x84: {  	_ =	shalt  }
0x85: {  	_ =	shalt  }
0x86: {  	_ =	shalt  }
0x87: {  	_ =	shalt  }
.Lfunc_end0:
.L_simem_size_0:
called_computation.1_lowered:
.L_overlay_start_0:
0x88: {  	s2 =	sld [smem:$0x3FD9]  }
0x89: {  	s3 =	sld [smem:$0x3FFE];
	_ =	sdelay $0x1  }
0x8a: {  	s1 =	srdreg.scid  }
0x8b: {  	s0 =	sand.u32 $0x1, s1  }
0x8c: {  	s16 =	sshll.u32 s0, $0xA;
	s2 =	sadd.s32 s3, s2  }
0x8d: {  	s2 =	sadd.s32 s2, s16  }
0x8e: {  	[smem:$0x3FBB] =	sst s2  }
0x8f: {  	_ = 	snop  }
0x90: {  	(tm) =	ssettm $0x1  }
0x91: {  	s17 =	sld [smem:$0x3FFB];
	_ =	sdelay $0x3  }
0x92: {  	_ =	strace s17  }
0x93: {  	s2 =	sld [smem:$0x3FFC];
	_ =	sdelay $0x3  }
0x94: {  	_ =	strace s2  }
0x95: {  	s2 =	sld [smem:$0x3FFD];
	_ =	sdelay $0x3  }
0x96: {  	_ =	strace s2  }
0x97: {  	_ =	strace $0x8FFFFFFF  }
0x98: {  	s18 =	sld [smem:$0x3FDB];
	_ =	sdelay $0x1  }
0x99: {  	s19 =	simm.s32 $_scs_section_size  }
0x9a: {  	s4 =	simm.s32 $_size__tile_overlayer_lowered;
	s5 =	simm.s32 $_tile_overlayer_lowered  }
0x9b: {  	s22 =	simm.s32 $0x1BFF;
	s21 =	sshll.u32 s5, $0x1;
	s2 =	sadd.s32 s19, s18  }
0x9c: {  	s6 =	simm.s32 $0x0;
	s20 =	sshll.u32 s4, $0x1;
	s4 =	sadd.s32 s21, s2  }
0x9d: {  	[timem:s6], [sflag:s22] =	dma.local [hbm:s4], s20  }
0x9e: {  	_ =	swait.ge [sflag:s22], s20  }
0x9f: {  	s3 =	ssub.s32 $0x0, s20;
	[sflag:s22] =	ssyncset.done $0x0  }
0xa0: {  	[sflag:s22] =	ssyncadd.s32 s3;
	_ =	sdelay $0x1  }
0xa1: {  	s23 =	simm.s32 $0x1B8B  }
0xa2: {  	_ =	swait.ge [sflag:s23], $0x1  }
0xa3: {  	[sflag:s23] =	ssyncset.done $0x0  }
0xa4: {  	s25 =	simm.s32 $0x1B8E;
	s24 =	sld [smem:$0x3FFE];
	[sflag:s23] =	ssyncadd.s32 $0xFFFFFFFF  }
0xa5: {  	s26 =	simm.s32 $execute0_lowered;
	[smem:$0x3FD2] =	sst s25  }
0xa6: {  	s4 =	sshll.u32 s26, $0x1;
	_ =	strace $0x80000049;
	[dreg:$0x1] =	wrdreg $0xFFFFFFFF  }
0xa7: {  	s28 =	simm.s32 $_size_execute0_lowered;
	s2 =	sadd.s32 s2, s4;
	[dreg:$0x0] =	wrdreg $0x0  }
0xa8: {  	s4 =	sshll.u32 s28, $0x1;
	[dreg:$0x2] =	wrdreg s2  }
0xa9: {  	[dreg:$0x3] =	wrdreg s4  }
0xaa: {  	[dreg:$0x4] =	wrdreg $0xC0  }
0xab: {  	_ =	task [dreg:s6], $0x5FFFF  }
0xac: {  	[dreg:$0x1] =	wrdreg $0xFFFFFFFF  }
0xad: {  	[dreg:$0x0] =	wrdreg $0x60  }
0xae: {  	[dreg:$0x2] =	wrdreg s24  }
0xaf: {  	[dreg:$0x3] =	wrdreg $0x84000  }
0xb0: {  	[dreg:$0x4] =	wrdreg $0x9  }
0xb1: {  	_ =	task.clear_ibuf [dreg:s6], $0x5FFFF;
	_ =	strace $0x90000049  }
0xb2: {  	s29 =	simm.s32 $0x9;
	_ =	strace $0x8000004B  }
0xb3: {  	_ =	swait.ge [sflag:s29], $0x1  }
0xb4: {  	[sflag:s29] =	ssyncadd.s32 $0xFFFFFFFF  }
0xb5: {  	_ =	strace $0x9000004B  }
0xb6: {  	_ =	sfence  }
0xb7: {  	s30 =	sld [smem:$0x0];
	_ =	sdelay $0x2  }
0xb8: {  	s31 =	sshll.u32 s1, $0xD;
	s1 =	sshrl.u32 s1, $0x2  }
0xb9: {  	s3 =	sand.u32 $0x4000, s31;
	s1 =	sadd.s32 s1, s30  }
0xba: {  	s0 =	sor.u32 s3, s0;
	s1 =	sshll.u32 s1, $0x11  }
0xbb: {  	s0 =	sor.u32 s1, s0  }
0xbc: {  	s0 =	sadd.s32 $0x8F2B, s0  }
0xbd: {  	[sflag:s0] =	ssyncadd.remote.s32 $0x1  }
0xbe: {  	_ =	sfence.sel $0xFFFF  }
0xbf: {  	[dreg:$0x0] =	wrdreg $0xFFFFFFFF;
	(pc) =	sbr.abs _section_cstart, $3  }
0xc0: {  	[dreg:$0x1] =	wrdreg $0xFFFFFFFF  }
0xc1: {  	_ =	task.clear_ibuf [dreg:s6], $0x2FFFF;
	_ =	strace $0x9FFFFFFF  }
0xc2: {  	(tm) =	ssettm $0x7FFFFFFF  }
0xc3: {  	_ =	shalt  }
tec
execute0_lowered:
.L_overlay_start_1:
0x0: {  	(tag) =	ssettag $0x1  }
0x1: {  	s0 =	rddreg [dreg:$0x0]  }
0x2: {  	s2 =	rddreg [dreg:$0x1];
	s1 =	srdreg.scid;
	s3 =	simm.s32 $0x0  }
0x3: {  	s11 =	stileid.u32;
	s29 =	simm.s32 $0x180;
	s30 =	simm.s32 $0x380  }
0x4: {  	s31 =	simm.s32 $0x400;
	s28 =	simm.s32 $0x2;
	s1 =	sand.u32 $0x1, s1  }
0x5: {  	[smem:$0x7FF] =	sst s3;
	s4 =	sshll.u32 s11, $0x1;
	s9 =	smul.u32 $0x14000, s11  }
0x6: {  	s5 =	sadd.s32 $0xE600, s0;
	s7 =	sadd.s32 $0x4600, s0;
	s18 =	smul.u32 $0x50000, s11  }
0x7: {  	s11 =	simm.s32 $0x3;
	s8 =	smul.u32 $0x140000, s1;
	_ =	strace $0x8000004A  }
0x8: {  	s6 =	sor.u32 s1, s4;
	s4 =	sadd.s32 $0x18600, s0;
	s1 =	ssub.s32 $0x2, s1  }
0x9: {  	s6 =	smul.u32 $0x2800, s6;
	s12 =	sshrl.u32 s1, $0x1;
	s21 =	sshrl.u32 s18, $0x2  }
0xa: {  	s8 =	sadd.s32 s9, s8;
	s1 =	ssub.s32 s1, s12;
	s9 =	simm.s32 $0x5  }
0xb: {  	s12 =	simm.s32 $0x6;
	s10 =	sshrl.u32 s6, $0x3;
	s22 =	smax.u32 s1, $0x1  }
0xc: {  	s8 =	sshrl.u32 s8, $0x3;
	s14 =	sadd.s32 s5, s10;
	[dreg:$0xc] =	wrdreg s22  }
0xd: {  	s13 =	sor.u32 $0x10, s10;
	s15 =	sadd.s32 s7, s10;
	[dreg:$0x3] =	wrdreg s14  }
0xe: {  	s0 =	sadd.s32 s8, s0;
	[dreg:$0x4] =	wrdreg s15;
	s16 =	sadd.s32 s5, s13  }
0xf: {  	s17 =	sor.u32 $0x20, s10;
	s8 =	sadd.s32 s7, s13;
	[dreg:$0x5] =	wrdreg s16  }
0x10: {  	s20 =	sor.u32 $0x30, s10;
	s19 =	sadd.s32 s5, s17;
	[dreg:$0x6] =	wrdreg s8  }
0x11: {  	s10 =	sadd.s32 s5, s20;
	s0 =	sadd.s32 $0x40600, s0;
	[dreg:$0x7] =	wrdreg s19  }
0x12: {  	s13 =	simm.s32 $0xA;
	s14 =	simm.s32 $0x4;
	[dreg:$0x9] =	wrdreg s10  }
0x13: {  	s15 =	simm.s32 $0x8;
	s8 =	sadd.s32 s7, s17;
	[dreg:$0xb] =	wrdreg s0  }
0x14: {  	s16 =	sadd.s32 s21, s2;
	[dreg:$0x8] =	wrdreg s8;
	s8 =	sadd.s32 s7, s20  }
0x15: {  	s0 =	simm.s32 $0xB;
	s23 =	sadd.s32 $0x4000, s16;
	[dreg:$0xa] =	wrdreg s8  }
.Ltmp0:
0x16: {  	s24 =	sadd.s32 $0x8000, s16;
	[dreg:$0xd] =	wrdreg s23;
	(pc) =	sbr.rel .LBB2_1-.Ltmp0, $4  }
0x17: {  	s10 =	simm.s32 $0x9;
	s25 =	sadd.s32 $0xC000, s16;
	[dreg:$0xe] =	wrdreg s24  }
0x18: {  	s17 =	simm.s32 $0x0;
	s26 =	sadd.s32 $0x10000, s16;
	[dreg:$0xf] =	wrdreg s25  }
0x19: {  	[dreg:$0x10] =	wrdreg s26;
	s23 =	simm.s32 $0x200;
	s24 =	simm.s32 $0x80  }
0x1a: {  	v0 =	vimm.f32 $0.0e+00;
	s25 =	simm.s32 $0x280;
	s26 =	simm.s32 $0x100;
	s8 =	simm.s32 $0x4400  }
.LBB2_6:
0x1b: {  	s1 =	stileid.u32  }
0x1c: {  	[bflag:$0x0] =	sbarrier.arrive $0xFFFF;
	s1 =	sshll.u32 s1, $0x6  }
0x1d: {  	s18 =	sshrl.u32 s16, $0x3;
	s19 =	rddreg [dreg:$0xb];
	s1 =	sor.u32 $0x1C0B, s1  }
0x1e: {  	[hbm:s19], [sflag:s1] =	dma.local [spmem:s18], $0x2800  }
0x1f: {  	_ =	swait.ge [sflag:s0], $0x2800  }
0x20: {  	s17 =	sadd.s32 $0x1, s17;
	s22 =	rddreg [dreg:$0xc]  }
0x21: {  	p0 =	sne.s32 s17, s22  }
.Ltmp1:
0x22: {  	_ = 	snop;
	(pc) =	sbr.rel @!p0 .LBB2_7-.Ltmp1, $3  }
0x23: {  	_ =	sdelay $0x1  }
0x24: {  	[sflag:s0] =	ssyncset.done $0x0  }
0x25: {  	[sflag:s0] =	ssyncadd.s32 $0xFFFFD800  }
.LBB2_1:
0x26: {  	s1 =	rddreg [dreg:$0x3]  }
0x27: {  	[tilespmem:s3], [sflag:$0x1] =	stream.linear.gather [hbm4b:s1+s3], $0x80, $0x38;
	[tilespmem:$0x1C400] =	vst v63  }
0x28: {  	s21 =	rddreg [dreg:$0x4]  }
0x29: {  	[tilespmem:s23], [sflag:$0x5] =	stream.linear.gather [hbm4b:s21+s3], $0x80, $0x38;
	[tilespmem:$0x1C400] =	vst v63  }
0x2a: {  	s22 =	rddreg [dreg:$0x5]  }
0x2b: {  	[tilespmem:s24], [sflag:$0x2] =	stream.linear.gather [hbm4b:s22+s3], $0x80, $0x38;
	[tilespmem:$0x1C400] =	vst v63  }
0x2c: {  	s18 =	rddreg [dreg:$0x6]  }
0x2d: {  	[tilespmem:s25], [sflag:$0x6] =	stream.linear.gather [hbm4b:s18+s3], $0x80, $0x38;
	[tilespmem:$0x1C400] =	vst v63  }
0x2e: {  	s19 =	rddreg [dreg:$0x7]  }
0x2f: {  	[tilespmem:s26], [sflag:$0x3] =	stream.linear.gather [hbm4b:s19+s3], $0x80, $0x38;
	[tilespmem:$0x1C400] =	vst v63  }
0x30: {  	s20 =	rddreg [dreg:$0x8];
	s18 =	simm.s32 $0x300  }
0x31: {  	[tilespmem:s18], [sflag:$0x7] =	stream.linear.gather [hbm4b:s20+s3], $0x80, $0x38;
	[tilespmem:$0x1C400] =	vst v63  }
0x32: {  	s21 =	rddreg [dreg:$0x9]  }
0x33: {  	[tilespmem:s29], [sflag:$0x4] =	stream.linear.gather [hbm4b:s21+s3], $0x80, $0x38;
	[tilespmem:$0x1C400] =	vst v63  }
0x34: {  	s22 =	rddreg [dreg:$0xa];
	s19 =	simm.s32 $0x200;
	s18 =	simm.s32 $0x0  }
0x35: {  	[tilespmem:s30], [sflag:$0x8] =	stream.linear.gather [hbm4b:s22+s3], $0x80, $0x38;
	[tilespmem:$0x1C400] =	vst v63  }
.LBB2_2:
0x36: {  	p0 =	sne.s32 s19, $0xFE00;
	[tilespmem:s18+$0x470] =	vst v0  }
0x37: {  	[tilespmem:s18+$0x400] =	vst v0  }
0x38: {  	[tilespmem:s18+$0x410] =	vst v0  }
.Ltmp2:
0x39: {  	[tilespmem:s18+$0x420] =	vst v0;
	(pc) =	sbr.rel @p0 .LBB2_2-.Ltmp2, $4  }
0x3a: {  	[tilespmem:s18+$0x430] =	vst v0  }
0x3b: {  	[tilespmem:s18+$0x440] =	vst v0  }
0x3c: {  	[tilespmem:s18+$0x450] =	vst v0  }
0x3d: {  	[tilespmem:s18+$0x460] =	vst v0;
	s18 =	sshra.s32 s19, $0x2;
	s19 =	sadd.s32 $0x200, s19  }
0x3e: {  	[tilespmem:s18+$0x470] =	vst v0  }
0x3f: {  	[tilespmem:s18+$0x400] =	vst v0  }
0x40: {  	[tilespmem:s18+$0x410] =	vst v0  }
0x41: {  	[tilespmem:s18+$0x420] =	vst v0  }
0x42: {  	[tilespmem:s18+$0x430] =	vst v0  }
0x43: {  	[tilespmem:s18+$0x440] =	vst v0  }
0x44: {  	[tilespmem:s18+$0x450] =	vst v0  }
0x45: {  	[tilespmem:s18+$0x460] =	vst v0  }
0x46: {  	[spmem:s16] =	stream.linear.scatter [tilespmem:s31], [sflag:$0xB], $0x4000, $0x38;
	[tilespmem:$0x1C400] =	vst v63  }
0x47: {  	_ =	swait.ge [sflag:s0], $0x4000  }
0x48: {  	[sflag:s0] =	ssyncset.done $0x0  }
0x49: {  	s1 =	rddreg [dreg:$0xd];
	[sflag:s0] =	ssyncadd.s32 $0xFFFFC000  }
0x4a: {  	[spmem:s1] =	stream.linear.scatter [tilespmem:s31], [sflag:$0xB], $0x4000, $0x38;
	[tilespmem:$0x1C400] =	vst v63  }
0x4b: {  	_ =	swait.ge [sflag:s0], $0x4000  }
0x4c: {  	[sflag:s0] =	ssyncset.done $0x0  }
0x4d: {  	s19 =	rddreg [dreg:$0xe];
	[sflag:s0] =	ssyncadd.s32 $0xFFFFC000  }
0x4e: {  	[spmem:s19] =	stream.linear.scatter [tilespmem:s31], [sflag:$0xB], $0x4000, $0x38;
	[tilespmem:$0x1C400] =	vst v63  }
0x4f: {  	_ =	swait.ge [sflag:s0], $0x4000  }
0x50: {  	[sflag:s0] =	ssyncset.done $0x0  }
0x51: {  	s20 =	rddreg [dreg:$0xf];
	[sflag:s0] =	ssyncadd.s32 $0xFFFFC000  }
0x52: {  	[spmem:s20] =	stream.linear.scatter [tilespmem:s31], [sflag:$0xB], $0x4000, $0x38;
	[tilespmem:$0x1C400] =	vst v63  }
0x53: {  	_ =	swait.ge [sflag:s0], $0x4000  }
0x54: {  	[sflag:s0] =	ssyncset.done $0x0  }
0x55: {  	s21 =	rddreg [dreg:$0x10];
	[sflag:s0] =	ssyncadd.s32 $0xFFFFC000  }
0x56: {  	[spmem:s21] =	stream.linear.scatter [tilespmem:s31], [sflag:$0xB], $0x4000, $0x38;
	[tilespmem:$0x1C400] =	vst v63  }
0x57: {  	_ =	swait.ge [sflag:s0], $0x4000  }
0x58: {  	[sflag:s0] =	ssyncset.done $0x0  }
0x59: {  	[sflag:s0] =	ssyncadd.s32 $0xFFFFC000  }
0x5a: {  	s22 =	simm.s32 $0x1;
	[bflag:$0x0] =	sbarrier.arrive $0xFFFF  }
0x5b: {  	_ =	swait.ge [sflag:s22], $0x80  }
0x5c: {  	[sflag:s22] =	ssyncset.done $0x0  }
0x5d: {  	[sflag:s22] =	ssyncadd.s32 $0xFFFFFF80  }
0x5e: {  	[tilespmem:s31], [sflag:$0x9] =	stream.indirect.gather [hbm4b:s4+s24], $0x80, s3, s24, $0xb8;
	[tilespmem:$0x1C400] =	vst v63  }
0x5f: {  	_ =	swait.ge [sflag:s28], $0x80  }
0x60: {  	[sflag:s28] =	ssyncset.done $0x0  }
0x61: {  	s18 =	simm.s32 $0x380;
	[sflag:s28] =	ssyncadd.s32 $0xFFFFFF80  }
0x62: {  	[tilespmem:s8], [sflag:$0xA] =	stream.indirect.gather [hbm4b:s4+s24], $0x80, s24, s24, $0xb8;
	[tilespmem:$0x1C400] =	vst v63  }
.LBB2_4:
0x63: {  	_ =	swait.ge [sflag:s9], $0x80  }
0x64: {  	[sflag:s9] =	ssyncset.done $0x0  }
0x65: {  	[sflag:s9] =	ssyncadd.s32 $0xFFFFFF80  }
0x66: {  	_ =	swait.ge [sflag:s10], $0x4000  }
0x67: {  	[sflag:s10] =	ssyncset.done $0x0  }
0x68: {  	[sflag:s10] =	ssyncadd.s32 $0xFFFFC000  }
0x69: {  	[spmem:s2] =	stream.indirect.scatter.add.f32 [tilespmem:s31], [sflag:$0xB], $0x80, s23, s24, $0xb8;
	[tilespmem:$0x1C400] =	vst v63  }
0x6a: {  	p0 =	seq.s32 s18, $0x2980;
	_ =	swait.ge [sflag:s0], $0x4000  }
0x6b: {  	s19 =	sadd.s32 @!p0 $0xFFFFFE80, s18;
	[sflag:s0] =	ssyncset.done $0x0  }
0x6c: {  	s20 =	sand.u32 @!p0 $0x7C00, s19;
	[sflag:s0] =	ssyncadd.s32 $0xFFFFC000  }
0x6d: {  	s19 =	sand.u32 @!p0 $0x200, s19;
	s20 =	sadd.s32 @!p0 s6, s20;
	_ =	swait.ge [sflag:s11], $0x80  }
0x6e: {  	s19 =	sor.u32 @!p0 s19, s20;
	[sflag:s11] =	ssyncset.done $0x0  }
0x6f: {  	s20 =	sshrl.u32 @!p0 s19, $0x3;
	[sflag:s11] =	ssyncadd.s32 $0xFFFFFF80  }
0x70: {  	[tilespmem:s31], [sflag:$0x9] =	stream.indirect.gather [hbm4b:s4+s24], $0x80, s26, s24, $0xb8;
	[tilespmem:$0x1C400] =	vst v63  }
0x71: {  	s19 =	simm.s32 @!p0 $0x0;
	s21 =	sadd.s32 @!p0 s5, s20  }
0x72: {  	[tilespmem:s19], [sflag:$0x1] =	stream.linear.gather @!p0 [hbm4b:s21+s19], $0x80, $0x38;
	[tilespmem:$0x1C400] =	vst v63  }
0x73: {  	s20 =	sadd.s32 @!p0 s7, s20;
	s21 =	simm.s32 @!p0 $0x200  }
0x74: {  	[tilespmem:s21], [sflag:$0x5] =	stream.linear.gather @!p0 [hbm4b:s20+s19], $0x80, $0x38;
	[tilespmem:$0x1C400] =	vst v63  }
0x75: {  	_ =	swait.ge [sflag:s12], $0x80  }
0x76: {  	[sflag:s12] =	ssyncset.done $0x0  }
0x77: {  	[sflag:s12] =	ssyncadd.s32 $0xFFFFFF80  }
0x78: {  	_ =	swait.ge [sflag:s13], $0x4000  }
0x79: {  	[sflag:s13] =	ssyncset.done $0x0  }
0x7a: {  	[sflag:s13] =	ssyncadd.s32 $0xFFFFC000  }
0x7b: {  	[spmem:s2] =	stream.indirect.scatter.add.f32 [tilespmem:s8], [sflag:$0xB], $0x80, s25, s24, $0xb8;
	[tilespmem:$0x1C400] =	vst v63  }
0x7c: {  	_ =	swait.ge [sflag:s0], $0x4000  }
0x7d: {  	[sflag:s0] =	ssyncset.done $0x0  }
0x7e: {  	[sflag:s0] =	ssyncadd.s32 $0xFFFFC000  }
0x7f: {  	_ =	swait.ge [sflag:s14], $0x80  }
0x80: {  	[sflag:s14] =	ssyncset.done $0x0  }
0x81: {  	s20 =	simm.s32 @p0 $0x7;
	[sflag:s14] =	ssyncadd.s32 $0xFFFFFF80  }
0x82: {  	[tilespmem:s8], [sflag:$0xA] =	stream.indirect.gather [hbm4b:s4+s24], $0x80, s29, s24, $0xb8;
	[tilespmem:$0x1C400] =	vst v63  }
0x83: {  	_ =	swait.ge @p0 [sflag:s20], $0x80  }
0x84: {  	[sflag:s20] =	ssyncset.done @p0 $0x0  }
0x85: {  	[sflag:s20] =	ssyncadd.s32 @p0 $0xFFFFFF80;
	s20 =	simm.s32 @p0 $0x9  }
0x86: {  	_ =	swait.ge @p0 [sflag:s20], $0x4000  }
0x87: {  	s22 =	simm.s32 @p0 $0x400;
	[sflag:s20] =	ssyncset.done @p0 $0x0  }
0x88: {  	s21 =	simm.s32 @p0 $0x300;
	[sflag:s20] =	ssyncadd.s32 @p0 $0xFFFFC000;
	s20 =	simm.s32 @p0 $0x80  }
0x89: {  	[spmem:s2] =	stream.indirect.scatter.add.f32 @p0 [tilespmem:s22], [sflag:$0xB], $0x80, s21, s20, $0xb8;
	[tilespmem:$0x1C400] =	vst v63  }
0x8a: {  	s20 =	sadd.s32 @!p0 $0xFFFFFF00, s18  }
0x8b: {  	s21 =	sand.u32 @!p0 $0x7C00, s20  }
0x8c: {  	s22 =	simm.s32 @p0 $0xB;
	s20 =	sand.u32 @!p0 $0x280, s20;
	s21 =	sadd.s32 @!p0 s6, s21  }
0x8d: {  	_ =	swait.ge @p0 [sflag:s22], $0x4000;
	s20 =	sor.u32 @!p0 s20, s21  }
0x8e: {  	[sflag:s22] =	ssyncset.done @p0 $0x0;
	s20 =	sshrl.u32 @!p0 s20, $0x3  }
0x8f: {  	[sflag:s22] =	ssyncadd.s32 @p0 $0xFFFFC000;
	s22 =	simm.s32 @!p0 $0x80;
	s21 =	sadd.s32 @!p0 s5, s20  }
0x90: {  	[tilespmem:s22], [sflag:$0x2] =	stream.linear.gather @!p0 [hbm4b:s21+s19], $0x80, $0x38;
	[tilespmem:$0x1C400] =	vst v63  }
0x91: {  	s20 =	sadd.s32 @!p0 s7, s20;
	s21 =	simm.s32 @!p0 $0x280  }
0x92: {  	[tilespmem:s21], [sflag:$0x6] =	stream.linear.gather @!p0 [hbm4b:s20+s19], $0x80, $0x38;
	[tilespmem:$0x1C400] =	vst v63  }
0x93: {  	s20 =	simm.s32 @!p0 $0x7  }
0x94: {  	_ =	swait.ge @!p0 [sflag:s20], $0x80  }
0x95: {  	[sflag:s20] =	ssyncset.done @!p0 $0x0  }
0x96: {  	[sflag:s20] =	ssyncadd.s32 @!p0 $0xFFFFFF80;
	s20 =	simm.s32 @!p0 $0x9  }
0x97: {  	_ =	swait.ge @!p0 [sflag:s20], $0x4000  }
0x98: {  	s1 =	simm.s32 @!p0 $0xB;
	[sflag:s20] =	ssyncset.done @!p0 $0x0  }
0x99: {  	s21 =	simm.s32 @!p0 $0x400;
	[sflag:s20] =	ssyncadd.s32 @!p0 $0xFFFFC000;
	s20 =	simm.s32 @!p0 $0x300  }
0x9a: {  	[spmem:s2] =	stream.indirect.scatter.add.f32 @!p0 [tilespmem:s21], [sflag:$0xB], $0x80, s20, s22, $0xb8;
	[tilespmem:$0x1C400] =	vst v63  }
0x9b: {  	_ =	swait.ge @!p0 [sflag:s1], $0x4000  }
0x9c: {  	[sflag:s1] =	ssyncset.done @!p0 $0x0  }
0x9d: {  	[sflag:s1] =	ssyncadd.s32 @!p0 $0xFFFFC000;
	s1 =	simm.s32 @!p0 $0x1  }
0x9e: {  	_ =	swait.ge @!p0 [sflag:s1], $0x80  }
0x9f: {  	[sflag:s1] =	ssyncset.done @!p0 $0x0  }
0xa0: {  	[sflag:s1] =	ssyncadd.s32 @!p0 $0xFFFFFF80;
	s1 =	sadd.s32 @!p0 $0xFFFFFF80, s18  }
0xa1: {  	[tilespmem:s21], [sflag:$0x9] =	stream.indirect.gather @!p0 [hbm4b:s4+s22], $0x80, s19, s22, $0xb8;
	[tilespmem:$0x1C400] =	vst v63  }
0xa2: {  	s21 =	sand.u32 @!p0 $0x7C00, s1  }
0xa3: {  	s1 =	sand.u32 @!p0 $0x300, s1;
	s21 =	sadd.s32 @!p0 s6, s21  }
0xa4: {  	s1 =	sor.u32 @!p0 s1, s21  }
0xa5: {  	s1 =	sshrl.u32 @!p0 s1, $0x3  }
0xa6: {  	s22 =	simm.s32 @!p0 $0x100;
	s21 =	sadd.s32 @!p0 s5, s1  }
0xa7: {  	[tilespmem:s22], [sflag:$0x3] =	stream.linear.gather @!p0 [hbm4b:s21+s19], $0x80, $0x38;
	[tilespmem:$0x1C400] =	vst v63  }
0xa8: {  	s1 =	sadd.s32 @!p0 s7, s1  }
0xa9: {  	[tilespmem:s20], [sflag:$0x7] =	stream.linear.gather @!p0 [hbm4b:s1+s19], $0x80, $0x38;
	[tilespmem:$0x1C400] =	vst v63  }
0xaa: {  	_ =	swait.ge [sflag:s15], $0x80  }
0xab: {  	[sflag:s15] =	ssyncset.done $0x0  }
0xac: {  	[sflag:s15] =	ssyncadd.s32 $0xFFFFFF80  }
0xad: {  	_ =	swait.ge [sflag:s13], $0x4000  }
0xae: {  	[sflag:s13] =	ssyncset.done $0x0  }
.Ltmp3:
0xaf: {  	[sflag:s13] =	ssyncadd.s32 $0xFFFFC000;
	(pc) =	sbr.rel @p0 .LBB2_6-.Ltmp3, $4  }
0xb0: {  	[spmem:s2] =	stream.indirect.scatter.add.f32 [tilespmem:s8], [sflag:$0xB], $0x80, s30, s24, $0xb8;
	[tilespmem:$0x1C400] =	vst v63  }
0xb1: {  	_ =	swait.ge [sflag:s0], $0x4000  }
0xb2: {  	[sflag:s0] =	ssyncset.done $0x0  }
0xb3: {  	[sflag:s0] =	ssyncadd.s32 $0xFFFFC000  }
0xb4: {  	_ =	swait.ge [sflag:s28], $0x80;
	s1 =	sand.u32 $0x7C00, s18  }
0xb5: {  	s19 =	sand.u32 $0x380, s18;
	[sflag:s28] =	ssyncset.done $0x0;
	s1 =	sadd.s32 s6, s1  }
0xb6: {  	[sflag:s28] =	ssyncadd.s32 $0xFFFFFF80;
	s1 =	sor.u32 s19, s1  }
0xb7: {  	[tilespmem:s8], [sflag:$0xA] =	stream.indirect.gather [hbm4b:s4+s24], $0x80, s24, s24, $0xb8;
	[tilespmem:$0x1C400] =	vst v63  }
.Ltmp4:
0xb8: {  	s1 =	sshrl.u32 s1, $0x3;
	(pc) =	sbr.rel .LBB2_4-.Ltmp4, $4  }
0xb9: {  	s22 =	sadd.s32 s5, s1  }
0xba: {  	[tilespmem:s29], [sflag:$0x4] =	stream.linear.gather [hbm4b:s22+s3], $0x80, $0x38;
	[tilespmem:$0x1C400] =	vst v63  }
0xbb: {  	s18 =	sadd.s32 $0x200, s18;
	s1 =	sadd.s32 s7, s1  }
0xbc: {  	[tilespmem:s30], [sflag:$0x8] =	stream.linear.gather [hbm4b:s1+s3], $0x80, $0x38;
	[tilespmem:$0x1C400] =	vst v63  }
.LBB2_7:
0xbd: {  	_ =	sfence.sel $0x180000  }
0xbe: {  	[bflag:$0x0] =	sbarrier.arrive $0xFFFF  }
0xbf: {  	_ =	strace $0x9000004A  }
0xc0: {  	s0 =	stileid.u32;
	[bflag:$0x2] =	sbarrier.arrive $0xFFFF  }
0xc1: {  	p0 =	sne.s32 s0, $0x0;
	s0 =	rddreg [dreg:$0x2]  }
0xc2: {  	s0 =	sadd.s32 @!p0 $0x100000, s0  }
0xc3: {  	[sflag:s0] =	ssyncadd.tile.s32 @!p0 $0x1;
	_ =	shalt  }
.Lfunc_end2:
_tile_overlayer_lowered:
.L_overlay_start_2:
0xc4: {  	(tag) =	ssettag $0x2  }
0xc5: {  	s0 =	rddreg [dreg:$0x0];
	s2 =	stileid.u32  }
0xc6: {  	s1 =	rddreg [dreg:$0x1];
	p0 =	sne.s32 s2, $0x0  }
0xc7: {  	s3 =	rddreg [dreg:$0x2];
	[bflag:$0x3] =	sbarrier.arrive $0xFFFF;
	s2 =	simm.s32 @!p0 $0x1C0B  }
0xc8: {  	[timem:s3], [sflag:s2] =	dma.local @!p0 [hbm:s0], s1  }
0xc9: {  	s0 =	simm.s32 @!p0 $0xB  }
0xca: {  	_ =	swait.ge @!p0 [sflag:s0], s1  }
0xcb: {  	s1 =	ssub.s32 @!p0 $0x0, s1;
	[sflag:s0] =	ssyncset.done @!p0 $0x0  }
0xcc: {  	[sflag:s0] =	ssyncadd.s32 @!p0 s1  }
0xcd: {  	[bflag:$0x3] =	sbarrier.arrive $0xFFFF  }
0xce: {  	_ =	shalt  }

// kernel: kernel.18.cloned.1.call-start
scs
__scs_entry_jumppad:
0x0: {  	(pc) =	sbr.rel $0x88, $3  }
0x1: {  	(tag) =	ssettag $0x0;
	lr =	simm.s32 $0x1  }
0x2: {  	[smem:$0x3F94] =	sst lr;
	_ =	strace $0xD0000000  }
0x3: {  	_ = 	snop  }
0x4: {  	_ = 	snop  }
0x5: {  	_ = 	snop  }
0x6: {  	_ = 	snop  }
0x7: {  	_ = 	snop  }
__scs_overlays_trampoline_lowered:
0x8: {  	[smem:$0x3FA3] =	sst s0  }
0x9: {  	[smem:$0x3FA4] =	sst s1  }
0xa: {  	[smem:$0x3FA5] =	sst s2  }
0xb: {  	[smem:$0x3FA6] =	sst s3  }
0xc: {  	[smem:$0x3FA7] =	sst s4  }
0xd: {  	[smem:$0x3FA8] =	sst s5  }
0xe: {  	[smem:$0x3FA9] =	sst s6  }
0xf: {  	[smem:$0x3FAA] =	sst s7  }
0x10: {  	[smem:$0x3FAB] =	sst s8  }
0x11: {  	[smem:$0x3FAC] =	sst s9;
	s0 =	simm.s32 @!p0 $0x0  }
0x12: {  	s1 =	sld [smem:$0x3F92];
	s0 =	simm.s32 @p0 $0x1  }
0x13: {  	[smem:$0x3FAD] =	sst s0;
	s0 =	simm.s32 @!p1 $0x0  }
0x14: {  	s2 =	sld [smem:$0x3F91];
	s0 =	simm.s32 @p1 $0x1  }
0x15: {  	[smem:$0x3FAE] =	sst s0;
	s0 =	simm.s32 @!p2 $0x0  }
0x16: {  	s3 =	sld [smem:$0x3FDB];
	s0 =	simm.s32 @p2 $0x1  }
0x17: {  	s4 =	simm.s32 $0x1BF5;
	[smem:$0x3FB0] =	sst s0  }
0x18: {  	s0 =	sld [smem:$0x3F93];
	_ =	swait.ge [sflag:s4], $0x0  }
0x19: {  	s7 =	sld [smem:$0x3F94]  }
0x1a: {  	s8 =	sadd.s32 $0xFFFFE003, lr  }
0x1b: {  	s9 =	sadd.s32 $0xFFFFFEF7, lr;
	s5 =	simm.s32 $0xFFFFFFFF;
	p2 =	slt.u32 s8, $0xFFFFF086  }
0x1c: {  	p1 =	slt.u32 s9, $0xF7A;
	s5 =	simm.s32 @!p2 $0x0  }
0x1d: {  	s5 =	simm.s32 @p1 $0x1;
	p0 =	seq.s32 s7, s2  }
0x1e: {  	s7 =	smul.u32 @!p0 $0xF7A, s2;
	p2 =	seq.s32 @!p0 s5, $0x0  }
0x1f: {  	s9 =	smul.u32 $0xF7A, s1;
	s8 =	simm.s32 @!p0 $0x1BF5;
	p2 =	por !p2, p0  }
0x20: {  	[sflag:s8] =	ssyncset.s32 @!p0 $0xFFFFF086;
	s6 =	sadd.s32 @!p0 s3, s7;
	s7 =	simm.s32 @!p0 $0x108  }
0x21: {  	s3 =	sadd.s32 s3, s9;
	s6 =	sadd.s32 @!p0 $0x88, s6;
	s7 =	simm.s32 @p2 $0x1082  }
0x22: {  	[simem:s7], [sflag:s8] =	dma.local @!p0 [hbm:s6], $0xF7A  }
0x23: {  	s9 =	sor.u32 $0xD0000000, s2;
	s6 =	simm.s32 $0x108;
	_ =	swait.ge @!p0 [sflag:s8], $0x0  }
0x24: {  	s3 =	sadd.s32 $0x88, s3;
	s6 =	simm.s32 @!p1 $0x1082;
	[sflag:s4] =	ssyncset.s32 $0xFFFFF086  }
0x25: {  	[simem:s6], [sflag:s4] =	dma.local [hbm:s3], $0xF7A  }
0x26: {  	[smem:$0x3F94] =	sst s1;
	(tag) =	ssettag s2;
	_ =	strace s9  }
0x27: {  	s1 =	sld [smem:$0x3FA4]  }
0x28: {  	s2 =	sld [smem:$0x3FA5]  }
0x29: {  	s4 =	sld [smem:$0x3FA7]  }
0x2a: {  	p0 =	seq.s32 s5, $0x0;
	s5 =	sld [smem:$0x3FA8]  }
0x2b: {  	s6 =	sld [smem:$0x3FA9]  }
0x2c: {  	s7 =	sld [smem:$0x3FAA]  }
0x2d: {  	s3 =	simm.s32 $0x108;
	s8 =	sld [smem:$0x3FAB]  }
0x2e: {  	s3 =	simm.s32 @!p0 $0x1082;
	s9 =	sld [smem:$0x3FAC]  }
0x2f: {  	lr =	sadd.s32 s0, s3;
	s0 =	sld [smem:$0x3FA3]  }
0x30: {  	s3 =	sld [smem:$0x3FA6]  }
0x31: {  	[smem:$0x3FAF] =	sst s10  }
0x32: {  	s10 =	sld [smem:$0x3FAD];
	_ =	sdelay $0x3  }
0x33: {  	p0 =	seq.s32 s10, $0x1;
	s10 =	sld [smem:$0x3FAF];
	_ =	sdelay $0x3  }
0x34: {  	[smem:$0x3FAF] =	sst s10  }
0x35: {  	s10 =	sld [smem:$0x3FAE];
	_ =	sdelay $0x3  }
0x36: {  	p1 =	seq.s32 s10, $0x1;
	s10 =	sld [smem:$0x3FAF];
	_ =	sdelay $0x3  }
0x37: {  	[smem:$0x3FAF] =	sst s10  }
0x38: {  	s10 =	sld [smem:$0x3FB0]  }
0x39: {  	_ = 	snop;
	(pc) =	sbr.ind lr, $3  }
0x3a: {  	_ = 	snop  }
0x3b: {  	_ = 	snop  }
0x3c: {  	p2 =	seq.s32 s10, $0x1;
	s10 =	sld [smem:$0x3FAF]  }
0x3d: {  	_ =	shalt  }
0x3e: {  	_ =	shalt  }
0x3f: {  	_ =	shalt  }
0x40: {  	_ =	shalt  }
0x41: {  	_ =	shalt  }
0x42: {  	_ =	shalt  }
0x43: {  	_ =	shalt  }
0x44: {  	_ =	shalt  }
0x45: {  	_ =	shalt  }
0x46: {  	_ =	shalt  }
0x47: {  	_ =	shalt  }
0x48: {  	_ =	shalt  }
0x49: {  	_ =	shalt  }
0x4a: {  	_ =	shalt  }
0x4b: {  	_ =	shalt  }
0x4c: {  	_ =	shalt  }
0x4d: {  	_ =	shalt  }
0x4e: {  	_ =	shalt  }
0x4f: {  	_ =	shalt  }
0x50: {  	_ =	shalt  }
0x51: {  	_ =	shalt  }
0x52: {  	_ =	shalt  }
0x53: {  	_ =	shalt  }
0x54: {  	_ =	shalt  }
0x55: {  	_ =	shalt  }
0x56: {  	_ =	shalt  }
0x57: {  	_ =	shalt  }
0x58: {  	_ =	shalt  }
0x59: {  	_ =	shalt  }
0x5a: {  	_ =	shalt  }
0x5b: {  	_ =	shalt  }
0x5c: {  	_ =	shalt  }
0x5d: {  	_ =	shalt  }
0x5e: {  	_ =	shalt  }
0x5f: {  	_ =	shalt  }
0x60: {  	_ =	shalt  }
0x61: {  	_ =	shalt  }
0x62: {  	_ =	shalt  }
0x63: {  	_ =	shalt  }
0x64: {  	_ =	shalt  }
0x65: {  	_ =	shalt  }
0x66: {  	_ =	shalt  }
0x67: {  	_ =	shalt  }
0x68: {  	_ =	shalt  }
0x69: {  	_ =	shalt  }
0x6a: {  	_ =	shalt  }
0x6b: {  	_ =	shalt  }
0x6c: {  	_ =	shalt  }
0x6d: {  	_ =	shalt  }
0x6e: {  	_ =	shalt  }
0x6f: {  	_ =	shalt  }
0x70: {  	_ =	shalt  }
0x71: {  	_ =	shalt  }
0x72: {  	_ =	shalt  }
0x73: {  	_ =	shalt  }
0x74: {  	_ =	shalt  }
0x75: {  	_ =	shalt  }
0x76: {  	_ =	shalt  }
0x77: {  	_ =	shalt  }
0x78: {  	_ =	shalt  }
0x79: {  	_ =	shalt  }
0x7a: {  	_ =	shalt  }
0x7b: {  	_ =	shalt  }
0x7c: {  	_ =	shalt  }
0x7d: {  	_ =	shalt  }
0x7e: {  	_ =	shalt  }
0x7f: {  	_ =	shalt  }
0x80: {  	_ =	shalt  }
0x81: {  	_ =	shalt  }
0x82: {  	_ =	shalt  }
0x83: {  	_ =	shalt  }
0x84: {  	_ =	shalt  }
0x85: {  	_ =	shalt  }
0x86: {  	_ =	shalt  }
0x87: {  	_ =	shalt  }
.Lfunc_end0:
.L_simem_size_0:
called_computation.2_lowered:
.L_overlay_start_0:
0x88: {  	s2 =	sld [smem:$0x3FD9]  }
0x89: {  	s3 =	sld [smem:$0x3FFE];
	_ =	sdelay $0x1  }
0x8a: {  	s1 =	srdreg.scid  }
0x8b: {  	s0 =	sand.u32 $0x1, s1  }
0x8c: {  	s16 =	sshll.u32 s0, $0xA;
	s2 =	sadd.s32 s3, s2  }
0x8d: {  	s2 =	sadd.s32 s2, s16  }
0x8e: {  	[smem:$0x3FBB] =	sst s2  }
0x8f: {  	_ = 	snop  }
0x90: {  	(tm) =	ssettm $0x1  }
0x91: {  	s17 =	sld [smem:$0x3FFB];
	_ =	sdelay $0x3  }
0x92: {  	_ =	strace s17  }
0x93: {  	s2 =	sld [smem:$0x3FFC];
	_ =	sdelay $0x3  }
0x94: {  	_ =	strace s2  }
0x95: {  	s2 =	sld [smem:$0x3FFD];
	_ =	sdelay $0x3  }
0x96: {  	_ =	strace s2  }
0x97: {  	_ =	strace $0x8FFFFFFF  }
0x98: {  	s18 =	sld [smem:$0x3FDB];
	_ =	sdelay $0x1  }
0x99: {  	s19 =	simm.s32 $_scs_section_size  }
0x9a: {  	s4 =	simm.s32 $_size__tile_overlayer_lowered;
	s5 =	simm.s32 $_tile_overlayer_lowered  }
0x9b: {  	s22 =	simm.s32 $0x1BFF;
	s21 =	sshll.u32 s5, $0x1;
	s2 =	sadd.s32 s19, s18  }
0x9c: {  	s6 =	simm.s32 $0x0;
	s20 =	sshll.u32 s4, $0x1;
	s4 =	sadd.s32 s21, s2  }
0x9d: {  	[timem:s6], [sflag:s22] =	dma.local [hbm:s4], s20  }
0x9e: {  	_ =	swait.ge [sflag:s22], s20  }
0x9f: {  	s3 =	ssub.s32 $0x0, s20;
	[sflag:s22] =	ssyncset.done $0x0  }
0xa0: {  	[sflag:s22] =	ssyncadd.s32 s3;
	_ =	sdelay $0x1  }
0xa1: {  	s23 =	simm.s32 $0x1B8B  }
0xa2: {  	_ =	swait.ge [sflag:s23], $0x1  }
0xa3: {  	[sflag:s23] =	ssyncset.done $0x0  }
0xa4: {  	s25 =	simm.s32 $0x1B8E;
	s24 =	sld [smem:$0x3FFE];
	[sflag:s23] =	ssyncadd.s32 $0xFFFFFFFF  }
0xa5: {  	s26 =	simm.s32 $execute0_lowered;
	[smem:$0x3FD2] =	sst s25  }
0xa6: {  	s4 =	sshll.u32 s26, $0x1;
	_ =	strace $0x8000004C;
	[dreg:$0x1] =	wrdreg $0xFFFFFFFF  }
0xa7: {  	s28 =	simm.s32 $_size_execute0_lowered;
	s2 =	sadd.s32 s2, s4;
	[dreg:$0x0] =	wrdreg $0x0  }
0xa8: {  	s4 =	sshll.u32 s28, $0x1;
	[dreg:$0x2] =	wrdreg s2  }
0xa9: {  	[dreg:$0x3] =	wrdreg s4  }
0xaa: {  	[dreg:$0x4] =	wrdreg $0xC0  }
0xab: {  	_ =	task [dreg:s6], $0x5FFFF  }
0xac: {  	[dreg:$0x1] =	wrdreg $0xFFFFFFFF  }
0xad: {  	[dreg:$0x0] =	wrdreg $0x60  }
0xae: {  	[dreg:$0x2] =	wrdreg s24  }
0xaf: {  	[dreg:$0x3] =	wrdreg $0x84000  }
0xb0: {  	[dreg:$0x4] =	wrdreg $0x9  }
0xb1: {  	_ =	task.clear_ibuf [dreg:s6], $0x5FFFF;
	_ =	strace $0x9000004C  }
0xb2: {  	s29 =	simm.s32 $0x9;
	_ =	strace $0x8000004E  }
0xb3: {  	_ =	swait.ge [sflag:s29], $0x1  }
0xb4: {  	[sflag:s29] =	ssyncadd.s32 $0xFFFFFFFF  }
0xb5: {  	_ =	strace $0x9000004E  }
0xb6: {  	_ =	sfence  }
0xb7: {  	s30 =	sld [smem:$0x0];
	_ =	sdelay $0x2  }
0xb8: {  	s31 =	sshll.u32 s1, $0xD;
	s1 =	sshrl.u32 s1, $0x2  }
0xb9: {  	s3 =	sand.u32 $0x4000, s31;
	s1 =	sadd.s32 s1, s30  }
0xba: {  	s0 =	sor.u32 s3, s0;
	s1 =	sshll.u32 s1, $0x11  }
0xbb: {  	s0 =	sor.u32 s1, s0  }
0xbc: {  	s0 =	sadd.s32 $0x8F2B, s0  }
0xbd: {  	[sflag:s0] =	ssyncadd.remote.s32 $0x1  }
0xbe: {  	_ =	sfence.sel $0xFFFF  }
0xbf: {  	[dreg:$0x0] =	wrdreg $0xFFFFFFFF;
	(pc) =	sbr.abs _section_cstart, $3  }
0xc0: {  	[dreg:$0x1] =	wrdreg $0xFFFFFFFF  }
0xc1: {  	_ =	task.clear_ibuf [dreg:s6], $0x2FFFF;
	_ =	strace $0x9FFFFFFF  }
0xc2: {  	(tm) =	ssettm $0x7FFFFFFF  }
0xc3: {  	_ =	shalt  }
tec
execute0_lowered:
.L_overlay_start_1:
0x0: {  	(tag) =	ssettag $0x1  }
0x1: {  	s0 =	rddreg [dreg:$0x0]  }
0x2: {  	s2 =	rddreg [dreg:$0x1];
	s1 =	srdreg.scid;
	s3 =	simm.s32 $0x0  }
0x3: {  	s11 =	stileid.u32;
	s29 =	simm.s32 $0x180;
	s30 =	simm.s32 $0x380  }
0x4: {  	s31 =	simm.s32 $0x400;
	s28 =	simm.s32 $0x2;
	s1 =	sand.u32 $0x1, s1  }
0x5: {  	[smem:$0x7FF] =	sst s3;
	s4 =	sshll.u32 s11, $0x1;
	s9 =	smul.u32 $0x14000, s11  }
0x6: {  	s5 =	sadd.s32 $0xE600, s0;
	s7 =	sadd.s32 $0x4600, s0;
	s18 =	smul.u32 $0x50000, s11  }
0x7: {  	s11 =	simm.s32 $0x3;
	s8 =	smul.u32 $0x140000, s1;
	_ =	strace $0x8000004D  }
0x8: {  	s6 =	sor.u32 s1, s4;
	s4 =	sadd.s32 $0x18600, s0;
	s1 =	ssub.s32 $0x2, s1  }
0x9: {  	s6 =	smul.u32 $0x2800, s6;
	s12 =	sshrl.u32 s1, $0x1;
	s21 =	sshrl.u32 s18, $0x2  }
0xa: {  	s8 =	sadd.s32 s9, s8;
	s1 =	ssub.s32 s1, s12;
	s9 =	simm.s32 $0x5  }
0xb: {  	s12 =	simm.s32 $0x6;
	s10 =	sshrl.u32 s6, $0x3;
	s22 =	smax.u32 s1, $0x1  }
0xc: {  	s8 =	sshrl.u32 s8, $0x3;
	s14 =	sadd.s32 s5, s10;
	[dreg:$0xc] =	wrdreg s22  }
0xd: {  	s13 =	sor.u32 $0x10, s10;
	s15 =	sadd.s32 s7, s10;
	[dreg:$0x3] =	wrdreg s14  }
0xe: {  	s0 =	sadd.s32 s8, s0;
	[dreg:$0x4] =	wrdreg s15;
	s16 =	sadd.s32 s5, s13  }
0xf: {  	s17 =	sor.u32 $0x20, s10;
	s8 =	sadd.s32 s7, s13;
	[dreg:$0x5] =	wrdreg s16  }
0x10: {  	s20 =	sor.u32 $0x30, s10;
	s19 =	sadd.s32 s5, s17;
	[dreg:$0x6] =	wrdreg s8  }
0x11: {  	s10 =	sadd.s32 s5, s20;
	s0 =	sadd.s32 $0x40600, s0;
	[dreg:$0x7] =	wrdreg s19  }
0x12: {  	s13 =	simm.s32 $0xA;
	s14 =	simm.s32 $0x4;
	[dreg:$0x9] =	wrdreg s10  }
0x13: {  	s15 =	simm.s32 $0x8;
	s8 =	sadd.s32 s7, s17;
	[dreg:$0xb] =	wrdreg s0  }
0x14: {  	s16 =	sadd.s32 s21, s2;
	[dreg:$0x8] =	wrdreg s8;
	s8 =	sadd.s32 s7, s20  }
0x15: {  	s0 =	simm.s32 $0xB;
	s23 =	sadd.s32 $0x4000, s16;
	[dreg:$0xa] =	wrdreg s8  }
.Ltmp0:
0x16: {  	s24 =	sadd.s32 $0x8000, s16;
	[dreg:$0xd] =	wrdreg s23;
	(pc) =	sbr.rel .LBB2_1-.Ltmp0, $4  }
0x17: {  	s10 =	simm.s32 $0x9;
	s25 =	sadd.s32 $0xC000, s16;
	[dreg:$0xe] =	wrdreg s24  }
0x18: {  	s17 =	simm.s32 $0x0;
	s26 =	sadd.s32 $0x10000, s16;
	[dreg:$0xf] =	wrdreg s25  }
0x19: {  	[dreg:$0x10] =	wrdreg s26;
	s23 =	simm.s32 $0x200;
	s24 =	simm.s32 $0x80  }
0x1a: {  	v0 =	vimm.f32 $0.0e+00;
	s25 =	simm.s32 $0x280;
	s26 =	simm.s32 $0x100;
	s8 =	simm.s32 $0x4400  }
.LBB2_6:
0x1b: {  	s1 =	stileid.u32  }
0x1c: {  	[bflag:$0x0] =	sbarrier.arrive $0xFFFF;
	s1 =	sshll.u32 s1, $0x6  }
0x1d: {  	s18 =	sshrl.u32 s16, $0x3;
	s19 =	rddreg [dreg:$0xb];
	s1 =	sor.u32 $0x1C0B, s1  }
0x1e: {  	[hbm:s19], [sflag:s1] =	dma.local [spmem:s18], $0x2800  }
0x1f: {  	_ =	swait.ge [sflag:s0], $0x2800  }
0x20: {  	s17 =	sadd.s32 $0x1, s17;
	s22 =	rddreg [dreg:$0xc]  }
0x21: {  	p0 =	sne.s32 s17, s22  }
.Ltmp1:
0x22: {  	_ = 	snop;
	(pc) =	sbr.rel @!p0 .LBB2_7-.Ltmp1, $3  }
0x23: {  	_ =	sdelay $0x1  }
0x24: {  	[sflag:s0] =	ssyncset.done $0x0  }
0x25: {  	[sflag:s0] =	ssyncadd.s32 $0xFFFFD800  }
.LBB2_1:
0x26: {  	s1 =	rddreg [dreg:$0x3]  }
0x27: {  	[tilespmem:s3], [sflag:$0x1] =	stream.linear.gather [hbm4b:s1+s3], $0x80, $0x38;
	[tilespmem:$0x1C400] =	vst v63  }
0x28: {  	s21 =	rddreg [dreg:$0x4]  }
0x29: {  	[tilespmem:s23], [sflag:$0x5] =	stream.linear.gather [hbm4b:s21+s3], $0x80, $0x38;
	[tilespmem:$0x1C400] =	vst v63  }
0x2a: {  	s22 =	rddreg [dreg:$0x5]  }
0x2b: {  	[tilespmem:s24], [sflag:$0x2] =	stream.linear.gather [hbm4b:s22+s3], $0x80, $0x38;
	[tilespmem:$0x1C400] =	vst v63  }
0x2c: {  	s18 =	rddreg [dreg:$0x6]  }
0x2d: {  	[tilespmem:s25], [sflag:$0x6] =	stream.linear.gather [hbm4b:s18+s3], $0x80, $0x38;
	[tilespmem:$0x1C400] =	vst v63  }
0x2e: {  	s19 =	rddreg [dreg:$0x7]  }
0x2f: {  	[tilespmem:s26], [sflag:$0x3] =	stream.linear.gather [hbm4b:s19+s3], $0x80, $0x38;
	[tilespmem:$0x1C400] =	vst v63  }
0x30: {  	s20 =	rddreg [dreg:$0x8];
	s18 =	simm.s32 $0x300  }
0x31: {  	[tilespmem:s18], [sflag:$0x7] =	stream.linear.gather [hbm4b:s20+s3], $0x80, $0x38;
	[tilespmem:$0x1C400] =	vst v63  }
0x32: {  	s21 =	rddreg [dreg:$0x9]  }
0x33: {  	[tilespmem:s29], [sflag:$0x4] =	stream.linear.gather [hbm4b:s21+s3], $0x80, $0x38;
	[tilespmem:$0x1C400] =	vst v63  }
0x34: {  	s22 =	rddreg [dreg:$0xa];
	s19 =	simm.s32 $0x200;
	s18 =	simm.s32 $0x0  }
0x35: {  	[tilespmem:s30], [sflag:$0x8] =	stream.linear.gather [hbm4b:s22+s3], $0x80, $0x38;
	[tilespmem:$0x1C400] =	vst v63  }
.LBB2_2:
0x36: {  	p0 =	sne.s32 s19, $0xFE00;
	[tilespmem:s18+$0x470] =	vst v0  }
0x37: {  	[tilespmem:s18+$0x400] =	vst v0  }
0x38: {  	[tilespmem:s18+$0x410] =	vst v0  }
.Ltmp2:
0x39: {  	[tilespmem:s18+$0x420] =	vst v0;
	(pc) =	sbr.rel @p0 .LBB2_2-.Ltmp2, $4  }
0x3a: {  	[tilespmem:s18+$0x430] =	vst v0  }
0x3b: {  	[tilespmem:s18+$0x440] =	vst v0  }
0x3c: {  	[tilespmem:s18+$0x450] =	vst v0  }
0x3d: {  	[tilespmem:s18+$0x460] =	vst v0;
	s18 =	sshra.s32 s19, $0x2;
	s19 =	sadd.s32 $0x200, s19  }
0x3e: {  	[tilespmem:s18+$0x470] =	vst v0  }
0x3f: {  	[tilespmem:s18+$0x400] =	vst v0  }
0x40: {  	[tilespmem:s18+$0x410] =	vst v0  }
0x41: {  	[tilespmem:s18+$0x420] =	vst v0  }
0x42: {  	[tilespmem:s18+$0x430] =	vst v0  }
0x43: {  	[tilespmem:s18+$0x440] =	vst v0  }
0x44: {  	[tilespmem:s18+$0x450] =	vst v0  }
0x45: {  	[tilespmem:s18+$0x460] =	vst v0  }
0x46: {  	[spmem:s16] =	stream.linear.scatter [tilespmem:s31], [sflag:$0xB], $0x4000, $0x38;
	[tilespmem:$0x1C400] =	vst v63  }
0x47: {  	_ =	swait.ge [sflag:s0], $0x4000  }
0x48: {  	[sflag:s0] =	ssyncset.done $0x0  }
0x49: {  	s1 =	rddreg [dreg:$0xd];
	[sflag:s0] =	ssyncadd.s32 $0xFFFFC000  }
0x4a: {  	[spmem:s1] =	stream.linear.scatter [tilespmem:s31], [sflag:$0xB], $0x4000, $0x38;
	[tilespmem:$0x1C400] =	vst v63  }
0x4b: {  	_ =	swait.ge [sflag:s0], $0x4000  }
0x4c: {  	[sflag:s0] =	ssyncset.done $0x0  }
0x4d: {  	s19 =	rddreg [dreg:$0xe];
	[sflag:s0] =	ssyncadd.s32 $0xFFFFC000  }
0x4e: {  	[spmem:s19] =	stream.linear.scatter [tilespmem:s31], [sflag:$0xB], $0x4000, $0x38;
	[tilespmem:$0x1C400] =	vst v63  }
0x4f: {  	_ =	swait.ge [sflag:s0], $0x4000  }
0x50: {  	[sflag:s0] =	ssyncset.done $0x0  }
0x51: {  	s20 =	rddreg [dreg:$0xf];
	[sflag:s0] =	ssyncadd.s32 $0xFFFFC000  }
0x52: {  	[spmem:s20] =	stream.linear.scatter [tilespmem:s31], [sflag:$0xB], $0x4000, $0x38;
	[tilespmem:$0x1C400] =	vst v63  }
0x53: {  	_ =	swait.ge [sflag:s0], $0x4000  }
0x54: {  	[sflag:s0] =	ssyncset.done $0x0  }
0x55: {  	s21 =	rddreg [dreg:$0x10];
	[sflag:s0] =	ssyncadd.s32 $0xFFFFC000  }
0x56: {  	[spmem:s21] =	stream.linear.scatter [tilespmem:s31], [sflag:$0xB], $0x4000, $0x38;
	[tilespmem:$0x1C400] =	vst v63  }
0x57: {  	_ =	swait.ge [sflag:s0], $0x4000  }
0x58: {  	[sflag:s0] =	ssyncset.done $0x0  }
0x59: {  	[sflag:s0] =	ssyncadd.s32 $0xFFFFC000  }
0x5a: {  	s22 =	simm.s32 $0x1;
	[bflag:$0x0] =	sbarrier.arrive $0xFFFF  }
0x5b: {  	_ =	swait.ge [sflag:s22], $0x80  }
0x5c: {  	[sflag:s22] =	ssyncset.done $0x0  }
0x5d: {  	[sflag:s22] =	ssyncadd.s32 $0xFFFFFF80  }
0x5e: {  	[tilespmem:s31], [sflag:$0x9] =	stream.indirect.gather [hbm4b:s4+s24], $0x80, s3, s24, $0xb8;
	[tilespmem:$0x1C400] =	vst v63  }
0x5f: {  	_ =	swait.ge [sflag:s28], $0x80  }
0x60: {  	[sflag:s28] =	ssyncset.done $0x0  }
0x61: {  	s18 =	simm.s32 $0x380;
	[sflag:s28] =	ssyncadd.s32 $0xFFFFFF80  }
0x62: {  	[tilespmem:s8], [sflag:$0xA] =	stream.indirect.gather [hbm4b:s4+s24], $0x80, s24, s24, $0xb8;
	[tilespmem:$0x1C400] =	vst v63  }
.LBB2_4:
0x63: {  	_ =	swait.ge [sflag:s9], $0x80  }
0x64: {  	[sflag:s9] =	ssyncset.done $0x0  }
0x65: {  	[sflag:s9] =	ssyncadd.s32 $0xFFFFFF80  }
0x66: {  	_ =	swait.ge [sflag:s10], $0x4000  }
0x67: {  	[sflag:s10] =	ssyncset.done $0x0  }
0x68: {  	[sflag:s10] =	ssyncadd.s32 $0xFFFFC000  }
0x69: {  	[spmem:s2] =	stream.indirect.scatter.add.f32 [tilespmem:s31], [sflag:$0xB], $0x80, s23, s24, $0xb8;
	[tilespmem:$0x1C400] =	vst v63  }
0x6a: {  	p0 =	seq.s32 s18, $0x2980;
	_ =	swait.ge [sflag:s0], $0x4000  }
0x6b: {  	s19 =	sadd.s32 @!p0 $0xFFFFFE80, s18;
	[sflag:s0] =	ssyncset.done $0x0  }
0x6c: {  	s20 =	sand.u32 @!p0 $0x7C00, s19;
	[sflag:s0] =	ssyncadd.s32 $0xFFFFC000  }
0x6d: {  	s19 =	sand.u32 @!p0 $0x200, s19;
	s20 =	sadd.s32 @!p0 s6, s20;
	_ =	swait.ge [sflag:s11], $0x80  }
0x6e: {  	s19 =	sor.u32 @!p0 s19, s20;
	[sflag:s11] =	ssyncset.done $0x0  }
0x6f: {  	s20 =	sshrl.u32 @!p0 s19, $0x3;
	[sflag:s11] =	ssyncadd.s32 $0xFFFFFF80  }
0x70: {  	[tilespmem:s31], [sflag:$0x9] =	stream.indirect.gather [hbm4b:s4+s24], $0x80, s26, s24, $0xb8;
	[tilespmem:$0x1C400] =	vst v63  }
0x71: {  	s19 =	simm.s32 @!p0 $0x0;
	s21 =	sadd.s32 @!p0 s5, s20  }
0x72: {  	[tilespmem:s19], [sflag:$0x1] =	stream.linear.gather @!p0 [hbm4b:s21+s19], $0x80, $0x38;
	[tilespmem:$0x1C400] =	vst v63  }
0x73: {  	s20 =	sadd.s32 @!p0 s7, s20;
	s21 =	simm.s32 @!p0 $0x200  }
0x74: {  	[tilespmem:s21], [sflag:$0x5] =	stream.linear.gather @!p0 [hbm4b:s20+s19], $0x80, $0x38;
	[tilespmem:$0x1C400] =	vst v63  }
0x75: {  	_ =	swait.ge [sflag:s12], $0x80  }
0x76: {  	[sflag:s12] =	ssyncset.done $0x0  }
0x77: {  	[sflag:s12] =	ssyncadd.s32 $0xFFFFFF80  }
0x78: {  	_ =	swait.ge [sflag:s13], $0x4000  }
0x79: {  	[sflag:s13] =	ssyncset.done $0x0  }
0x7a: {  	[sflag:s13] =	ssyncadd.s32 $0xFFFFC000  }
0x7b: {  	[spmem:s2] =	stream.indirect.scatter.add.f32 [tilespmem:s8], [sflag:$0xB], $0x80, s25, s24, $0xb8;
	[tilespmem:$0x1C400] =	vst v63  }
0x7c: {  	_ =	swait.ge [sflag:s0], $0x4000  }
0x7d: {  	[sflag:s0] =	ssyncset.done $0x0  }
0x7e: {  	[sflag:s0] =	ssyncadd.s32 $0xFFFFC000  }
0x7f: {  	_ =	swait.ge [sflag:s14], $0x80  }
0x80: {  	[sflag:s14] =	ssyncset.done $0x0  }
0x81: {  	s20 =	simm.s32 @p0 $0x7;
	[sflag:s14] =	ssyncadd.s32 $0xFFFFFF80  }
0x82: {  	[tilespmem:s8], [sflag:$0xA] =	stream.indirect.gather [hbm4b:s4+s24], $0x80, s29, s24, $0xb8;
	[tilespmem:$0x1C400] =	vst v63  }
0x83: {  	_ =	swait.ge @p0 [sflag:s20], $0x80  }
0x84: {  	[sflag:s20] =	ssyncset.done @p0 $0x0  }
0x85: {  	[sflag:s20] =	ssyncadd.s32 @p0 $0xFFFFFF80;
	s20 =	simm.s32 @p0 $0x9  }
0x86: {  	_ =	swait.ge @p0 [sflag:s20], $0x4000  }
0x87: {  	s22 =	simm.s32 @p0 $0x400;
	[sflag:s20] =	ssyncset.done @p0 $0x0  }
0x88: {  	s21 =	simm.s32 @p0 $0x300;
	[sflag:s20] =	ssyncadd.s32 @p0 $0xFFFFC000;
	s20 =	simm.s32 @p0 $0x80  }
0x89: {  	[spmem:s2] =	stream.indirect.scatter.add.f32 @p0 [tilespmem:s22], [sflag:$0xB], $0x80, s21, s20, $0xb8;
	[tilespmem:$0x1C400] =	vst v63  }
0x8a: {  	s20 =	sadd.s32 @!p0 $0xFFFFFF00, s18  }
0x8b: {  	s21 =	sand.u32 @!p0 $0x7C00, s20  }
0x8c: {  	s22 =	simm.s32 @p0 $0xB;
	s20 =	sand.u32 @!p0 $0x280, s20;
	s21 =	sadd.s32 @!p0 s6, s21  }
0x8d: {  	_ =	swait.ge @p0 [sflag:s22], $0x4000;
	s20 =	sor.u32 @!p0 s20, s21  }
0x8e: {  	[sflag:s22] =	ssyncset.done @p0 $0x0;
	s20 =	sshrl.u32 @!p0 s20, $0x3  }
0x8f: {  	[sflag:s22] =	ssyncadd.s32 @p0 $0xFFFFC000;
	s22 =	simm.s32 @!p0 $0x80;
	s21 =	sadd.s32 @!p0 s5, s20  }
0x90: {  	[tilespmem:s22], [sflag:$0x2] =	stream.linear.gather @!p0 [hbm4b:s21+s19], $0x80, $0x38;
	[tilespmem:$0x1C400] =	vst v63  }
0x91: {  	s20 =	sadd.s32 @!p0 s7, s20;
	s21 =	simm.s32 @!p0 $0x280  }
0x92: {  	[tilespmem:s21], [sflag:$0x6] =	stream.linear.gather @!p0 [hbm4b:s20+s19], $0x80, $0x38;
	[tilespmem:$0x1C400] =	vst v63  }
0x93: {  	s20 =	simm.s32 @!p0 $0x7  }
0x94: {  	_ =	swait.ge @!p0 [sflag:s20], $0x80  }
0x95: {  	[sflag:s20] =	ssyncset.done @!p0 $0x0  }
0x96: {  	[sflag:s20] =	ssyncadd.s32 @!p0 $0xFFFFFF80;
	s20 =	simm.s32 @!p0 $0x9  }
0x97: {  	_ =	swait.ge @!p0 [sflag:s20], $0x4000  }
0x98: {  	s1 =	simm.s32 @!p0 $0xB;
	[sflag:s20] =	ssyncset.done @!p0 $0x0  }
0x99: {  	s21 =	simm.s32 @!p0 $0x400;
	[sflag:s20] =	ssyncadd.s32 @!p0 $0xFFFFC000;
	s20 =	simm.s32 @!p0 $0x300  }
0x9a: {  	[spmem:s2] =	stream.indirect.scatter.add.f32 @!p0 [tilespmem:s21], [sflag:$0xB], $0x80, s20, s22, $0xb8;
	[tilespmem:$0x1C400] =	vst v63  }
0x9b: {  	_ =	swait.ge @!p0 [sflag:s1], $0x4000  }
0x9c: {  	[sflag:s1] =	ssyncset.done @!p0 $0x0  }
0x9d: {  	[sflag:s1] =	ssyncadd.s32 @!p0 $0xFFFFC000;
	s1 =	simm.s32 @!p0 $0x1  }
0x9e: {  	_ =	swait.ge @!p0 [sflag:s1], $0x80  }
0x9f: {  	[sflag:s1] =	ssyncset.done @!p0 $0x0  }
0xa0: {  	[sflag:s1] =	ssyncadd.s32 @!p0 $0xFFFFFF80;
	s1 =	sadd.s32 @!p0 $0xFFFFFF80, s18  }
0xa1: {  	[tilespmem:s21], [sflag:$0x9] =	stream.indirect.gather @!p0 [hbm4b:s4+s22], $0x80, s19, s22, $0xb8;
	[tilespmem:$0x1C400] =	vst v63  }
0xa2: {  	s21 =	sand.u32 @!p0 $0x7C00, s1  }
0xa3: {  	s1 =	sand.u32 @!p0 $0x300, s1;
	s21 =	sadd.s32 @!p0 s6, s21  }
0xa4: {  	s1 =	sor.u32 @!p0 s1, s21  }
0xa5: {  	s1 =	sshrl.u32 @!p0 s1, $0x3  }
0xa6: {  	s22 =	simm.s32 @!p0 $0x100;
	s21 =	sadd.s32 @!p0 s5, s1  }
0xa7: {  	[tilespmem:s22], [sflag:$0x3] =	stream.linear.gather @!p0 [hbm4b:s21+s19], $0x80, $0x38;
	[tilespmem:$0x1C400] =	vst v63  }
0xa8: {  	s1 =	sadd.s32 @!p0 s7, s1  }
0xa9: {  	[tilespmem:s20], [sflag:$0x7] =	stream.linear.gather @!p0 [hbm4b:s1+s19], $0x80, $0x38;
	[tilespmem:$0x1C400] =	vst v63  }
0xaa: {  	_ =	swait.ge [sflag:s15], $0x80  }
0xab: {  	[sflag:s15] =	ssyncset.done $0x0  }
0xac: {  	[sflag:s15] =	ssyncadd.s32 $0xFFFFFF80  }
0xad: {  	_ =	swait.ge [sflag:s13], $0x4000  }
0xae: {  	[sflag:s13] =	ssyncset.done $0x0  }
.Ltmp3:
0xaf: {  	[sflag:s13] =	ssyncadd.s32 $0xFFFFC000;
	(pc) =	sbr.rel @p0 .LBB2_6-.Ltmp3, $4  }
0xb0: {  	[spmem:s2] =	stream.indirect.scatter.add.f32 [tilespmem:s8], [sflag:$0xB], $0x80, s30, s24, $0xb8;
	[tilespmem:$0x1C400] =	vst v63  }
0xb1: {  	_ =	swait.ge [sflag:s0], $0x4000  }
0xb2: {  	[sflag:s0] =	ssyncset.done $0x0  }
0xb3: {  	[sflag:s0] =	ssyncadd.s32 $0xFFFFC000  }
0xb4: {  	_ =	swait.ge [sflag:s28], $0x80;
	s1 =	sand.u32 $0x7C00, s18  }
0xb5: {  	s19 =	sand.u32 $0x380, s18;
	[sflag:s28] =	ssyncset.done $0x0;
	s1 =	sadd.s32 s6, s1  }
0xb6: {  	[sflag:s28] =	ssyncadd.s32 $0xFFFFFF80;
	s1 =	sor.u32 s19, s1  }
0xb7: {  	[tilespmem:s8], [sflag:$0xA] =	stream.indirect.gather [hbm4b:s4+s24], $0x80, s24, s24, $0xb8;
	[tilespmem:$0x1C400] =	vst v63  }
.Ltmp4:
0xb8: {  	s1 =	sshrl.u32 s1, $0x3;
	(pc) =	sbr.rel .LBB2_4-.Ltmp4, $4  }
0xb9: {  	s22 =	sadd.s32 s5, s1  }
0xba: {  	[tilespmem:s29], [sflag:$0x4] =	stream.linear.gather [hbm4b:s22+s3], $0x80, $0x38;
	[tilespmem:$0x1C400] =	vst v63  }
0xbb: {  	s18 =	sadd.s32 $0x200, s18;
	s1 =	sadd.s32 s7, s1  }
0xbc: {  	[tilespmem:s30], [sflag:$0x8] =	stream.linear.gather [hbm4b:s1+s3], $0x80, $0x38;
	[tilespmem:$0x1C400] =	vst v63  }
.LBB2_7:
0xbd: {  	_ =	sfence.sel $0x180000  }
0xbe: {  	[bflag:$0x0] =	sbarrier.arrive $0xFFFF  }
0xbf: {  	_ =	strace $0x9000004D  }
0xc0: {  	s0 =	stileid.u32;
	[bflag:$0x2] =	sbarrier.arrive $0xFFFF  }
0xc1: {  	p0 =	sne.s32 s0, $0x0;
	s0 =	rddreg [dreg:$0x2]  }
0xc2: {  	s0 =	sadd.s32 @!p0 $0x100000, s0  }
0xc3: {  	[sflag:s0] =	ssyncadd.tile.s32 @!p0 $0x1;
	_ =	shalt  }
.Lfunc_end2:
_tile_overlayer_lowered:
.L_overlay_start_2:
0xc4: {  	(tag) =	ssettag $0x2  }
0xc5: {  	s0 =	rddreg [dreg:$0x0];
	s2 =	stileid.u32  }
0xc6: {  	s1 =	rddreg [dreg:$0x1];
	p0 =	sne.s32 s2, $0x0  }
0xc7: {  	s3 =	rddreg [dreg:$0x2];
	[bflag:$0x3] =	sbarrier.arrive $0xFFFF;
	s2 =	simm.s32 @!p0 $0x1C0B  }
0xc8: {  	[timem:s3], [sflag:s2] =	dma.local @!p0 [hbm:s0], s1  }
0xc9: {  	s0 =	simm.s32 @!p0 $0xB  }
0xca: {  	_ =	swait.ge @!p0 [sflag:s0], s1  }
0xcb: {  	s1 =	ssub.s32 @!p0 $0x0, s1;
	[sflag:s0] =	ssyncset.done @!p0 $0x0  }
0xcc: {  	[sflag:s0] =	ssyncadd.s32 @!p0 s1  }
0xcd: {  	[bflag:$0x3] =	sbarrier.arrive $0xFFFF  }
0xce: {  	_ =	shalt  }

// kernel: kernel.21.cloned.1.call-start
scs
__scs_entry_jumppad:
0x0: {  	(pc) =	sbr.rel $0x88, $3  }
0x1: {  	(tag) =	ssettag $0x0;
	lr =	simm.s32 $0x1  }
0x2: {  	[smem:$0x3F94] =	sst lr;
	_ =	strace $0xD0000000  }
0x3: {  	_ = 	snop  }
0x4: {  	_ = 	snop  }
0x5: {  	_ = 	snop  }
0x6: {  	_ = 	snop  }
0x7: {  	_ = 	snop  }
__scs_overlays_trampoline_lowered:
0x8: {  	[smem:$0x3FA3] =	sst s0  }
0x9: {  	[smem:$0x3FA4] =	sst s1  }
0xa: {  	[smem:$0x3FA5] =	sst s2  }
0xb: {  	[smem:$0x3FA6] =	sst s3  }
0xc: {  	[smem:$0x3FA7] =	sst s4  }
0xd: {  	[smem:$0x3FA8] =	sst s5  }
0xe: {  	[smem:$0x3FA9] =	sst s6  }
0xf: {  	[smem:$0x3FAA] =	sst s7  }
0x10: {  	[smem:$0x3FAB] =	sst s8  }
0x11: {  	[smem:$0x3FAC] =	sst s9;
	s0 =	simm.s32 @!p0 $0x0  }
0x12: {  	s1 =	sld [smem:$0x3F92];
	s0 =	simm.s32 @p0 $0x1  }
0x13: {  	[smem:$0x3FAD] =	sst s0;
	s0 =	simm.s32 @!p1 $0x0  }
0x14: {  	s2 =	sld [smem:$0x3F91];
	s0 =	simm.s32 @p1 $0x1  }
0x15: {  	[smem:$0x3FAE] =	sst s0;
	s0 =	simm.s32 @!p2 $0x0  }
0x16: {  	s3 =	sld [smem:$0x3FDB];
	s0 =	simm.s32 @p2 $0x1  }
0x17: {  	s4 =	simm.s32 $0x1BF5;
	[smem:$0x3FB0] =	sst s0  }
0x18: {  	s0 =	sld [smem:$0x3F93];
	_ =	swait.ge [sflag:s4], $0x0  }
0x19: {  	s7 =	sld [smem:$0x3F94]  }
0x1a: {  	s8 =	sadd.s32 $0xFFFFE003, lr  }
0x1b: {  	s9 =	sadd.s32 $0xFFFFFEF7, lr;
	s5 =	simm.s32 $0xFFFFFFFF;
	p2 =	slt.u32 s8, $0xFFFFF086  }
0x1c: {  	p1 =	slt.u32 s9, $0xF7A;
	s5 =	simm.s32 @!p2 $0x0  }
0x1d: {  	s5 =	simm.s32 @p1 $0x1;
	p0 =	seq.s32 s7, s2  }
0x1e: {  	s7 =	smul.u32 @!p0 $0xF7A, s2;
	p2 =	seq.s32 @!p0 s5, $0x0  }
0x1f: {  	s9 =	smul.u32 $0xF7A, s1;
	s8 =	simm.s32 @!p0 $0x1BF5;
	p2 =	por !p2, p0  }
0x20: {  	[sflag:s8] =	ssyncset.s32 @!p0 $0xFFFFF086;
	s6 =	sadd.s32 @!p0 s3, s7;
	s7 =	simm.s32 @!p0 $0x108  }
0x21: {  	s3 =	sadd.s32 s3, s9;
	s6 =	sadd.s32 @!p0 $0x88, s6;
	s7 =	simm.s32 @p2 $0x1082  }
0x22: {  	[simem:s7], [sflag:s8] =	dma.local @!p0 [hbm:s6], $0xF7A  }
0x23: {  	s9 =	sor.u32 $0xD0000000, s2;
	s6 =	simm.s32 $0x108;
	_ =	swait.ge @!p0 [sflag:s8], $0x0  }
0x24: {  	s3 =	sadd.s32 $0x88, s3;
	s6 =	simm.s32 @!p1 $0x1082;
	[sflag:s4] =	ssyncset.s32 $0xFFFFF086  }
0x25: {  	[simem:s6], [sflag:s4] =	dma.local [hbm:s3], $0xF7A  }
0x26: {  	[smem:$0x3F94] =	sst s1;
	(tag) =	ssettag s2;
	_ =	strace s9  }
0x27: {  	s1 =	sld [smem:$0x3FA4]  }
0x28: {  	s2 =	sld [smem:$0x3FA5]  }
0x29: {  	s4 =	sld [smem:$0x3FA7]  }
0x2a: {  	p0 =	seq.s32 s5, $0x0;
	s5 =	sld [smem:$0x3FA8]  }
0x2b: {  	s6 =	sld [smem:$0x3FA9]  }
0x2c: {  	s7 =	sld [smem:$0x3FAA]  }
0x2d: {  	s3 =	simm.s32 $0x108;
	s8 =	sld [smem:$0x3FAB]  }
0x2e: {  	s3 =	simm.s32 @!p0 $0x1082;
	s9 =	sld [smem:$0x3FAC]  }
0x2f: {  	lr =	sadd.s32 s0, s3;
	s0 =	sld [smem:$0x3FA3]  }
0x30: {  	s3 =	sld [smem:$0x3FA6]  }
0x31: {  	[smem:$0x3FAF] =	sst s10  }
0x32: {  	s10 =	sld [smem:$0x3FAD];
	_ =	sdelay $0x3  }
0x33: {  	p0 =	seq.s32 s10, $0x1;
	s10 =	sld [smem:$0x3FAF];
	_ =	sdelay $0x3  }
0x34: {  	[smem:$0x3FAF] =	sst s10  }
0x35: {  	s10 =	sld [smem:$0x3FAE];
	_ =	sdelay $0x3  }
0x36: {  	p1 =	seq.s32 s10, $0x1;
	s10 =	sld [smem:$0x3FAF];
	_ =	sdelay $0x3  }
0x37: {  	[smem:$0x3FAF] =	sst s10  }
0x38: {  	s10 =	sld [smem:$0x3FB0]  }
0x39: {  	_ = 	snop;
	(pc) =	sbr.ind lr, $3  }
0x3a: {  	_ = 	snop  }
0x3b: {  	_ = 	snop  }
0x3c: {  	p2 =	seq.s32 s10, $0x1;
	s10 =	sld [smem:$0x3FAF]  }
0x3d: {  	_ =	shalt  }
0x3e: {  	_ =	shalt  }
0x3f: {  	_ =	shalt  }
0x40: {  	_ =	shalt  }
0x41: {  	_ =	shalt  }
0x42: {  	_ =	shalt  }
0x43: {  	_ =	shalt  }
0x44: {  	_ =	shalt  }
0x45: {  	_ =	shalt  }
0x46: {  	_ =	shalt  }
0x47: {  	_ =	shalt  }
0x48: {  	_ =	shalt  }
0x49: {  	_ =	shalt  }
0x4a: {  	_ =	shalt  }
0x4b: {  	_ =	shalt  }
0x4c: {  	_ =	shalt  }
0x4d: {  	_ =	shalt  }
0x4e: {  	_ =	shalt  }
0x4f: {  	_ =	shalt  }
0x50: {  	_ =	shalt  }
0x51: {  	_ =	shalt  }
0x52: {  	_ =	shalt  }
0x53: {  	_ =	shalt  }
0x54: {  	_ =	shalt  }
0x55: {  	_ =	shalt  }
0x56: {  	_ =	shalt  }
0x57: {  	_ =	shalt  }
0x58: {  	_ =	shalt  }
0x59: {  	_ =	shalt  }
0x5a: {  	_ =	shalt  }
0x5b: {  	_ =	shalt  }
0x5c: {  	_ =	shalt  }
0x5d: {  	_ =	shalt  }
0x5e: {  	_ =	shalt  }
0x5f: {  	_ =	shalt  }
0x60: {  	_ =	shalt  }
0x61: {  	_ =	shalt  }
0x62: {  	_ =	shalt  }
0x63: {  	_ =	shalt  }
0x64: {  	_ =	shalt  }
0x65: {  	_ =	shalt  }
0x66: {  	_ =	shalt  }
0x67: {  	_ =	shalt  }
0x68: {  	_ =	shalt  }
0x69: {  	_ =	shalt  }
0x6a: {  	_ =	shalt  }
0x6b: {  	_ =	shalt  }
0x6c: {  	_ =	shalt  }
0x6d: {  	_ =	shalt  }
0x6e: {  	_ =	shalt  }
0x6f: {  	_ =	shalt  }
0x70: {  	_ =	shalt  }
0x71: {  	_ =	shalt  }
0x72: {  	_ =	shalt  }
0x73: {  	_ =	shalt  }
0x74: {  	_ =	shalt  }
0x75: {  	_ =	shalt  }
0x76: {  	_ =	shalt  }
0x77: {  	_ =	shalt  }
0x78: {  	_ =	shalt  }
0x79: {  	_ =	shalt  }
0x7a: {  	_ =	shalt  }
0x7b: {  	_ =	shalt  }
0x7c: {  	_ =	shalt  }
0x7d: {  	_ =	shalt  }
0x7e: {  	_ =	shalt  }
0x7f: {  	_ =	shalt  }
0x80: {  	_ =	shalt  }
0x81: {  	_ =	shalt  }
0x82: {  	_ =	shalt  }
0x83: {  	_ =	shalt  }
0x84: {  	_ =	shalt  }
0x85: {  	_ =	shalt  }
0x86: {  	_ =	shalt  }
0x87: {  	_ =	shalt  }
.Lfunc_end0:
.L_simem_size_0:
called_computation.3_lowered:
.L_overlay_start_0:
0x88: {  	s2 =	sld [smem:$0x3FD9]  }
0x89: {  	s3 =	sld [smem:$0x3FFE];
	_ =	sdelay $0x1  }
0x8a: {  	s1 =	srdreg.scid  }
0x8b: {  	s0 =	sand.u32 $0x1, s1  }
0x8c: {  	s17 =	sshll.u32 s0, $0xA;
	s2 =	sadd.s32 s3, s2  }
0x8d: {  	s2 =	sadd.s32 s2, s17  }
0x8e: {  	[smem:$0x3FBB] =	sst s2  }
0x8f: {  	_ = 	snop  }
0x90: {  	s2 =	sld [smem:$0x3FD0];
	(tm) =	ssettm $0x1  }
0x91: {  	s18 =	sld [smem:$0x3FFB];
	_ =	sdelay $0x3  }
0x92: {  	_ =	strace s18  }
0x93: {  	s3 =	sld [smem:$0x3FFC];
	_ =	sdelay $0x3  }
0x94: {  	_ =	strace s3  }
0x95: {  	s3 =	sld [smem:$0x3FFD];
	_ =	sdelay $0x3  }
0x96: {  	_ =	strace s3  }
0x97: {  	_ =	strace $0x8FFFFFFF  }
0x98: {  	s19 =	sld [smem:$0x3FDB];
	_ =	sdelay $0x1  }
0x99: {  	s4 =	simm.s32 $_scs_section_size  }
0x9a: {  	s5 =	simm.s32 $_size__tile_overlayer_lowered;
	s6 =	simm.s32 $_tile_overlayer_lowered  }
0x9b: {  	s22 =	simm.s32 $0x1BFF;
	s21 =	sshll.u32 s6, $0x1;
	s3 =	sadd.s32 s4, s19  }
0x9c: {  	s7 =	simm.s32 $0x0;
	s20 =	sshll.u32 s5, $0x1;
	s5 =	sadd.s32 s21, s3  }
0x9d: {  	[timem:s7], [sflag:s22] =	dma.local [hbm:s5], s20  }
0x9e: {  	_ =	swait.ge [sflag:s22], s20  }
0x9f: {  	s4 =	ssub.s32 $0x0, s20;
	[sflag:s22] =	ssyncset.done $0x0  }
0xa0: {  	[sflag:s22] =	ssyncadd.s32 s4;
	_ =	sdelay $0x1  }
0xa1: {  	s23 =	simm.s32 $0x1B8B  }
0xa2: {  	_ =	swait.ge [sflag:s23], $0x1  }
0xa3: {  	[sflag:s23] =	ssyncset.done $0x0  }
0xa4: {  	s25 =	simm.s32 $0x1B8E;
	s24 =	sld [smem:$0x3FFE];
	[sflag:s23] =	ssyncadd.s32 $0xFFFFFFFF  }
0xa5: {  	s26 =	simm.s32 $execute0_lowered;
	[smem:$0x3FD2] =	sst s25  }
0xa6: {  	s5 =	sshll.u32 s26, $0x1;
	_ =	strace $0x8000004F;
	[dreg:$0x1] =	wrdreg $0xFFFFFFFF  }
0xa7: {  	s28 =	simm.s32 $_size_execute0_lowered;
	s3 =	sadd.s32 s3, s5;
	[dreg:$0x0] =	wrdreg $0x0  }
0xa8: {  	s5 =	sshll.u32 s28, $0x1;
	[dreg:$0x2] =	wrdreg s3  }
0xa9: {  	[dreg:$0x3] =	wrdreg s5  }
0xaa: {  	[dreg:$0x4] =	wrdreg $0xC0  }
0xab: {  	_ =	task [dreg:s7], $0x5FFFF  }
0xac: {  	[dreg:$0x1] =	wrdreg $0xFFFFFFFF  }
0xad: {  	[dreg:$0x0] =	wrdreg $0x60  }
0xae: {  	[dreg:$0x2] =	wrdreg s24  }
0xaf: {  	[dreg:$0x3] =	wrdreg s2  }
0xb0: {  	[dreg:$0x4] =	wrdreg $0x9  }
0xb1: {  	_ =	task.clear_ibuf [dreg:s7], $0x5FFFF;
	_ =	strace $0x9000004F  }
0xb2: {  	s29 =	simm.s32 $0x9;
	_ =	strace $0x80000051  }
0xb3: {  	_ =	swait.ge [sflag:s29], $0x1  }
0xb4: {  	[sflag:s29] =	ssyncadd.s32 $0xFFFFFFFF  }
0xb5: {  	_ =	strace $0x90000051  }
0xb6: {  	_ =	sfence  }
0xb7: {  	s30 =	sld [smem:$0x0];
	_ =	sdelay $0x2  }
0xb8: {  	s31 =	sshll.u32 s1, $0xD;
	s1 =	sshrl.u32 s1, $0x2  }
0xb9: {  	s3 =	sand.u32 $0x4000, s31;
	s1 =	sadd.s32 s1, s30  }
0xba: {  	s0 =	sor.u32 s3, s0;
	s1 =	sshll.u32 s1, $0x11  }
0xbb: {  	s0 =	sor.u32 s1, s0  }
0xbc: {  	s0 =	sadd.s32 $0x8F2B, s0  }
0xbd: {  	[sflag:s0] =	ssyncadd.remote.s32 $0x1  }
0xbe: {  	_ =	sfence.sel $0xFFFF  }
0xbf: {  	[dreg:$0x0] =	wrdreg $0xFFFFFFFF;
	(pc) =	sbr.abs _section_cstart, $3  }
0xc0: {  	[dreg:$0x1] =	wrdreg $0xFFFFFFFF  }
0xc1: {  	_ =	task.clear_ibuf [dreg:s7], $0x2FFFF;
	_ =	strace $0x9FFFFFFF  }
0xc2: {  	(tm) =	ssettm $0x7FFFFFFF  }
0xc3: {  	_ =	shalt  }
tec
execute0_lowered:
.L_overlay_start_1:
0x0: {  	(tag) =	ssettag $0x1  }
0x1: {  	s0 =	rddreg [dreg:$0x0]  }
0x2: {  	s1 =	rddreg [dreg:$0x1];
	s2 =	simm.s32 $0x0  }
0x3: {  	s3 =	srdreg.scid;
	s13 =	stileid.u32;
	s15 =	simm.s32 $0x800  }
0x4: {  	s16 =	simm.s32 $0x1;
	s17 =	simm.s32 $0x80;
	s18 =	simm.s32 $0x1000  }
0x5: {  	s28 =	simm.s32 $0x6;
	s29 =	simm.s32 $0x7;
	s30 =	simm.s32 $0x8  }
0x6: {  	s31 =	simm.s32 $0x9;
	[smem:$0x7FF] =	sst s2;
	s22 =	smul.u32 $0x70000, s13  }
0x7: {  	s4 =	sand.u32 $0x1, s3;
	s19 =	sshll.u32 s13, $0x1;
	s25 =	smul.u32 $0xE000, s13  }
0x8: {  	s3 =	sadd.s32 $0x4600, s0;
	s12 =	sadd.s32 $0x96600, s0;
	s11 =	smul.u32 $0x38000, s4  }
0x9: {  	s5 =	sor.u32 s4, s19;
	s7 =	ssub.s32 $0x2, s4;
	s4 =	smul.u32 $0x7000, s4  }
0xa: {  	_ =	strace $0x80000050;
	s19 =	simm.s32 $0x5000;
	s10 =	smul.u32 $0x38000, s5  }
0xb: {  	s6 =	sshll.u32 s5, $0x8;
	s9 =	sshrl.u32 s7, $0x1;
	s5 =	smul.u32 $0x7000, s5  }
0xc: {  	s13 =	sadd.s32 s25, s12;
	s8 =	sadd.s32 s6, s0;
	s0 =	sadd.s32 $0x176600, s0  }
0xd: {  	s7 =	ssub.s32 s7, s9;
	s1 =	sadd.s32 s1, s6;
	s11 =	sadd.s32 s11, s22  }
0xe: {  	s13 =	sadd.s32 s4, s13;
	s22 =	simm.s32 $0xD000;
	[dreg:$0x3] =	wrdreg s1  }
0xf: {  	s20 =	sshrl.u32 s10, $0x3;
	s21 =	sadd.s32 $0x90600, s8;
	s23 =	smax.u32 s7, $0x1  }
0x10: {  	s24 =	sadd.s32 $0x6800, s5;
	s26 =	sshrl.u32 s11, $0x3;
	[dreg:$0x4] =	wrdreg s21  }
0x11: {  	s13 =	sadd.s32 $0x800, s13;
	s1 =	sadd.s32 $0x6000, s20;
	[dreg:$0x5] =	wrdreg s23  }
0x12: {  	s9 =	sadd.s32 s12, s24;
	s10 =	sadd.s32 s0, s24;
	s11 =	sadd.s32 s26, s0  }
0x13: {  	s20 =	simm.s32 $0x9000;
	s23 =	simm.s32 $0x2;
	s24 =	simm.s32 $0x3  }
0x14: {  	s7 =	sadd.s32 s12, s1;
	s8 =	sadd.s32 s0, s1;
	s0 =	sadd.s32 s25, s0  }
0x15: {  	s12 =	sadd.s32 s26, s12;
	s25 =	simm.s32 $0x4;
	s0 =	sadd.s32 s4, s0  }
0x16: {  	s26 =	simm.s32 $0x5;
	s14 =	sadd.s32 $0x800, s0;
	s0 =	simm.s32 $0x0  }
.LBB2_1:
0x17: {  	s1 =	rddreg [dreg:$0x3]  }
0x18: {  	[tilespmem:s2], [sflag:$0x1] =	stream.linear.gather [hbm4b:s1+s2], $0x700, $0x38;
	[tilespmem:$0x11000] =	vst v63  }
0x19: {  	s21 =	rddreg [dreg:$0x4]  }
0x1a: {  	[tilespmem:s15], [sflag:$0x1] =	stream.linear.gather [hbm4b:s21+s2], $0x700, $0x38;
	[tilespmem:$0x11000] =	vst v63  }
0x1b: {  	_ =	swait.ge [sflag:s16], $0x700  }
0x1c: {  	[sflag:s16] =	ssyncset.done $0x0  }
0x1d: {  	[sflag:s16] =	ssyncadd.s32 $0xFFFFF900  }
0x1e: {  	_ =	swait.ge [sflag:s16], $0x700  }
0x1f: {  	[sflag:s16] =	ssyncset.done $0x0  }
0x20: {  	[sflag:s16] =	ssyncadd.s32 $0xFFFFF900  }
0x21: {  	[tilespmem:s18], [sflag:$0x2] =	stream.indirect.gather [hbm4b:s3+s17], $0x80, s2, s17, $0xb8;
	[tilespmem:$0x11000] =	vst v63  }
0x22: {  	_ = 	snop  }
0x23: {  	[tilespmem:s19], [sflag:$0x3] =	stream.indirect.gather [hbm4b:s3+s17], $0x80, s15, s17, $0xb8;
	[tilespmem:$0x11000] =	vst v63  }
0x24: {  	_ = 	snop  }
0x25: {  	[tilespmem:s20], [sflag:$0x4] =	stream.indirect.gather [hbm4b:s3+s17], $0x80, s17, s17, $0xb8;
	[tilespmem:$0x11000] =	vst v63  }
0x26: {  	s4 =	simm.s32 $0x880  }
0x27: {  	[tilespmem:s22], [sflag:$0x5] =	stream.indirect.gather [hbm4b:s3+s17], $0x80, s4, s17, $0xb8;
	[tilespmem:$0x11000] =	vst v63  }
0x28: {  	_ =	swait.ge [sflag:s23], $0x4000  }
0x29: {  	[sflag:s23] =	ssyncset.done $0x0  }
0x2a: {  	s5 =	sadd.s32 $0x0, s12;
	[sflag:s23] =	ssyncadd.s32 $0xFFFFC000  }
0x2b: {  	[hbm4b:s5+s2] =	stream.linear.scatter [tilespmem:s18], [sflag:$0x6], $0x4000, $0x38;
	[tilespmem:$0x11000] =	vst v63  }
0x2c: {  	_ =	swait.ge [sflag:s24], $0x4000  }
0x2d: {  	[sflag:s24] =	ssyncset.done $0x0  }
0x2e: {  	s6 =	sadd.s32 $0x0, s11;
	[sflag:s24] =	ssyncadd.s32 $0xFFFFC000  }
0x2f: {  	[hbm4b:s6+s2] =	stream.linear.scatter [tilespmem:s19], [sflag:$0x7], $0x4000, $0x38;
	[tilespmem:$0x11000] =	vst v63  }
0x30: {  	_ =	swait.ge [sflag:s25], $0x4000  }
0x31: {  	[sflag:s25] =	ssyncset.done $0x0  }
0x32: {  	s21 =	sadd.s32 $0x0, s13;
	[sflag:s25] =	ssyncadd.s32 $0xFFFFC000  }
0x33: {  	[hbm4b:s21+s2] =	stream.linear.scatter [tilespmem:s20], [sflag:$0x8], $0x4000, $0x38;
	[tilespmem:$0x11000] =	vst v63  }
0x34: {  	_ =	swait.ge [sflag:s26], $0x4000  }
0x35: {  	[sflag:s26] =	ssyncset.done $0x0  }
0x36: {  	s4 =	sadd.s32 $0x0, s14;
	[sflag:s26] =	ssyncadd.s32 $0xFFFFC000  }
0x37: {  	[hbm4b:s4+s2] =	stream.linear.scatter [tilespmem:s22], [sflag:$0x9], $0x4000, $0x38;
	[tilespmem:$0x11000] =	vst v63  }
0x38: {  	_ =	swait.ge [sflag:s28], $0x4000  }
0x39: {  	[sflag:s28] =	ssyncset.done $0x0  }
0x3a: {  	[sflag:s28] =	ssyncadd.s32 $0xFFFFC000  }
0x3b: {  	_ =	swait.ge [sflag:s29], $0x4000  }
0x3c: {  	[sflag:s29] =	ssyncset.done $0x0  }
0x3d: {  	s5 =	simm.s32 $0x100;
	[sflag:s29] =	ssyncadd.s32 $0xFFFFC000  }
0x3e: {  	[tilespmem:s18], [sflag:$0x2] =	stream.indirect.gather [hbm4b:s3+s17], $0x80, s5, s17, $0xb8;
	[tilespmem:$0x11000] =	vst v63  }
0x3f: {  	s6 =	simm.s32 $0x900  }
0x40: {  	[tilespmem:s19], [sflag:$0x3] =	stream.indirect.gather [hbm4b:s3+s17], $0x80, s6, s17, $0xb8;
	[tilespmem:$0x11000] =	vst v63  }
0x41: {  	_ =	swait.ge [sflag:s30], $0x4000  }
0x42: {  	[sflag:s30] =	ssyncset.done $0x0  }
0x43: {  	[sflag:s30] =	ssyncadd.s32 $0xFFFFC000  }
0x44: {  	_ =	swait.ge [sflag:s31], $0x4000  }
0x45: {  	[sflag:s31] =	ssyncset.done $0x0  }
0x46: {  	s1 =	simm.s32 $0x1000;
	s21 =	simm.s32 $0x180;
	[sflag:s31] =	ssyncadd.s32 $0xFFFFC000  }
0x47: {  	[tilespmem:s20], [sflag:$0x4] =	stream.indirect.gather [hbm4b:s3+s17], $0x80, s21, s17, $0xb8;
	[tilespmem:$0x11000] =	vst v63  }
0x48: {  	s4 =	simm.s32 $0x200;
	s5 =	simm.s32 $0x980;
	s21 =	simm.s32 $0xA00  }
.LBB2_2:
0x49: {  	[tilespmem:s22], [sflag:$0x5] =	stream.indirect.gather [hbm4b:s3+s17], $0x80, s5, s17, $0xb8;
	[tilespmem:$0x11000] =	vst v63  }
0x4a: {  	s5 =	smov.u32 s1  }
0x4b: {  	p0 =	sne.s32 s1, $0x5000;
	s1 =	sadd.s32 $0x1000, s1;
	_ =	swait.ge [sflag:s23], $0x4000  }
0x4c: {  	[sflag:s23] =	ssyncset.done $0x0  }
0x4d: {  	s6 =	sadd.s32 s5, s12;
	[sflag:s23] =	ssyncadd.s32 $0xFFFFC000  }
0x4e: {  	[hbm4b:s6+s2] =	stream.linear.scatter [tilespmem:s18], [sflag:$0x6], $0x4000, $0x38;
	[tilespmem:$0x11000] =	vst v63  }
0x4f: {  	_ =	swait.ge [sflag:s24], $0x4000  }
0x50: {  	[sflag:s24] =	ssyncset.done $0x0  }
0x51: {  	s6 =	sadd.s32 s5, s11;
	[sflag:s24] =	ssyncadd.s32 $0xFFFFC000  }
0x52: {  	[hbm4b:s6+s2] =	stream.linear.scatter [tilespmem:s19], [sflag:$0x7], $0x4000, $0x38;
	[tilespmem:$0x11000] =	vst v63  }
0x53: {  	_ =	swait.ge [sflag:s25], $0x4000  }
0x54: {  	[sflag:s25] =	ssyncset.done $0x0  }
0x55: {  	s6 =	sadd.s32 s5, s13;
	[sflag:s25] =	ssyncadd.s32 $0xFFFFC000  }
0x56: {  	[hbm4b:s6+s2] =	stream.linear.scatter [tilespmem:s20], [sflag:$0x8], $0x4000, $0x38;
	[tilespmem:$0x11000] =	vst v63  }
0x57: {  	_ =	swait.ge [sflag:s26], $0x4000  }
0x58: {  	[sflag:s26] =	ssyncset.done $0x0  }
0x59: {  	s5 =	sadd.s32 s5, s14;
	[sflag:s26] =	ssyncadd.s32 $0xFFFFC000  }
0x5a: {  	[hbm4b:s5+s2] =	stream.linear.scatter [tilespmem:s22], [sflag:$0x9], $0x4000, $0x38;
	[tilespmem:$0x11000] =	vst v63  }
0x5b: {  	_ =	swait.ge [sflag:s28], $0x4000  }
0x5c: {  	[sflag:s28] =	ssyncset.done $0x0  }
0x5d: {  	[sflag:s28] =	ssyncadd.s32 $0xFFFFC000  }
0x5e: {  	_ =	swait.ge [sflag:s29], $0x4000  }
0x5f: {  	[sflag:s29] =	ssyncset.done $0x0  }
0x60: {  	[sflag:s29] =	ssyncadd.s32 $0xFFFFC000  }
0x61: {  	[tilespmem:s18], [sflag:$0x2] =	stream.indirect.gather [hbm4b:s3+s17], $0x80, s4, s17, $0xb8;
	[tilespmem:$0x11000] =	vst v63  }
0x62: {  	_ = 	snop  }
0x63: {  	[tilespmem:s19], [sflag:$0x3] =	stream.indirect.gather [hbm4b:s3+s17], $0x80, s21, s17, $0xb8;
	[tilespmem:$0x11000] =	vst v63  }
0x64: {  	_ =	swait.ge [sflag:s30], $0x4000  }
0x65: {  	[sflag:s30] =	ssyncset.done $0x0  }
0x66: {  	[sflag:s30] =	ssyncadd.s32 $0xFFFFC000  }
.Ltmp0:
0x67: {  	_ =	swait.ge [sflag:s31], $0x4000;
	(pc) =	sbr.rel @p0 .LBB2_2-.Ltmp0, $4  }
0x68: {  	[sflag:s31] =	ssyncset.done $0x0  }
0x69: {  	s5 =	sadd.s32 $0x80, s4;
	[sflag:s31] =	ssyncadd.s32 $0xFFFFC000  }
0x6a: {  	[tilespmem:s20], [sflag:$0x4] =	stream.indirect.gather [hbm4b:s3+s17], $0x80, s5, s17, $0xb8;
	[tilespmem:$0x11000] =	vst v63  }
0x6b: {  	s4 =	sadd.s32 $0x100, s4;
	s5 =	sadd.s32 $0x80, s21;
	s21 =	sadd.s32 $0x100, s21  }
0x6c: {  	[tilespmem:s22], [sflag:$0x5] =	stream.indirect.gather [hbm4b:s3+s17], $0x80, s5, s17, $0xb8;
	[tilespmem:$0x11000] =	vst v63  }
0x6d: {  	_ =	swait.ge [sflag:s23], $0x4000  }
0x6e: {  	[sflag:s23] =	ssyncset.done $0x0  }
0x6f: {  	[sflag:s23] =	ssyncadd.s32 $0xFFFFC000  }
0x70: {  	[hbm4b:s7+s2] =	stream.linear.scatter [tilespmem:s18], [sflag:$0x6], $0x4000, $0x38;
	[tilespmem:$0x11000] =	vst v63  }
0x71: {  	_ =	swait.ge [sflag:s24], $0x4000  }
0x72: {  	[sflag:s24] =	ssyncset.done $0x0  }
0x73: {  	[sflag:s24] =	ssyncadd.s32 $0xFFFFC000  }
0x74: {  	[hbm4b:s8+s2] =	stream.linear.scatter [tilespmem:s19], [sflag:$0x7], $0x4000, $0x38;
	[tilespmem:$0x11000] =	vst v63  }
0x75: {  	_ =	swait.ge [sflag:s25], $0x4000  }
0x76: {  	[sflag:s25] =	ssyncset.done $0x0  }
0x77: {  	[sflag:s25] =	ssyncadd.s32 $0xFFFFC000  }
0x78: {  	[hbm4b:s9+s2] =	stream.linear.scatter [tilespmem:s20], [sflag:$0x8], $0x4000, $0x38;
	[tilespmem:$0x11000] =	vst v63  }
0x79: {  	_ =	swait.ge [sflag:s26], $0x4000  }
0x7a: {  	[sflag:s26] =	ssyncset.done $0x0  }
0x7b: {  	[sflag:s26] =	ssyncadd.s32 $0xFFFFC000  }
0x7c: {  	[hbm4b:s10+s2] =	stream.linear.scatter [tilespmem:s22], [sflag:$0x9], $0x4000, $0x38;
	[tilespmem:$0x11000] =	vst v63  }
0x7d: {  	_ =	swait.ge [sflag:s28], $0x4000  }
0x7e: {  	[sflag:s28] =	ssyncset.done $0x0  }
0x7f: {  	[sflag:s28] =	ssyncadd.s32 $0xFFFFC000  }
0x80: {  	_ =	swait.ge [sflag:s29], $0x4000  }
0x81: {  	[sflag:s29] =	ssyncset.done $0x0  }
0x82: {  	[sflag:s29] =	ssyncadd.s32 $0xFFFFC000  }
0x83: {  	_ =	swait.ge [sflag:s30], $0x4000  }
0x84: {  	[sflag:s30] =	ssyncset.done $0x0  }
0x85: {  	[sflag:s30] =	ssyncadd.s32 $0xFFFFC000  }
0x86: {  	_ =	swait.ge [sflag:s31], $0x4000  }
0x87: {  	s0 =	sadd.s32 $0x1, s0;
	s1 =	rddreg [dreg:$0x5]  }
0x88: {  	p0 =	sne.s32 s0, s1  }
.Ltmp1:
0x89: {  	_ = 	snop;
	(pc) =	sbr.rel @p0 .LBB2_1-.Ltmp1, $3  }
0x8a: {  	_ =	sdelay $0x1  }
0x8b: {  	[sflag:s31] =	ssyncset.done $0x0  }
0x8c: {  	[sflag:s31] =	ssyncadd.s32 $0xFFFFC000  }
0x8d: {  	_ =	sfence.sel $0x180000  }
0x8e: {  	[bflag:$0x0] =	sbarrier.arrive $0xFFFF  }
0x8f: {  	_ =	strace $0x90000050  }
0x90: {  	s0 =	stileid.u32;
	[bflag:$0x2] =	sbarrier.arrive $0xFFFF  }
0x91: {  	p0 =	sne.s32 s0, $0x0;
	s0 =	rddreg [dreg:$0x2]  }
0x92: {  	s0 =	sadd.s32 @!p0 $0x100000, s0  }
0x93: {  	[sflag:s0] =	ssyncadd.tile.s32 @!p0 $0x1;
	_ =	shalt  }
.Lfunc_end2:
_tile_overlayer_lowered:
.L_overlay_start_2:
0x94: {  	(tag) =	ssettag $0x2  }
0x95: {  	s0 =	rddreg [dreg:$0x0];
	s2 =	stileid.u32  }
0x96: {  	s1 =	rddreg [dreg:$0x1];
	p0 =	sne.s32 s2, $0x0  }
0x97: {  	s3 =	rddreg [dreg:$0x2];
	[bflag:$0x3] =	sbarrier.arrive $0xFFFF;
	s2 =	simm.s32 @!p0 $0x1C0A  }
0x98: {  	[timem:s3], [sflag:s2] =	dma.local @!p0 [hbm:s0], s1  }
0x99: {  	s0 =	simm.s32 @!p0 $0xA  }
0x9a: {  	_ =	swait.ge @!p0 [sflag:s0], s1  }
0x9b: {  	s1 =	ssub.s32 @!p0 $0x0, s1;
	[sflag:s0] =	ssyncset.done @!p0 $0x0  }
0x9c: {  	[sflag:s0] =	ssyncadd.s32 @!p0 s1  }
0x9d: {  	[bflag:$0x3] =	sbarrier.arrive $0xFFFF  }
0x9e: {  	_ =	shalt  }

// kernel: kernel.24.cloned.1.call-start
scs
__scs_entry_jumppad:
0x0: {  	(pc) =	sbr.rel $0x88, $3  }
0x1: {  	(tag) =	ssettag $0x0;
	lr =	simm.s32 $0x1  }
0x2: {  	[smem:$0x3F94] =	sst lr;
	_ =	strace $0xD0000000  }
0x3: {  	_ = 	snop  }
0x4: {  	_ = 	snop  }
0x5: {  	_ = 	snop  }
0x6: {  	_ = 	snop  }
0x7: {  	_ = 	snop  }
__scs_overlays_trampoline_lowered:
0x8: {  	[smem:$0x3FA3] =	sst s0  }
0x9: {  	[smem:$0x3FA4] =	sst s1  }
0xa: {  	[smem:$0x3FA5] =	sst s2  }
0xb: {  	[smem:$0x3FA6] =	sst s3  }
0xc: {  	[smem:$0x3FA7] =	sst s4  }
0xd: {  	[smem:$0x3FA8] =	sst s5  }
0xe: {  	[smem:$0x3FA9] =	sst s6  }
0xf: {  	[smem:$0x3FAA] =	sst s7  }
0x10: {  	[smem:$0x3FAB] =	sst s8  }
0x11: {  	[smem:$0x3FAC] =	sst s9;
	s0 =	simm.s32 @!p0 $0x0  }
0x12: {  	s1 =	sld [smem:$0x3F92];
	s0 =	simm.s32 @p0 $0x1  }
0x13: {  	[smem:$0x3FAD] =	sst s0;
	s0 =	simm.s32 @!p1 $0x0  }
0x14: {  	s2 =	sld [smem:$0x3F91];
	s0 =	simm.s32 @p1 $0x1  }
0x15: {  	[smem:$0x3FAE] =	sst s0;
	s0 =	simm.s32 @!p2 $0x0  }
0x16: {  	s3 =	sld [smem:$0x3FDB];
	s0 =	simm.s32 @p2 $0x1  }
0x17: {  	s4 =	simm.s32 $0x1BF5;
	[smem:$0x3FB0] =	sst s0  }
0x18: {  	s0 =	sld [smem:$0x3F93];
	_ =	swait.ge [sflag:s4], $0x0  }
0x19: {  	s7 =	sld [smem:$0x3F94]  }
0x1a: {  	s8 =	sadd.s32 $0xFFFFE003, lr  }
0x1b: {  	s9 =	sadd.s32 $0xFFFFFEF7, lr;
	s5 =	simm.s32 $0xFFFFFFFF;
	p2 =	slt.u32 s8, $0xFFFFF086  }
0x1c: {  	p1 =	slt.u32 s9, $0xF7A;
	s5 =	simm.s32 @!p2 $0x0  }
0x1d: {  	s5 =	simm.s32 @p1 $0x1;
	p0 =	seq.s32 s7, s2  }
0x1e: {  	s7 =	smul.u32 @!p0 $0xF7A, s2;
	p2 =	seq.s32 @!p0 s5, $0x0  }
0x1f: {  	s9 =	smul.u32 $0xF7A, s1;
	s8 =	simm.s32 @!p0 $0x1BF5;
	p2 =	por !p2, p0  }
0x20: {  	[sflag:s8] =	ssyncset.s32 @!p0 $0xFFFFF086;
	s6 =	sadd.s32 @!p0 s3, s7;
	s7 =	simm.s32 @!p0 $0x108  }
0x21: {  	s3 =	sadd.s32 s3, s9;
	s6 =	sadd.s32 @!p0 $0x88, s6;
	s7 =	simm.s32 @p2 $0x1082  }
0x22: {  	[simem:s7], [sflag:s8] =	dma.local @!p0 [hbm:s6], $0xF7A  }
0x23: {  	s9 =	sor.u32 $0xD0000000, s2;
	s6 =	simm.s32 $0x108;
	_ =	swait.ge @!p0 [sflag:s8], $0x0  }
0x24: {  	s3 =	sadd.s32 $0x88, s3;
	s6 =	simm.s32 @!p1 $0x1082;
	[sflag:s4] =	ssyncset.s32 $0xFFFFF086  }
0x25: {  	[simem:s6], [sflag:s4] =	dma.local [hbm:s3], $0xF7A  }
0x26: {  	[smem:$0x3F94] =	sst s1;
	(tag) =	ssettag s2;
	_ =	strace s9  }
0x27: {  	s1 =	sld [smem:$0x3FA4]  }
0x28: {  	s2 =	sld [smem:$0x3FA5]  }
0x29: {  	s4 =	sld [smem:$0x3FA7]  }
0x2a: {  	p0 =	seq.s32 s5, $0x0;
	s5 =	sld [smem:$0x3FA8]  }
0x2b: {  	s6 =	sld [smem:$0x3FA9]  }
0x2c: {  	s7 =	sld [smem:$0x3FAA]  }
0x2d: {  	s3 =	simm.s32 $0x108;
	s8 =	sld [smem:$0x3FAB]  }
0x2e: {  	s3 =	simm.s32 @!p0 $0x1082;
	s9 =	sld [smem:$0x3FAC]  }
0x2f: {  	lr =	sadd.s32 s0, s3;
	s0 =	sld [smem:$0x3FA3]  }
0x30: {  	s3 =	sld [smem:$0x3FA6]  }
0x31: {  	[smem:$0x3FAF] =	sst s10  }
0x32: {  	s10 =	sld [smem:$0x3FAD];
	_ =	sdelay $0x3  }
0x33: {  	p0 =	seq.s32 s10, $0x1;
	s10 =	sld [smem:$0x3FAF];
	_ =	sdelay $0x3  }
0x34: {  	[smem:$0x3FAF] =	sst s10  }
0x35: {  	s10 =	sld [smem:$0x3FAE];
	_ =	sdelay $0x3  }
0x36: {  	p1 =	seq.s32 s10, $0x1;
	s10 =	sld [smem:$0x3FAF];
	_ =	sdelay $0x3  }
0x37: {  	[smem:$0x3FAF] =	sst s10  }
0x38: {  	s10 =	sld [smem:$0x3FB0]  }
0x39: {  	_ = 	snop;
	(pc) =	sbr.ind lr, $3  }
0x3a: {  	_ = 	snop  }
0x3b: {  	_ = 	snop  }
0x3c: {  	p2 =	seq.s32 s10, $0x1;
	s10 =	sld [smem:$0x3FAF]  }
0x3d: {  	_ =	shalt  }
0x3e: {  	_ =	shalt  }
0x3f: {  	_ =	shalt  }
0x40: {  	_ =	shalt  }
0x41: {  	_ =	shalt  }
0x42: {  	_ =	shalt  }
0x43: {  	_ =	shalt  }
0x44: {  	_ =	shalt  }
0x45: {  	_ =	shalt  }
0x46: {  	_ =	shalt  }
0x47: {  	_ =	shalt  }
0x48: {  	_ =	shalt  }
0x49: {  	_ =	shalt  }
0x4a: {  	_ =	shalt  }
0x4b: {  	_ =	shalt  }
0x4c: {  	_ =	shalt  }
0x4d: {  	_ =	shalt  }
0x4e: {  	_ =	shalt  }
0x4f: {  	_ =	shalt  }
0x50: {  	_ =	shalt  }
0x51: {  	_ =	shalt  }
0x52: {  	_ =	shalt  }
0x53: {  	_ =	shalt  }
0x54: {  	_ =	shalt  }
0x55: {  	_ =	shalt  }
0x56: {  	_ =	shalt  }
0x57: {  	_ =	shalt  }
0x58: {  	_ =	shalt  }
0x59: {  	_ =	shalt  }
0x5a: {  	_ =	shalt  }
0x5b: {  	_ =	shalt  }
0x5c: {  	_ =	shalt  }
0x5d: {  	_ =	shalt  }
0x5e: {  	_ =	shalt  }
0x5f: {  	_ =	shalt  }
0x60: {  	_ =	shalt  }
0x61: {  	_ =	shalt  }
0x62: {  	_ =	shalt  }
0x63: {  	_ =	shalt  }
0x64: {  	_ =	shalt  }
0x65: {  	_ =	shalt  }
0x66: {  	_ =	shalt  }
0x67: {  	_ =	shalt  }
0x68: {  	_ =	shalt  }
0x69: {  	_ =	shalt  }
0x6a: {  	_ =	shalt  }
0x6b: {  	_ =	shalt  }
0x6c: {  	_ =	shalt  }
0x6d: {  	_ =	shalt  }
0x6e: {  	_ =	shalt  }
0x6f: {  	_ =	shalt  }
0x70: {  	_ =	shalt  }
0x71: {  	_ =	shalt  }
0x72: {  	_ =	shalt  }
0x73: {  	_ =	shalt  }
0x74: {  	_ =	shalt  }
0x75: {  	_ =	shalt  }
0x76: {  	_ =	shalt  }
0x77: {  	_ =	shalt  }
0x78: {  	_ =	shalt  }
0x79: {  	_ =	shalt  }
0x7a: {  	_ =	shalt  }
0x7b: {  	_ =	shalt  }
0x7c: {  	_ =	shalt  }
0x7d: {  	_ =	shalt  }
0x7e: {  	_ =	shalt  }
0x7f: {  	_ =	shalt  }
0x80: {  	_ =	shalt  }
0x81: {  	_ =	shalt  }
0x82: {  	_ =	shalt  }
0x83: {  	_ =	shalt  }
0x84: {  	_ =	shalt  }
0x85: {  	_ =	shalt  }
0x86: {  	_ =	shalt  }
0x87: {  	_ =	shalt  }
.Lfunc_end0:
.L_simem_size_0:
called_computation.4_lowered:
.L_overlay_start_0:
0x88: {  	s2 =	sld [smem:$0x3FD9]  }
0x89: {  	s3 =	sld [smem:$0x3FFE];
	_ =	sdelay $0x1  }
0x8a: {  	s1 =	srdreg.scid  }
0x8b: {  	s0 =	sand.u32 $0x1, s1  }
0x8c: {  	s17 =	sshll.u32 s0, $0xA;
	s2 =	sadd.s32 s3, s2  }
0x8d: {  	s2 =	sadd.s32 s2, s17  }
0x8e: {  	[smem:$0x3FBB] =	sst s2  }
0x8f: {  	_ = 	snop  }
0x90: {  	(tm) =	ssettm $0x1  }
0x91: {  	s18 =	sld [smem:$0x3FFB];
	_ =	sdelay $0x3  }
0x92: {  	_ =	strace s18  }
0x93: {  	s2 =	sld [smem:$0x3FFC];
	_ =	sdelay $0x3  }
0x94: {  	_ =	strace s2  }
0x95: {  	s2 =	sld [smem:$0x3FFD];
	_ =	sdelay $0x3  }
0x96: {  	_ =	strace s2  }
0x97: {  	_ =	strace $0x8FFFFFFF  }
0x98: {  	s19 =	sld [smem:$0x3FDB];
	_ =	sdelay $0x1  }
0x99: {  	s20 =	simm.s32 $_scs_section_size  }
0x9a: {  	s4 =	simm.s32 $_size__tile_overlayer_lowered;
	s5 =	simm.s32 $_tile_overlayer_lowered  }
0x9b: {  	s6 =	simm.s32 $0x1BFF;
	s21 =	sshll.u32 s5, $0x1;
	s3 =	sadd.s32 s20, s19  }
0x9c: {  	s22 =	simm.s32 $0x0;
	s4 =	sshll.u32 s4, $0x1;
	s5 =	sadd.s32 s21, s3  }
0x9d: {  	[timem:s22], [sflag:s6] =	dma.local [hbm:s5], s4  }
0x9e: {  	_ =	swait.ge [sflag:s6], s4  }
0x9f: {  	s4 =	ssub.s32 $0x0, s4;
	[sflag:s6] =	ssyncset.done $0x0  }
0xa0: {  	[sflag:s6] =	ssyncadd.s32 s4;
	_ =	sdelay $0x1  }
0xa1: {  	s23 =	simm.s32 $0x1B8B  }
0xa2: {  	_ =	swait.ge [sflag:s23], $0x1  }
0xa3: {  	[sflag:s23] =	ssyncset.done $0x0  }
0xa4: {  	[sflag:s23] =	ssyncadd.s32 $0xFFFFFFFF  }
0xa5: {  	s4 =	sld [smem:$0x0]  }
0xa6: {  	s5 =	sand.u32 $0xFFFFFFFE, s1  }
0xa7: {  	p0 =	sne.s32 s1, s5  }
0xa8: {  	s5 =	sshll.u32 @p0 s5, $0xE  }
0xa9: {  	s5 =	sadd.s32 @p0 $0x11B8D, s5;
	s6 =	sshll.u32 @p0 s4, $0x11  }
0xaa: {  	s5 =	sor.u32 @p0 s6, s5  }
0xab: {  	[sflag:s5] =	ssyncadd.remote.s32 @p0 $0x1;
	_ =	sdelay $0x1  }
0xac: {  	s5 =	simm.s32 @p0 $0x1B8D  }
0xad: {  	_ =	swait.eq @p0 [sflag:s5], $0x1  }
0xae: {  	[sflag:s5] =	ssyncadd.s32 @p0 $0xFFFFFFFF  }
0xaf: {  	s6 =	sshll.u32 @!p0 s1, $0xE  }
0xb0: {  	s6 =	sor.u32 @!p0 $0x4000, s6;
	s5 =	simm.s32 @!p0 $0x1B8D  }
0xb1: {  	s4 =	sshll.u32 @!p0 s4, $0x11;
	s6 =	sadd.s32 @!p0 $0x11B8D, s6;
	_ =	swait.eq @!p0 [sflag:s5], $0x1  }
0xb2: {  	s4 =	sor.u32 @!p0 s4, s6;
	[sflag:s5] =	ssyncadd.s32 @!p0 $0xFFFFFFFF  }
0xb3: {  	s25 =	simm.s32 $0x1B8E;
	s24 =	sld [smem:$0x3FFE];
	[sflag:s4] =	ssyncadd.remote.s32 @!p0 $0x1  }
0xb4: {  	s26 =	simm.s32 $execute0_lowered;
	[smem:$0x3FD2] =	sst s25  }
0xb5: {  	s5 =	sshll.u32 s26, $0x1;
	_ =	strace $0x80000052;
	[dreg:$0x1] =	wrdreg $0xFFFFFFFF  }
0xb6: {  	s28 =	simm.s32 $_size_execute0_lowered;
	s3 =	sadd.s32 s3, s5;
	[dreg:$0x0] =	wrdreg $0x0  }
0xb7: {  	s5 =	sshll.u32 s28, $0x1;
	[dreg:$0x2] =	wrdreg s3  }
0xb8: {  	[dreg:$0x3] =	wrdreg s5  }
0xb9: {  	[dreg:$0x4] =	wrdreg $0xC0  }
0xba: {  	_ =	task [dreg:s22], $0x5FFFF  }
0xbb: {  	[dreg:$0x1] =	wrdreg $0xFFFFFFFF  }
0xbc: {  	[dreg:$0x0] =	wrdreg $0x60  }
0xbd: {  	[dreg:$0x2] =	wrdreg s24  }
0xbe: {  	[dreg:$0x3] =	wrdreg $0xA  }
0xbf: {  	_ =	task.clear_ibuf [dreg:s22], $0x4FFFF;
	_ =	strace $0x90000052  }
0xc0: {  	s29 =	simm.s32 $0xA;
	_ =	strace $0x80000054  }
0xc1: {  	_ =	swait.ge [sflag:s29], $0x1  }
0xc2: {  	[sflag:s29] =	ssyncadd.s32 $0xFFFFFFFF  }
0xc3: {  	_ =	strace $0x90000054  }
0xc4: {  	_ =	sfence  }
0xc5: {  	s30 =	sld [smem:$0x0];
	_ =	sdelay $0x2  }
0xc6: {  	s31 =	sshll.u32 s1, $0xD;
	s1 =	sshrl.u32 s1, $0x2  }
0xc7: {  	s4 =	sand.u32 $0x4000, s31;
	s1 =	sadd.s32 s1, s30  }
0xc8: {  	s0 =	sor.u32 s4, s0;
	s1 =	sshll.u32 s1, $0x11  }
0xc9: {  	s0 =	sor.u32 s1, s0  }
0xca: {  	s0 =	sadd.s32 $0x8F2B, s0  }
0xcb: {  	[sflag:s0] =	ssyncadd.remote.s32 $0x1  }
0xcc: {  	_ =	sfence.sel $0xFFFF  }
0xcd: {  	[dreg:$0x0] =	wrdreg $0xFFFFFFFF;
	(pc) =	sbr.abs _section_cstart, $3  }
0xce: {  	[dreg:$0x1] =	wrdreg $0xFFFFFFFF  }
0xcf: {  	_ =	task.clear_ibuf [dreg:s22], $0x2FFFF;
	_ =	strace $0x9FFFFFFF  }
0xd0: {  	(tm) =	ssettm $0x7FFFFFFF  }
0xd1: {  	_ =	shalt  }
tec
execute0_lowered:
.L_overlay_start_1:
0x0: {  	(tag) =	ssettag $0x1  }
0x1: {  	s0 =	rddreg [dreg:$0x0];
	s2 =	simm.s32 $0x0  }
0x2: {  	s1 =	srdreg.scid;
	s9 =	stileid.u32;
	s15 =	simm.s32 $0x800  }
0x3: {  	s16 =	simm.s32 $0x1;
	s17 =	simm.s32 $0x80;
	s18 =	simm.s32 $0x1000  }
0x4: {  	s19 =	simm.s32 $0x5000;
	s20 =	simm.s32 $0x9000;
	s28 =	simm.s32 $0x6  }
0x5: {  	s29 =	simm.s32 $0x7;
	s30 =	simm.s32 $0x8;
	s31 =	simm.s32 $0x9  }
0x6: {  	[smem:$0x7FF] =	sst s2;
	s1 =	sand.u32 $0x1, s1;
	s10 =	smul.u32 $0x70000, s9  }
0x7: {  	s3 =	sshll.u32 s9, $0x1;
	s12 =	sadd.s32 $0x256600, s0;
	s25 =	smul.u32 $0xE000, s9  }
0x8: {  	_ =	strace $0x80000053;
	s4 =	sor.u32 s1, s3;
	s11 =	smul.u32 $0x38000, s1  }
0x9: {  	s3 =	sadd.s32 $0x4600, s0;
	s6 =	ssub.s32 $0x2, s1;
	s1 =	smul.u32 $0x7000, s1  }
0xa: {  	s5 =	sshll.u32 s4, $0x8;
	s7 =	sshrl.u32 s6, $0x1;
	s8 =	smul.u32 $0x38000, s4  }
0xb: {  	s4 =	smul.u32 $0x7000, s4;
	s13 =	sadd.s32 s25, s12;
	s5 =	sadd.s32 s5, s0  }
0xc: {  	s0 =	sadd.s32 $0x336600, s0;
	s6 =	ssub.s32 s6, s7;
	s11 =	sadd.s32 s11, s10  }
0xd: {  	s13 =	sadd.s32 s1, s13;
	s22 =	sadd.s32 $0x94600, s5;
	s23 =	sshrl.u32 s8, $0x3  }
0xe: {  	s5 =	sadd.s32 $0x92600, s5;
	s6 =	smax.u32 s6, $0x1;
	[dreg:$0x2] =	wrdreg s22  }
0xf: {  	s4 =	sadd.s32 $0x6800, s4;
	s26 =	sshrl.u32 s11, $0x3;
	[dreg:$0x3] =	wrdreg s5  }
0x10: {  	s13 =	sadd.s32 $0x800, s13;
	s24 =	sadd.s32 $0x6000, s23;
	[dreg:$0x4] =	wrdreg s6  }
0x11: {  	s9 =	sadd.s32 s12, s4;
	s10 =	sadd.s32 s0, s4;
	s11 =	sadd.s32 s26, s0  }
0x12: {  	s22 =	simm.s32 $0xD000;
	s23 =	simm.s32 $0x2;
	s7 =	sadd.s32 s12, s24  }
0x13: {  	s8 =	sadd.s32 s0, s24;
	s0 =	sadd.s32 s25, s0;
	s12 =	sadd.s32 s26, s12  }
0x14: {  	s24 =	simm.s32 $0x3;
	s25 =	simm.s32 $0x4;
	s0 =	sadd.s32 s1, s0  }
0x15: {  	s26 =	simm.s32 $0x5;
	s14 =	sadd.s32 $0x800, s0;
	s0 =	simm.s32 $0x0  }
.LBB2_1:
0x16: {  	s1 =	rddreg [dreg:$0x2]  }
0x17: {  	[tilespmem:s2], [sflag:$0x1] =	stream.linear.gather [hbm4b:s1+s2], $0x700, $0x38;
	[tilespmem:$0x11000] =	vst v63  }
0x18: {  	s21 =	rddreg [dreg:$0x3]  }
0x19: {  	[tilespmem:s15], [sflag:$0x1] =	stream.linear.gather [hbm4b:s21+s2], $0x700, $0x38;
	[tilespmem:$0x11000] =	vst v63  }
0x1a: {  	_ =	swait.ge [sflag:s16], $0x700  }
0x1b: {  	[sflag:s16] =	ssyncset.done $0x0  }
0x1c: {  	[sflag:s16] =	ssyncadd.s32 $0xFFFFF900  }
0x1d: {  	_ =	swait.ge [sflag:s16], $0x700  }
0x1e: {  	[sflag:s16] =	ssyncset.done $0x0  }
0x1f: {  	[sflag:s16] =	ssyncadd.s32 $0xFFFFF900  }
0x20: {  	[tilespmem:s18], [sflag:$0x2] =	stream.indirect.gather [hbm4b:s3+s17], $0x80, s2, s17, $0xb8;
	[tilespmem:$0x11000] =	vst v63  }
0x21: {  	_ = 	snop  }
0x22: {  	[tilespmem:s19], [sflag:$0x3] =	stream.indirect.gather [hbm4b:s3+s17], $0x80, s15, s17, $0xb8;
	[tilespmem:$0x11000] =	vst v63  }
0x23: {  	_ = 	snop  }
0x24: {  	[tilespmem:s20], [sflag:$0x4] =	stream.indirect.gather [hbm4b:s3+s17], $0x80, s17, s17, $0xb8;
	[tilespmem:$0x11000] =	vst v63  }
0x25: {  	s4 =	simm.s32 $0x880  }
0x26: {  	[tilespmem:s22], [sflag:$0x5] =	stream.indirect.gather [hbm4b:s3+s17], $0x80, s4, s17, $0xb8;
	[tilespmem:$0x11000] =	vst v63  }
0x27: {  	_ =	swait.ge [sflag:s23], $0x4000  }
0x28: {  	[sflag:s23] =	ssyncset.done $0x0  }
0x29: {  	s5 =	sadd.s32 $0x0, s12;
	[sflag:s23] =	ssyncadd.s32 $0xFFFFC000  }
0x2a: {  	[hbm4b:s5+s2] =	stream.linear.scatter [tilespmem:s18], [sflag:$0x6], $0x4000, $0x38;
	[tilespmem:$0x11000] =	vst v63  }
0x2b: {  	_ =	swait.ge [sflag:s24], $0x4000  }
0x2c: {  	[sflag:s24] =	ssyncset.done $0x0  }
0x2d: {  	s6 =	sadd.s32 $0x0, s11;
	[sflag:s24] =	ssyncadd.s32 $0xFFFFC000  }
0x2e: {  	[hbm4b:s6+s2] =	stream.linear.scatter [tilespmem:s19], [sflag:$0x7], $0x4000, $0x38;
	[tilespmem:$0x11000] =	vst v63  }
0x2f: {  	_ =	swait.ge [sflag:s25], $0x4000  }
0x30: {  	[sflag:s25] =	ssyncset.done $0x0  }
0x31: {  	s21 =	sadd.s32 $0x0, s13;
	[sflag:s25] =	ssyncadd.s32 $0xFFFFC000  }
0x32: {  	[hbm4b:s21+s2] =	stream.linear.scatter [tilespmem:s20], [sflag:$0x8], $0x4000, $0x38;
	[tilespmem:$0x11000] =	vst v63  }
0x33: {  	_ =	swait.ge [sflag:s26], $0x4000  }
0x34: {  	[sflag:s26] =	ssyncset.done $0x0  }
0x35: {  	s4 =	sadd.s32 $0x0, s14;
	[sflag:s26] =	ssyncadd.s32 $0xFFFFC000  }
0x36: {  	[hbm4b:s4+s2] =	stream.linear.scatter [tilespmem:s22], [sflag:$0x9], $0x4000, $0x38;
	[tilespmem:$0x11000] =	vst v63  }
0x37: {  	_ =	swait.ge [sflag:s28], $0x4000  }
0x38: {  	[sflag:s28] =	ssyncset.done $0x0  }
0x39: {  	[sflag:s28] =	ssyncadd.s32 $0xFFFFC000  }
0x3a: {  	_ =	swait.ge [sflag:s29], $0x4000  }
0x3b: {  	[sflag:s29] =	ssyncset.done $0x0  }
0x3c: {  	s5 =	simm.s32 $0x100;
	[sflag:s29] =	ssyncadd.s32 $0xFFFFC000  }
0x3d: {  	[tilespmem:s18], [sflag:$0x2] =	stream.indirect.gather [hbm4b:s3+s17], $0x80, s5, s17, $0xb8;
	[tilespmem:$0x11000] =	vst v63  }
0x3e: {  	s6 =	simm.s32 $0x900  }
0x3f: {  	[tilespmem:s19], [sflag:$0x3] =	stream.indirect.gather [hbm4b:s3+s17], $0x80, s6, s17, $0xb8;
	[tilespmem:$0x11000] =	vst v63  }
0x40: {  	_ =	swait.ge [sflag:s30], $0x4000  }
0x41: {  	[sflag:s30] =	ssyncset.done $0x0  }
0x42: {  	[sflag:s30] =	ssyncadd.s32 $0xFFFFC000  }
0x43: {  	_ =	swait.ge [sflag:s31], $0x4000  }
0x44: {  	[sflag:s31] =	ssyncset.done $0x0  }
0x45: {  	s1 =	simm.s32 $0x1000;
	s21 =	simm.s32 $0x180;
	[sflag:s31] =	ssyncadd.s32 $0xFFFFC000  }
0x46: {  	[tilespmem:s20], [sflag:$0x4] =	stream.indirect.gather [hbm4b:s3+s17], $0x80, s21, s17, $0xb8;
	[tilespmem:$0x11000] =	vst v63  }
0x47: {  	s4 =	simm.s32 $0x200;
	s5 =	simm.s32 $0x980;
	s21 =	simm.s32 $0xA00  }
.LBB2_2:
0x48: {  	[tilespmem:s22], [sflag:$0x5] =	stream.indirect.gather [hbm4b:s3+s17], $0x80, s5, s17, $0xb8;
	[tilespmem:$0x11000] =	vst v63  }
0x49: {  	s5 =	smov.u32 s1  }
0x4a: {  	p0 =	sne.s32 s1, $0x5000;
	s1 =	sadd.s32 $0x1000, s1;
	_ =	swait.ge [sflag:s23], $0x4000  }
0x4b: {  	[sflag:s23] =	ssyncset.done $0x0  }
0x4c: {  	s6 =	sadd.s32 s5, s12;
	[sflag:s23] =	ssyncadd.s32 $0xFFFFC000  }
0x4d: {  	[hbm4b:s6+s2] =	stream.linear.scatter [tilespmem:s18], [sflag:$0x6], $0x4000, $0x38;
	[tilespmem:$0x11000] =	vst v63  }
0x4e: {  	_ =	swait.ge [sflag:s24], $0x4000  }
0x4f: {  	[sflag:s24] =	ssyncset.done $0x0  }
0x50: {  	s6 =	sadd.s32 s5, s11;
	[sflag:s24] =	ssyncadd.s32 $0xFFFFC000  }
0x51: {  	[hbm4b:s6+s2] =	stream.linear.scatter [tilespmem:s19], [sflag:$0x7], $0x4000, $0x38;
	[tilespmem:$0x11000] =	vst v63  }
0x52: {  	_ =	swait.ge [sflag:s25], $0x4000  }
0x53: {  	[sflag:s25] =	ssyncset.done $0x0  }
0x54: {  	s6 =	sadd.s32 s5, s13;
	[sflag:s25] =	ssyncadd.s32 $0xFFFFC000  }
0x55: {  	[hbm4b:s6+s2] =	stream.linear.scatter [tilespmem:s20], [sflag:$0x8], $0x4000, $0x38;
	[tilespmem:$0x11000] =	vst v63  }
0x56: {  	_ =	swait.ge [sflag:s26], $0x4000  }
0x57: {  	[sflag:s26] =	ssyncset.done $0x0  }
0x58: {  	s5 =	sadd.s32 s5, s14;
	[sflag:s26] =	ssyncadd.s32 $0xFFFFC000  }
0x59: {  	[hbm4b:s5+s2] =	stream.linear.scatter [tilespmem:s22], [sflag:$0x9], $0x4000, $0x38;
	[tilespmem:$0x11000] =	vst v63  }
0x5a: {  	_ =	swait.ge [sflag:s28], $0x4000  }
0x5b: {  	[sflag:s28] =	ssyncset.done $0x0  }
0x5c: {  	[sflag:s28] =	ssyncadd.s32 $0xFFFFC000  }
0x5d: {  	_ =	swait.ge [sflag:s29], $0x4000  }
0x5e: {  	[sflag:s29] =	ssyncset.done $0x0  }
0x5f: {  	[sflag:s29] =	ssyncadd.s32 $0xFFFFC000  }
0x60: {  	[tilespmem:s18], [sflag:$0x2] =	stream.indirect.gather [hbm4b:s3+s17], $0x80, s4, s17, $0xb8;
	[tilespmem:$0x11000] =	vst v63  }
0x61: {  	_ = 	snop  }
0x62: {  	[tilespmem:s19], [sflag:$0x3] =	stream.indirect.gather [hbm4b:s3+s17], $0x80, s21, s17, $0xb8;
	[tilespmem:$0x11000] =	vst v63  }
0x63: {  	_ =	swait.ge [sflag:s30], $0x4000  }
0x64: {  	[sflag:s30] =	ssyncset.done $0x0  }
0x65: {  	[sflag:s30] =	ssyncadd.s32 $0xFFFFC000  }
.Ltmp0:
0x66: {  	_ =	swait.ge [sflag:s31], $0x4000;
	(pc) =	sbr.rel @p0 .LBB2_2-.Ltmp0, $4  }
0x67: {  	[sflag:s31] =	ssyncset.done $0x0  }
0x68: {  	s5 =	sadd.s32 $0x80, s4;
	[sflag:s31] =	ssyncadd.s32 $0xFFFFC000  }
0x69: {  	[tilespmem:s20], [sflag:$0x4] =	stream.indirect.gather [hbm4b:s3+s17], $0x80, s5, s17, $0xb8;
	[tilespmem:$0x11000] =	vst v63  }
0x6a: {  	s4 =	sadd.s32 $0x100, s4;
	s5 =	sadd.s32 $0x80, s21;
	s21 =	sadd.s32 $0x100, s21  }
0x6b: {  	[tilespmem:s22], [sflag:$0x5] =	stream.indirect.gather [hbm4b:s3+s17], $0x80, s5, s17, $0xb8;
	[tilespmem:$0x11000] =	vst v63  }
0x6c: {  	_ =	swait.ge [sflag:s23], $0x4000  }
0x6d: {  	[sflag:s23] =	ssyncset.done $0x0  }
0x6e: {  	[sflag:s23] =	ssyncadd.s32 $0xFFFFC000  }
0x6f: {  	[hbm4b:s7+s2] =	stream.linear.scatter [tilespmem:s18], [sflag:$0x6], $0x4000, $0x38;
	[tilespmem:$0x11000] =	vst v63  }
0x70: {  	_ =	swait.ge [sflag:s24], $0x4000  }
0x71: {  	[sflag:s24] =	ssyncset.done $0x0  }
0x72: {  	[sflag:s24] =	ssyncadd.s32 $0xFFFFC000  }
0x73: {  	[hbm4b:s8+s2] =	stream.linear.scatter [tilespmem:s19], [sflag:$0x7], $0x4000, $0x38;
	[tilespmem:$0x11000] =	vst v63  }
0x74: {  	_ =	swait.ge [sflag:s25], $0x4000  }
0x75: {  	[sflag:s25] =	ssyncset.done $0x0  }
0x76: {  	[sflag:s25] =	ssyncadd.s32 $0xFFFFC000  }
0x77: {  	[hbm4b:s9+s2] =	stream.linear.scatter [tilespmem:s20], [sflag:$0x8], $0x4000, $0x38;
	[tilespmem:$0x11000] =	vst v63  }
0x78: {  	_ =	swait.ge [sflag:s26], $0x4000  }
0x79: {  	[sflag:s26] =	ssyncset.done $0x0  }
0x7a: {  	[sflag:s26] =	ssyncadd.s32 $0xFFFFC000  }
0x7b: {  	[hbm4b:s10+s2] =	stream.linear.scatter [tilespmem:s22], [sflag:$0x9], $0x4000, $0x38;
	[tilespmem:$0x11000] =	vst v63  }
0x7c: {  	_ =	swait.ge [sflag:s28], $0x4000  }
0x7d: {  	[sflag:s28] =	ssyncset.done $0x0  }
0x7e: {  	[sflag:s28] =	ssyncadd.s32 $0xFFFFC000  }
0x7f: {  	_ =	swait.ge [sflag:s29], $0x4000  }
0x80: {  	[sflag:s29] =	ssyncset.done $0x0  }
0x81: {  	[sflag:s29] =	ssyncadd.s32 $0xFFFFC000  }
0x82: {  	_ =	swait.ge [sflag:s30], $0x4000  }
0x83: {  	[sflag:s30] =	ssyncset.done $0x0  }
0x84: {  	[sflag:s30] =	ssyncadd.s32 $0xFFFFC000  }
0x85: {  	_ =	swait.ge [sflag:s31], $0x4000  }
0x86: {  	s0 =	sadd.s32 $0x1, s0;
	s1 =	rddreg [dreg:$0x4]  }
0x87: {  	p0 =	sne.s32 s0, s1  }
.Ltmp1:
0x88: {  	_ = 	snop;
	(pc) =	sbr.rel @p0 .LBB2_1-.Ltmp1, $3  }
0x89: {  	_ =	sdelay $0x1  }
0x8a: {  	[sflag:s31] =	ssyncset.done $0x0  }
0x8b: {  	[sflag:s31] =	ssyncadd.s32 $0xFFFFC000  }
0x8c: {  	_ =	sfence.sel $0x180000  }
0x8d: {  	[bflag:$0x0] =	sbarrier.arrive $0xFFFF  }
0x8e: {  	_ =	strace $0x90000053  }
0x8f: {  	s0 =	stileid.u32;
	[bflag:$0x2] =	sbarrier.arrive $0xFFFF  }
0x90: {  	p0 =	sne.s32 s0, $0x0;
	s0 =	rddreg [dreg:$0x1]  }
0x91: {  	s0 =	sadd.s32 @!p0 $0x100000, s0  }
0x92: {  	[sflag:s0] =	ssyncadd.tile.s32 @!p0 $0x1;
	_ =	shalt  }
.Lfunc_end2:
_tile_overlayer_lowered:
.L_overlay_start_2:
0x93: {  	(tag) =	ssettag $0x2  }
0x94: {  	s0 =	rddreg [dreg:$0x0];
	s2 =	stileid.u32  }
0x95: {  	s1 =	rddreg [dreg:$0x1];
	p0 =	sne.s32 s2, $0x0  }
0x96: {  	s3 =	rddreg [dreg:$0x2];
	[bflag:$0x3] =	sbarrier.arrive $0xFFFF;
	s2 =	simm.s32 @!p0 $0x1C0A  }
0x97: {  	[timem:s3], [sflag:s2] =	dma.local @!p0 [hbm:s0], s1  }
0x98: {  	s0 =	simm.s32 @!p0 $0xA  }
0x99: {  	_ =	swait.ge @!p0 [sflag:s0], s1  }
0x9a: {  	s1 =	ssub.s32 @!p0 $0x0, s1;
	[sflag:s0] =	ssyncset.done @!p0 $0x0  }
0x9b: {  	[sflag:s0] =	ssyncadd.s32 @!p0 s1  }
0x9c: {  	[bflag:$0x3] =	sbarrier.arrive $0xFFFF  }
0x9d: {  	_ =	shalt  }

</sc_bundles>
